<compile_context>
chip_gen: v7x
topology: tpu7x:2x2x1
jax: 0.10.2.dev20260603
libtpu: 0.0.44.dev20260713+nightly
codegen_flags: <defaults>
</compile_context>

<pallas_src>
import jax
import jax.numpy as jnp
from jax import lax
from jax.experimental import pallas as pl
from jax.experimental.pallas import tpu as pltpu
from jax.experimental.pallas import tpu_sc as plsc

B, T, V, D, DU = 1024, 50, 100000, 128, 256
U = D + DU
TP1 = T + 1
NNZ_SEQ = 2
NNZ_SENT = 4
NW = 32
L = 16
CB = 32


def _sc_body(seqi3, seqd_t, sent_idx, sent_dense, lens, lens_b,
             wseq, wsent, comb2, masko,
             sidx_st, gsh, dsh, lensh, lens_c, srow_st, sidxbuf, mst,
             idx0, idx1, g00, g01, g10, g11, dc0, dc1, o0, o1, zbuf,
             s1, si0, si1, sg00, sg01, sg10, sg11, sd0, sd1, so0, so1,
             szb, ssc):
    cid = lax.axis_index("c")
    sid = lax.axis_index("s")
    wid = sid * 2 + cid
    bb = pl.multiple_of(wid * CB, CB)
    cq = wid // 4
    r0 = (wid - cq * 4) * CB

    idxb = (idx0, idx1)
    gz = ((g00, g01), (g10, g11))
    dbuf = (dc0, dc1)
    obuf = (o0, o1)
    sib = (si0, si1)
    sgz = ((sg00, sg01), (sg10, sg11))
    sdb = (sd0, sd1)
    sob = (so0, so1)

    iota = jnp.arange(L, dtype=jnp.int32)
    zero_f = jnp.zeros((L,), jnp.float32)
    one_f = jnp.float32(1.0)
    zero_s = jnp.float32(0.0)

    def idx_cp(k, t):
        return pltpu.make_async_copy(seqi3.at[t, pl.ds(cq, 1)], idxb[k],
                                     sib[k])

    def g_cp(z, k):
        return pltpu.make_async_copy(
            wseq.at[idxb[k].at[0, z, pl.ds(r0, CB)]], gz[z][k], sgz[z][k])

    def d_cp(k, t):
        return pltpu.make_async_copy(
            seqd_t.at[t, pl.ds(bb, CB)], dbuf[k], sdb[k])

    def o_cp(k, t):
        return pltpu.make_async_copy(
            obuf[k], comb2.at[pl.ds(pl.multiple_of(t * B + bb, 8), CB)],
            sob[k])

    idx_cp(0, 0).start()
    idx_cp(1, 1).start()
    idx_cp(0, 0).wait()
    g_cp(0, 0).start()
    g_cp(1, 0).start()
    d_cp(0, 0).start()

    pltpu.sync_copy(sent_idx.at[pl.ds(bb * NNZ_SENT, CB * NNZ_SENT)],
                    sidx_st)
    pltpu.async_copy(wsent.at[sidx_st], gsh, s1).wait()
    pltpu.sync_copy(sent_dense.at[pl.ds(bb, CB)], dsh)
    pltpu.sync_copy(lens_b.at[pl.ds(bb, CB)], lensh)
    pltpu.sync_copy(lens.at[pl.ds(bb, CB)], lens_c)

    def ph1_body(j2, carry):
        for cc in range(D // L):
            srow_st[j2, pl.ds(cc * L, L)] = (
                (gsh[NNZ_SENT * j2, pl.ds(cc * L, L)]
                 + gsh[NNZ_SENT * j2 + 1, pl.ds(cc * L, L)])
                + (gsh[NNZ_SENT * j2 + 2, pl.ds(cc * L, L)]
                   + gsh[NNZ_SENT * j2 + 3, pl.ds(cc * L, L)]))
        for cc in range(DU // L):
            srow_st[j2, pl.ds(D + cc * L, L)] = dsh[j2, 0, pl.ds(cc * L, L)]
        len_v = lensh[j2, pl.ds(0, L)]
        lp1 = jnp.full((L,), 1, jnp.int32) + len_v
        for kk in range(4):
            tvec = kk * L + iota
            m = jnp.where(tvec < lp1, one_f, zero_s)
            mst[pl.ds(j2 * TP1 + kk * L, L)] = m
        for cc in range(U // L):
            zbuf[j2, pl.ds(cc * L, L)] = zero_f
        return carry

    lax.fori_loop(0, CB, ph1_body, 0)

    for k2 in range(CB // L):
        lv = lens_c[pl.ds(k2 * L, L)]
        sidxbuf[pl.ds(k2 * L, L)] = lv * B + (bb + k2 * L + iota)

    pltpu.async_copy(zbuf, comb2.at[pl.ds(pl.multiple_of(T * B + bb, 8),
                                          CB)], szb)


    def pair_body(p, carry):
        for k in range(2):
            t = 2 * p + k
            ko = 1 - k
            g_cp(0, k).wait()
            g_cp(1, k).wait()
            d_cp(k, t).wait()

            @pl.when(t + 2 < T)
            def _():
                idx_cp(k, t + 2).start()

            @pl.when(t + 1 < T)
            def _():
                idx_cp(ko, t + 1).wait()
                g_cp(0, ko).start()
                g_cp(1, ko).start()
                d_cp(ko, t + 1).start()

            @pl.when(t >= 2)
            def _():
                o_cp(k, t - 2).wait()

            tv = jnp.full((L,), t, jnp.int32)
            g0k, g1k, dk, ok = gz[0][k], gz[1][k], dbuf[k], obuf[k]

            @plsc.parallel_loop(0, CB, unroll=2)
            def row_body(bl):
                len_v = lensh[bl, pl.ds(0, L)]
                m_lt = tv < len_v
                for cc in range(D // L):
                    v = g0k[bl, pl.ds(cc * L, L)] + g1k[bl, pl.ds(cc * L, L)]
                    ok[bl, pl.ds(cc * L, L)] = jnp.where(m_lt, v, zero_f)
                for cc in range(DU // L):
                    ok[bl, pl.ds(D + cc * L, L)] = jnp.where(
                        m_lt, dk[bl, pl.ds(cc * L, L)], zero_f)

            o_cp(k, t).start()
        return carry

    lax.fori_loop(0, T // 2, pair_body, 0)

    o_cp(0, T - 2).wait()
    o_cp(1, T - 1).wait()
    pltpu.make_async_copy(
        zbuf, comb2.at[pl.ds(pl.multiple_of(T * B + bb, 8), CB)],
        szb).wait()
    pltpu.async_copy(srow_st, comb2.at[sidxbuf], ssc).wait()
    pltpu.sync_copy(mst.at[pl.ds(0, CB * TP1)],
                    masko.at[pl.ds(bb * TP1, CB * TP1)])


@jax.jit
def _run(seqi3, seqd_t, sent_idx, sent_dense, lens, lens_b, wseq, wsent):
    mesh = plsc.VectorSubcoreMesh(core_axis_name="c", subcore_axis_name="s")
    return pl.kernel(
        _sc_body,
        mesh=mesh,
        out_type=[
            jax.ShapeDtypeStruct((TP1 * B, U), jnp.float32),
            jax.ShapeDtypeStruct((B * TP1,), jnp.float32),
        ],
        scratch_types=[
            pltpu.VMEM((CB * NNZ_SENT,), jnp.int32),
            pltpu.VMEM((CB * NNZ_SENT, D), jnp.float32),
            pltpu.VMEM((CB, 1, DU), jnp.float32),
            pltpu.VMEM((CB, L), jnp.int32),
            pltpu.VMEM((CB,), jnp.int32),
            pltpu.VMEM((CB, U), jnp.float32),
            pltpu.VMEM((CB,), jnp.int32),
            pltpu.VMEM((CB * TP1 + L,), jnp.float32),
            pltpu.VMEM((1, NNZ_SEQ, 128), jnp.int32),
            pltpu.VMEM((1, NNZ_SEQ, 128), jnp.int32),
            pltpu.VMEM((CB, D), jnp.float32),
            pltpu.VMEM((CB, D), jnp.float32),
            pltpu.VMEM((CB, D), jnp.float32),
            pltpu.VMEM((CB, D), jnp.float32),
            pltpu.VMEM((CB, DU), jnp.float32),
            pltpu.VMEM((CB, DU), jnp.float32),
            pltpu.VMEM((CB, U), jnp.float32),
            pltpu.VMEM((CB, U), jnp.float32),
            pltpu.VMEM((CB, U), jnp.float32),
        ] + [pltpu.SemaphoreType.DMA] * 13,
    )(seqi3, seqd_t, sent_idx, sent_dense, lens, lens_b, wseq, wsent)


def kernel(seq_sparse_idx, seq_dense, sent_sparse_idx, sent_dense,
           sequence_feature_lengths, W_seq, W_sent):
    seqi3 = (seq_sparse_idx.astype(jnp.int32)
             .transpose(1, 0, 2)
             .reshape(T, B // 128, 128, NNZ_SEQ)
             .transpose(0, 1, 3, 2))
    seqd_t = seq_dense.transpose(1, 0, 2)
    sent_idx = sent_sparse_idx.reshape(B * NNZ_SENT).astype(jnp.int32)
    lens = sequence_feature_lengths.astype(jnp.int32)
    lens_b = jnp.broadcast_to(lens[:, None], (B, L))
    comb2, mask_flat = _run(seqi3, seqd_t, sent_idx, sent_dense,
                            lens, lens_b, W_seq, W_sent)
    comb = comb2.reshape(TP1, B, U).transpose(1, 0, 2)
    return comb, mask_flat.reshape(B, TP1, 1)

# --- scband reference (transcript-rebuilt; emitter-appended) ---
"""Pipeline reference for scband-rasa-feature-combining-layer-11982958756413 (READ-ONLY COPY).

The authoritative reference and input builder live on the scoring server;
editing this copy changes nothing except your own understanding.
"""

import jax, jax.numpy as jnp
import numpy as np

B, T, V, D, DU = 1024, 50, 100000, 128, 256


def setup_inputs(seed: int = 0) -> dict:
    key = jax.random.key(seed)
    ks = jax.random.split(key, 7)
    return {
        "seq_sparse_idx": jax.random.randint(ks[0], (B, T, 2), 0, V),
        "seq_dense": jax.random.normal(ks[1], (B, T, DU), dtype=jnp.float32),
        "sent_sparse_idx": jax.random.randint(ks[2], (B, 1, 4), 0, V),
        "sent_dense": jax.random.normal(ks[3], (B, 1, DU), dtype=jnp.float32),
        "sequence_feature_lengths": jax.random.randint(ks[4], (B,), 0, T),
        "W_seq": jax.random.normal(ks[5], (V, D), dtype=jnp.float32) * 0.02,
        "W_sent": jax.random.normal(ks[6], (V, D), dtype=jnp.float32) * 0.02,
    }


def reference(seq_sparse_idx, seq_dense, sent_sparse_idx, sent_dense,
              sequence_feature_lengths, W_seq, W_sent):
    # ConcatenateSparseDenseFeatures for sequence-level features:
    # sparse tensor (count-featurizer rows with nnz=2 per token, values=1.0)
    # passed through DenseForSparse == embedding gather + sum over nonzeros.
    seq_sp = jnp.take(W_seq, seq_sparse_idx, axis=0).sum(axis=2)  # [B, T, D]
    seq_feat = jnp.concatenate([seq_sp, seq_dense], axis=-1)      # [B, T, D+DU]

    # ConcatenateSparseDenseFeatures for sentence-level features
    sent_sp = jnp.take(W_sent, sent_sparse_idx, axis=0).sum(axis=2)  # [B, 1, D]
    sent_feat = jnp.concatenate([sent_sp, sent_dense], axis=-1)      # [B, 1, D+DU]

    # mask real (non-padded) sequence positions
    mask_seq = (jnp.arange(T)[None, :] < sequence_feature_lengths[:, None]).astype(jnp.float32)[:, :, None]
    seq_masked = seq_feat * mask_seq

    # combine: pad sequence features with one extra frame, place sentence
    # features at position = sequence length for each example
    U = seq_feat.shape[-1]
    combined = jnp.zeros((B, T + 1, U), dtype=jnp.float32)
    combined = combined.at[:, :T, :].set(seq_masked)
    combined = combined.at[jnp.arange(B), sequence_feature_lengths, :].set(sent_feat[:, 0, :])

    # combined mask: sequence lengths + 1 (for the sentence frame)
    mask_combined = (jnp.arange(T + 1)[None, :] < (sequence_feature_lengths + 1)[:, None]).astype(jnp.float32)[:, :, None]
    return combined, mask_combined

if __name__ == "__main__":
    import jax
    _d = setup_inputs()
    print(jax.jit(kernel)(*tuple(_d.values())))

</pallas_src>

<mosaic_0001>
#map = affine_map<(d0, d1) -> (0, 0, 0, 0)>
#map1 = affine_map<(d0, d1) -> (0, 0, 0)>
#map2 = affine_map<(d0, d1) -> (0)>
#map3 = affine_map<(d0, d1) -> (0, 0)>
module attributes {stable_mosaic.version = 14 : i64} {
  func.func @_sc_body(%arg0: i32, %arg1: i32, %arg2: memref<50x8x2x128xi32, #tpu.memory_space<hbm>>, %arg3: memref<50x1024x256xf32, #tpu.memory_space<hbm>>, %arg4: memref<4096xi32, #tpu.memory_space<hbm>>, %arg5: memref<1024x1x256xf32, #tpu.memory_space<hbm>>, %arg6: memref<1024xi32, #tpu.memory_space<hbm>>, %arg7: memref<1024x16xi32, #tpu.memory_space<hbm>>, %arg8: memref<100000x128xf32, #tpu.memory_space<hbm>>, %arg9: memref<100000x128xf32, #tpu.memory_space<hbm>>, %arg10: memref<52224x384xf32, #tpu.memory_space<hbm>>, %arg11: memref<52224xf32, #tpu.memory_space<hbm>>, %arg12: memref<128xi32, #tpu.memory_space<vmem>>, %arg13: memref<128x128xf32, #tpu.memory_space<vmem>>, %arg14: memref<32x1x256xf32, #tpu.memory_space<vmem>>, %arg15: memref<32x16xi32, #tpu.memory_space<vmem>>, %arg16: memref<32xi32, #tpu.memory_space<vmem>>, %arg17: memref<32x384xf32, #tpu.memory_space<vmem>>, %arg18: memref<32xi32, #tpu.memory_space<vmem>>, %arg19: memref<1648xf32, #tpu.memory_space<vmem>>, %arg20: memref<1x2x128xi32, #tpu.memory_space<vmem>>, %arg21: memref<1x2x128xi32, #tpu.memory_space<vmem>>, %arg22: memref<32x128xf32, #tpu.memory_space<vmem>>, %arg23: memref<32x128xf32, #tpu.memory_space<vmem>>, %arg24: memref<32x128xf32, #tpu.memory_space<vmem>>, %arg25: memref<32x128xf32, #tpu.memory_space<vmem>>, %arg26: memref<32x256xf32, #tpu.memory_space<vmem>>, %arg27: memref<32x256xf32, #tpu.memory_space<vmem>>, %arg28: memref<32x384xf32, #tpu.memory_space<vmem>>, %arg29: memref<32x384xf32, #tpu.memory_space<vmem>>, %arg30: memref<32x384xf32, #tpu.memory_space<vmem>>, %arg31: memref<!tpu.dma_semaphore, #tpu.memory_space<semaphore_mem>>, %arg32: memref<!tpu.dma_semaphore, #tpu.memory_space<semaphore_mem>>, %arg33: memref<!tpu.dma_semaphore, #tpu.memory_space<semaphore_mem>>, %arg34: memref<!tpu.dma_semaphore, #tpu.memory_space<semaphore_mem>>, %arg35: memref<!tpu.dma_semaphore, #tpu.memory_space<semaphore_mem>>, %arg36: memref<!tpu.dma_semaphore, #tpu.memory_space<semaphore_mem>>, %arg37: memref<!tpu.dma_semaphore, #tpu.memory_space<semaphore_mem>>, %arg38: memref<!tpu.dma_semaphore, #tpu.memory_space<semaphore_mem>>, %arg39: memref<!tpu.dma_semaphore, #tpu.memory_space<semaphore_mem>>, %arg40: memref<!tpu.dma_semaphore, #tpu.memory_space<semaphore_mem>>, %arg41: memref<!tpu.dma_semaphore, #tpu.memory_space<semaphore_mem>>, %arg42: memref<!tpu.dma_semaphore, #tpu.memory_space<semaphore_mem>>, %arg43: memref<!tpu.dma_semaphore, #tpu.memory_space<semaphore_mem>>) attributes {dimension_semantics = [#tpu.dimension_semantics<core_parallel>, #tpu.dimension_semantics<subcore_parallel>], iteration_bounds = array<i64: 2, 16>, scalar_prefetch = 0 : i64, scratch_operands = 32 : i64, tpu.core_type = #tpu.core_type<sc_vector_subcore>, window_params = [{transform_indices = #map}, {transform_indices = #map1}, {transform_indices = #map2}, {transform_indices = #map1}, {transform_indices = #map2}, {transform_indices = #map3}, {transform_indices = #map3}, {transform_indices = #map3}, {transform_indices = #map3}, {transform_indices = #map2}]} {
    %mul3A = arith.constant 2 : i32
    %mul3A_0 = arith.muli %arg1, %mul3A : i32
    %add3A = arith.addi %mul3A_0, %arg0 : i32
    %mul3A_1 = arith.constant 32 : i32
    %mul3A_2 = arith.muli %add3A, %mul3A_1 : i32
    %multiple_of3A = tpu.assume_multiple %mul3A_2, 32 : i32
    %jit3A = arith.constant 4 : i32
    %div3A = arith.divsi %add3A, %jit3A : i32
    %sign3A = arith.constant 0 : i32
    %sign3A_3 = arith.cmpi sgt, %add3A, %sign3A : i32
    %sign3A_4 = arith.extui %sign3A_3 : i1 to i32
    %sign3A_5 = arith.constant 0 : i32
    %sign3A_6 = arith.cmpi slt, %add3A, %sign3A_5 : i32
    %sign3A_7 = arith.extui %sign3A_6 : i1 to i32
    %sign3A_8 = arith.subi %sign3A_4, %sign3A_7 : i32
    %sign3A_9 = arith.constant 0 : i32
    %sign3A_10 = arith.cmpi sgt, %jit3A, %sign3A_9 : i32
    %sign3A_11 = arith.extui %sign3A_10 : i1 to i32
    %sign3A_12 = arith.constant 0 : i32
    %sign3A_13 = arith.cmpi slt, %jit3A, %sign3A_12 : i32
    %sign3A_14 = arith.extui %sign3A_13 : i1 to i32
    %sign3A_15 = arith.subi %sign3A_11, %sign3A_14 : i32
    %ne3A = arith.cmpi ne, %sign3A_8, %sign3A_15 : i32
    %rem3A = arith.remsi %add3A, %jit3A : i32
    %ne3A_16 = arith.constant 0 : i32
    %ne3A_17 = arith.cmpi ne, %rem3A, %ne3A_16 : i32
    %and3A = arith.andi %ne3A, %ne3A_17 : i1
    %sub3A = arith.constant 1 : i32
    %sub3A_18 = arith.subi %div3A, %sub3A : i32
    %select_n3A = arith.select %and3A, %sub3A_18, %div3A : i32
    %mul3A_19 = arith.constant 4 : i32
    %mul3A_20 = arith.muli %select_n3A, %mul3A_19 : i32
    %sub3A_21 = arith.subi %add3A, %mul3A_20 : i32
    %mul3A_22 = arith.constant 32 : i32
    %mul3A_23 = arith.muli %sub3A_21, %mul3A_22 : i32
    %iota3A = tpu.iota {dimensions = array<i32: 0>} : vector<16xi32>
    %broadcast_in_dim3A = arith.constant 0.000000e+00 : f32
    %broadcast_in_dim3A_24 = vector.broadcast %broadcast_in_dim3A : f32 to vector<16xf32>
    %dma_start3A = arith.constant 0 : i32
    %dma_start3A_25 = arith.constant 0 : i32
    %dma_start3A_26 = arith.constant 0 : i32
    %dma_start3A_27 = tpu.memref_slice %arg2[%dma_start3A, %select_n3A, %dma_start3A_25, %dma_start3A_26] : memref<50x8x2x128xi32, #tpu.memory_space<hbm>> -> memref<1x1x2x128xi32, #tpu.memory_space<hbm>>
    %dma_start3A_28 = tpu.memref_squeeze %dma_start3A_27 : memref<1x1x2x128xi32, #tpu.memory_space<hbm>> -> memref<1x2x128xi32, #tpu.memory_space<hbm>>
    %dma_start3A_29 = arith.constant 0 : i32
    %dma_start3A_30 = arith.constant 0 : i32
    %dma_start3A_31 = tpu.memref_slice %arg2[%dma_start3A, %select_n3A, %dma_start3A_29, %dma_start3A_30] : memref<50x8x2x128xi32, #tpu.memory_space<hbm>> -> memref<1x1x2x128xi32, #tpu.memory_space<hbm>>
    %dma_start3A_32 = tpu.memref_squeeze %dma_start3A_31 : memref<1x1x2x128xi32, #tpu.memory_space<hbm>> -> memref<1x2x128xi32, #tpu.memory_space<hbm>>
    tpu.enqueue_dma source(%dma_start3A_32 : memref<1x2x128xi32, #tpu.memory_space<hbm>>) target(%arg20 : memref<1x2x128xi32, #tpu.memory_space<vmem>>) target_semaphore(%arg32 : memref<!tpu.dma_semaphore, #tpu.memory_space<semaphore_mem>>)
    %dma_start3A_33 = arith.constant 1 : i32
    %dma_start3A_34 = arith.constant 0 : i32
    %dma_start3A_35 = arith.constant 0 : i32
    %dma_start3A_36 = tpu.memref_slice %arg2[%dma_start3A_33, %select_n3A, %dma_start3A_34, %dma_start3A_35] : memref<50x8x2x128xi32, #tpu.memory_space<hbm>> -> memref<1x1x2x128xi32, #tpu.memory_space<hbm>>
    %dma_start3A_37 = tpu.memref_squeeze %dma_start3A_36 : memref<1x1x2x128xi32, #tpu.memory_space<hbm>> -> memref<1x2x128xi32, #tpu.memory_space<hbm>>
    %dma_start3A_38 = arith.constant 0 : i32
    %dma_start3A_39 = arith.constant 0 : i32
    %dma_start3A_40 = tpu.memref_slice %arg2[%dma_start3A_33, %select_n3A, %dma_start3A_38, %dma_start3A_39] : memref<50x8x2x128xi32, #tpu.memory_space<hbm>> -> memref<1x1x2x128xi32, #tpu.memory_space<hbm>>
    %dma_start3A_41 = tpu.memref_squeeze %dma_start3A_40 : memref<1x1x2x128xi32, #tpu.memory_space<hbm>> -> memref<1x2x128xi32, #tpu.memory_space<hbm>>
    tpu.enqueue_dma source(%dma_start3A_41 : memref<1x2x128xi32, #tpu.memory_space<hbm>>) target(%arg21 : memref<1x2x128xi32, #tpu.memory_space<vmem>>) target_semaphore(%arg33 : memref<!tpu.dma_semaphore, #tpu.memory_space<semaphore_mem>>)
    %dma_wait3A = arith.constant 0 : i32
    %dma_wait3A_42 = arith.constant 0 : i32
    %dma_wait3A_43 = arith.constant 0 : i32
    %dma_wait3A_44 = tpu.memref_slice %arg2[%dma_wait3A, %select_n3A, %dma_wait3A_42, %dma_wait3A_43] : memref<50x8x2x128xi32, #tpu.memory_space<hbm>> -> memref<1x1x2x128xi32, #tpu.memory_space<hbm>>
    %dma_wait3A_45 = tpu.memref_squeeze %dma_wait3A_44 : memref<1x1x2x128xi32, #tpu.memory_space<hbm>> -> memref<1x2x128xi32, #tpu.memory_space<hbm>>
    %dma_wait3A_46 = arith.constant 0 : i32
    %dma_wait3A_47 = arith.constant 0 : i32
    %dma_wait3A_48 = tpu.memref_slice %arg2[%dma_wait3A, %select_n3A, %dma_wait3A_46, %dma_wait3A_47] : memref<50x8x2x128xi32, #tpu.memory_space<hbm>> -> memref<1x1x2x128xi32, #tpu.memory_space<hbm>>
    %dma_wait3A_49 = tpu.memref_squeeze %dma_wait3A_48 : memref<1x1x2x128xi32, #tpu.memory_space<hbm>> -> memref<1x2x128xi32, #tpu.memory_space<hbm>>
    tpu.wait_dma2 semaphore(%arg32 : memref<!tpu.dma_semaphore, #tpu.memory_space<semaphore_mem>>) src(%dma_wait3A_49 : memref<1x2x128xi32, #tpu.memory_space<hbm>>) dst(%arg20 : memref<1x2x128xi32, #tpu.memory_space<vmem>>)
    %dma_start3A_50 = arith.constant 0 : i32
    %dma_start3A_51 = arith.constant 0 : i32
    %dma_start3A_52 = tpu.memref_slice %arg20[%dma_start3A_50, %dma_start3A_51, %mul3A_23] : memref<1x2x128xi32, #tpu.memory_space<vmem>> -> memref<1x1x32xi32, #tpu.memory_space<vmem>>
    %dma_start3A_53 = tpu.memref_squeeze %dma_start3A_52 : memref<1x1x32xi32, #tpu.memory_space<vmem>> -> memref<32xi32, #tpu.memory_space<vmem>>
    %dma_start3A_54 = arith.constant 0 : i32
    %dma_start3A_55 = arith.constant 0 : i32
    %dma_start3A_56 = tpu.memref_slice %arg8[%dma_start3A_54, %dma_start3A_55] : memref<100000x128xf32, #tpu.memory_space<hbm>> -> memref<100000x128xf32, #tpu.memory_space<hbm>>
    tpu.enqueue_indirect_dma source(%dma_start3A_56 : memref<100000x128xf32, #tpu.memory_space<hbm>>) target(%arg22 : memref<32x128xf32, #tpu.memory_space<vmem>>) offsets(%dma_start3A_53 : memref<32xi32, #tpu.memory_space<vmem>>) semaphore(%arg34 : memref<!tpu.dma_semaphore, #tpu.memory_space<semaphore_mem>>)
    %dma_start3A_57 = arith.constant 0 : i32
    %dma_start3A_58 = arith.constant 1 : i32
    %dma_start3A_59 = tpu.memref_slice %arg20[%dma_start3A_57, %dma_start3A_58, %mul3A_23] : memref<1x2x128xi32, #tpu.memory_space<vmem>> -> memref<1x1x32xi32, #tpu.memory_space<vmem>>
    %dma_start3A_60 = tpu.memref_squeeze %dma_start3A_59 : memref<1x1x32xi32, #tpu.memory_space<vmem>> -> memref<32xi32, #tpu.memory_space<vmem>>
    %dma_start3A_61 = arith.constant 0 : i32
    %dma_start3A_62 = arith.constant 0 : i32
    %dma_start3A_63 = tpu.memref_slice %arg8[%dma_start3A_61, %dma_start3A_62] : memref<100000x128xf32, #tpu.memory_space<hbm>> -> memref<100000x128xf32, #tpu.memory_space<hbm>>
    tpu.enqueue_indirect_dma source(%dma_start3A_63 : memref<100000x128xf32, #tpu.memory_space<hbm>>) target(%arg24 : memref<32x128xf32, #tpu.memory_space<vmem>>) offsets(%dma_start3A_60 : memref<32xi32, #tpu.memory_space<vmem>>) semaphore(%arg36 : memref<!tpu.dma_semaphore, #tpu.memory_space<semaphore_mem>>)
    %dma_start3A_64 = arith.constant 0 : i32
    %dma_start3A_65 = arith.constant 0 : i32
    %dma_start3A_66 = tpu.memref_slice %arg3[%dma_start3A_64, %multiple_of3A, %dma_start3A_65] : memref<50x1024x256xf32, #tpu.memory_space<hbm>> -> memref<1x32x256xf32, #tpu.memory_space<hbm>>
    %dma_start3A_67 = tpu.memref_squeeze %dma_start3A_66 : memref<1x32x256xf32, #tpu.memory_space<hbm>> -> memref<32x256xf32, #tpu.memory_space<hbm>>
    %dma_start3A_68 = arith.constant 0 : i32
    %dma_start3A_69 = tpu.memref_slice %arg3[%dma_start3A_64, %multiple_of3A, %dma_start3A_68] : memref<50x1024x256xf32, #tpu.memory_space<hbm>> -> memref<1x32x256xf32, #tpu.memory_space<hbm>>
    %dma_start3A_70 = tpu.memref_squeeze %dma_start3A_69 : memref<1x32x256xf32, #tpu.memory_space<hbm>> -> memref<32x256xf32, #tpu.memory_space<hbm>>
    tpu.enqueue_dma source(%dma_start3A_70 : memref<32x256xf32, #tpu.memory_space<hbm>>) target(%arg26 : memref<32x256xf32, #tpu.memory_space<vmem>>) target_semaphore(%arg38 : memref<!tpu.dma_semaphore, #tpu.memory_space<semaphore_mem>>)
    %mul3A_71 = arith.constant 4 : i32
    %mul3A_72 = arith.muli %multiple_of3A, %mul3A_71 : i32
    "tpu.region"() ({
      %run_scoped3A = tpu.sem_alloc : memref<!tpu.dma_semaphore, #tpu.memory_space<semaphore_mem>>
      %dma_start3A_156 = tpu.memref_slice %arg4[%mul3A_72] : memref<4096xi32, #tpu.memory_space<hbm>> -> memref<128xi32, #tpu.memory_space<hbm>>
      %dma_start3A_157 = tpu.memref_slice %arg4[%mul3A_72] : memref<4096xi32, #tpu.memory_space<hbm>> -> memref<128xi32, #tpu.memory_space<hbm>>
      tpu.enqueue_dma source(%dma_start3A_157 : memref<128xi32, #tpu.memory_space<hbm>>) target(%arg12 : memref<128xi32, #tpu.memory_space<vmem>>) target_semaphore(%run_scoped3A : memref<!tpu.dma_semaphore, #tpu.memory_space<semaphore_mem>>)
      %dma_wait3A_158 = tpu.memref_slice %arg4[%mul3A_72] : memref<4096xi32, #tpu.memory_space<hbm>> -> memref<128xi32, #tpu.memory_space<hbm>>
      %dma_wait3A_159 = tpu.memref_slice %arg4[%mul3A_72] : memref<4096xi32, #tpu.memory_space<hbm>> -> memref<128xi32, #tpu.memory_space<hbm>>
      tpu.wait_dma2 semaphore(%run_scoped3A : memref<!tpu.dma_semaphore, #tpu.memory_space<semaphore_mem>>) src(%dma_wait3A_159 : memref<128xi32, #tpu.memory_space<hbm>>) dst(%arg12 : memref<128xi32, #tpu.memory_space<vmem>>)
      tpu.yield
    }) : () -> ()
    %dma_start3A_73 = arith.constant 0 : i32
    %dma_start3A_74 = arith.constant 0 : i32
    %dma_start3A_75 = tpu.memref_slice %arg9[%dma_start3A_73, %dma_start3A_74] : memref<100000x128xf32, #tpu.memory_space<hbm>> -> memref<100000x128xf32, #tpu.memory_space<hbm>>
    tpu.enqueue_indirect_dma source(%dma_start3A_75 : memref<100000x128xf32, #tpu.memory_space<hbm>>) target(%arg13 : memref<128x128xf32, #tpu.memory_space<vmem>>) offsets(%arg12 : memref<128xi32, #tpu.memory_space<vmem>>) semaphore(%arg31 : memref<!tpu.dma_semaphore, #tpu.memory_space<semaphore_mem>>)
    %dma_wait3A_76 = arith.constant 0 : i32
    %dma_wait3A_77 = arith.constant 0 : i32
    %dma_wait3A_78 = tpu.memref_slice %arg9[%dma_wait3A_76, %dma_wait3A_77] : memref<100000x128xf32, #tpu.memory_space<hbm>> -> memref<100000x128xf32, #tpu.memory_space<hbm>>
    tpu.wait_indirect_dma semaphore(%arg31 : memref<!tpu.dma_semaphore, #tpu.memory_space<semaphore_mem>>) src(%dma_wait3A_78 : memref<100000x128xf32, #tpu.memory_space<hbm>>) dst(%arg13 : memref<128x128xf32, #tpu.memory_space<vmem>>)
    "tpu.region"() ({
      %run_scoped3A = tpu.sem_alloc : memref<!tpu.dma_semaphore, #tpu.memory_space<semaphore_mem>>
      %dma_start3A_156 = arith.constant 0 : i32
      %dma_start3A_157 = arith.constant 0 : i32
      %dma_start3A_158 = tpu.memref_slice %arg5[%multiple_of3A, %dma_start3A_156, %dma_start3A_157] : memref<1024x1x256xf32, #tpu.memory_space<hbm>> -> memref<32x1x256xf32, #tpu.memory_space<hbm>>
      %dma_start3A_159 = arith.constant 0 : i32
      %dma_start3A_160 = arith.constant 0 : i32
      %dma_start3A_161 = tpu.memref_slice %arg5[%multiple_of3A, %dma_start3A_159, %dma_start3A_160] : memref<1024x1x256xf32, #tpu.memory_space<hbm>> -> memref<32x1x256xf32, #tpu.memory_space<hbm>>
      tpu.enqueue_dma source(%dma_start3A_161 : memref<32x1x256xf32, #tpu.memory_space<hbm>>) target(%arg14 : memref<32x1x256xf32, #tpu.memory_space<vmem>>) target_semaphore(%run_scoped3A : memref<!tpu.dma_semaphore, #tpu.memory_space<semaphore_mem>>)
      %dma_wait3A_162 = arith.constant 0 : i32
      %dma_wait3A_163 = arith.constant 0 : i32
      %dma_wait3A_164 = tpu.memref_slice %arg5[%multiple_of3A, %dma_wait3A_162, %dma_wait3A_163] : memref<1024x1x256xf32, #tpu.memory_space<hbm>> -> memref<32x1x256xf32, #tpu.memory_space<hbm>>
      %dma_wait3A_165 = arith.constant 0 : i32
      %dma_wait3A_166 = arith.constant 0 : i32
      %dma_wait3A_167 = tpu.memref_slice %arg5[%multiple_of3A, %dma_wait3A_165, %dma_wait3A_166] : memref<1024x1x256xf32, #tpu.memory_space<hbm>> -> memref<32x1x256xf32, #tpu.memory_space<hbm>>
      tpu.wait_dma2 semaphore(%run_scoped3A : memref<!tpu.dma_semaphore, #tpu.memory_space<semaphore_mem>>) src(%dma_wait3A_167 : memref<32x1x256xf32, #tpu.memory_space<hbm>>) dst(%arg14 : memref<32x1x256xf32, #tpu.memory_space<vmem>>)
      tpu.yield
    }) : () -> ()
    "tpu.region"() ({
      %run_scoped3A = tpu.sem_alloc : memref<!tpu.dma_semaphore, #tpu.memory_space<semaphore_mem>>
      %dma_start3A_156 = arith.constant 0 : i32
      %dma_start3A_157 = tpu.memref_slice %arg7[%multiple_of3A, %dma_start3A_156] : memref<1024x16xi32, #tpu.memory_space<hbm>> -> memref<32x16xi32, #tpu.memory_space<hbm>>
      %dma_start3A_158 = arith.constant 0 : i32
      %dma_start3A_159 = tpu.memref_slice %arg7[%multiple_of3A, %dma_start3A_158] : memref<1024x16xi32, #tpu.memory_space<hbm>> -> memref<32x16xi32, #tpu.memory_space<hbm>>
      tpu.enqueue_dma source(%dma_start3A_159 : memref<32x16xi32, #tpu.memory_space<hbm>>) target(%arg15 : memref<32x16xi32, #tpu.memory_space<vmem>>) target_semaphore(%run_scoped3A : memref<!tpu.dma_semaphore, #tpu.memory_space<semaphore_mem>>)
      %dma_wait3A_160 = arith.constant 0 : i32
      %dma_wait3A_161 = tpu.memref_slice %arg7[%multiple_of3A, %dma_wait3A_160] : memref<1024x16xi32, #tpu.memory_space<hbm>> -> memref<32x16xi32, #tpu.memory_space<hbm>>
      %dma_wait3A_162 = arith.constant 0 : i32
      %dma_wait3A_163 = tpu.memref_slice %arg7[%multiple_of3A, %dma_wait3A_162] : memref<1024x16xi32, #tpu.memory_space<hbm>> -> memref<32x16xi32, #tpu.memory_space<hbm>>
      tpu.wait_dma2 semaphore(%run_scoped3A : memref<!tpu.dma_semaphore, #tpu.memory_space<semaphore_mem>>) src(%dma_wait3A_163 : memref<32x16xi32, #tpu.memory_space<hbm>>) dst(%arg15 : memref<32x16xi32, #tpu.memory_space<vmem>>)
      tpu.yield
    }) : () -> ()
    "tpu.region"() ({
      %run_scoped3A = tpu.sem_alloc : memref<!tpu.dma_semaphore, #tpu.memory_space<semaphore_mem>>
      %dma_start3A_156 = tpu.memref_slice %arg6[%multiple_of3A] : memref<1024xi32, #tpu.memory_space<hbm>> -> memref<32xi32, #tpu.memory_space<hbm>>
      %dma_start3A_157 = tpu.memref_slice %arg6[%multiple_of3A] : memref<1024xi32, #tpu.memory_space<hbm>> -> memref<32xi32, #tpu.memory_space<hbm>>
      tpu.enqueue_dma source(%dma_start3A_157 : memref<32xi32, #tpu.memory_space<hbm>>) target(%arg16 : memref<32xi32, #tpu.memory_space<vmem>>) target_semaphore(%run_scoped3A : memref<!tpu.dma_semaphore, #tpu.memory_space<semaphore_mem>>)
      %dma_wait3A_158 = tpu.memref_slice %arg6[%multiple_of3A] : memref<1024xi32, #tpu.memory_space<hbm>> -> memref<32xi32, #tpu.memory_space<hbm>>
      %dma_wait3A_159 = tpu.memref_slice %arg6[%multiple_of3A] : memref<1024xi32, #tpu.memory_space<hbm>> -> memref<32xi32, #tpu.memory_space<hbm>>
      tpu.wait_dma2 semaphore(%run_scoped3A : memref<!tpu.dma_semaphore, #tpu.memory_space<semaphore_mem>>) src(%dma_wait3A_159 : memref<32xi32, #tpu.memory_space<hbm>>) dst(%arg16 : memref<32xi32, #tpu.memory_space<vmem>>)
      tpu.yield
    }) : () -> ()
    %scan3A = arith.constant 0 : i32
    %scan3A_79 = arith.constant 1.000000e+00 : f32
    %scan3A_80 = arith.constant 0.000000e+00 : f32
    %scan3A_81 = arith.constant 0 : i32
    %scan3A_82 = arith.constant 32 : i32
    %scan3A_83 = arith.addi %scan3A_81, %scan3A_82 : i32
    %scan3A_84 = arith.constant 1 : i32
    scf.for %scan3A_156 = %scan3A_81 to %scan3A_83 step %scan3A_84  : i32 {
      %mul3A_157 = arith.constant 4 : i32
      %mul3A_158 = arith.muli %mul3A_157, %scan3A_156 : i32
      %get3A_159 = arith.index_cast %mul3A_158 : i32 to index
      %get3A_160 = arith.constant 0 : index
      %get3A_161 = tpu.vector_load %arg13[%get3A_159, %get3A_160] {strides = array<i32>} : memref<128x128xf32, #tpu.memory_space<vmem>>, vector<1x16xf32>,
      %get3A_162 = vector.shape_cast %get3A_161 : vector<1x16xf32> to vector<16xf32>
      %mul3A_163 = arith.constant 4 : i32
      %mul3A_164 = arith.muli %mul3A_163, %scan3A_156 : i32
      %add3A_165 = arith.constant 1 : i32
      %add3A_166 = arith.addi %mul3A_164, %add3A_165 : i32
      %get3A_167 = arith.index_cast %add3A_166 : i32 to index
      %get3A_168 = arith.constant 0 : index
      %get3A_169 = tpu.vector_load %arg13[%get3A_167, %get3A_168] {strides = array<i32>} : memref<128x128xf32, #tpu.memory_space<vmem>>, vector<1x16xf32>,
      %get3A_170 = vector.shape_cast %get3A_169 : vector<1x16xf32> to vector<16xf32>
      %add3A_171 = arith.addf %get3A_162, %get3A_170 : vector<16xf32>
      %mul3A_172 = arith.constant 4 : i32
      %mul3A_173 = arith.muli %mul3A_172, %scan3A_156 : i32
      %add3A_174 = arith.constant 2 : i32
      %add3A_175 = arith.addi %mul3A_173, %add3A_174 : i32
      %get3A_176 = arith.index_cast %add3A_175 : i32 to index
      %get3A_177 = arith.constant 0 : index
      %get3A_178 = tpu.vector_load %arg13[%get3A_176, %get3A_177] {strides = array<i32>} : memref<128x128xf32, #tpu.memory_space<vmem>>, vector<1x16xf32>,
      %get3A_179 = vector.shape_cast %get3A_178 : vector<1x16xf32> to vector<16xf32>
      %mul3A_180 = arith.constant 4 : i32
      %mul3A_181 = arith.muli %mul3A_180, %scan3A_156 : i32
      %add3A_182 = arith.constant 3 : i32
      %add3A_183 = arith.addi %mul3A_181, %add3A_182 : i32
      %get3A_184 = arith.index_cast %add3A_183 : i32 to index
      %get3A_185 = arith.constant 0 : index
      %get3A_186 = tpu.vector_load %arg13[%get3A_184, %get3A_185] {strides = array<i32>} : memref<128x128xf32, #tpu.memory_space<vmem>>, vector<1x16xf32>,
      %get3A_187 = vector.shape_cast %get3A_186 : vector<1x16xf32> to vector<16xf32>
      %add3A_188 = arith.addf %get3A_179, %get3A_187 : vector<16xf32>
      %add3A_189 = arith.addf %add3A_171, %add3A_188 : vector<16xf32>
      %swap3A_190 = arith.index_cast %scan3A_156 : i32 to index
      %swap3A_191 = arith.constant 0 : index
      %swap3A_192 = tpu.vector_load %arg17[%swap3A_190, %swap3A_191] {strides = array<i32>} : memref<32x384xf32, #tpu.memory_space<vmem>>, vector<1x16xf32>,
      %swap3A_193 = vector.shape_cast %swap3A_192 : vector<1x16xf32> to vector<16xf32>
      %swap3A_194 = vector.shape_cast %add3A_189 : vector<16xf32> to vector<1x16xf32>
      tpu.vector_store %arg17[%swap3A_190, %swap3A_191], %swap3A_194 {strides = array<i32>} : memref<32x384xf32, #tpu.memory_space<vmem>>, vector<1x16xf32>,
      %mul3A_195 = arith.constant 4 : i32
      %mul3A_196 = arith.muli %mul3A_195, %scan3A_156 : i32
      %get3A_197 = arith.index_cast %mul3A_196 : i32 to index
      %get3A_198 = arith.constant 16 : index
      %get3A_199 = tpu.vector_load %arg13[%get3A_197, %get3A_198] {strides = array<i32>} : memref<128x128xf32, #tpu.memory_space<vmem>>, vector<1x16xf32>,
      %get3A_200 = vector.shape_cast %get3A_199 : vector<1x16xf32> to vector<16xf32>
      %mul3A_201 = arith.constant 4 : i32
      %mul3A_202 = arith.muli %mul3A_201, %scan3A_156 : i32
      %add3A_203 = arith.constant 1 : i32
      %add3A_204 = arith.addi %mul3A_202, %add3A_203 : i32
      %get3A_205 = arith.index_cast %add3A_204 : i32 to index
      %get3A_206 = arith.constant 16 : index
      %get3A_207 = tpu.vector_load %arg13[%get3A_205, %get3A_206] {strides = array<i32>} : memref<128x128xf32, #tpu.memory_space<vmem>>, vector<1x16xf32>,
      %get3A_208 = vector.shape_cast %get3A_207 : vector<1x16xf32> to vector<16xf32>
      %add3A_209 = arith.addf %get3A_200, %get3A_208 : vector<16xf32>
      %mul3A_210 = arith.constant 4 : i32
      %mul3A_211 = arith.muli %mul3A_210, %scan3A_156 : i32
      %add3A_212 = arith.constant 2 : i32
      %add3A_213 = arith.addi %mul3A_211, %add3A_212 : i32
      %get3A_214 = arith.index_cast %add3A_213 : i32 to index
      %get3A_215 = arith.constant 16 : index
      %get3A_216 = tpu.vector_load %arg13[%get3A_214, %get3A_215] {strides = array<i32>} : memref<128x128xf32, #tpu.memory_space<vmem>>, vector<1x16xf32>,
      %get3A_217 = vector.shape_cast %get3A_216 : vector<1x16xf32> to vector<16xf32>
      %mul3A_218 = arith.constant 4 : i32
      %mul3A_219 = arith.muli %mul3A_218, %scan3A_156 : i32
      %add3A_220 = arith.constant 3 : i32
      %add3A_221 = arith.addi %mul3A_219, %add3A_220 : i32
      %get3A_222 = arith.index_cast %add3A_221 : i32 to index
      %get3A_223 = arith.constant 16 : index
      %get3A_224 = tpu.vector_load %arg13[%get3A_222, %get3A_223] {strides = array<i32>} : memref<128x128xf32, #tpu.memory_space<vmem>>, vector<1x16xf32>,
      %get3A_225 = vector.shape_cast %get3A_224 : vector<1x16xf32> to vector<16xf32>
      %add3A_226 = arith.addf %get3A_217, %get3A_225 : vector<16xf32>
      %add3A_227 = arith.addf %add3A_209, %add3A_226 : vector<16xf32>
      %swap3A_228 = arith.index_cast %scan3A_156 : i32 to index
      %swap3A_229 = arith.constant 16 : index
      %swap3A_230 = tpu.vector_load %arg17[%swap3A_228, %swap3A_229] {strides = array<i32>} : memref<32x384xf32, #tpu.memory_space<vmem>>, vector<1x16xf32>,
      %swap3A_231 = vector.shape_cast %swap3A_230 : vector<1x16xf32> to vector<16xf32>
      %swap3A_232 = vector.shape_cast %add3A_227 : vector<16xf32> to vector<1x16xf32>
      tpu.vector_store %arg17[%swap3A_228, %swap3A_229], %swap3A_232 {strides = array<i32>} : memref<32x384xf32, #tpu.memory_space<vmem>>, vector<1x16xf32>,
      %mul3A_233 = arith.constant 4 : i32
      %mul3A_234 = arith.muli %mul3A_233, %scan3A_156 : i32
      %get3A_235 = arith.index_cast %mul3A_234 : i32 to index
      %get3A_236 = arith.constant 32 : index
      %get3A_237 = tpu.vector_load %arg13[%get3A_235, %get3A_236] {strides = array<i32>} : memref<128x128xf32, #tpu.memory_space<vmem>>, vector<1x16xf32>,
      %get3A_238 = vector.shape_cast %get3A_237 : vector<1x16xf32> to vector<16xf32>
      %mul3A_239 = arith.constant 4 : i32
      %mul3A_240 = arith.muli %mul3A_239, %scan3A_156 : i32
      %add3A_241 = arith.constant 1 : i32
      %add3A_242 = arith.addi %mul3A_240, %add3A_241 : i32
      %get3A_243 = arith.index_cast %add3A_242 : i32 to index
      %get3A_244 = arith.constant 32 : index
      %get3A_245 = tpu.vector_load %arg13[%get3A_243, %get3A_244] {strides = array<i32>} : memref<128x128xf32, #tpu.memory_space<vmem>>, vector<1x16xf32>,
      %get3A_246 = vector.shape_cast %get3A_245 : vector<1x16xf32> to vector<16xf32>
      %add3A_247 = arith.addf %get3A_238, %get3A_246 : vector<16xf32>
      %mul3A_248 = arith.constant 4 : i32
      %mul3A_249 = arith.muli %mul3A_248, %scan3A_156 : i32
      %add3A_250 = arith.constant 2 : i32
      %add3A_251 = arith.addi %mul3A_249, %add3A_250 : i32
      %get3A_252 = arith.index_cast %add3A_251 : i32 to index
      %get3A_253 = arith.constant 32 : index
      %get3A_254 = tpu.vector_load %arg13[%get3A_252, %get3A_253] {strides = array<i32>} : memref<128x128xf32, #tpu.memory_space<vmem>>, vector<1x16xf32>,
      %get3A_255 = vector.shape_cast %get3A_254 : vector<1x16xf32> to vector<16xf32>
      %mul3A_256 = arith.constant 4 : i32
      %mul3A_257 = arith.muli %mul3A_256, %scan3A_156 : i32
      %add3A_258 = arith.constant 3 : i32
      %add3A_259 = arith.addi %mul3A_257, %add3A_258 : i32
      %get3A_260 = arith.index_cast %add3A_259 : i32 to index
      %get3A_261 = arith.constant 32 : index
      %get3A_262 = tpu.vector_load %arg13[%get3A_260, %get3A_261] {strides = array<i32>} : memref<128x128xf32, #tpu.memory_space<vmem>>, vector<1x16xf32>,
      %get3A_263 = vector.shape_cast %get3A_262 : vector<1x16xf32> to vector<16xf32>
      %add3A_264 = arith.addf %get3A_255, %get3A_263 : vector<16xf32>
      %add3A_265 = arith.addf %add3A_247, %add3A_264 : vector<16xf32>
      %swap3A_266 = arith.index_cast %scan3A_156 : i32 to index
      %swap3A_267 = arith.constant 32 : index
      %swap3A_268 = tpu.vector_load %arg17[%swap3A_266, %swap3A_267] {strides = array<i32>} : memref<32x384xf32, #tpu.memory_space<vmem>>, vector<1x16xf32>,
      %swap3A_269 = vector.shape_cast %swap3A_268 : vector<1x16xf32> to vector<16xf32>
      %swap3A_270 = vector.shape_cast %add3A_265 : vector<16xf32> to vector<1x16xf32>
      tpu.vector_store %arg17[%swap3A_266, %swap3A_267], %swap3A_270 {strides = array<i32>} : memref<32x384xf32, #tpu.memory_space<vmem>>, vector<1x16xf32>,
      %mul3A_271 = arith.constant 4 : i32
      %mul3A_272 = arith.muli %mul3A_271, %scan3A_156 : i32
      %get3A_273 = arith.index_cast %mul3A_272 : i32 to index
      %get3A_274 = arith.constant 48 : index
      %get3A_275 = tpu.vector_load %arg13[%get3A_273, %get3A_274] {strides = array<i32>} : memref<128x128xf32, #tpu.memory_space<vmem>>, vector<1x16xf32>,
      %get3A_276 = vector.shape_cast %get3A_275 : vector<1x16xf32> to vector<16xf32>
      %mul3A_277 = arith.constant 4 : i32
      %mul3A_278 = arith.muli %mul3A_277, %scan3A_156 : i32
      %add3A_279 = arith.constant 1 : i32
      %add3A_280 = arith.addi %mul3A_278, %add3A_279 : i32
      %get3A_281 = arith.index_cast %add3A_280 : i32 to index
      %get3A_282 = arith.constant 48 : index
      %get3A_283 = tpu.vector_load %arg13[%get3A_281, %get3A_282] {strides = array<i32>} : memref<128x128xf32, #tpu.memory_space<vmem>>, vector<1x16xf32>,
      %get3A_284 = vector.shape_cast %get3A_283 : vector<1x16xf32> to vector<16xf32>
      %add3A_285 = arith.addf %get3A_276, %get3A_284 : vector<16xf32>
      %mul3A_286 = arith.constant 4 : i32
      %mul3A_287 = arith.muli %mul3A_286, %scan3A_156 : i32
      %add3A_288 = arith.constant 2 : i32
      %add3A_289 = arith.addi %mul3A_287, %add3A_288 : i32
      %get3A_290 = arith.index_cast %add3A_289 : i32 to index
      %get3A_291 = arith.constant 48 : index
      %get3A_292 = tpu.vector_load %arg13[%get3A_290, %get3A_291] {strides = array<i32>} : memref<128x128xf32, #tpu.memory_space<vmem>>, vector<1x16xf32>,
      %get3A_293 = vector.shape_cast %get3A_292 : vector<1x16xf32> to vector<16xf32>
      %mul3A_294 = arith.constant 4 : i32
      %mul3A_295 = arith.muli %mul3A_294, %scan3A_156 : i32
      %add3A_296 = arith.constant 3 : i32
      %add3A_297 = arith.addi %mul3A_295, %add3A_296 : i32
      %get3A_298 = arith.index_cast %add3A_297 : i32 to index
      %get3A_299 = arith.constant 48 : index
      %get3A_300 = tpu.vector_load %arg13[%get3A_298, %get3A_299] {strides = array<i32>} : memref<128x128xf32, #tpu.memory_space<vmem>>, vector<1x16xf32>,
      %get3A_301 = vector.shape_cast %get3A_300 : vector<1x16xf32> to vector<16xf32>
      %add3A_302 = arith.addf %get3A_293, %get3A_301 : vector<16xf32>
      %add3A_303 = arith.addf %add3A_285, %add3A_302 : vector<16xf32>
      %swap3A_304 = arith.index_cast %scan3A_156 : i32 to index
      %swap3A_305 = arith.constant 48 : index
      %swap3A_306 = tpu.vector_load %arg17[%swap3A_304, %swap3A_305] {strides = array<i32>} : memref<32x384xf32, #tpu.memory_space<vmem>>, vector<1x16xf32>,
      %swap3A_307 = vector.shape_cast %swap3A_306 : vector<1x16xf32> to vector<16xf32>
      %swap3A_308 = vector.shape_cast %add3A_303 : vector<16xf32> to vector<1x16xf32>
      tpu.vector_store %arg17[%swap3A_304, %swap3A_305], %swap3A_308 {strides = array<i32>} : memref<32x384xf32, #tpu.memory_space<vmem>>, vector<1x16xf32>,
      %mul3A_309 = arith.constant 4 : i32
      %mul3A_310 = arith.muli %mul3A_309, %scan3A_156 : i32
      %get3A_311 = arith.index_cast %mul3A_310 : i32 to index
      %get3A_312 = arith.constant 64 : index
      %get3A_313 = tpu.vector_load %arg13[%get3A_311, %get3A_312] {strides = array<i32>} : memref<128x128xf32, #tpu.memory_space<vmem>>, vector<1x16xf32>,
      %get3A_314 = vector.shape_cast %get3A_313 : vector<1x16xf32> to vector<16xf32>
      %mul3A_315 = arith.constant 4 : i32
      %mul3A_316 = arith.muli %mul3A_315, %scan3A_156 : i32
      %add3A_317 = arith.constant 1 : i32
      %add3A_318 = arith.addi %mul3A_316, %add3A_317 : i32
      %get3A_319 = arith.index_cast %add3A_318 : i32 to index
      %get3A_320 = arith.constant 64 : index
      %get3A_321 = tpu.vector_load %arg13[%get3A_319, %get3A_320] {strides = array<i32>} : memref<128x128xf32, #tpu.memory_space<vmem>>, vector<1x16xf32>,
      %get3A_322 = vector.shape_cast %get3A_321 : vector<1x16xf32> to vector<16xf32>
      %add3A_323 = arith.addf %get3A_314, %get3A_322 : vector<16xf32>
      %mul3A_324 = arith.constant 4 : i32
      %mul3A_325 = arith.muli %mul3A_324, %scan3A_156 : i32
      %add3A_326 = arith.constant 2 : i32
      %add3A_327 = arith.addi %mul3A_325, %add3A_326 : i32
      %get3A_328 = arith.index_cast %add3A_327 : i32 to index
      %get3A_329 = arith.constant 64 : index
      %get3A_330 = tpu.vector_load %arg13[%get3A_328, %get3A_329] {strides = array<i32>} : memref<128x128xf32, #tpu.memory_space<vmem>>, vector<1x16xf32>,
      %get3A_331 = vector.shape_cast %get3A_330 : vector<1x16xf32> to vector<16xf32>
      %mul3A_332 = arith.constant 4 : i32
      %mul3A_333 = arith.muli %mul3A_332, %scan3A_156 : i32
      %add3A_334 = arith.constant 3 : i32
      %add3A_335 = arith.addi %mul3A_333, %add3A_334 : i32
      %get3A_336 = arith.index_cast %add3A_335 : i32 to index
      %get3A_337 = arith.constant 64 : index
      %get3A_338 = tpu.vector_load %arg13[%get3A_336, %get3A_337] {strides = array<i32>} : memref<128x128xf32, #tpu.memory_space<vmem>>, vector<1x16xf32>,
      %get3A_339 = vector.shape_cast %get3A_338 : vector<1x16xf32> to vector<16xf32>
      %add3A_340 = arith.addf %get3A_331, %get3A_339 : vector<16xf32>
      %add3A_341 = arith.addf %add3A_323, %add3A_340 : vector<16xf32>
      %swap3A_342 = arith.index_cast %scan3A_156 : i32 to index
      %swap3A_343 = arith.constant 64 : index
      %swap3A_344 = tpu.vector_load %arg17[%swap3A_342, %swap3A_343] {strides = array<i32>} : memref<32x384xf32, #tpu.memory_space<vmem>>, vector<1x16xf32>,
      %swap3A_345 = vector.shape_cast %swap3A_344 : vector<1x16xf32> to vector<16xf32>
      %swap3A_346 = vector.shape_cast %add3A_341 : vector<16xf32> to vector<1x16xf32>
      tpu.vector_store %arg17[%swap3A_342, %swap3A_343], %swap3A_346 {strides = array<i32>} : memref<32x384xf32, #tpu.memory_space<vmem>>, vector<1x16xf32>,
      %mul3A_347 = arith.constant 4 : i32
      %mul3A_348 = arith.muli %mul3A_347, %scan3A_156 : i32
      %get3A_349 = arith.index_cast %mul3A_348 : i32 to index
      %get3A_350 = arith.constant 80 : index
      %get3A_351 = tpu.vector_load %arg13[%get3A_349, %get3A_350] {strides = array<i32>} : memref<128x128xf32, #tpu.memory_space<vmem>>, vector<1x16xf32>,
      %get3A_352 = vector.shape_cast %get3A_351 : vector<1x16xf32> to vector<16xf32>
      %mul3A_353 = arith.constant 4 : i32
      %mul3A_354 = arith.muli %mul3A_353, %scan3A_156 : i32
      %add3A_355 = arith.constant 1 : i32
      %add3A_356 = arith.addi %mul3A_354, %add3A_355 : i32
      %get3A_357 = arith.index_cast %add3A_356 : i32 to index
      %get3A_358 = arith.constant 80 : index
      %get3A_359 = tpu.vector_load %arg13[%get3A_357, %get3A_358] {strides = array<i32>} : memref<128x128xf32, #tpu.memory_space<vmem>>, vector<1x16xf32>,
      %get3A_360 = vector.shape_cast %get3A_359 : vector<1x16xf32> to vector<16xf32>
      %add3A_361 = arith.addf %get3A_352, %get3A_360 : vector<16xf32>
      %mul3A_362 = arith.constant 4 : i32
      %mul3A_363 = arith.muli %mul3A_362, %scan3A_156 : i32
      %add3A_364 = arith.constant 2 : i32
      %add3A_365 = arith.addi %mul3A_363, %add3A_364 : i32
      %get3A_366 = arith.index_cast %add3A_365 : i32 to index
      %get3A_367 = arith.constant 80 : index
      %get3A_368 = tpu.vector_load %arg13[%get3A_366, %get3A_367] {strides = array<i32>} : memref<128x128xf32, #tpu.memory_space<vmem>>, vector<1x16xf32>,
      %get3A_369 = vector.shape_cast %get3A_368 : vector<1x16xf32> to vector<16xf32>
      %mul3A_370 = arith.constant 4 : i32
      %mul3A_371 = arith.muli %mul3A_370, %scan3A_156 : i32
      %add3A_372 = arith.constant 3 : i32
      %add3A_373 = arith.addi %mul3A_371, %add3A_372 : i32
      %get3A_374 = arith.index_cast %add3A_373 : i32 to index
      %get3A_375 = arith.constant 80 : index
      %get3A_376 = tpu.vector_load %arg13[%get3A_374, %get3A_375] {strides = array<i32>} : memref<128x128xf32, #tpu.memory_space<vmem>>, vector<1x16xf32>,
      %get3A_377 = vector.shape_cast %get3A_376 : vector<1x16xf32> to vector<16xf32>
      %add3A_378 = arith.addf %get3A_369, %get3A_377 : vector<16xf32>
      %add3A_379 = arith.addf %add3A_361, %add3A_378 : vector<16xf32>
      %swap3A_380 = arith.index_cast %scan3A_156 : i32 to index
      %swap3A_381 = arith.constant 80 : index
      %swap3A_382 = tpu.vector_load %arg17[%swap3A_380, %swap3A_381] {strides = array<i32>} : memref<32x384xf32, #tpu.memory_space<vmem>>, vector<1x16xf32>,
      %swap3A_383 = vector.shape_cast %swap3A_382 : vector<1x16xf32> to vector<16xf32>
      %swap3A_384 = vector.shape_cast %add3A_379 : vector<16xf32> to vector<1x16xf32>
      tpu.vector_store %arg17[%swap3A_380, %swap3A_381], %swap3A_384 {strides = array<i32>} : memref<32x384xf32, #tpu.memory_space<vmem>>, vector<1x16xf32>,
      %mul3A_385 = arith.constant 4 : i32
      %mul3A_386 = arith.muli %mul3A_385, %scan3A_156 : i32
      %get3A_387 = arith.index_cast %mul3A_386 : i32 to index
      %get3A_388 = arith.constant 96 : index
      %get3A_389 = tpu.vector_load %arg13[%get3A_387, %get3A_388] {strides = array<i32>} : memref<128x128xf32, #tpu.memory_space<vmem>>, vector<1x16xf32>,
      %get3A_390 = vector.shape_cast %get3A_389 : vector<1x16xf32> to vector<16xf32>
      %mul3A_391 = arith.constant 4 : i32
      %mul3A_392 = arith.muli %mul3A_391, %scan3A_156 : i32
      %add3A_393 = arith.constant 1 : i32
      %add3A_394 = arith.addi %mul3A_392, %add3A_393 : i32
      %get3A_395 = arith.index_cast %add3A_394 : i32 to index
      %get3A_396 = arith.constant 96 : index
      %get3A_397 = tpu.vector_load %arg13[%get3A_395, %get3A_396] {strides = array<i32>} : memref<128x128xf32, #tpu.memory_space<vmem>>, vector<1x16xf32>,
      %get3A_398 = vector.shape_cast %get3A_397 : vector<1x16xf32> to vector<16xf32>
      %add3A_399 = arith.addf %get3A_390, %get3A_398 : vector<16xf32>
      %mul3A_400 = arith.constant 4 : i32
      %mul3A_401 = arith.muli %mul3A_400, %scan3A_156 : i32
      %add3A_402 = arith.constant 2 : i32
      %add3A_403 = arith.addi %mul3A_401, %add3A_402 : i32
      %get3A_404 = arith.index_cast %add3A_403 : i32 to index
      %get3A_405 = arith.constant 96 : index
      %get3A_406 = tpu.vector_load %arg13[%get3A_404, %get3A_405] {strides = array<i32>} : memref<128x128xf32, #tpu.memory_space<vmem>>, vector<1x16xf32>,
      %get3A_407 = vector.shape_cast %get3A_406 : vector<1x16xf32> to vector<16xf32>
      %mul3A_408 = arith.constant 4 : i32
      %mul3A_409 = arith.muli %mul3A_408, %scan3A_156 : i32
      %add3A_410 = arith.constant 3 : i32
      %add3A_411 = arith.addi %mul3A_409, %add3A_410 : i32
      %get3A_412 = arith.index_cast %add3A_411 : i32 to index
      %get3A_413 = arith.constant 96 : index
      %get3A_414 = tpu.vector_load %arg13[%get3A_412, %get3A_413] {strides = array<i32>} : memref<128x128xf32, #tpu.memory_space<vmem>>, vector<1x16xf32>,
      %get3A_415 = vector.shape_cast %get3A_414 : vector<1x16xf32> to vector<16xf32>
      %add3A_416 = arith.addf %get3A_407, %get3A_415 : vector<16xf32>
      %add3A_417 = arith.addf %add3A_399, %add3A_416 : vector<16xf32>
      %swap3A_418 = arith.index_cast %scan3A_156 : i32 to index
      %swap3A_419 = arith.constant 96 : index
      %swap3A_420 = tpu.vector_load %arg17[%swap3A_418, %swap3A_419] {strides = array<i32>} : memref<32x384xf32, #tpu.memory_space<vmem>>, vector<1x16xf32>,
      %swap3A_421 = vector.shape_cast %swap3A_420 : vector<1x16xf32> to vector<16xf32>
      %swap3A_422 = vector.shape_cast %add3A_417 : vector<16xf32> to vector<1x16xf32>
      tpu.vector_store %arg17[%swap3A_418, %swap3A_419], %swap3A_422 {strides = array<i32>} : memref<32x384xf32, #tpu.memory_space<vmem>>, vector<1x16xf32>,
      %mul3A_423 = arith.constant 4 : i32
      %mul3A_424 = arith.muli %mul3A_423, %scan3A_156 : i32
      %get3A_425 = arith.index_cast %mul3A_424 : i32 to index
      %get3A_426 = arith.constant 112 : index
      %get3A_427 = tpu.vector_load %arg13[%get3A_425, %get3A_426] {strides = array<i32>} : memref<128x128xf32, #tpu.memory_space<vmem>>, vector<1x16xf32>,
      %get3A_428 = vector.shape_cast %get3A_427 : vector<1x16xf32> to vector<16xf32>
      %mul3A_429 = arith.constant 4 : i32
      %mul3A_430 = arith.muli %mul3A_429, %scan3A_156 : i32
      %add3A_431 = arith.constant 1 : i32
      %add3A_432 = arith.addi %mul3A_430, %add3A_431 : i32
      %get3A_433 = arith.index_cast %add3A_432 : i32 to index
      %get3A_434 = arith.constant 112 : index
      %get3A_435 = tpu.vector_load %arg13[%get3A_433, %get3A_434] {strides = array<i32>} : memref<128x128xf32, #tpu.memory_space<vmem>>, vector<1x16xf32>,
      %get3A_436 = vector.shape_cast %get3A_435 : vector<1x16xf32> to vector<16xf32>
      %add3A_437 = arith.addf %get3A_428, %get3A_436 : vector<16xf32>
      %mul3A_438 = arith.constant 4 : i32
      %mul3A_439 = arith.muli %mul3A_438, %scan3A_156 : i32
      %add3A_440 = arith.constant 2 : i32
      %add3A_441 = arith.addi %mul3A_439, %add3A_440 : i32
      %get3A_442 = arith.index_cast %add3A_441 : i32 to index
      %get3A_443 = arith.constant 112 : index
      %get3A_444 = tpu.vector_load %arg13[%get3A_442, %get3A_443] {strides = array<i32>} : memref<128x128xf32, #tpu.memory_space<vmem>>, vector<1x16xf32>,
      %get3A_445 = vector.shape_cast %get3A_444 : vector<1x16xf32> to vector<16xf32>
      %mul3A_446 = arith.constant 4 : i32
      %mul3A_447 = arith.muli %mul3A_446, %scan3A_156 : i32
      %add3A_448 = arith.constant 3 : i32
      %add3A_449 = arith.addi %mul3A_447, %add3A_448 : i32
      %get3A_450 = arith.index_cast %add3A_449 : i32 to index
      %get3A_451 = arith.constant 112 : index
      %get3A_452 = tpu.vector_load %arg13[%get3A_450, %get3A_451] {strides = array<i32>} : memref<128x128xf32, #tpu.memory_space<vmem>>, vector<1x16xf32>,
      %get3A_453 = vector.shape_cast %get3A_452 : vector<1x16xf32> to vector<16xf32>
      %add3A_454 = arith.addf %get3A_445, %get3A_453 : vector<16xf32>
      %add3A_455 = arith.addf %add3A_437, %add3A_454 : vector<16xf32>
      %swap3A_456 = arith.index_cast %scan3A_156 : i32 to index
      %swap3A_457 = arith.constant 112 : index
      %swap3A_458 = tpu.vector_load %arg17[%swap3A_456, %swap3A_457] {strides = array<i32>} : memref<32x384xf32, #tpu.memory_space<vmem>>, vector<1x16xf32>,
      %swap3A_459 = vector.shape_cast %swap3A_458 : vector<1x16xf32> to vector<16xf32>
      %swap3A_460 = vector.shape_cast %add3A_455 : vector<16xf32> to vector<1x16xf32>
      tpu.vector_store %arg17[%swap3A_456, %swap3A_457], %swap3A_460 {strides = array<i32>} : memref<32x384xf32, #tpu.memory_space<vmem>>, vector<1x16xf32>,
      %get3A_461 = arith.constant 0 : i32
      %get3A_462 = arith.index_cast %scan3A_156 : i32 to index
      %get3A_463 = arith.index_cast %get3A_461 : i32 to index
      %get3A_464 = arith.constant 0 : index
      %get3A_465 = tpu.vector_load %arg14[%get3A_462, %get3A_463, %get3A_464] {strides = array<i32>} : memref<32x1x256xf32, #tpu.memory_space<vmem>>, vector<1x1x16xf32>,
      %get3A_466 = vector.shape_cast %get3A_465 : vector<1x1x16xf32> to vector<16xf32>
      %swap3A_467 = arith.index_cast %scan3A_156 : i32 to index
      %swap3A_468 = arith.constant 128 : index
      %swap3A_469 = tpu.vector_load %arg17[%swap3A_467, %swap3A_468] {strides = array<i32>} : memref<32x384xf32, #tpu.memory_space<vmem>>, vector<1x16xf32>,
      %swap3A_470 = vector.shape_cast %swap3A_469 : vector<1x16xf32> to vector<16xf32>
      %swap3A_471 = vector.shape_cast %get3A_466 : vector<16xf32> to vector<1x16xf32>
      tpu.vector_store %arg17[%swap3A_467, %swap3A_468], %swap3A_471 {strides = array<i32>} : memref<32x384xf32, #tpu.memory_space<vmem>>, vector<1x16xf32>,
      %get3A_472 = arith.constant 0 : i32
      %get3A_473 = arith.index_cast %scan3A_156 : i32 to index
      %get3A_474 = arith.index_cast %get3A_472 : i32 to index
      %get3A_475 = arith.constant 16 : index
      %get3A_476 = tpu.vector_load %arg14[%get3A_473, %get3A_474, %get3A_475] {strides = array<i32>} : memref<32x1x256xf32, #tpu.memory_space<vmem>>, vector<1x1x16xf32>,
      %get3A_477 = vector.shape_cast %get3A_476 : vector<1x1x16xf32> to vector<16xf32>
      %swap3A_478 = arith.index_cast %scan3A_156 : i32 to index
      %swap3A_479 = arith.constant 144 : index
      %swap3A_480 = tpu.vector_load %arg17[%swap3A_478, %swap3A_479] {strides = array<i32>} : memref<32x384xf32, #tpu.memory_space<vmem>>, vector<1x16xf32>,
      %swap3A_481 = vector.shape_cast %swap3A_480 : vector<1x16xf32> to vector<16xf32>
      %swap3A_482 = vector.shape_cast %get3A_477 : vector<16xf32> to vector<1x16xf32>
      tpu.vector_store %arg17[%swap3A_478, %swap3A_479], %swap3A_482 {strides = array<i32>} : memref<32x384xf32, #tpu.memory_space<vmem>>, vector<1x16xf32>,
      %get3A_483 = arith.constant 0 : i32
      %get3A_484 = arith.index_cast %scan3A_156 : i32 to index
      %get3A_485 = arith.index_cast %get3A_483 : i32 to index
      %get3A_486 = arith.constant 32 : index
      %get3A_487 = tpu.vector_load %arg14[%get3A_484, %get3A_485, %get3A_486] {strides = array<i32>} : memref<32x1x256xf32, #tpu.memory_space<vmem>>, vector<1x1x16xf32>,
      %get3A_488 = vector.shape_cast %get3A_487 : vector<1x1x16xf32> to vector<16xf32>
      %swap3A_489 = arith.index_cast %scan3A_156 : i32 to index
      %swap3A_490 = arith.constant 160 : index
      %swap3A_491 = tpu.vector_load %arg17[%swap3A_489, %swap3A_490] {strides = array<i32>} : memref<32x384xf32, #tpu.memory_space<vmem>>, vector<1x16xf32>,
      %swap3A_492 = vector.shape_cast %swap3A_491 : vector<1x16xf32> to vector<16xf32>
      %swap3A_493 = vector.shape_cast %get3A_488 : vector<16xf32> to vector<1x16xf32>
      tpu.vector_store %arg17[%swap3A_489, %swap3A_490], %swap3A_493 {strides = array<i32>} : memref<32x384xf32, #tpu.memory_space<vmem>>, vector<1x16xf32>,
      %get3A_494 = arith.constant 0 : i32
      %get3A_495 = arith.index_cast %scan3A_156 : i32 to index
      %get3A_496 = arith.index_cast %get3A_494 : i32 to index
      %get3A_497 = arith.constant 48 : index
      %get3A_498 = tpu.vector_load %arg14[%get3A_495, %get3A_496, %get3A_497] {strides = array<i32>} : memref<32x1x256xf32, #tpu.memory_space<vmem>>, vector<1x1x16xf32>,
      %get3A_499 = vector.shape_cast %get3A_498 : vector<1x1x16xf32> to vector<16xf32>
      %swap3A_500 = arith.index_cast %scan3A_156 : i32 to index
      %swap3A_501 = arith.constant 176 : index
      %swap3A_502 = tpu.vector_load %arg17[%swap3A_500, %swap3A_501] {strides = array<i32>} : memref<32x384xf32, #tpu.memory_space<vmem>>, vector<1x16xf32>,
      %swap3A_503 = vector.shape_cast %swap3A_502 : vector<1x16xf32> to vector<16xf32>
      %swap3A_504 = vector.shape_cast %get3A_499 : vector<16xf32> to vector<1x16xf32>
      tpu.vector_store %arg17[%swap3A_500, %swap3A_501], %swap3A_504 {strides = array<i32>} : memref<32x384xf32, #tpu.memory_space<vmem>>, vector<1x16xf32>,
      %get3A_505 = arith.constant 0 : i32
      %get3A_506 = arith.index_cast %scan3A_156 : i32 to index
      %get3A_507 = arith.index_cast %get3A_505 : i32 to index
      %get3A_508 = arith.constant 64 : index
      %get3A_509 = tpu.vector_load %arg14[%get3A_506, %get3A_507, %get3A_508] {strides = array<i32>} : memref<32x1x256xf32, #tpu.memory_space<vmem>>, vector<1x1x16xf32>,
      %get3A_510 = vector.shape_cast %get3A_509 : vector<1x1x16xf32> to vector<16xf32>
      %swap3A_511 = arith.index_cast %scan3A_156 : i32 to index
      %swap3A_512 = arith.constant 192 : index
      %swap3A_513 = tpu.vector_load %arg17[%swap3A_511, %swap3A_512] {strides = array<i32>} : memref<32x384xf32, #tpu.memory_space<vmem>>, vector<1x16xf32>,
      %swap3A_514 = vector.shape_cast %swap3A_513 : vector<1x16xf32> to vector<16xf32>
      %swap3A_515 = vector.shape_cast %get3A_510 : vector<16xf32> to vector<1x16xf32>
      tpu.vector_store %arg17[%swap3A_511, %swap3A_512], %swap3A_515 {strides = array<i32>} : memref<32x384xf32, #tpu.memory_space<vmem>>, vector<1x16xf32>,
      %get3A_516 = arith.constant 0 : i32
      %get3A_517 = arith.index_cast %scan3A_156 : i32 to index
      %get3A_518 = arith.index_cast %get3A_516 : i32 to index
      %get3A_519 = arith.constant 80 : index
      %get3A_520 = tpu.vector_load %arg14[%get3A_517, %get3A_518, %get3A_519] {strides = array<i32>} : memref<32x1x256xf32, #tpu.memory_space<vmem>>, vector<1x1x16xf32>,
      %get3A_521 = vector.shape_cast %get3A_520 : vector<1x1x16xf32> to vector<16xf32>
      %swap3A_522 = arith.index_cast %scan3A_156 : i32 to index
      %swap3A_523 = arith.constant 208 : index
      %swap3A_524 = tpu.vector_load %arg17[%swap3A_522, %swap3A_523] {strides = array<i32>} : memref<32x384xf32, #tpu.memory_space<vmem>>, vector<1x16xf32>,
      %swap3A_525 = vector.shape_cast %swap3A_524 : vector<1x16xf32> to vector<16xf32>
      %swap3A_526 = vector.shape_cast %get3A_521 : vector<16xf32> to vector<1x16xf32>
      tpu.vector_store %arg17[%swap3A_522, %swap3A_523], %swap3A_526 {strides = array<i32>} : memref<32x384xf32, #tpu.memory_space<vmem>>, vector<1x16xf32>,
      %get3A_527 = arith.constant 0 : i32
      %get3A_528 = arith.index_cast %scan3A_156 : i32 to index
      %get3A_529 = arith.index_cast %get3A_527 : i32 to index
      %get3A_530 = arith.constant 96 : index
      %get3A_531 = tpu.vector_load %arg14[%get3A_528, %get3A_529, %get3A_530] {strides = array<i32>} : memref<32x1x256xf32, #tpu.memory_space<vmem>>, vector<1x1x16xf32>,
      %get3A_532 = vector.shape_cast %get3A_531 : vector<1x1x16xf32> to vector<16xf32>
      %swap3A_533 = arith.index_cast %scan3A_156 : i32 to index
      %swap3A_534 = arith.constant 224 : index
      %swap3A_535 = tpu.vector_load %arg17[%swap3A_533, %swap3A_534] {strides = array<i32>} : memref<32x384xf32, #tpu.memory_space<vmem>>, vector<1x16xf32>,
      %swap3A_536 = vector.shape_cast %swap3A_535 : vector<1x16xf32> to vector<16xf32>
      %swap3A_537 = vector.shape_cast %get3A_532 : vector<16xf32> to vector<1x16xf32>
      tpu.vector_store %arg17[%swap3A_533, %swap3A_534], %swap3A_537 {strides = array<i32>} : memref<32x384xf32, #tpu.memory_space<vmem>>, vector<1x16xf32>,
      %get3A_538 = arith.constant 0 : i32
      %get3A_539 = arith.index_cast %scan3A_156 : i32 to index
      %get3A_540 = arith.index_cast %get3A_538 : i32 to index
      %get3A_541 = arith.constant 112 : index
      %get3A_542 = tpu.vector_load %arg14[%get3A_539, %get3A_540, %get3A_541] {strides = array<i32>} : memref<32x1x256xf32, #tpu.memory_space<vmem>>, vector<1x1x16xf32>,
      %get3A_543 = vector.shape_cast %get3A_542 : vector<1x1x16xf32> to vector<16xf32>
      %swap3A_544 = arith.index_cast %scan3A_156 : i32 to index
      %swap3A_545 = arith.constant 240 : index
      %swap3A_546 = tpu.vector_load %arg17[%swap3A_544, %swap3A_545] {strides = array<i32>} : memref<32x384xf32, #tpu.memory_space<vmem>>, vector<1x16xf32>,
      %swap3A_547 = vector.shape_cast %swap3A_546 : vector<1x16xf32> to vector<16xf32>
      %swap3A_548 = vector.shape_cast %get3A_543 : vector<16xf32> to vector<1x16xf32>
      tpu.vector_store %arg17[%swap3A_544, %swap3A_545], %swap3A_548 {strides = array<i32>} : memref<32x384xf32, #tpu.memory_space<vmem>>, vector<1x16xf32>,
      %get3A_549 = arith.constant 0 : i32
      %get3A_550 = arith.index_cast %scan3A_156 : i32 to index
      %get3A_551 = arith.index_cast %get3A_549 : i32 to index
      %get3A_552 = arith.constant 128 : index
      %get3A_553 = tpu.vector_load %arg14[%get3A_550, %get3A_551, %get3A_552] {strides = array<i32>} : memref<32x1x256xf32, #tpu.memory_space<vmem>>, vector<1x1x16xf32>,
      %get3A_554 = vector.shape_cast %get3A_553 : vector<1x1x16xf32> to vector<16xf32>
      %swap3A_555 = arith.index_cast %scan3A_156 : i32 to index
      %swap3A_556 = arith.constant 256 : index
      %swap3A_557 = tpu.vector_load %arg17[%swap3A_555, %swap3A_556] {strides = array<i32>} : memref<32x384xf32, #tpu.memory_space<vmem>>, vector<1x16xf32>,
      %swap3A_558 = vector.shape_cast %swap3A_557 : vector<1x16xf32> to vector<16xf32>
      %swap3A_559 = vector.shape_cast %get3A_554 : vector<16xf32> to vector<1x16xf32>
      tpu.vector_store %arg17[%swap3A_555, %swap3A_556], %swap3A_559 {strides = array<i32>} : memref<32x384xf32, #tpu.memory_space<vmem>>, vector<1x16xf32>,
      %get3A_560 = arith.constant 0 : i32
      %get3A_561 = arith.index_cast %scan3A_156 : i32 to index
      %get3A_562 = arith.index_cast %get3A_560 : i32 to index
      %get3A_563 = arith.constant 144 : index
      %get3A_564 = tpu.vector_load %arg14[%get3A_561, %get3A_562, %get3A_563] {strides = array<i32>} : memref<32x1x256xf32, #tpu.memory_space<vmem>>, vector<1x1x16xf32>,
      %get3A_565 = vector.shape_cast %get3A_564 : vector<1x1x16xf32> to vector<16xf32>
      %swap3A_566 = arith.index_cast %scan3A_156 : i32 to index
      %swap3A_567 = arith.constant 272 : index
      %swap3A_568 = tpu.vector_load %arg17[%swap3A_566, %swap3A_567] {strides = array<i32>} : memref<32x384xf32, #tpu.memory_space<vmem>>, vector<1x16xf32>,
      %swap3A_569 = vector.shape_cast %swap3A_568 : vector<1x16xf32> to vector<16xf32>
      %swap3A_570 = vector.shape_cast %get3A_565 : vector<16xf32> to vector<1x16xf32>
      tpu.vector_store %arg17[%swap3A_566, %swap3A_567], %swap3A_570 {strides = array<i32>} : memref<32x384xf32, #tpu.memory_space<vmem>>, vector<1x16xf32>,
      %get3A_571 = arith.constant 0 : i32
      %get3A_572 = arith.index_cast %scan3A_156 : i32 to index
      %get3A_573 = arith.index_cast %get3A_571 : i32 to index
      %get3A_574 = arith.constant 160 : index
      %get3A_575 = tpu.vector_load %arg14[%get3A_572, %get3A_573, %get3A_574] {strides = array<i32>} : memref<32x1x256xf32, #tpu.memory_space<vmem>>, vector<1x1x16xf32>,
      %get3A_576 = vector.shape_cast %get3A_575 : vector<1x1x16xf32> to vector<16xf32>
      %swap3A_577 = arith.index_cast %scan3A_156 : i32 to index
      %swap3A_578 = arith.constant 288 : index
      %swap3A_579 = tpu.vector_load %arg17[%swap3A_577, %swap3A_578] {strides = array<i32>} : memref<32x384xf32, #tpu.memory_space<vmem>>, vector<1x16xf32>,
      %swap3A_580 = vector.shape_cast %swap3A_579 : vector<1x16xf32> to vector<16xf32>
      %swap3A_581 = vector.shape_cast %get3A_576 : vector<16xf32> to vector<1x16xf32>
      tpu.vector_store %arg17[%swap3A_577, %swap3A_578], %swap3A_581 {strides = array<i32>} : memref<32x384xf32, #tpu.memory_space<vmem>>, vector<1x16xf32>,
      %get3A_582 = arith.constant 0 : i32
      %get3A_583 = arith.index_cast %scan3A_156 : i32 to index
      %get3A_584 = arith.index_cast %get3A_582 : i32 to index
      %get3A_585 = arith.constant 176 : index
      %get3A_586 = tpu.vector_load %arg14[%get3A_583, %get3A_584, %get3A_585] {strides = array<i32>} : memref<32x1x256xf32, #tpu.memory_space<vmem>>, vector<1x1x16xf32>,
      %get3A_587 = vector.shape_cast %get3A_586 : vector<1x1x16xf32> to vector<16xf32>
      %swap3A_588 = arith.index_cast %scan3A_156 : i32 to index
      %swap3A_589 = arith.constant 304 : index
      %swap3A_590 = tpu.vector_load %arg17[%swap3A_588, %swap3A_589] {strides = array<i32>} : memref<32x384xf32, #tpu.memory_space<vmem>>, vector<1x16xf32>,
      %swap3A_591 = vector.shape_cast %swap3A_590 : vector<1x16xf32> to vector<16xf32>
      %swap3A_592 = vector.shape_cast %get3A_587 : vector<16xf32> to vector<1x16xf32>
      tpu.vector_store %arg17[%swap3A_588, %swap3A_589], %swap3A_592 {strides = array<i32>} : memref<32x384xf32, #tpu.memory_space<vmem>>, vector<1x16xf32>,
      %get3A_593 = arith.constant 0 : i32
      %get3A_594 = arith.index_cast %scan3A_156 : i32 to index
      %get3A_595 = arith.index_cast %get3A_593 : i32 to index
      %get3A_596 = arith.constant 192 : index
      %get3A_597 = tpu.vector_load %arg14[%get3A_594, %get3A_595, %get3A_596] {strides = array<i32>} : memref<32x1x256xf32, #tpu.memory_space<vmem>>, vector<1x1x16xf32>,
      %get3A_598 = vector.shape_cast %get3A_597 : vector<1x1x16xf32> to vector<16xf32>
      %swap3A_599 = arith.index_cast %scan3A_156 : i32 to index
      %swap3A_600 = arith.constant 320 : index
      %swap3A_601 = tpu.vector_load %arg17[%swap3A_599, %swap3A_600] {strides = array<i32>} : memref<32x384xf32, #tpu.memory_space<vmem>>, vector<1x16xf32>,
      %swap3A_602 = vector.shape_cast %swap3A_601 : vector<1x16xf32> to vector<16xf32>
      %swap3A_603 = vector.shape_cast %get3A_598 : vector<16xf32> to vector<1x16xf32>
      tpu.vector_store %arg17[%swap3A_599, %swap3A_600], %swap3A_603 {strides = array<i32>} : memref<32x384xf32, #tpu.memory_space<vmem>>, vector<1x16xf32>,
      %get3A_604 = arith.constant 0 : i32
      %get3A_605 = arith.index_cast %scan3A_156 : i32 to index
      %get3A_606 = arith.index_cast %get3A_604 : i32 to index
      %get3A_607 = arith.constant 208 : index
      %get3A_608 = tpu.vector_load %arg14[%get3A_605, %get3A_606, %get3A_607] {strides = array<i32>} : memref<32x1x256xf32, #tpu.memory_space<vmem>>, vector<1x1x16xf32>,
      %get3A_609 = vector.shape_cast %get3A_608 : vector<1x1x16xf32> to vector<16xf32>
      %swap3A_610 = arith.index_cast %scan3A_156 : i32 to index
      %swap3A_611 = arith.constant 336 : index
      %swap3A_612 = tpu.vector_load %arg17[%swap3A_610, %swap3A_611] {strides = array<i32>} : memref<32x384xf32, #tpu.memory_space<vmem>>, vector<1x16xf32>,
      %swap3A_613 = vector.shape_cast %swap3A_612 : vector<1x16xf32> to vector<16xf32>
      %swap3A_614 = vector.shape_cast %get3A_609 : vector<16xf32> to vector<1x16xf32>
      tpu.vector_store %arg17[%swap3A_610, %swap3A_611], %swap3A_614 {strides = array<i32>} : memref<32x384xf32, #tpu.memory_space<vmem>>, vector<1x16xf32>,
      %get3A_615 = arith.constant 0 : i32
      %get3A_616 = arith.index_cast %scan3A_156 : i32 to index
      %get3A_617 = arith.index_cast %get3A_615 : i32 to index
      %get3A_618 = arith.constant 224 : index
      %get3A_619 = tpu.vector_load %arg14[%get3A_616, %get3A_617, %get3A_618] {strides = array<i32>} : memref<32x1x256xf32, #tpu.memory_space<vmem>>, vector<1x1x16xf32>,
      %get3A_620 = vector.shape_cast %get3A_619 : vector<1x1x16xf32> to vector<16xf32>
      %swap3A_621 = arith.index_cast %scan3A_156 : i32 to index
      %swap3A_622 = arith.constant 352 : index
      %swap3A_623 = tpu.vector_load %arg17[%swap3A_621, %swap3A_622] {strides = array<i32>} : memref<32x384xf32, #tpu.memory_space<vmem>>, vector<1x16xf32>,
      %swap3A_624 = vector.shape_cast %swap3A_623 : vector<1x16xf32> to vector<16xf32>
      %swap3A_625 = vector.shape_cast %get3A_620 : vector<16xf32> to vector<1x16xf32>
      tpu.vector_store %arg17[%swap3A_621, %swap3A_622], %swap3A_625 {strides = array<i32>} : memref<32x384xf32, #tpu.memory_space<vmem>>, vector<1x16xf32>,
      %get3A_626 = arith.constant 0 : i32
      %get3A_627 = arith.index_cast %scan3A_156 : i32 to index
      %get3A_628 = arith.index_cast %get3A_626 : i32 to index
      %get3A_629 = arith.constant 240 : index
      %get3A_630 = tpu.vector_load %arg14[%get3A_627, %get3A_628, %get3A_629] {strides = array<i32>} : memref<32x1x256xf32, #tpu.memory_space<vmem>>, vector<1x1x16xf32>,
      %get3A_631 = vector.shape_cast %get3A_630 : vector<1x1x16xf32> to vector<16xf32>
      %swap3A_632 = arith.index_cast %scan3A_156 : i32 to index
      %swap3A_633 = arith.constant 368 : index
      %swap3A_634 = tpu.vector_load %arg17[%swap3A_632, %swap3A_633] {strides = array<i32>} : memref<32x384xf32, #tpu.memory_space<vmem>>, vector<1x16xf32>,
      %swap3A_635 = vector.shape_cast %swap3A_634 : vector<1x16xf32> to vector<16xf32>
      %swap3A_636 = vector.shape_cast %get3A_631 : vector<16xf32> to vector<1x16xf32>
      tpu.vector_store %arg17[%swap3A_632, %swap3A_633], %swap3A_636 {strides = array<i32>} : memref<32x384xf32, #tpu.memory_space<vmem>>, vector<1x16xf32>,
      %get3A_637 = arith.index_cast %scan3A_156 : i32 to index
      %get3A_638 = arith.constant 0 : index
      %get3A_639 = tpu.vector_load %arg15[%get3A_637, %get3A_638] {strides = array<i32>} : memref<32x16xi32, #tpu.memory_space<vmem>>, vector<1x16xi32>,
      %get3A_640 = vector.shape_cast %get3A_639 : vector<1x16xi32> to vector<16xi32>
      %broadcast_in_dim3A_641 = arith.constant 1 : i32
      %broadcast_in_dim3A_642 = vector.broadcast %broadcast_in_dim3A_641 : i32 to vector<16xi32>
      %add3A_643 = arith.addi %broadcast_in_dim3A_642, %get3A_640 : vector<16xi32>
      %add3A_644 = arith.constant 0 : i32
      %add3A_645 = vector.broadcast %add3A_644 : i32 to vector<16xi32>
      %add3A_646 = arith.addi %add3A_645, %iota3A : vector<16xi32>
      %lt3A = arith.cmpi slt, %add3A_646, %add3A_643 : vector<16xi32>
      %broadcast_in_dim3A_647 = vector.broadcast %scan3A_79 : f32 to vector<16xf32>
      %broadcast_in_dim3A_648 = vector.broadcast %scan3A_80 : f32 to vector<16xf32>
      %select_n3A_649 = arith.select %lt3A, %broadcast_in_dim3A_647, %broadcast_in_dim3A_648 : vector<16xi1>, vector<16xf32>
      %mul3A_650 = arith.constant 51 : i32
      %mul3A_651 = arith.muli %scan3A_156, %mul3A_650 : i32
      %add3A_652 = arith.constant 0 : i32
      %add3A_653 = arith.addi %mul3A_651, %add3A_652 : i32
      %swap3A_654 = arith.index_cast %add3A_653 : i32 to index
      %swap3A_655 = tpu.vector_load %arg19[%swap3A_654] {strides = array<i32>} : memref<1648xf32, #tpu.memory_space<vmem>>, vector<16xf32>,
      %swap3A_656 = vector.shape_cast %swap3A_655 : vector<16xf32> to vector<16xf32>
      %swap3A_657 = vector.shape_cast %select_n3A_649 : vector<16xf32> to vector<16xf32>
      tpu.vector_store %arg19[%swap3A_654], %swap3A_657 {strides = array<i32>} : memref<1648xf32, #tpu.memory_space<vmem>>, vector<16xf32>,
      %add3A_658 = arith.constant 16 : i32
      %add3A_659 = vector.broadcast %add3A_658 : i32 to vector<16xi32>
      %add3A_660 = arith.addi %add3A_659, %iota3A : vector<16xi32>
      %lt3A_661 = arith.cmpi slt, %add3A_660, %add3A_643 : vector<16xi32>
      %broadcast_in_dim3A_662 = vector.broadcast %scan3A_79 : f32 to vector<16xf32>
      %broadcast_in_dim3A_663 = vector.broadcast %scan3A_80 : f32 to vector<16xf32>
      %select_n3A_664 = arith.select %lt3A_661, %broadcast_in_dim3A_662, %broadcast_in_dim3A_663 : vector<16xi1>, vector<16xf32>
      %mul3A_665 = arith.constant 51 : i32
      %mul3A_666 = arith.muli %scan3A_156, %mul3A_665 : i32
      %add3A_667 = arith.constant 16 : i32
      %add3A_668 = arith.addi %mul3A_666, %add3A_667 : i32
      %swap3A_669 = arith.index_cast %add3A_668 : i32 to index
      %swap3A_670 = tpu.vector_load %arg19[%swap3A_669] {strides = array<i32>} : memref<1648xf32, #tpu.memory_space<vmem>>, vector<16xf32>,
      %swap3A_671 = vector.shape_cast %swap3A_670 : vector<16xf32> to vector<16xf32>
      %swap3A_672 = vector.shape_cast %select_n3A_664 : vector<16xf32> to vector<16xf32>
      tpu.vector_store %arg19[%swap3A_669], %swap3A_672 {strides = array<i32>} : memref<1648xf32, #tpu.memory_space<vmem>>, vector<16xf32>,
      %add3A_673 = arith.constant 32 : i32
      %add3A_674 = vector.broadcast %add3A_673 : i32 to vector<16xi32>
      %add3A_675 = arith.addi %add3A_674, %iota3A : vector<16xi32>
      %lt3A_676 = arith.cmpi slt, %add3A_675, %add3A_643 : vector<16xi32>
      %broadcast_in_dim3A_677 = vector.broadcast %scan3A_79 : f32 to vector<16xf32>
      %broadcast_in_dim3A_678 = vector.broadcast %scan3A_80 : f32 to vector<16xf32>
      %select_n3A_679 = arith.select %lt3A_676, %broadcast_in_dim3A_677, %broadcast_in_dim3A_678 : vector<16xi1>, vector<16xf32>
      %mul3A_680 = arith.constant 51 : i32
      %mul3A_681 = arith.muli %scan3A_156, %mul3A_680 : i32
      %add3A_682 = arith.constant 32 : i32
      %add3A_683 = arith.addi %mul3A_681, %add3A_682 : i32
      %swap3A_684 = arith.index_cast %add3A_683 : i32 to index
      %swap3A_685 = tpu.vector_load %arg19[%swap3A_684] {strides = array<i32>} : memref<1648xf32, #tpu.memory_space<vmem>>, vector<16xf32>,
      %swap3A_686 = vector.shape_cast %swap3A_685 : vector<16xf32> to vector<16xf32>
      %swap3A_687 = vector.shape_cast %select_n3A_679 : vector<16xf32> to vector<16xf32>
      tpu.vector_store %arg19[%swap3A_684], %swap3A_687 {strides = array<i32>} : memref<1648xf32, #tpu.memory_space<vmem>>, vector<16xf32>,
      %add3A_688 = arith.constant 48 : i32
      %add3A_689 = vector.broadcast %add3A_688 : i32 to vector<16xi32>
      %add3A_690 = arith.addi %add3A_689, %iota3A : vector<16xi32>
      %lt3A_691 = arith.cmpi slt, %add3A_690, %add3A_643 : vector<16xi32>
      %broadcast_in_dim3A_692 = vector.broadcast %scan3A_79 : f32 to vector<16xf32>
      %broadcast_in_dim3A_693 = vector.broadcast %scan3A_80 : f32 to vector<16xf32>
      %select_n3A_694 = arith.select %lt3A_691, %broadcast_in_dim3A_692, %broadcast_in_dim3A_693 : vector<16xi1>, vector<16xf32>
      %mul3A_695 = arith.constant 51 : i32
      %mul3A_696 = arith.muli %scan3A_156, %mul3A_695 : i32
      %add3A_697 = arith.constant 48 : i32
      %add3A_698 = arith.addi %mul3A_696, %add3A_697 : i32
      %swap3A_699 = arith.index_cast %add3A_698 : i32 to index
      %swap3A_700 = tpu.vector_load %arg19[%swap3A_699] {strides = array<i32>} : memref<1648xf32, #tpu.memory_space<vmem>>, vector<16xf32>,
      %swap3A_701 = vector.shape_cast %swap3A_700 : vector<16xf32> to vector<16xf32>
      %swap3A_702 = vector.shape_cast %select_n3A_694 : vector<16xf32> to vector<16xf32>
      tpu.vector_store %arg19[%swap3A_699], %swap3A_702 {strides = array<i32>} : memref<1648xf32, #tpu.memory_space<vmem>>, vector<16xf32>,
      %swap3A_703 = arith.index_cast %scan3A_156 : i32 to index
      %swap3A_704 = arith.constant 0 : index
      %swap3A_705 = tpu.vector_load %arg30[%swap3A_703, %swap3A_704] {strides = array<i32>} : memref<32x384xf32, #tpu.memory_space<vmem>>, vector<1x16xf32>,
      %swap3A_706 = vector.shape_cast %swap3A_705 : vector<1x16xf32> to vector<16xf32>
      %swap3A_707 = vector.shape_cast %broadcast_in_dim3A_24 : vector<16xf32> to vector<1x16xf32>
      tpu.vector_store %arg30[%swap3A_703, %swap3A_704], %swap3A_707 {strides = array<i32>} : memref<32x384xf32, #tpu.memory_space<vmem>>, vector<1x16xf32>,
      %swap3A_708 = arith.index_cast %scan3A_156 : i32 to index
      %swap3A_709 = arith.constant 16 : index
      %swap3A_710 = tpu.vector_load %arg30[%swap3A_708, %swap3A_709] {strides = array<i32>} : memref<32x384xf32, #tpu.memory_space<vmem>>, vector<1x16xf32>,
      %swap3A_711 = vector.shape_cast %swap3A_710 : vector<1x16xf32> to vector<16xf32>
      %swap3A_712 = vector.shape_cast %broadcast_in_dim3A_24 : vector<16xf32> to vector<1x16xf32>
      tpu.vector_store %arg30[%swap3A_708, %swap3A_709], %swap3A_712 {strides = array<i32>} : memref<32x384xf32, #tpu.memory_space<vmem>>, vector<1x16xf32>,
      %swap3A_713 = arith.index_cast %scan3A_156 : i32 to index
      %swap3A_714 = arith.constant 32 : index
      %swap3A_715 = tpu.vector_load %arg30[%swap3A_713, %swap3A_714] {strides = array<i32>} : memref<32x384xf32, #tpu.memory_space<vmem>>, vector<1x16xf32>,
      %swap3A_716 = vector.shape_cast %swap3A_715 : vector<1x16xf32> to vector<16xf32>
      %swap3A_717 = vector.shape_cast %broadcast_in_dim3A_24 : vector<16xf32> to vector<1x16xf32>
      tpu.vector_store %arg30[%swap3A_713, %swap3A_714], %swap3A_717 {strides = array<i32>} : memref<32x384xf32, #tpu.memory_space<vmem>>, vector<1x16xf32>,
      %swap3A_718 = arith.index_cast %scan3A_156 : i32 to index
      %swap3A_719 = arith.constant 48 : index
      %swap3A_720 = tpu.vector_load %arg30[%swap3A_718, %swap3A_719] {strides = array<i32>} : memref<32x384xf32, #tpu.memory_space<vmem>>, vector<1x16xf32>,
      %swap3A_721 = vector.shape_cast %swap3A_720 : vector<1x16xf32> to vector<16xf32>
      %swap3A_722 = vector.shape_cast %broadcast_in_dim3A_24 : vector<16xf32> to vector<1x16xf32>
      tpu.vector_store %arg30[%swap3A_718, %swap3A_719], %swap3A_722 {strides = array<i32>} : memref<32x384xf32, #tpu.memory_space<vmem>>, vector<1x16xf32>,
      %swap3A_723 = arith.index_cast %scan3A_156 : i32 to index
      %swap3A_724 = arith.constant 64 : index
      %swap3A_725 = tpu.vector_load %arg30[%swap3A_723, %swap3A_724] {strides = array<i32>} : memref<32x384xf32, #tpu.memory_space<vmem>>, vector<1x16xf32>,
      %swap3A_726 = vector.shape_cast %swap3A_725 : vector<1x16xf32> to vector<16xf32>
      %swap3A_727 = vector.shape_cast %broadcast_in_dim3A_24 : vector<16xf32> to vector<1x16xf32>
      tpu.vector_store %arg30[%swap3A_723, %swap3A_724], %swap3A_727 {strides = array<i32>} : memref<32x384xf32, #tpu.memory_space<vmem>>, vector<1x16xf32>,
      %swap3A_728 = arith.index_cast %scan3A_156 : i32 to index
      %swap3A_729 = arith.constant 80 : index
      %swap3A_730 = tpu.vector_load %arg30[%swap3A_728, %swap3A_729] {strides = array<i32>} : memref<32x384xf32, #tpu.memory_space<vmem>>, vector<1x16xf32>,
      %swap3A_731 = vector.shape_cast %swap3A_730 : vector<1x16xf32> to vector<16xf32>
      %swap3A_732 = vector.shape_cast %broadcast_in_dim3A_24 : vector<16xf32> to vector<1x16xf32>
      tpu.vector_store %arg30[%swap3A_728, %swap3A_729], %swap3A_732 {strides = array<i32>} : memref<32x384xf32, #tpu.memory_space<vmem>>, vector<1x16xf32>,
      %swap3A_733 = arith.index_cast %scan3A_156 : i32 to index
      %swap3A_734 = arith.constant 96 : index
      %swap3A_735 = tpu.vector_load %arg30[%swap3A_733, %swap3A_734] {strides = array<i32>} : memref<32x384xf32, #tpu.memory_space<vmem>>, vector<1x16xf32>,
      %swap3A_736 = vector.shape_cast %swap3A_735 : vector<1x16xf32> to vector<16xf32>
      %swap3A_737 = vector.shape_cast %broadcast_in_dim3A_24 : vector<16xf32> to vector<1x16xf32>
      tpu.vector_store %arg30[%swap3A_733, %swap3A_734], %swap3A_737 {strides = array<i32>} : memref<32x384xf32, #tpu.memory_space<vmem>>, vector<1x16xf32>,
      %swap3A_738 = arith.index_cast %scan3A_156 : i32 to index
      %swap3A_739 = arith.constant 112 : index
      %swap3A_740 = tpu.vector_load %arg30[%swap3A_738, %swap3A_739] {strides = array<i32>} : memref<32x384xf32, #tpu.memory_space<vmem>>, vector<1x16xf32>,
      %swap3A_741 = vector.shape_cast %swap3A_740 : vector<1x16xf32> to vector<16xf32>
      %swap3A_742 = vector.shape_cast %broadcast_in_dim3A_24 : vector<16xf32> to vector<1x16xf32>
      tpu.vector_store %arg30[%swap3A_738, %swap3A_739], %swap3A_742 {strides = array<i32>} : memref<32x384xf32, #tpu.memory_space<vmem>>, vector<1x16xf32>,
      %swap3A_743 = arith.index_cast %scan3A_156 : i32 to index
      %swap3A_744 = arith.constant 128 : index
      %swap3A_745 = tpu.vector_load %arg30[%swap3A_743, %swap3A_744] {strides = array<i32>} : memref<32x384xf32, #tpu.memory_space<vmem>>, vector<1x16xf32>,
      %swap3A_746 = vector.shape_cast %swap3A_745 : vector<1x16xf32> to vector<16xf32>
      %swap3A_747 = vector.shape_cast %broadcast_in_dim3A_24 : vector<16xf32> to vector<1x16xf32>
      tpu.vector_store %arg30[%swap3A_743, %swap3A_744], %swap3A_747 {strides = array<i32>} : memref<32x384xf32, #tpu.memory_space<vmem>>, vector<1x16xf32>,
      %swap3A_748 = arith.index_cast %scan3A_156 : i32 to index
      %swap3A_749 = arith.constant 144 : index
      %swap3A_750 = tpu.vector_load %arg30[%swap3A_748, %swap3A_749] {strides = array<i32>} : memref<32x384xf32, #tpu.memory_space<vmem>>, vector<1x16xf32>,
      %swap3A_751 = vector.shape_cast %swap3A_750 : vector<1x16xf32> to vector<16xf32>
      %swap3A_752 = vector.shape_cast %broadcast_in_dim3A_24 : vector<16xf32> to vector<1x16xf32>
      tpu.vector_store %arg30[%swap3A_748, %swap3A_749], %swap3A_752 {strides = array<i32>} : memref<32x384xf32, #tpu.memory_space<vmem>>, vector<1x16xf32>,
      %swap3A_753 = arith.index_cast %scan3A_156 : i32 to index
      %swap3A_754 = arith.constant 160 : index
      %swap3A_755 = tpu.vector_load %arg30[%swap3A_753, %swap3A_754] {strides = array<i32>} : memref<32x384xf32, #tpu.memory_space<vmem>>, vector<1x16xf32>,
      %swap3A_756 = vector.shape_cast %swap3A_755 : vector<1x16xf32> to vector<16xf32>
      %swap3A_757 = vector.shape_cast %broadcast_in_dim3A_24 : vector<16xf32> to vector<1x16xf32>
      tpu.vector_store %arg30[%swap3A_753, %swap3A_754], %swap3A_757 {strides = array<i32>} : memref<32x384xf32, #tpu.memory_space<vmem>>, vector<1x16xf32>,
      %swap3A_758 = arith.index_cast %scan3A_156 : i32 to index
      %swap3A_759 = arith.constant 176 : index
      %swap3A_760 = tpu.vector_load %arg30[%swap3A_758, %swap3A_759] {strides = array<i32>} : memref<32x384xf32, #tpu.memory_space<vmem>>, vector<1x16xf32>,
      %swap3A_761 = vector.shape_cast %swap3A_760 : vector<1x16xf32> to vector<16xf32>
      %swap3A_762 = vector.shape_cast %broadcast_in_dim3A_24 : vector<16xf32> to vector<1x16xf32>
      tpu.vector_store %arg30[%swap3A_758, %swap3A_759], %swap3A_762 {strides = array<i32>} : memref<32x384xf32, #tpu.memory_space<vmem>>, vector<1x16xf32>,
      %swap3A_763 = arith.index_cast %scan3A_156 : i32 to index
      %swap3A_764 = arith.constant 192 : index
      %swap3A_765 = tpu.vector_load %arg30[%swap3A_763, %swap3A_764] {strides = array<i32>} : memref<32x384xf32, #tpu.memory_space<vmem>>, vector<1x16xf32>,
      %swap3A_766 = vector.shape_cast %swap3A_765 : vector<1x16xf32> to vector<16xf32>
      %swap3A_767 = vector.shape_cast %broadcast_in_dim3A_24 : vector<16xf32> to vector<1x16xf32>
      tpu.vector_store %arg30[%swap3A_763, %swap3A_764], %swap3A_767 {strides = array<i32>} : memref<32x384xf32, #tpu.memory_space<vmem>>, vector<1x16xf32>,
      %swap3A_768 = arith.index_cast %scan3A_156 : i32 to index
      %swap3A_769 = arith.constant 208 : index
      %swap3A_770 = tpu.vector_load %arg30[%swap3A_768, %swap3A_769] {strides = array<i32>} : memref<32x384xf32, #tpu.memory_space<vmem>>, vector<1x16xf32>,
      %swap3A_771 = vector.shape_cast %swap3A_770 : vector<1x16xf32> to vector<16xf32>
      %swap3A_772 = vector.shape_cast %broadcast_in_dim3A_24 : vector<16xf32> to vector<1x16xf32>
      tpu.vector_store %arg30[%swap3A_768, %swap3A_769], %swap3A_772 {strides = array<i32>} : memref<32x384xf32, #tpu.memory_space<vmem>>, vector<1x16xf32>,
      %swap3A_773 = arith.index_cast %scan3A_156 : i32 to index
      %swap3A_774 = arith.constant 224 : index
      %swap3A_775 = tpu.vector_load %arg30[%swap3A_773, %swap3A_774] {strides = array<i32>} : memref<32x384xf32, #tpu.memory_space<vmem>>, vector<1x16xf32>,
      %swap3A_776 = vector.shape_cast %swap3A_775 : vector<1x16xf32> to vector<16xf32>
      %swap3A_777 = vector.shape_cast %broadcast_in_dim3A_24 : vector<16xf32> to vector<1x16xf32>
      tpu.vector_store %arg30[%swap3A_773, %swap3A_774], %swap3A_777 {strides = array<i32>} : memref<32x384xf32, #tpu.memory_space<vmem>>, vector<1x16xf32>,
      %swap3A_778 = arith.index_cast %scan3A_156 : i32 to index
      %swap3A_779 = arith.constant 240 : index
      %swap3A_780 = tpu.vector_load %arg30[%swap3A_778, %swap3A_779] {strides = array<i32>} : memref<32x384xf32, #tpu.memory_space<vmem>>, vector<1x16xf32>,
      %swap3A_781 = vector.shape_cast %swap3A_780 : vector<1x16xf32> to vector<16xf32>
      %swap3A_782 = vector.shape_cast %broadcast_in_dim3A_24 : vector<16xf32> to vector<1x16xf32>
      tpu.vector_store %arg30[%swap3A_778, %swap3A_779], %swap3A_782 {strides = array<i32>} : memref<32x384xf32, #tpu.memory_space<vmem>>, vector<1x16xf32>,
      %swap3A_783 = arith.index_cast %scan3A_156 : i32 to index
      %swap3A_784 = arith.constant 256 : index
      %swap3A_785 = tpu.vector_load %arg30[%swap3A_783, %swap3A_784] {strides = array<i32>} : memref<32x384xf32, #tpu.memory_space<vmem>>, vector<1x16xf32>,
      %swap3A_786 = vector.shape_cast %swap3A_785 : vector<1x16xf32> to vector<16xf32>
      %swap3A_787 = vector.shape_cast %broadcast_in_dim3A_24 : vector<16xf32> to vector<1x16xf32>
      tpu.vector_store %arg30[%swap3A_783, %swap3A_784], %swap3A_787 {strides = array<i32>} : memref<32x384xf32, #tpu.memory_space<vmem>>, vector<1x16xf32>,
      %swap3A_788 = arith.index_cast %scan3A_156 : i32 to index
      %swap3A_789 = arith.constant 272 : index
      %swap3A_790 = tpu.vector_load %arg30[%swap3A_788, %swap3A_789] {strides = array<i32>} : memref<32x384xf32, #tpu.memory_space<vmem>>, vector<1x16xf32>,
      %swap3A_791 = vector.shape_cast %swap3A_790 : vector<1x16xf32> to vector<16xf32>
      %swap3A_792 = vector.shape_cast %broadcast_in_dim3A_24 : vector<16xf32> to vector<1x16xf32>
      tpu.vector_store %arg30[%swap3A_788, %swap3A_789], %swap3A_792 {strides = array<i32>} : memref<32x384xf32, #tpu.memory_space<vmem>>, vector<1x16xf32>,
      %swap3A_793 = arith.index_cast %scan3A_156 : i32 to index
      %swap3A_794 = arith.constant 288 : index
      %swap3A_795 = tpu.vector_load %arg30[%swap3A_793, %swap3A_794] {strides = array<i32>} : memref<32x384xf32, #tpu.memory_space<vmem>>, vector<1x16xf32>,
      %swap3A_796 = vector.shape_cast %swap3A_795 : vector<1x16xf32> to vector<16xf32>
      %swap3A_797 = vector.shape_cast %broadcast_in_dim3A_24 : vector<16xf32> to vector<1x16xf32>
      tpu.vector_store %arg30[%swap3A_793, %swap3A_794], %swap3A_797 {strides = array<i32>} : memref<32x384xf32, #tpu.memory_space<vmem>>, vector<1x16xf32>,
      %swap3A_798 = arith.index_cast %scan3A_156 : i32 to index
      %swap3A_799 = arith.constant 304 : index
      %swap3A_800 = tpu.vector_load %arg30[%swap3A_798, %swap3A_799] {strides = array<i32>} : memref<32x384xf32, #tpu.memory_space<vmem>>, vector<1x16xf32>,
      %swap3A_801 = vector.shape_cast %swap3A_800 : vector<1x16xf32> to vector<16xf32>
      %swap3A_802 = vector.shape_cast %broadcast_in_dim3A_24 : vector<16xf32> to vector<1x16xf32>
      tpu.vector_store %arg30[%swap3A_798, %swap3A_799], %swap3A_802 {strides = array<i32>} : memref<32x384xf32, #tpu.memory_space<vmem>>, vector<1x16xf32>,
      %swap3A_803 = arith.index_cast %scan3A_156 : i32 to index
      %swap3A_804 = arith.constant 320 : index
      %swap3A_805 = tpu.vector_load %arg30[%swap3A_803, %swap3A_804] {strides = array<i32>} : memref<32x384xf32, #tpu.memory_space<vmem>>, vector<1x16xf32>,
      %swap3A_806 = vector.shape_cast %swap3A_805 : vector<1x16xf32> to vector<16xf32>
      %swap3A_807 = vector.shape_cast %broadcast_in_dim3A_24 : vector<16xf32> to vector<1x16xf32>
      tpu.vector_store %arg30[%swap3A_803, %swap3A_804], %swap3A_807 {strides = array<i32>} : memref<32x384xf32, #tpu.memory_space<vmem>>, vector<1x16xf32>,
      %swap3A_808 = arith.index_cast %scan3A_156 : i32 to index
      %swap3A_809 = arith.constant 336 : index
      %swap3A_810 = tpu.vector_load %arg30[%swap3A_808, %swap3A_809] {strides = array<i32>} : memref<32x384xf32, #tpu.memory_space<vmem>>, vector<1x16xf32>,
      %swap3A_811 = vector.shape_cast %swap3A_810 : vector<1x16xf32> to vector<16xf32>
      %swap3A_812 = vector.shape_cast %broadcast_in_dim3A_24 : vector<16xf32> to vector<1x16xf32>
      tpu.vector_store %arg30[%swap3A_808, %swap3A_809], %swap3A_812 {strides = array<i32>} : memref<32x384xf32, #tpu.memory_space<vmem>>, vector<1x16xf32>,
      %swap3A_813 = arith.index_cast %scan3A_156 : i32 to index
      %swap3A_814 = arith.constant 352 : index
      %swap3A_815 = tpu.vector_load %arg30[%swap3A_813, %swap3A_814] {strides = array<i32>} : memref<32x384xf32, #tpu.memory_space<vmem>>, vector<1x16xf32>,
      %swap3A_816 = vector.shape_cast %swap3A_815 : vector<1x16xf32> to vector<16xf32>
      %swap3A_817 = vector.shape_cast %broadcast_in_dim3A_24 : vector<16xf32> to vector<1x16xf32>
      tpu.vector_store %arg30[%swap3A_813, %swap3A_814], %swap3A_817 {strides = array<i32>} : memref<32x384xf32, #tpu.memory_space<vmem>>, vector<1x16xf32>,
      %swap3A_818 = arith.index_cast %scan3A_156 : i32 to index
      %swap3A_819 = arith.constant 368 : index
      %swap3A_820 = tpu.vector_load %arg30[%swap3A_818, %swap3A_819] {strides = array<i32>} : memref<32x384xf32, #tpu.memory_space<vmem>>, vector<1x16xf32>,
      %swap3A_821 = vector.shape_cast %swap3A_820 : vector<1x16xf32> to vector<16xf32>
      %swap3A_822 = vector.shape_cast %broadcast_in_dim3A_24 : vector<16xf32> to vector<1x16xf32>
      tpu.vector_store %arg30[%swap3A_818, %swap3A_819], %swap3A_822 {strides = array<i32>} : memref<32x384xf32, #tpu.memory_space<vmem>>, vector<1x16xf32>,
    }
    %scan3A_85 = arith.constant 32 : i32
    %get3A = arith.constant 0 : index
    %get3A_86 = tpu.vector_load %arg16[%get3A] {strides = array<i32>} : memref<32xi32, #tpu.memory_space<vmem>>, vector<16xi32>,
    %get3A_87 = vector.shape_cast %get3A_86 : vector<16xi32> to vector<16xi32>
    %mul3A_88 = arith.constant 1024 : i32
    %mul3A_89 = vector.broadcast %mul3A_88 : i32 to vector<16xi32>
    %mul3A_90 = arith.muli %get3A_87, %mul3A_89 : vector<16xi32>
    %add3A_91 = arith.constant 0 : i32
    %add3A_92 = arith.addi %multiple_of3A, %add3A_91 : i32
    %add3A_93 = vector.broadcast %add3A_92 : i32 to vector<16xi32>
    %add3A_94 = arith.addi %add3A_93, %iota3A : vector<16xi32>
    %add3A_95 = arith.addi %mul3A_90, %add3A_94 : vector<16xi32>
    %swap3A = arith.constant 0 : index
    %swap3A_96 = tpu.vector_load %arg18[%swap3A] {strides = array<i32>} : memref<32xi32, #tpu.memory_space<vmem>>, vector<16xi32>,
    %swap3A_97 = vector.shape_cast %swap3A_96 : vector<16xi32> to vector<16xi32>
    %swap3A_98 = vector.shape_cast %add3A_95 : vector<16xi32> to vector<16xi32>
    tpu.vector_store %arg18[%swap3A], %swap3A_98 {strides = array<i32>} : memref<32xi32, #tpu.memory_space<vmem>>, vector<16xi32>,
    %get3A_99 = arith.constant 16 : index
    %get3A_100 = tpu.vector_load %arg16[%get3A_99] {strides = array<i32>} : memref<32xi32, #tpu.memory_space<vmem>>, vector<16xi32>,
    %get3A_101 = vector.shape_cast %get3A_100 : vector<16xi32> to vector<16xi32>
    %mul3A_102 = arith.constant 1024 : i32
    %mul3A_103 = vector.broadcast %mul3A_102 : i32 to vector<16xi32>
    %mul3A_104 = arith.muli %get3A_101, %mul3A_103 : vector<16xi32>
    %add3A_105 = arith.constant 16 : i32
    %add3A_106 = arith.addi %multiple_of3A, %add3A_105 : i32
    %add3A_107 = vector.broadcast %add3A_106 : i32 to vector<16xi32>
    %add3A_108 = arith.addi %add3A_107, %iota3A : vector<16xi32>
    %add3A_109 = arith.addi %mul3A_104, %add3A_108 : vector<16xi32>
    %swap3A_110 = arith.constant 16 : index
    %swap3A_111 = tpu.vector_load %arg18[%swap3A_110] {strides = array<i32>} : memref<32xi32, #tpu.memory_space<vmem>>, vector<16xi32>,
    %swap3A_112 = vector.shape_cast %swap3A_111 : vector<16xi32> to vector<16xi32>
    %swap3A_113 = vector.shape_cast %add3A_109 : vector<16xi32> to vector<16xi32>
    tpu.vector_store %arg18[%swap3A_110], %swap3A_113 {strides = array<i32>} : memref<32xi32, #tpu.memory_space<vmem>>, vector<16xi32>,
    %add3A_114 = arith.constant 51200 : i32
    %add3A_115 = arith.addi %add3A_114, %multiple_of3A : i32
    %multiple_of3A_116 = tpu.assume_multiple %add3A_115, 8 : i32
    %dma_start3A_117 = arith.constant 0 : i32
    %dma_start3A_118 = tpu.memref_slice %arg10[%multiple_of3A_116, %dma_start3A_117] : memref<52224x384xf32, #tpu.memory_space<hbm>> -> memref<32x384xf32, #tpu.memory_space<hbm>>
    %dma_start3A_119 = arith.constant 0 : i32
    %dma_start3A_120 = tpu.memref_slice %arg10[%multiple_of3A_116, %dma_start3A_119] : memref<52224x384xf32, #tpu.memory_space<hbm>> -> memref<32x384xf32, #tpu.memory_space<hbm>>
    tpu.enqueue_dma source(%arg30 : memref<32x384xf32, #tpu.memory_space<vmem>>) target(%dma_start3A_120 : memref<32x384xf32, #tpu.memory_space<hbm>>) target_semaphore(%arg42 : memref<!tpu.dma_semaphore, #tpu.memory_space<semaphore_mem>>)
    %scan3A_121 = arith.constant 0 : i32
    %scan3A_122 = arith.constant 0 : i32
    %scan3A_123 = arith.constant 25 : i32
    %scan3A_124 = arith.addi %scan3A_122, %scan3A_123 : i32
    %scan3A_125 = arith.constant 1 : i32
    scf.for %scan3A_156 = %scan3A_122 to %scan3A_124 step %scan3A_125  : i32 {
      %mul3A_157 = arith.constant 2 : i32
      %mul3A_158 = arith.muli %mul3A_157, %scan3A_156 : i32
      %add3A_159 = arith.constant 0 : i32
      %add3A_160 = arith.addi %mul3A_158, %add3A_159 : i32
      %dma_wait3A_161 = arith.constant 0 : i32
      %dma_wait3A_162 = arith.constant 0 : i32
      %dma_wait3A_163 = tpu.memref_slice %arg20[%dma_wait3A_161, %dma_wait3A_162, %mul3A_23] : memref<1x2x128xi32, #tpu.memory_space<vmem>> -> memref<1x1x32xi32, #tpu.memory_space<vmem>>
      %dma_wait3A_164 = tpu.memref_squeeze %dma_wait3A_163 : memref<1x1x32xi32, #tpu.memory_space<vmem>> -> memref<32xi32, #tpu.memory_space<vmem>>
      %dma_wait3A_165 = arith.constant 0 : i32
      %dma_wait3A_166 = arith.constant 0 : i32
      %dma_wait3A_167 = tpu.memref_slice %arg8[%dma_wait3A_165, %dma_wait3A_166] : memref<100000x128xf32, #tpu.memory_space<hbm>> -> memref<100000x128xf32, #tpu.memory_space<hbm>>
      tpu.wait_indirect_dma semaphore(%arg34 : memref<!tpu.dma_semaphore, #tpu.memory_space<semaphore_mem>>) src(%dma_wait3A_167 : memref<100000x128xf32, #tpu.memory_space<hbm>>) dst(%arg22 : memref<32x128xf32, #tpu.memory_space<vmem>>)
      %dma_wait3A_168 = arith.constant 0 : i32
      %dma_wait3A_169 = arith.constant 1 : i32
      %dma_wait3A_170 = tpu.memref_slice %arg20[%dma_wait3A_168, %dma_wait3A_169, %mul3A_23] : memref<1x2x128xi32, #tpu.memory_space<vmem>> -> memref<1x1x32xi32, #tpu.memory_space<vmem>>
      %dma_wait3A_171 = tpu.memref_squeeze %dma_wait3A_170 : memref<1x1x32xi32, #tpu.memory_space<vmem>> -> memref<32xi32, #tpu.memory_space<vmem>>
      %dma_wait3A_172 = arith.constant 0 : i32
      %dma_wait3A_173 = arith.constant 0 : i32
      %dma_wait3A_174 = tpu.memref_slice %arg8[%dma_wait3A_172, %dma_wait3A_173] : memref<100000x128xf32, #tpu.memory_space<hbm>> -> memref<100000x128xf32, #tpu.memory_space<hbm>>
      tpu.wait_indirect_dma semaphore(%arg36 : memref<!tpu.dma_semaphore, #tpu.memory_space<semaphore_mem>>) src(%dma_wait3A_174 : memref<100000x128xf32, #tpu.memory_space<hbm>>) dst(%arg24 : memref<32x128xf32, #tpu.memory_space<vmem>>)
      %dma_wait3A_175 = arith.constant 0 : i32
      %dma_wait3A_176 = tpu.memref_slice %arg3[%add3A_160, %multiple_of3A, %dma_wait3A_175] : memref<50x1024x256xf32, #tpu.memory_space<hbm>> -> memref<1x32x256xf32, #tpu.memory_space<hbm>>
      %dma_wait3A_177 = tpu.memref_squeeze %dma_wait3A_176 : memref<1x32x256xf32, #tpu.memory_space<hbm>> -> memref<32x256xf32, #tpu.memory_space<hbm>>
      %dma_wait3A_178 = arith.constant 0 : i32
      %dma_wait3A_179 = tpu.memref_slice %arg3[%add3A_160, %multiple_of3A, %dma_wait3A_178] : memref<50x1024x256xf32, #tpu.memory_space<hbm>> -> memref<1x32x256xf32, #tpu.memory_space<hbm>>
      %dma_wait3A_180 = tpu.memref_squeeze %dma_wait3A_179 : memref<1x32x256xf32, #tpu.memory_space<hbm>> -> memref<32x256xf32, #tpu.memory_space<hbm>>
      tpu.wait_dma2 semaphore(%arg38 : memref<!tpu.dma_semaphore, #tpu.memory_space<semaphore_mem>>) src(%dma_wait3A_180 : memref<32x256xf32, #tpu.memory_space<hbm>>) dst(%arg26 : memref<32x256xf32, #tpu.memory_space<vmem>>)
      %add3A_181 = arith.constant 2 : i32
      %add3A_182 = arith.addi %add3A_160, %add3A_181 : i32
      %lt3A = arith.constant 50 : i32
      %lt3A_183 = arith.cmpi slt, %add3A_182, %lt3A : i32
      %convert_element_type3A = arith.extui %lt3A_183 : i1 to i32
      %cond3A = arith.constant 0 : i32
      %cond3A_184 = arith.cmpi ne, %convert_element_type3A, %cond3A : i32
      scf.if %cond3A_184 {
        %add3A_262 = arith.constant 2 : i32
        %add3A_263 = arith.addi %add3A_160, %add3A_262 : i32
        %dma_start3A_264 = arith.constant 0 : i32
        %dma_start3A_265 = arith.constant 0 : i32
        %dma_start3A_266 = tpu.memref_slice %arg2[%add3A_263, %select_n3A, %dma_start3A_264, %dma_start3A_265] : memref<50x8x2x128xi32, #tpu.memory_space<hbm>> -> memref<1x1x2x128xi32, #tpu.memory_space<hbm>>
        %dma_start3A_267 = tpu.memref_squeeze %dma_start3A_266 : memref<1x1x2x128xi32, #tpu.memory_space<hbm>> -> memref<1x2x128xi32, #tpu.memory_space<hbm>>
        %dma_start3A_268 = arith.constant 0 : i32
        %dma_start3A_269 = arith.constant 0 : i32
        %dma_start3A_270 = tpu.memref_slice %arg2[%add3A_263, %select_n3A, %dma_start3A_268, %dma_start3A_269] : memref<50x8x2x128xi32, #tpu.memory_space<hbm>> -> memref<1x1x2x128xi32, #tpu.memory_space<hbm>>
        %dma_start3A_271 = tpu.memref_squeeze %dma_start3A_270 : memref<1x1x2x128xi32, #tpu.memory_space<hbm>> -> memref<1x2x128xi32, #tpu.memory_space<hbm>>
        tpu.enqueue_dma source(%dma_start3A_271 : memref<1x2x128xi32, #tpu.memory_space<hbm>>) target(%arg20 : memref<1x2x128xi32, #tpu.memory_space<vmem>>) target_semaphore(%arg32 : memref<!tpu.dma_semaphore, #tpu.memory_space<semaphore_mem>>)
      } else {
      }
      %add3A_185 = arith.constant 1 : i32
      %add3A_186 = arith.addi %add3A_160, %add3A_185 : i32
      %lt3A_187 = arith.constant 50 : i32
      %lt3A_188 = arith.cmpi slt, %add3A_186, %lt3A_187 : i32
      %convert_element_type3A_189 = arith.extui %lt3A_188 : i1 to i32
      %cond3A_190 = arith.constant 0 : i32
      %cond3A_191 = arith.cmpi ne, %convert_element_type3A_189, %cond3A_190 : i32
      scf.if %cond3A_191 {
        %add3A_262 = arith.constant 1 : i32
        %add3A_263 = arith.addi %add3A_160, %add3A_262 : i32
        %dma_wait3A_264 = arith.constant 0 : i32
        %dma_wait3A_265 = arith.constant 0 : i32
        %dma_wait3A_266 = tpu.memref_slice %arg2[%add3A_263, %select_n3A, %dma_wait3A_264, %dma_wait3A_265] : memref<50x8x2x128xi32, #tpu.memory_space<hbm>> -> memref<1x1x2x128xi32, #tpu.memory_space<hbm>>
        %dma_wait3A_267 = tpu.memref_squeeze %dma_wait3A_266 : memref<1x1x2x128xi32, #tpu.memory_space<hbm>> -> memref<1x2x128xi32, #tpu.memory_space<hbm>>
        %dma_wait3A_268 = arith.constant 0 : i32
        %dma_wait3A_269 = arith.constant 0 : i32
        %dma_wait3A_270 = tpu.memref_slice %arg2[%add3A_263, %select_n3A, %dma_wait3A_268, %dma_wait3A_269] : memref<50x8x2x128xi32, #tpu.memory_space<hbm>> -> memref<1x1x2x128xi32, #tpu.memory_space<hbm>>
        %dma_wait3A_271 = tpu.memref_squeeze %dma_wait3A_270 : memref<1x1x2x128xi32, #tpu.memory_space<hbm>> -> memref<1x2x128xi32, #tpu.memory_space<hbm>>
        tpu.wait_dma2 semaphore(%arg33 : memref<!tpu.dma_semaphore, #tpu.memory_space<semaphore_mem>>) src(%dma_wait3A_271 : memref<1x2x128xi32, #tpu.memory_space<hbm>>) dst(%arg21 : memref<1x2x128xi32, #tpu.memory_space<vmem>>)
        %dma_start3A_272 = arith.constant 0 : i32
        %dma_start3A_273 = arith.constant 0 : i32
        %dma_start3A_274 = tpu.memref_slice %arg21[%dma_start3A_272, %dma_start3A_273, %mul3A_23] : memref<1x2x128xi32, #tpu.memory_space<vmem>> -> memref<1x1x32xi32, #tpu.memory_space<vmem>>
        %dma_start3A_275 = tpu.memref_squeeze %dma_start3A_274 : memref<1x1x32xi32, #tpu.memory_space<vmem>> -> memref<32xi32, #tpu.memory_space<vmem>>
        %dma_start3A_276 = arith.constant 0 : i32
        %dma_start3A_277 = arith.constant 0 : i32
        %dma_start3A_278 = tpu.memref_slice %arg8[%dma_start3A_276, %dma_start3A_277] : memref<100000x128xf32, #tpu.memory_space<hbm>> -> memref<100000x128xf32, #tpu.memory_space<hbm>>
        tpu.enqueue_indirect_dma source(%dma_start3A_278 : memref<100000x128xf32, #tpu.memory_space<hbm>>) target(%arg23 : memref<32x128xf32, #tpu.memory_space<vmem>>) offsets(%dma_start3A_275 : memref<32xi32, #tpu.memory_space<vmem>>) semaphore(%arg35 : memref<!tpu.dma_semaphore, #tpu.memory_space<semaphore_mem>>)
        %dma_start3A_279 = arith.constant 0 : i32
        %dma_start3A_280 = arith.constant 1 : i32
        %dma_start3A_281 = tpu.memref_slice %arg21[%dma_start3A_279, %dma_start3A_280, %mul3A_23] : memref<1x2x128xi32, #tpu.memory_space<vmem>> -> memref<1x1x32xi32, #tpu.memory_space<vmem>>
        %dma_start3A_282 = tpu.memref_squeeze %dma_start3A_281 : memref<1x1x32xi32, #tpu.memory_space<vmem>> -> memref<32xi32, #tpu.memory_space<vmem>>
        %dma_start3A_283 = arith.constant 0 : i32
        %dma_start3A_284 = arith.constant 0 : i32
        %dma_start3A_285 = tpu.memref_slice %arg8[%dma_start3A_283, %dma_start3A_284] : memref<100000x128xf32, #tpu.memory_space<hbm>> -> memref<100000x128xf32, #tpu.memory_space<hbm>>
        tpu.enqueue_indirect_dma source(%dma_start3A_285 : memref<100000x128xf32, #tpu.memory_space<hbm>>) target(%arg25 : memref<32x128xf32, #tpu.memory_space<vmem>>) offsets(%dma_start3A_282 : memref<32xi32, #tpu.memory_space<vmem>>) semaphore(%arg37 : memref<!tpu.dma_semaphore, #tpu.memory_space<semaphore_mem>>)
        %add3A_286 = arith.constant 1 : i32
        %add3A_287 = arith.addi %add3A_160, %add3A_286 : i32
        %dma_start3A_288 = arith.constant 0 : i32
        %dma_start3A_289 = tpu.memref_slice %arg3[%add3A_287, %multiple_of3A, %dma_start3A_288] : memref<50x1024x256xf32, #tpu.memory_space<hbm>> -> memref<1x32x256xf32, #tpu.memory_space<hbm>>
        %dma_start3A_290 = tpu.memref_squeeze %dma_start3A_289 : memref<1x32x256xf32, #tpu.memory_space<hbm>> -> memref<32x256xf32, #tpu.memory_space<hbm>>
        %dma_start3A_291 = arith.constant 0 : i32
        %dma_start3A_292 = tpu.memref_slice %arg3[%add3A_287, %multiple_of3A, %dma_start3A_291] : memref<50x1024x256xf32, #tpu.memory_space<hbm>> -> memref<1x32x256xf32, #tpu.memory_space<hbm>>
        %dma_start3A_293 = tpu.memref_squeeze %dma_start3A_292 : memref<1x32x256xf32, #tpu.memory_space<hbm>> -> memref<32x256xf32, #tpu.memory_space<hbm>>
        tpu.enqueue_dma source(%dma_start3A_293 : memref<32x256xf32, #tpu.memory_space<hbm>>) target(%arg27 : memref<32x256xf32, #tpu.memory_space<vmem>>) target_semaphore(%arg39 : memref<!tpu.dma_semaphore, #tpu.memory_space<semaphore_mem>>)
      } else {
      }
      %ge3A = arith.constant 2 : i32
      %ge3A_192 = arith.cmpi sge, %add3A_160, %ge3A : i32
      %convert_element_type3A_193 = arith.extui %ge3A_192 : i1 to i32
      %cond3A_194 = arith.constant 0 : i32
      %cond3A_195 = arith.cmpi ne, %convert_element_type3A_193, %cond3A_194 : i32
      scf.if %cond3A_195 {
        %sub3A_262 = arith.constant 2 : i32
        %sub3A_263 = arith.subi %add3A_160, %sub3A_262 : i32
        %mul3A_264 = arith.constant 1024 : i32
        %mul3A_265 = arith.muli %sub3A_263, %mul3A_264 : i32
        %add3A_266 = arith.addi %mul3A_265, %multiple_of3A : i32
        %multiple_of3A_267 = tpu.assume_multiple %add3A_266, 8 : i32
        %dma_wait3A_268 = arith.constant 0 : i32
        %dma_wait3A_269 = tpu.memref_slice %arg10[%multiple_of3A_267, %dma_wait3A_268] : memref<52224x384xf32, #tpu.memory_space<hbm>> -> memref<32x384xf32, #tpu.memory_space<hbm>>
        %dma_wait3A_270 = arith.constant 0 : i32
        %dma_wait3A_271 = tpu.memref_slice %arg10[%multiple_of3A_267, %dma_wait3A_270] : memref<52224x384xf32, #tpu.memory_space<hbm>> -> memref<32x384xf32, #tpu.memory_space<hbm>>
        tpu.wait_dma2 semaphore(%arg40 : memref<!tpu.dma_semaphore, #tpu.memory_space<semaphore_mem>>) src(%arg28 : memref<32x384xf32, #tpu.memory_space<vmem>>) dst(%dma_wait3A_271 : memref<32x384xf32, #tpu.memory_space<hbm>>)
      } else {
      }
      %broadcast_in_dim3A_196 = vector.broadcast %add3A_160 : i32 to vector<16xi32>
      %parallel_loop3A = arith.constant 0 : i32
      %parallel_loop3A_197 = arith.constant 32 : i32
      %parallel_loop3A_198 = arith.constant 1 : i32
      scf.for %parallel_loop3A_262 = %parallel_loop3A to %parallel_loop3A_197 step %parallel_loop3A_198  : i32 {
        %parallel_loop3A_263 = arith.index_cast %parallel_loop3A_262 : i32 to index
        %parallel_loop3A_264 = arith.constant 0 : index
        %parallel_loop3A_265 = tpu.vector_load %arg15[%parallel_loop3A_263, %parallel_loop3A_264] {strides = array<i32>} : memref<32x16xi32, #tpu.memory_space<vmem>>, vector<1x16xi32>,
        %parallel_loop3A_266 = vector.shape_cast %parallel_loop3A_265 : vector<1x16xi32> to vector<16xi32>
        %parallel_loop3A_267 = arith.cmpi slt, %broadcast_in_dim3A_196, %parallel_loop3A_266 : vector<16xi32>
        %parallel_loop3A_268 = arith.index_cast %parallel_loop3A_262 : i32 to index
        %parallel_loop3A_269 = arith.constant 0 : index
        %parallel_loop3A_270 = tpu.vector_load %arg22[%parallel_loop3A_268, %parallel_loop3A_269] {strides = array<i32>} : memref<32x128xf32, #tpu.memory_space<vmem>>, vector<1x16xf32>,
        %parallel_loop3A_271 = vector.shape_cast %parallel_loop3A_270 : vector<1x16xf32> to vector<16xf32>
        %parallel_loop3A_272 = arith.index_cast %parallel_loop3A_262 : i32 to index
        %parallel_loop3A_273 = arith.constant 0 : index
        %parallel_loop3A_274 = tpu.vector_load %arg24[%parallel_loop3A_272, %parallel_loop3A_273] {strides = array<i32>} : memref<32x128xf32, #tpu.memory_space<vmem>>, vector<1x16xf32>,
        %parallel_loop3A_275 = vector.shape_cast %parallel_loop3A_274 : vector<1x16xf32> to vector<16xf32>
        %parallel_loop3A_276 = arith.addf %parallel_loop3A_271, %parallel_loop3A_275 : vector<16xf32>
        %parallel_loop3A_277 = arith.select %parallel_loop3A_267, %parallel_loop3A_276, %broadcast_in_dim3A_24 : vector<16xi1>, vector<16xf32>
        %parallel_loop3A_278 = arith.index_cast %parallel_loop3A_262 : i32 to index
        %parallel_loop3A_279 = arith.constant 0 : index
        %parallel_loop3A_280 = tpu.vector_load %arg28[%parallel_loop3A_278, %parallel_loop3A_279] {strides = array<i32>} : memref<32x384xf32, #tpu.memory_space<vmem>>, vector<1x16xf32>,
        %parallel_loop3A_281 = vector.shape_cast %parallel_loop3A_280 : vector<1x16xf32> to vector<16xf32>
        %parallel_loop3A_282 = vector.shape_cast %parallel_loop3A_277 : vector<16xf32> to vector<1x16xf32>
        tpu.vector_store %arg28[%parallel_loop3A_278, %parallel_loop3A_279], %parallel_loop3A_282 {strides = array<i32>} : memref<32x384xf32, #tpu.memory_space<vmem>>, vector<1x16xf32>,
        %parallel_loop3A_283 = arith.index_cast %parallel_loop3A_262 : i32 to index
        %parallel_loop3A_284 = arith.constant 16 : index
        %parallel_loop3A_285 = tpu.vector_load %arg22[%parallel_loop3A_283, %parallel_loop3A_284] {strides = array<i32>} : memref<32x128xf32, #tpu.memory_space<vmem>>, vector<1x16xf32>,
        %parallel_loop3A_286 = vector.shape_cast %parallel_loop3A_285 : vector<1x16xf32> to vector<16xf32>
        %parallel_loop3A_287 = arith.index_cast %parallel_loop3A_262 : i32 to index
        %parallel_loop3A_288 = arith.constant 16 : index
        %parallel_loop3A_289 = tpu.vector_load %arg24[%parallel_loop3A_287, %parallel_loop3A_288] {strides = array<i32>} : memref<32x128xf32, #tpu.memory_space<vmem>>, vector<1x16xf32>,
        %parallel_loop3A_290 = vector.shape_cast %parallel_loop3A_289 : vector<1x16xf32> to vector<16xf32>
        %parallel_loop3A_291 = arith.addf %parallel_loop3A_286, %parallel_loop3A_290 : vector<16xf32>
        %parallel_loop3A_292 = arith.select %parallel_loop3A_267, %parallel_loop3A_291, %broadcast_in_dim3A_24 : vector<16xi1>, vector<16xf32>
        %parallel_loop3A_293 = arith.index_cast %parallel_loop3A_262 : i32 to index
        %parallel_loop3A_294 = arith.constant 16 : index
        %parallel_loop3A_295 = tpu.vector_load %arg28[%parallel_loop3A_293, %parallel_loop3A_294] {strides = array<i32>} : memref<32x384xf32, #tpu.memory_space<vmem>>, vector<1x16xf32>,
        %parallel_loop3A_296 = vector.shape_cast %parallel_loop3A_295 : vector<1x16xf32> to vector<16xf32>
        %parallel_loop3A_297 = vector.shape_cast %parallel_loop3A_292 : vector<16xf32> to vector<1x16xf32>
        tpu.vector_store %arg28[%parallel_loop3A_293, %parallel_loop3A_294], %parallel_loop3A_297 {strides = array<i32>} : memref<32x384xf32, #tpu.memory_space<vmem>>, vector<1x16xf32>,
        %parallel_loop3A_298 = arith.index_cast %parallel_loop3A_262 : i32 to index
        %parallel_loop3A_299 = arith.constant 32 : index
        %parallel_loop3A_300 = tpu.vector_load %arg22[%parallel_loop3A_298, %parallel_loop3A_299] {strides = array<i32>} : memref<32x128xf32, #tpu.memory_space<vmem>>, vector<1x16xf32>,
        %parallel_loop3A_301 = vector.shape_cast %parallel_loop3A_300 : vector<1x16xf32> to vector<16xf32>
        %parallel_loop3A_302 = arith.index_cast %parallel_loop3A_262 : i32 to index
        %parallel_loop3A_303 = arith.constant 32 : index
        %parallel_loop3A_304 = tpu.vector_load %arg24[%parallel_loop3A_302, %parallel_loop3A_303] {strides = array<i32>} : memref<32x128xf32, #tpu.memory_space<vmem>>, vector<1x16xf32>,
        %parallel_loop3A_305 = vector.shape_cast %parallel_loop3A_304 : vector<1x16xf32> to vector<16xf32>
        %parallel_loop3A_306 = arith.addf %parallel_loop3A_301, %parallel_loop3A_305 : vector<16xf32>
        %parallel_loop3A_307 = arith.select %parallel_loop3A_267, %parallel_loop3A_306, %broadcast_in_dim3A_24 : vector<16xi1>, vector<16xf32>
        %parallel_loop3A_308 = arith.index_cast %parallel_loop3A_262 : i32 to index
        %parallel_loop3A_309 = arith.constant 32 : index
        %parallel_loop3A_310 = tpu.vector_load %arg28[%parallel_loop3A_308, %parallel_loop3A_309] {strides = array<i32>} : memref<32x384xf32, #tpu.memory_space<vmem>>, vector<1x16xf32>,
        %parallel_loop3A_311 = vector.shape_cast %parallel_loop3A_310 : vector<1x16xf32> to vector<16xf32>
        %parallel_loop3A_312 = vector.shape_cast %parallel_loop3A_307 : vector<16xf32> to vector<1x16xf32>
        tpu.vector_store %arg28[%parallel_loop3A_308, %parallel_loop3A_309], %parallel_loop3A_312 {strides = array<i32>} : memref<32x384xf32, #tpu.memory_space<vmem>>, vector<1x16xf32>,
        %parallel_loop3A_313 = arith.index_cast %parallel_loop3A_262 : i32 to index
        %parallel_loop3A_314 = arith.constant 48 : index
        %parallel_loop3A_315 = tpu.vector_load %arg22[%parallel_loop3A_313, %parallel_loop3A_314] {strides = array<i32>} : memref<32x128xf32, #tpu.memory_space<vmem>>, vector<1x16xf32>,
        %parallel_loop3A_316 = vector.shape_cast %parallel_loop3A_315 : vector<1x16xf32> to vector<16xf32>
        %parallel_loop3A_317 = arith.index_cast %parallel_loop3A_262 : i32 to index
        %parallel_loop3A_318 = arith.constant 48 : index
        %parallel_loop3A_319 = tpu.vector_load %arg24[%parallel_loop3A_317, %parallel_loop3A_318] {strides = array<i32>} : memref<32x128xf32, #tpu.memory_space<vmem>>, vector<1x16xf32>,
        %parallel_loop3A_320 = vector.shape_cast %parallel_loop3A_319 : vector<1x16xf32> to vector<16xf32>
        %parallel_loop3A_321 = arith.addf %parallel_loop3A_316, %parallel_loop3A_320 : vector<16xf32>
        %parallel_loop3A_322 = arith.select %parallel_loop3A_267, %parallel_loop3A_321, %broadcast_in_dim3A_24 : vector<16xi1>, vector<16xf32>
        %parallel_loop3A_323 = arith.index_cast %parallel_loop3A_262 : i32 to index
        %parallel_loop3A_324 = arith.constant 48 : index
        %parallel_loop3A_325 = tpu.vector_load %arg28[%parallel_loop3A_323, %parallel_loop3A_324] {strides = array<i32>} : memref<32x384xf32, #tpu.memory_space<vmem>>, vector<1x16xf32>,
        %parallel_loop3A_326 = vector.shape_cast %parallel_loop3A_325 : vector<1x16xf32> to vector<16xf32>
        %parallel_loop3A_327 = vector.shape_cast %parallel_loop3A_322 : vector<16xf32> to vector<1x16xf32>
        tpu.vector_store %arg28[%parallel_loop3A_323, %parallel_loop3A_324], %parallel_loop3A_327 {strides = array<i32>} : memref<32x384xf32, #tpu.memory_space<vmem>>, vector<1x16xf32>,
        %parallel_loop3A_328 = arith.index_cast %parallel_loop3A_262 : i32 to index
        %parallel_loop3A_329 = arith.constant 64 : index
        %parallel_loop3A_330 = tpu.vector_load %arg22[%parallel_loop3A_328, %parallel_loop3A_329] {strides = array<i32>} : memref<32x128xf32, #tpu.memory_space<vmem>>, vector<1x16xf32>,
        %parallel_loop3A_331 = vector.shape_cast %parallel_loop3A_330 : vector<1x16xf32> to vector<16xf32>
        %parallel_loop3A_332 = arith.index_cast %parallel_loop3A_262 : i32 to index
        %parallel_loop3A_333 = arith.constant 64 : index
        %parallel_loop3A_334 = tpu.vector_load %arg24[%parallel_loop3A_332, %parallel_loop3A_333] {strides = array<i32>} : memref<32x128xf32, #tpu.memory_space<vmem>>, vector<1x16xf32>,
        %parallel_loop3A_335 = vector.shape_cast %parallel_loop3A_334 : vector<1x16xf32> to vector<16xf32>
        %parallel_loop3A_336 = arith.addf %parallel_loop3A_331, %parallel_loop3A_335 : vector<16xf32>
        %parallel_loop3A_337 = arith.select %parallel_loop3A_267, %parallel_loop3A_336, %broadcast_in_dim3A_24 : vector<16xi1>, vector<16xf32>
        %parallel_loop3A_338 = arith.index_cast %parallel_loop3A_262 : i32 to index
        %parallel_loop3A_339 = arith.constant 64 : index
        %parallel_loop3A_340 = tpu.vector_load %arg28[%parallel_loop3A_338, %parallel_loop3A_339] {strides = array<i32>} : memref<32x384xf32, #tpu.memory_space<vmem>>, vector<1x16xf32>,
        %parallel_loop3A_341 = vector.shape_cast %parallel_loop3A_340 : vector<1x16xf32> to vector<16xf32>
        %parallel_loop3A_342 = vector.shape_cast %parallel_loop3A_337 : vector<16xf32> to vector<1x16xf32>
        tpu.vector_store %arg28[%parallel_loop3A_338, %parallel_loop3A_339], %parallel_loop3A_342 {strides = array<i32>} : memref<32x384xf32, #tpu.memory_space<vmem>>, vector<1x16xf32>,
        %parallel_loop3A_343 = arith.index_cast %parallel_loop3A_262 : i32 to index
        %parallel_loop3A_344 = arith.constant 80 : index
        %parallel_loop3A_345 = tpu.vector_load %arg22[%parallel_loop3A_343, %parallel_loop3A_344] {strides = array<i32>} : memref<32x128xf32, #tpu.memory_space<vmem>>, vector<1x16xf32>,
        %parallel_loop3A_346 = vector.shape_cast %parallel_loop3A_345 : vector<1x16xf32> to vector<16xf32>
        %parallel_loop3A_347 = arith.index_cast %parallel_loop3A_262 : i32 to index
        %parallel_loop3A_348 = arith.constant 80 : index
        %parallel_loop3A_349 = tpu.vector_load %arg24[%parallel_loop3A_347, %parallel_loop3A_348] {strides = array<i32>} : memref<32x128xf32, #tpu.memory_space<vmem>>, vector<1x16xf32>,
        %parallel_loop3A_350 = vector.shape_cast %parallel_loop3A_349 : vector<1x16xf32> to vector<16xf32>
        %parallel_loop3A_351 = arith.addf %parallel_loop3A_346, %parallel_loop3A_350 : vector<16xf32>
        %parallel_loop3A_352 = arith.select %parallel_loop3A_267, %parallel_loop3A_351, %broadcast_in_dim3A_24 : vector<16xi1>, vector<16xf32>
        %parallel_loop3A_353 = arith.index_cast %parallel_loop3A_262 : i32 to index
        %parallel_loop3A_354 = arith.constant 80 : index
        %parallel_loop3A_355 = tpu.vector_load %arg28[%parallel_loop3A_353, %parallel_loop3A_354] {strides = array<i32>} : memref<32x384xf32, #tpu.memory_space<vmem>>, vector<1x16xf32>,
        %parallel_loop3A_356 = vector.shape_cast %parallel_loop3A_355 : vector<1x16xf32> to vector<16xf32>
        %parallel_loop3A_357 = vector.shape_cast %parallel_loop3A_352 : vector<16xf32> to vector<1x16xf32>
        tpu.vector_store %arg28[%parallel_loop3A_353, %parallel_loop3A_354], %parallel_loop3A_357 {strides = array<i32>} : memref<32x384xf32, #tpu.memory_space<vmem>>, vector<1x16xf32>,
        %parallel_loop3A_358 = arith.index_cast %parallel_loop3A_262 : i32 to index
        %parallel_loop3A_359 = arith.constant 96 : index
        %parallel_loop3A_360 = tpu.vector_load %arg22[%parallel_loop3A_358, %parallel_loop3A_359] {strides = array<i32>} : memref<32x128xf32, #tpu.memory_space<vmem>>, vector<1x16xf32>,
        %parallel_loop3A_361 = vector.shape_cast %parallel_loop3A_360 : vector<1x16xf32> to vector<16xf32>
        %parallel_loop3A_362 = arith.index_cast %parallel_loop3A_262 : i32 to index
        %parallel_loop3A_363 = arith.constant 96 : index
        %parallel_loop3A_364 = tpu.vector_load %arg24[%parallel_loop3A_362, %parallel_loop3A_363] {strides = array<i32>} : memref<32x128xf32, #tpu.memory_space<vmem>>, vector<1x16xf32>,
        %parallel_loop3A_365 = vector.shape_cast %parallel_loop3A_364 : vector<1x16xf32> to vector<16xf32>
        %parallel_loop3A_366 = arith.addf %parallel_loop3A_361, %parallel_loop3A_365 : vector<16xf32>
        %parallel_loop3A_367 = arith.select %parallel_loop3A_267, %parallel_loop3A_366, %broadcast_in_dim3A_24 : vector<16xi1>, vector<16xf32>
        %parallel_loop3A_368 = arith.index_cast %parallel_loop3A_262 : i32 to index
        %parallel_loop3A_369 = arith.constant 96 : index
        %parallel_loop3A_370 = tpu.vector_load %arg28[%parallel_loop3A_368, %parallel_loop3A_369] {strides = array<i32>} : memref<32x384xf32, #tpu.memory_space<vmem>>, vector<1x16xf32>,
        %parallel_loop3A_371 = vector.shape_cast %parallel_loop3A_370 : vector<1x16xf32> to vector<16xf32>
        %parallel_loop3A_372 = vector.shape_cast %parallel_loop3A_367 : vector<16xf32> to vector<1x16xf32>
        tpu.vector_store %arg28[%parallel_loop3A_368, %parallel_loop3A_369], %parallel_loop3A_372 {strides = array<i32>} : memref<32x384xf32, #tpu.memory_space<vmem>>, vector<1x16xf32>,
        %parallel_loop3A_373 = arith.index_cast %parallel_loop3A_262 : i32 to index
        %parallel_loop3A_374 = arith.constant 112 : index
        %parallel_loop3A_375 = tpu.vector_load %arg22[%parallel_loop3A_373, %parallel_loop3A_374] {strides = array<i32>} : memref<32x128xf32, #tpu.memory_space<vmem>>, vector<1x16xf32>,
        %parallel_loop3A_376 = vector.shape_cast %parallel_loop3A_375 : vector<1x16xf32> to vector<16xf32>
        %parallel_loop3A_377 = arith.index_cast %parallel_loop3A_262 : i32 to index
        %parallel_loop3A_378 = arith.constant 112 : index
        %parallel_loop3A_379 = tpu.vector_load %arg24[%parallel_loop3A_377, %parallel_loop3A_378] {strides = array<i32>} : memref<32x128xf32, #tpu.memory_space<vmem>>, vector<1x16xf32>,
        %parallel_loop3A_380 = vector.shape_cast %parallel_loop3A_379 : vector<1x16xf32> to vector<16xf32>
        %parallel_loop3A_381 = arith.addf %parallel_loop3A_376, %parallel_loop3A_380 : vector<16xf32>
        %parallel_loop3A_382 = arith.select %parallel_loop3A_267, %parallel_loop3A_381, %broadcast_in_dim3A_24 : vector<16xi1>, vector<16xf32>
        %parallel_loop3A_383 = arith.index_cast %parallel_loop3A_262 : i32 to index
        %parallel_loop3A_384 = arith.constant 112 : index
        %parallel_loop3A_385 = tpu.vector_load %arg28[%parallel_loop3A_383, %parallel_loop3A_384] {strides = array<i32>} : memref<32x384xf32, #tpu.memory_space<vmem>>, vector<1x16xf32>,
        %parallel_loop3A_386 = vector.shape_cast %parallel_loop3A_385 : vector<1x16xf32> to vector<16xf32>
        %parallel_loop3A_387 = vector.shape_cast %parallel_loop3A_382 : vector<16xf32> to vector<1x16xf32>
        tpu.vector_store %arg28[%parallel_loop3A_383, %parallel_loop3A_384], %parallel_loop3A_387 {strides = array<i32>} : memref<32x384xf32, #tpu.memory_space<vmem>>, vector<1x16xf32>,
        %parallel_loop3A_388 = arith.index_cast %parallel_loop3A_262 : i32 to index
        %parallel_loop3A_389 = arith.constant 0 : index
        %parallel_loop3A_390 = tpu.vector_load %arg26[%parallel_loop3A_388, %parallel_loop3A_389] {strides = array<i32>} : memref<32x256xf32, #tpu.memory_space<vmem>>, vector<1x16xf32>,
        %parallel_loop3A_391 = vector.shape_cast %parallel_loop3A_390 : vector<1x16xf32> to vector<16xf32>
        %parallel_loop3A_392 = arith.select %parallel_loop3A_267, %parallel_loop3A_391, %broadcast_in_dim3A_24 : vector<16xi1>, vector<16xf32>
        %parallel_loop3A_393 = arith.index_cast %parallel_loop3A_262 : i32 to index
        %parallel_loop3A_394 = arith.constant 128 : index
        %parallel_loop3A_395 = tpu.vector_load %arg28[%parallel_loop3A_393, %parallel_loop3A_394] {strides = array<i32>} : memref<32x384xf32, #tpu.memory_space<vmem>>, vector<1x16xf32>,
        %parallel_loop3A_396 = vector.shape_cast %parallel_loop3A_395 : vector<1x16xf32> to vector<16xf32>
        %parallel_loop3A_397 = vector.shape_cast %parallel_loop3A_392 : vector<16xf32> to vector<1x16xf32>
        tpu.vector_store %arg28[%parallel_loop3A_393, %parallel_loop3A_394], %parallel_loop3A_397 {strides = array<i32>} : memref<32x384xf32, #tpu.memory_space<vmem>>, vector<1x16xf32>,
        %parallel_loop3A_398 = arith.index_cast %parallel_loop3A_262 : i32 to index
        %parallel_loop3A_399 = arith.constant 16 : index
        %parallel_loop3A_400 = tpu.vector_load %arg26[%parallel_loop3A_398, %parallel_loop3A_399] {strides = array<i32>} : memref<32x256xf32, #tpu.memory_space<vmem>>, vector<1x16xf32>,
        %parallel_loop3A_401 = vector.shape_cast %parallel_loop3A_400 : vector<1x16xf32> to vector<16xf32>
        %parallel_loop3A_402 = arith.select %parallel_loop3A_267, %parallel_loop3A_401, %broadcast_in_dim3A_24 : vector<16xi1>, vector<16xf32>
        %parallel_loop3A_403 = arith.index_cast %parallel_loop3A_262 : i32 to index
        %parallel_loop3A_404 = arith.constant 144 : index
        %parallel_loop3A_405 = tpu.vector_load %arg28[%parallel_loop3A_403, %parallel_loop3A_404] {strides = array<i32>} : memref<32x384xf32, #tpu.memory_space<vmem>>, vector<1x16xf32>,
        %parallel_loop3A_406 = vector.shape_cast %parallel_loop3A_405 : vector<1x16xf32> to vector<16xf32>
        %parallel_loop3A_407 = vector.shape_cast %parallel_loop3A_402 : vector<16xf32> to vector<1x16xf32>
        tpu.vector_store %arg28[%parallel_loop3A_403, %parallel_loop3A_404], %parallel_loop3A_407 {strides = array<i32>} : memref<32x384xf32, #tpu.memory_space<vmem>>, vector<1x16xf32>,
        %parallel_loop3A_408 = arith.index_cast %parallel_loop3A_262 : i32 to index
        %parallel_loop3A_409 = arith.constant 32 : index
        %parallel_loop3A_410 = tpu.vector_load %arg26[%parallel_loop3A_408, %parallel_loop3A_409] {strides = array<i32>} : memref<32x256xf32, #tpu.memory_space<vmem>>, vector<1x16xf32>,
        %parallel_loop3A_411 = vector.shape_cast %parallel_loop3A_410 : vector<1x16xf32> to vector<16xf32>
        %parallel_loop3A_412 = arith.select %parallel_loop3A_267, %parallel_loop3A_411, %broadcast_in_dim3A_24 : vector<16xi1>, vector<16xf32>
        %parallel_loop3A_413 = arith.index_cast %parallel_loop3A_262 : i32 to index
        %parallel_loop3A_414 = arith.constant 160 : index
        %parallel_loop3A_415 = tpu.vector_load %arg28[%parallel_loop3A_413, %parallel_loop3A_414] {strides = array<i32>} : memref<32x384xf32, #tpu.memory_space<vmem>>, vector<1x16xf32>,
        %parallel_loop3A_416 = vector.shape_cast %parallel_loop3A_415 : vector<1x16xf32> to vector<16xf32>
        %parallel_loop3A_417 = vector.shape_cast %parallel_loop3A_412 : vector<16xf32> to vector<1x16xf32>
        tpu.vector_store %arg28[%parallel_loop3A_413, %parallel_loop3A_414], %parallel_loop3A_417 {strides = array<i32>} : memref<32x384xf32, #tpu.memory_space<vmem>>, vector<1x16xf32>,
        %parallel_loop3A_418 = arith.index_cast %parallel_loop3A_262 : i32 to index
        %parallel_loop3A_419 = arith.constant 48 : index
        %parallel_loop3A_420 = tpu.vector_load %arg26[%parallel_loop3A_418, %parallel_loop3A_419] {strides = array<i32>} : memref<32x256xf32, #tpu.memory_space<vmem>>, vector<1x16xf32>,
        %parallel_loop3A_421 = vector.shape_cast %parallel_loop3A_420 : vector<1x16xf32> to vector<16xf32>
        %parallel_loop3A_422 = arith.select %parallel_loop3A_267, %parallel_loop3A_421, %broadcast_in_dim3A_24 : vector<16xi1>, vector<16xf32>
        %parallel_loop3A_423 = arith.index_cast %parallel_loop3A_262 : i32 to index
        %parallel_loop3A_424 = arith.constant 176 : index
        %parallel_loop3A_425 = tpu.vector_load %arg28[%parallel_loop3A_423, %parallel_loop3A_424] {strides = array<i32>} : memref<32x384xf32, #tpu.memory_space<vmem>>, vector<1x16xf32>,
        %parallel_loop3A_426 = vector.shape_cast %parallel_loop3A_425 : vector<1x16xf32> to vector<16xf32>
        %parallel_loop3A_427 = vector.shape_cast %parallel_loop3A_422 : vector<16xf32> to vector<1x16xf32>
        tpu.vector_store %arg28[%parallel_loop3A_423, %parallel_loop3A_424], %parallel_loop3A_427 {strides = array<i32>} : memref<32x384xf32, #tpu.memory_space<vmem>>, vector<1x16xf32>,
        %parallel_loop3A_428 = arith.index_cast %parallel_loop3A_262 : i32 to index
        %parallel_loop3A_429 = arith.constant 64 : index
        %parallel_loop3A_430 = tpu.vector_load %arg26[%parallel_loop3A_428, %parallel_loop3A_429] {strides = array<i32>} : memref<32x256xf32, #tpu.memory_space<vmem>>, vector<1x16xf32>,
        %parallel_loop3A_431 = vector.shape_cast %parallel_loop3A_430 : vector<1x16xf32> to vector<16xf32>
        %parallel_loop3A_432 = arith.select %parallel_loop3A_267, %parallel_loop3A_431, %broadcast_in_dim3A_24 : vector<16xi1>, vector<16xf32>
        %parallel_loop3A_433 = arith.index_cast %parallel_loop3A_262 : i32 to index
        %parallel_loop3A_434 = arith.constant 192 : index
        %parallel_loop3A_435 = tpu.vector_load %arg28[%parallel_loop3A_433, %parallel_loop3A_434] {strides = array<i32>} : memref<32x384xf32, #tpu.memory_space<vmem>>, vector<1x16xf32>,
        %parallel_loop3A_436 = vector.shape_cast %parallel_loop3A_435 : vector<1x16xf32> to vector<16xf32>
        %parallel_loop3A_437 = vector.shape_cast %parallel_loop3A_432 : vector<16xf32> to vector<1x16xf32>
        tpu.vector_store %arg28[%parallel_loop3A_433, %parallel_loop3A_434], %parallel_loop3A_437 {strides = array<i32>} : memref<32x384xf32, #tpu.memory_space<vmem>>, vector<1x16xf32>,
        %parallel_loop3A_438 = arith.index_cast %parallel_loop3A_262 : i32 to index
        %parallel_loop3A_439 = arith.constant 80 : index
        %parallel_loop3A_440 = tpu.vector_load %arg26[%parallel_loop3A_438, %parallel_loop3A_439] {strides = array<i32>} : memref<32x256xf32, #tpu.memory_space<vmem>>, vector<1x16xf32>,
        %parallel_loop3A_441 = vector.shape_cast %parallel_loop3A_440 : vector<1x16xf32> to vector<16xf32>
        %parallel_loop3A_442 = arith.select %parallel_loop3A_267, %parallel_loop3A_441, %broadcast_in_dim3A_24 : vector<16xi1>, vector<16xf32>
        %parallel_loop3A_443 = arith.index_cast %parallel_loop3A_262 : i32 to index
        %parallel_loop3A_444 = arith.constant 208 : index
        %parallel_loop3A_445 = tpu.vector_load %arg28[%parallel_loop3A_443, %parallel_loop3A_444] {strides = array<i32>} : memref<32x384xf32, #tpu.memory_space<vmem>>, vector<1x16xf32>,
        %parallel_loop3A_446 = vector.shape_cast %parallel_loop3A_445 : vector<1x16xf32> to vector<16xf32>
        %parallel_loop3A_447 = vector.shape_cast %parallel_loop3A_442 : vector<16xf32> to vector<1x16xf32>
        tpu.vector_store %arg28[%parallel_loop3A_443, %parallel_loop3A_444], %parallel_loop3A_447 {strides = array<i32>} : memref<32x384xf32, #tpu.memory_space<vmem>>, vector<1x16xf32>,
        %parallel_loop3A_448 = arith.index_cast %parallel_loop3A_262 : i32 to index
        %parallel_loop3A_449 = arith.constant 96 : index
        %parallel_loop3A_450 = tpu.vector_load %arg26[%parallel_loop3A_448, %parallel_loop3A_449] {strides = array<i32>} : memref<32x256xf32, #tpu.memory_space<vmem>>, vector<1x16xf32>,
        %parallel_loop3A_451 = vector.shape_cast %parallel_loop3A_450 : vector<1x16xf32> to vector<16xf32>
        %parallel_loop3A_452 = arith.select %parallel_loop3A_267, %parallel_loop3A_451, %broadcast_in_dim3A_24 : vector<16xi1>, vector<16xf32>
        %parallel_loop3A_453 = arith.index_cast %parallel_loop3A_262 : i32 to index
        %parallel_loop3A_454 = arith.constant 224 : index
        %parallel_loop3A_455 = tpu.vector_load %arg28[%parallel_loop3A_453, %parallel_loop3A_454] {strides = array<i32>} : memref<32x384xf32, #tpu.memory_space<vmem>>, vector<1x16xf32>,
        %parallel_loop3A_456 = vector.shape_cast %parallel_loop3A_455 : vector<1x16xf32> to vector<16xf32>
        %parallel_loop3A_457 = vector.shape_cast %parallel_loop3A_452 : vector<16xf32> to vector<1x16xf32>
        tpu.vector_store %arg28[%parallel_loop3A_453, %parallel_loop3A_454], %parallel_loop3A_457 {strides = array<i32>} : memref<32x384xf32, #tpu.memory_space<vmem>>, vector<1x16xf32>,
        %parallel_loop3A_458 = arith.index_cast %parallel_loop3A_262 : i32 to index
        %parallel_loop3A_459 = arith.constant 112 : index
        %parallel_loop3A_460 = tpu.vector_load %arg26[%parallel_loop3A_458, %parallel_loop3A_459] {strides = array<i32>} : memref<32x256xf32, #tpu.memory_space<vmem>>, vector<1x16xf32>,
        %parallel_loop3A_461 = vector.shape_cast %parallel_loop3A_460 : vector<1x16xf32> to vector<16xf32>
        %parallel_loop3A_462 = arith.select %parallel_loop3A_267, %parallel_loop3A_461, %broadcast_in_dim3A_24 : vector<16xi1>, vector<16xf32>
        %parallel_loop3A_463 = arith.index_cast %parallel_loop3A_262 : i32 to index
        %parallel_loop3A_464 = arith.constant 240 : index
        %parallel_loop3A_465 = tpu.vector_load %arg28[%parallel_loop3A_463, %parallel_loop3A_464] {strides = array<i32>} : memref<32x384xf32, #tpu.memory_space<vmem>>, vector<1x16xf32>,
        %parallel_loop3A_466 = vector.shape_cast %parallel_loop3A_465 : vector<1x16xf32> to vector<16xf32>
        %parallel_loop3A_467 = vector.shape_cast %parallel_loop3A_462 : vector<16xf32> to vector<1x16xf32>
        tpu.vector_store %arg28[%parallel_loop3A_463, %parallel_loop3A_464], %parallel_loop3A_467 {strides = array<i32>} : memref<32x384xf32, #tpu.memory_space<vmem>>, vector<1x16xf32>,
        %parallel_loop3A_468 = arith.index_cast %parallel_loop3A_262 : i32 to index
        %parallel_loop3A_469 = arith.constant 128 : index
        %parallel_loop3A_470 = tpu.vector_load %arg26[%parallel_loop3A_468, %parallel_loop3A_469] {strides = array<i32>} : memref<32x256xf32, #tpu.memory_space<vmem>>, vector<1x16xf32>,
        %parallel_loop3A_471 = vector.shape_cast %parallel_loop3A_470 : vector<1x16xf32> to vector<16xf32>
        %parallel_loop3A_472 = arith.select %parallel_loop3A_267, %parallel_loop3A_471, %broadcast_in_dim3A_24 : vector<16xi1>, vector<16xf32>
        %parallel_loop3A_473 = arith.index_cast %parallel_loop3A_262 : i32 to index
        %parallel_loop3A_474 = arith.constant 256 : index
        %parallel_loop3A_475 = tpu.vector_load %arg28[%parallel_loop3A_473, %parallel_loop3A_474] {strides = array<i32>} : memref<32x384xf32, #tpu.memory_space<vmem>>, vector<1x16xf32>,
        %parallel_loop3A_476 = vector.shape_cast %parallel_loop3A_475 : vector<1x16xf32> to vector<16xf32>
        %parallel_loop3A_477 = vector.shape_cast %parallel_loop3A_472 : vector<16xf32> to vector<1x16xf32>
        tpu.vector_store %arg28[%parallel_loop3A_473, %parallel_loop3A_474], %parallel_loop3A_477 {strides = array<i32>} : memref<32x384xf32, #tpu.memory_space<vmem>>, vector<1x16xf32>,
        %parallel_loop3A_478 = arith.index_cast %parallel_loop3A_262 : i32 to index
        %parallel_loop3A_479 = arith.constant 144 : index
        %parallel_loop3A_480 = tpu.vector_load %arg26[%parallel_loop3A_478, %parallel_loop3A_479] {strides = array<i32>} : memref<32x256xf32, #tpu.memory_space<vmem>>, vector<1x16xf32>,
        %parallel_loop3A_481 = vector.shape_cast %parallel_loop3A_480 : vector<1x16xf32> to vector<16xf32>
        %parallel_loop3A_482 = arith.select %parallel_loop3A_267, %parallel_loop3A_481, %broadcast_in_dim3A_24 : vector<16xi1>, vector<16xf32>
        %parallel_loop3A_483 = arith.index_cast %parallel_loop3A_262 : i32 to index
        %parallel_loop3A_484 = arith.constant 272 : index
        %parallel_loop3A_485 = tpu.vector_load %arg28[%parallel_loop3A_483, %parallel_loop3A_484] {strides = array<i32>} : memref<32x384xf32, #tpu.memory_space<vmem>>, vector<1x16xf32>,
        %parallel_loop3A_486 = vector.shape_cast %parallel_loop3A_485 : vector<1x16xf32> to vector<16xf32>
        %parallel_loop3A_487 = vector.shape_cast %parallel_loop3A_482 : vector<16xf32> to vector<1x16xf32>
        tpu.vector_store %arg28[%parallel_loop3A_483, %parallel_loop3A_484], %parallel_loop3A_487 {strides = array<i32>} : memref<32x384xf32, #tpu.memory_space<vmem>>, vector<1x16xf32>,
        %parallel_loop3A_488 = arith.index_cast %parallel_loop3A_262 : i32 to index
        %parallel_loop3A_489 = arith.constant 160 : index
        %parallel_loop3A_490 = tpu.vector_load %arg26[%parallel_loop3A_488, %parallel_loop3A_489] {strides = array<i32>} : memref<32x256xf32, #tpu.memory_space<vmem>>, vector<1x16xf32>,
        %parallel_loop3A_491 = vector.shape_cast %parallel_loop3A_490 : vector<1x16xf32> to vector<16xf32>
        %parallel_loop3A_492 = arith.select %parallel_loop3A_267, %parallel_loop3A_491, %broadcast_in_dim3A_24 : vector<16xi1>, vector<16xf32>
        %parallel_loop3A_493 = arith.index_cast %parallel_loop3A_262 : i32 to index
        %parallel_loop3A_494 = arith.constant 288 : index
        %parallel_loop3A_495 = tpu.vector_load %arg28[%parallel_loop3A_493, %parallel_loop3A_494] {strides = array<i32>} : memref<32x384xf32, #tpu.memory_space<vmem>>, vector<1x16xf32>,
        %parallel_loop3A_496 = vector.shape_cast %parallel_loop3A_495 : vector<1x16xf32> to vector<16xf32>
        %parallel_loop3A_497 = vector.shape_cast %parallel_loop3A_492 : vector<16xf32> to vector<1x16xf32>
        tpu.vector_store %arg28[%parallel_loop3A_493, %parallel_loop3A_494], %parallel_loop3A_497 {strides = array<i32>} : memref<32x384xf32, #tpu.memory_space<vmem>>, vector<1x16xf32>,
        %parallel_loop3A_498 = arith.index_cast %parallel_loop3A_262 : i32 to index
        %parallel_loop3A_499 = arith.constant 176 : index
        %parallel_loop3A_500 = tpu.vector_load %arg26[%parallel_loop3A_498, %parallel_loop3A_499] {strides = array<i32>} : memref<32x256xf32, #tpu.memory_space<vmem>>, vector<1x16xf32>,
        %parallel_loop3A_501 = vector.shape_cast %parallel_loop3A_500 : vector<1x16xf32> to vector<16xf32>
        %parallel_loop3A_502 = arith.select %parallel_loop3A_267, %parallel_loop3A_501, %broadcast_in_dim3A_24 : vector<16xi1>, vector<16xf32>
        %parallel_loop3A_503 = arith.index_cast %parallel_loop3A_262 : i32 to index
        %parallel_loop3A_504 = arith.constant 304 : index
        %parallel_loop3A_505 = tpu.vector_load %arg28[%parallel_loop3A_503, %parallel_loop3A_504] {strides = array<i32>} : memref<32x384xf32, #tpu.memory_space<vmem>>, vector<1x16xf32>,
        %parallel_loop3A_506 = vector.shape_cast %parallel_loop3A_505 : vector<1x16xf32> to vector<16xf32>
        %parallel_loop3A_507 = vector.shape_cast %parallel_loop3A_502 : vector<16xf32> to vector<1x16xf32>
        tpu.vector_store %arg28[%parallel_loop3A_503, %parallel_loop3A_504], %parallel_loop3A_507 {strides = array<i32>} : memref<32x384xf32, #tpu.memory_space<vmem>>, vector<1x16xf32>,
        %parallel_loop3A_508 = arith.index_cast %parallel_loop3A_262 : i32 to index
        %parallel_loop3A_509 = arith.constant 192 : index
        %parallel_loop3A_510 = tpu.vector_load %arg26[%parallel_loop3A_508, %parallel_loop3A_509] {strides = array<i32>} : memref<32x256xf32, #tpu.memory_space<vmem>>, vector<1x16xf32>,
        %parallel_loop3A_511 = vector.shape_cast %parallel_loop3A_510 : vector<1x16xf32> to vector<16xf32>
        %parallel_loop3A_512 = arith.select %parallel_loop3A_267, %parallel_loop3A_511, %broadcast_in_dim3A_24 : vector<16xi1>, vector<16xf32>
        %parallel_loop3A_513 = arith.index_cast %parallel_loop3A_262 : i32 to index
        %parallel_loop3A_514 = arith.constant 320 : index
        %parallel_loop3A_515 = tpu.vector_load %arg28[%parallel_loop3A_513, %parallel_loop3A_514] {strides = array<i32>} : memref<32x384xf32, #tpu.memory_space<vmem>>, vector<1x16xf32>,
        %parallel_loop3A_516 = vector.shape_cast %parallel_loop3A_515 : vector<1x16xf32> to vector<16xf32>
        %parallel_loop3A_517 = vector.shape_cast %parallel_loop3A_512 : vector<16xf32> to vector<1x16xf32>
        tpu.vector_store %arg28[%parallel_loop3A_513, %parallel_loop3A_514], %parallel_loop3A_517 {strides = array<i32>} : memref<32x384xf32, #tpu.memory_space<vmem>>, vector<1x16xf32>,
        %parallel_loop3A_518 = arith.index_cast %parallel_loop3A_262 : i32 to index
        %parallel_loop3A_519 = arith.constant 208 : index
        %parallel_loop3A_520 = tpu.vector_load %arg26[%parallel_loop3A_518, %parallel_loop3A_519] {strides = array<i32>} : memref<32x256xf32, #tpu.memory_space<vmem>>, vector<1x16xf32>,
        %parallel_loop3A_521 = vector.shape_cast %parallel_loop3A_520 : vector<1x16xf32> to vector<16xf32>
        %parallel_loop3A_522 = arith.select %parallel_loop3A_267, %parallel_loop3A_521, %broadcast_in_dim3A_24 : vector<16xi1>, vector<16xf32>
        %parallel_loop3A_523 = arith.index_cast %parallel_loop3A_262 : i32 to index
        %parallel_loop3A_524 = arith.constant 336 : index
        %parallel_loop3A_525 = tpu.vector_load %arg28[%parallel_loop3A_523, %parallel_loop3A_524] {strides = array<i32>} : memref<32x384xf32, #tpu.memory_space<vmem>>, vector<1x16xf32>,
        %parallel_loop3A_526 = vector.shape_cast %parallel_loop3A_525 : vector<1x16xf32> to vector<16xf32>
        %parallel_loop3A_527 = vector.shape_cast %parallel_loop3A_522 : vector<16xf32> to vector<1x16xf32>
        tpu.vector_store %arg28[%parallel_loop3A_523, %parallel_loop3A_524], %parallel_loop3A_527 {strides = array<i32>} : memref<32x384xf32, #tpu.memory_space<vmem>>, vector<1x16xf32>,
        %parallel_loop3A_528 = arith.index_cast %parallel_loop3A_262 : i32 to index
        %parallel_loop3A_529 = arith.constant 224 : index
        %parallel_loop3A_530 = tpu.vector_load %arg26[%parallel_loop3A_528, %parallel_loop3A_529] {strides = array<i32>} : memref<32x256xf32, #tpu.memory_space<vmem>>, vector<1x16xf32>,
        %parallel_loop3A_531 = vector.shape_cast %parallel_loop3A_530 : vector<1x16xf32> to vector<16xf32>
        %parallel_loop3A_532 = arith.select %parallel_loop3A_267, %parallel_loop3A_531, %broadcast_in_dim3A_24 : vector<16xi1>, vector<16xf32>
        %parallel_loop3A_533 = arith.index_cast %parallel_loop3A_262 : i32 to index
        %parallel_loop3A_534 = arith.constant 352 : index
        %parallel_loop3A_535 = tpu.vector_load %arg28[%parallel_loop3A_533, %parallel_loop3A_534] {strides = array<i32>} : memref<32x384xf32, #tpu.memory_space<vmem>>, vector<1x16xf32>,
        %parallel_loop3A_536 = vector.shape_cast %parallel_loop3A_535 : vector<1x16xf32> to vector<16xf32>
        %parallel_loop3A_537 = vector.shape_cast %parallel_loop3A_532 : vector<16xf32> to vector<1x16xf32>
        tpu.vector_store %arg28[%parallel_loop3A_533, %parallel_loop3A_534], %parallel_loop3A_537 {strides = array<i32>} : memref<32x384xf32, #tpu.memory_space<vmem>>, vector<1x16xf32>,
        %parallel_loop3A_538 = arith.index_cast %parallel_loop3A_262 : i32 to index
        %parallel_loop3A_539 = arith.constant 240 : index
        %parallel_loop3A_540 = tpu.vector_load %arg26[%parallel_loop3A_538, %parallel_loop3A_539] {strides = array<i32>} : memref<32x256xf32, #tpu.memory_space<vmem>>, vector<1x16xf32>,
        %parallel_loop3A_541 = vector.shape_cast %parallel_loop3A_540 : vector<1x16xf32> to vector<16xf32>
        %parallel_loop3A_542 = arith.select %parallel_loop3A_267, %parallel_loop3A_541, %broadcast_in_dim3A_24 : vector<16xi1>, vector<16xf32>
        %parallel_loop3A_543 = arith.index_cast %parallel_loop3A_262 : i32 to index
        %parallel_loop3A_544 = arith.constant 368 : index
        %parallel_loop3A_545 = tpu.vector_load %arg28[%parallel_loop3A_543, %parallel_loop3A_544] {strides = array<i32>} : memref<32x384xf32, #tpu.memory_space<vmem>>, vector<1x16xf32>,
        %parallel_loop3A_546 = vector.shape_cast %parallel_loop3A_545 : vector<1x16xf32> to vector<16xf32>
        %parallel_loop3A_547 = vector.shape_cast %parallel_loop3A_542 : vector<16xf32> to vector<1x16xf32>
        tpu.vector_store %arg28[%parallel_loop3A_543, %parallel_loop3A_544], %parallel_loop3A_547 {strides = array<i32>} : memref<32x384xf32, #tpu.memory_space<vmem>>, vector<1x16xf32>,
      } {sc.loop_unroll_factor = 2 : i64, sc.parallel_access}
      %mul3A_199 = arith.constant 1024 : i32
      %mul3A_200 = arith.muli %add3A_160, %mul3A_199 : i32
      %add3A_201 = arith.addi %mul3A_200, %multiple_of3A : i32
      %multiple_of3A_202 = tpu.assume_multiple %add3A_201, 8 : i32
      %dma_start3A_203 = arith.constant 0 : i32
      %dma_start3A_204 = tpu.memref_slice %arg10[%multiple_of3A_202, %dma_start3A_203] : memref<52224x384xf32, #tpu.memory_space<hbm>> -> memref<32x384xf32, #tpu.memory_space<hbm>>
      %dma_start3A_205 = arith.constant 0 : i32
      %dma_start3A_206 = tpu.memref_slice %arg10[%multiple_of3A_202, %dma_start3A_205] : memref<52224x384xf32, #tpu.memory_space<hbm>> -> memref<32x384xf32, #tpu.memory_space<hbm>>
      tpu.enqueue_dma source(%arg28 : memref<32x384xf32, #tpu.memory_space<vmem>>) target(%dma_start3A_206 : memref<32x384xf32, #tpu.memory_space<hbm>>) target_semaphore(%arg40 : memref<!tpu.dma_semaphore, #tpu.memory_space<semaphore_mem>>)
      %mul3A_207 = arith.constant 2 : i32
      %mul3A_208 = arith.muli %mul3A_207, %scan3A_156 : i32
      %add3A_209 = arith.constant 1 : i32
      %add3A_210 = arith.addi %mul3A_208, %add3A_209 : i32
      %dma_wait3A_211 = arith.constant 0 : i32
      %dma_wait3A_212 = arith.constant 0 : i32
      %dma_wait3A_213 = tpu.memref_slice %arg21[%dma_wait3A_211, %dma_wait3A_212, %mul3A_23] : memref<1x2x128xi32, #tpu.memory_space<vmem>> -> memref<1x1x32xi32, #tpu.memory_space<vmem>>
      %dma_wait3A_214 = tpu.memref_squeeze %dma_wait3A_213 : memref<1x1x32xi32, #tpu.memory_space<vmem>> -> memref<32xi32, #tpu.memory_space<vmem>>
      %dma_wait3A_215 = arith.constant 0 : i32
      %dma_wait3A_216 = arith.constant 0 : i32
      %dma_wait3A_217 = tpu.memref_slice %arg8[%dma_wait3A_215, %dma_wait3A_216] : memref<100000x128xf32, #tpu.memory_space<hbm>> -> memref<100000x128xf32, #tpu.memory_space<hbm>>
      tpu.wait_indirect_dma semaphore(%arg35 : memref<!tpu.dma_semaphore, #tpu.memory_space<semaphore_mem>>) src(%dma_wait3A_217 : memref<100000x128xf32, #tpu.memory_space<hbm>>) dst(%arg23 : memref<32x128xf32, #tpu.memory_space<vmem>>)
      %dma_wait3A_218 = arith.constant 0 : i32
      %dma_wait3A_219 = arith.constant 1 : i32
      %dma_wait3A_220 = tpu.memref_slice %arg21[%dma_wait3A_218, %dma_wait3A_219, %mul3A_23] : memref<1x2x128xi32, #tpu.memory_space<vmem>> -> memref<1x1x32xi32, #tpu.memory_space<vmem>>
      %dma_wait3A_221 = tpu.memref_squeeze %dma_wait3A_220 : memref<1x1x32xi32, #tpu.memory_space<vmem>> -> memref<32xi32, #tpu.memory_space<vmem>>
      %dma_wait3A_222 = arith.constant 0 : i32
      %dma_wait3A_223 = arith.constant 0 : i32
      %dma_wait3A_224 = tpu.memref_slice %arg8[%dma_wait3A_222, %dma_wait3A_223] : memref<100000x128xf32, #tpu.memory_space<hbm>> -> memref<100000x128xf32, #tpu.memory_space<hbm>>
      tpu.wait_indirect_dma semaphore(%arg37 : memref<!tpu.dma_semaphore, #tpu.memory_space<semaphore_mem>>) src(%dma_wait3A_224 : memref<100000x128xf32, #tpu.memory_space<hbm>>) dst(%arg25 : memref<32x128xf32, #tpu.memory_space<vmem>>)
      %dma_wait3A_225 = arith.constant 0 : i32
      %dma_wait3A_226 = tpu.memref_slice %arg3[%add3A_210, %multiple_of3A, %dma_wait3A_225] : memref<50x1024x256xf32, #tpu.memory_space<hbm>> -> memref<1x32x256xf32, #tpu.memory_space<hbm>>
      %dma_wait3A_227 = tpu.memref_squeeze %dma_wait3A_226 : memref<1x32x256xf32, #tpu.memory_space<hbm>> -> memref<32x256xf32, #tpu.memory_space<hbm>>
      %dma_wait3A_228 = arith.constant 0 : i32
      %dma_wait3A_229 = tpu.memref_slice %arg3[%add3A_210, %multiple_of3A, %dma_wait3A_228] : memref<50x1024x256xf32, #tpu.memory_space<hbm>> -> memref<1x32x256xf32, #tpu.memory_space<hbm>>
      %dma_wait3A_230 = tpu.memref_squeeze %dma_wait3A_229 : memref<1x32x256xf32, #tpu.memory_space<hbm>> -> memref<32x256xf32, #tpu.memory_space<hbm>>
      tpu.wait_dma2 semaphore(%arg39 : memref<!tpu.dma_semaphore, #tpu.memory_space<semaphore_mem>>) src(%dma_wait3A_230 : memref<32x256xf32, #tpu.memory_space<hbm>>) dst(%arg27 : memref<32x256xf32, #tpu.memory_space<vmem>>)
      %add3A_231 = arith.constant 2 : i32
      %add3A_232 = arith.addi %add3A_210, %add3A_231 : i32
      %lt3A_233 = arith.constant 50 : i32
      %lt3A_234 = arith.cmpi slt, %add3A_232, %lt3A_233 : i32
      %convert_element_type3A_235 = arith.extui %lt3A_234 : i1 to i32
      %cond3A_236 = arith.constant 0 : i32
      %cond3A_237 = arith.cmpi ne, %convert_element_type3A_235, %cond3A_236 : i32
      scf.if %cond3A_237 {
        %add3A_262 = arith.constant 2 : i32
        %add3A_263 = arith.addi %add3A_210, %add3A_262 : i32
        %dma_start3A_264 = arith.constant 0 : i32
        %dma_start3A_265 = arith.constant 0 : i32
        %dma_start3A_266 = tpu.memref_slice %arg2[%add3A_263, %select_n3A, %dma_start3A_264, %dma_start3A_265] : memref<50x8x2x128xi32, #tpu.memory_space<hbm>> -> memref<1x1x2x128xi32, #tpu.memory_space<hbm>>
        %dma_start3A_267 = tpu.memref_squeeze %dma_start3A_266 : memref<1x1x2x128xi32, #tpu.memory_space<hbm>> -> memref<1x2x128xi32, #tpu.memory_space<hbm>>
        %dma_start3A_268 = arith.constant 0 : i32
        %dma_start3A_269 = arith.constant 0 : i32
        %dma_start3A_270 = tpu.memref_slice %arg2[%add3A_263, %select_n3A, %dma_start3A_268, %dma_start3A_269] : memref<50x8x2x128xi32, #tpu.memory_space<hbm>> -> memref<1x1x2x128xi32, #tpu.memory_space<hbm>>
        %dma_start3A_271 = tpu.memref_squeeze %dma_start3A_270 : memref<1x1x2x128xi32, #tpu.memory_space<hbm>> -> memref<1x2x128xi32, #tpu.memory_space<hbm>>
        tpu.enqueue_dma source(%dma_start3A_271 : memref<1x2x128xi32, #tpu.memory_space<hbm>>) target(%arg21 : memref<1x2x128xi32, #tpu.memory_space<vmem>>) target_semaphore(%arg33 : memref<!tpu.dma_semaphore, #tpu.memory_space<semaphore_mem>>)
      } else {
      }
      %add3A_238 = arith.constant 1 : i32
      %add3A_239 = arith.addi %add3A_210, %add3A_238 : i32
      %lt3A_240 = arith.constant 50 : i32
      %lt3A_241 = arith.cmpi slt, %add3A_239, %lt3A_240 : i32
      %convert_element_type3A_242 = arith.extui %lt3A_241 : i1 to i32
      %cond3A_243 = arith.constant 0 : i32
      %cond3A_244 = arith.cmpi ne, %convert_element_type3A_242, %cond3A_243 : i32
      scf.if %cond3A_244 {
        %add3A_262 = arith.constant 1 : i32
        %add3A_263 = arith.addi %add3A_210, %add3A_262 : i32
        %dma_wait3A_264 = arith.constant 0 : i32
        %dma_wait3A_265 = arith.constant 0 : i32
        %dma_wait3A_266 = tpu.memref_slice %arg2[%add3A_263, %select_n3A, %dma_wait3A_264, %dma_wait3A_265] : memref<50x8x2x128xi32, #tpu.memory_space<hbm>> -> memref<1x1x2x128xi32, #tpu.memory_space<hbm>>
        %dma_wait3A_267 = tpu.memref_squeeze %dma_wait3A_266 : memref<1x1x2x128xi32, #tpu.memory_space<hbm>> -> memref<1x2x128xi32, #tpu.memory_space<hbm>>
        %dma_wait3A_268 = arith.constant 0 : i32
        %dma_wait3A_269 = arith.constant 0 : i32
        %dma_wait3A_270 = tpu.memref_slice %arg2[%add3A_263, %select_n3A, %dma_wait3A_268, %dma_wait3A_269] : memref<50x8x2x128xi32, #tpu.memory_space<hbm>> -> memref<1x1x2x128xi32, #tpu.memory_space<hbm>>
        %dma_wait3A_271 = tpu.memref_squeeze %dma_wait3A_270 : memref<1x1x2x128xi32, #tpu.memory_space<hbm>> -> memref<1x2x128xi32, #tpu.memory_space<hbm>>
        tpu.wait_dma2 semaphore(%arg32 : memref<!tpu.dma_semaphore, #tpu.memory_space<semaphore_mem>>) src(%dma_wait3A_271 : memref<1x2x128xi32, #tpu.memory_space<hbm>>) dst(%arg20 : memref<1x2x128xi32, #tpu.memory_space<vmem>>)
        %dma_start3A_272 = arith.constant 0 : i32
        %dma_start3A_273 = arith.constant 0 : i32
        %dma_start3A_274 = tpu.memref_slice %arg20[%dma_start3A_272, %dma_start3A_273, %mul3A_23] : memref<1x2x128xi32, #tpu.memory_space<vmem>> -> memref<1x1x32xi32, #tpu.memory_space<vmem>>
        %dma_start3A_275 = tpu.memref_squeeze %dma_start3A_274 : memref<1x1x32xi32, #tpu.memory_space<vmem>> -> memref<32xi32, #tpu.memory_space<vmem>>
        %dma_start3A_276 = arith.constant 0 : i32
        %dma_start3A_277 = arith.constant 0 : i32
        %dma_start3A_278 = tpu.memref_slice %arg8[%dma_start3A_276, %dma_start3A_277] : memref<100000x128xf32, #tpu.memory_space<hbm>> -> memref<100000x128xf32, #tpu.memory_space<hbm>>
        tpu.enqueue_indirect_dma source(%dma_start3A_278 : memref<100000x128xf32, #tpu.memory_space<hbm>>) target(%arg22 : memref<32x128xf32, #tpu.memory_space<vmem>>) offsets(%dma_start3A_275 : memref<32xi32, #tpu.memory_space<vmem>>) semaphore(%arg34 : memref<!tpu.dma_semaphore, #tpu.memory_space<semaphore_mem>>)
        %dma_start3A_279 = arith.constant 0 : i32
        %dma_start3A_280 = arith.constant 1 : i32
        %dma_start3A_281 = tpu.memref_slice %arg20[%dma_start3A_279, %dma_start3A_280, %mul3A_23] : memref<1x2x128xi32, #tpu.memory_space<vmem>> -> memref<1x1x32xi32, #tpu.memory_space<vmem>>
        %dma_start3A_282 = tpu.memref_squeeze %dma_start3A_281 : memref<1x1x32xi32, #tpu.memory_space<vmem>> -> memref<32xi32, #tpu.memory_space<vmem>>
        %dma_start3A_283 = arith.constant 0 : i32
        %dma_start3A_284 = arith.constant 0 : i32
        %dma_start3A_285 = tpu.memref_slice %arg8[%dma_start3A_283, %dma_start3A_284] : memref<100000x128xf32, #tpu.memory_space<hbm>> -> memref<100000x128xf32, #tpu.memory_space<hbm>>
        tpu.enqueue_indirect_dma source(%dma_start3A_285 : memref<100000x128xf32, #tpu.memory_space<hbm>>) target(%arg24 : memref<32x128xf32, #tpu.memory_space<vmem>>) offsets(%dma_start3A_282 : memref<32xi32, #tpu.memory_space<vmem>>) semaphore(%arg36 : memref<!tpu.dma_semaphore, #tpu.memory_space<semaphore_mem>>)
        %add3A_286 = arith.constant 1 : i32
        %add3A_287 = arith.addi %add3A_210, %add3A_286 : i32
        %dma_start3A_288 = arith.constant 0 : i32
        %dma_start3A_289 = tpu.memref_slice %arg3[%add3A_287, %multiple_of3A, %dma_start3A_288] : memref<50x1024x256xf32, #tpu.memory_space<hbm>> -> memref<1x32x256xf32, #tpu.memory_space<hbm>>
        %dma_start3A_290 = tpu.memref_squeeze %dma_start3A_289 : memref<1x32x256xf32, #tpu.memory_space<hbm>> -> memref<32x256xf32, #tpu.memory_space<hbm>>
        %dma_start3A_291 = arith.constant 0 : i32
        %dma_start3A_292 = tpu.memref_slice %arg3[%add3A_287, %multiple_of3A, %dma_start3A_291] : memref<50x1024x256xf32, #tpu.memory_space<hbm>> -> memref<1x32x256xf32, #tpu.memory_space<hbm>>
        %dma_start3A_293 = tpu.memref_squeeze %dma_start3A_292 : memref<1x32x256xf32, #tpu.memory_space<hbm>> -> memref<32x256xf32, #tpu.memory_space<hbm>>
        tpu.enqueue_dma source(%dma_start3A_293 : memref<32x256xf32, #tpu.memory_space<hbm>>) target(%arg26 : memref<32x256xf32, #tpu.memory_space<vmem>>) target_semaphore(%arg38 : memref<!tpu.dma_semaphore, #tpu.memory_space<semaphore_mem>>)
      } else {
      }
      %ge3A_245 = arith.constant 2 : i32
      %ge3A_246 = arith.cmpi sge, %add3A_210, %ge3A_245 : i32
      %convert_element_type3A_247 = arith.extui %ge3A_246 : i1 to i32
      %cond3A_248 = arith.constant 0 : i32
      %cond3A_249 = arith.cmpi ne, %convert_element_type3A_247, %cond3A_248 : i32
      scf.if %cond3A_249 {
        %sub3A_262 = arith.constant 2 : i32
        %sub3A_263 = arith.subi %add3A_210, %sub3A_262 : i32
        %mul3A_264 = arith.constant 1024 : i32
        %mul3A_265 = arith.muli %sub3A_263, %mul3A_264 : i32
        %add3A_266 = arith.addi %mul3A_265, %multiple_of3A : i32
        %multiple_of3A_267 = tpu.assume_multiple %add3A_266, 8 : i32
        %dma_wait3A_268 = arith.constant 0 : i32
        %dma_wait3A_269 = tpu.memref_slice %arg10[%multiple_of3A_267, %dma_wait3A_268] : memref<52224x384xf32, #tpu.memory_space<hbm>> -> memref<32x384xf32, #tpu.memory_space<hbm>>
        %dma_wait3A_270 = arith.constant 0 : i32
        %dma_wait3A_271 = tpu.memref_slice %arg10[%multiple_of3A_267, %dma_wait3A_270] : memref<52224x384xf32, #tpu.memory_space<hbm>> -> memref<32x384xf32, #tpu.memory_space<hbm>>
        tpu.wait_dma2 semaphore(%arg41 : memref<!tpu.dma_semaphore, #tpu.memory_space<semaphore_mem>>) src(%arg29 : memref<32x384xf32, #tpu.memory_space<vmem>>) dst(%dma_wait3A_271 : memref<32x384xf32, #tpu.memory_space<hbm>>)
      } else {
      }
      %broadcast_in_dim3A_250 = vector.broadcast %add3A_210 : i32 to vector<16xi32>
      %parallel_loop3A_251 = arith.constant 0 : i32
      %parallel_loop3A_252 = arith.constant 32 : i32
      %parallel_loop3A_253 = arith.constant 1 : i32
      scf.for %parallel_loop3A_262 = %parallel_loop3A_251 to %parallel_loop3A_252 step %parallel_loop3A_253  : i32 {
        %parallel_loop3A_263 = arith.index_cast %parallel_loop3A_262 : i32 to index
        %parallel_loop3A_264 = arith.constant 0 : index
        %parallel_loop3A_265 = tpu.vector_load %arg15[%parallel_loop3A_263, %parallel_loop3A_264] {strides = array<i32>} : memref<32x16xi32, #tpu.memory_space<vmem>>, vector<1x16xi32>,
        %parallel_loop3A_266 = vector.shape_cast %parallel_loop3A_265 : vector<1x16xi32> to vector<16xi32>
        %parallel_loop3A_267 = arith.cmpi slt, %broadcast_in_dim3A_250, %parallel_loop3A_266 : vector<16xi32>
        %parallel_loop3A_268 = arith.index_cast %parallel_loop3A_262 : i32 to index
        %parallel_loop3A_269 = arith.constant 0 : index
        %parallel_loop3A_270 = tpu.vector_load %arg23[%parallel_loop3A_268, %parallel_loop3A_269] {strides = array<i32>} : memref<32x128xf32, #tpu.memory_space<vmem>>, vector<1x16xf32>,
        %parallel_loop3A_271 = vector.shape_cast %parallel_loop3A_270 : vector<1x16xf32> to vector<16xf32>
        %parallel_loop3A_272 = arith.index_cast %parallel_loop3A_262 : i32 to index
        %parallel_loop3A_273 = arith.constant 0 : index
        %parallel_loop3A_274 = tpu.vector_load %arg25[%parallel_loop3A_272, %parallel_loop3A_273] {strides = array<i32>} : memref<32x128xf32, #tpu.memory_space<vmem>>, vector<1x16xf32>,
        %parallel_loop3A_275 = vector.shape_cast %parallel_loop3A_274 : vector<1x16xf32> to vector<16xf32>
        %parallel_loop3A_276 = arith.addf %parallel_loop3A_271, %parallel_loop3A_275 : vector<16xf32>
        %parallel_loop3A_277 = arith.select %parallel_loop3A_267, %parallel_loop3A_276, %broadcast_in_dim3A_24 : vector<16xi1>, vector<16xf32>
        %parallel_loop3A_278 = arith.index_cast %parallel_loop3A_262 : i32 to index
        %parallel_loop3A_279 = arith.constant 0 : index
        %parallel_loop3A_280 = tpu.vector_load %arg29[%parallel_loop3A_278, %parallel_loop3A_279] {strides = array<i32>} : memref<32x384xf32, #tpu.memory_space<vmem>>, vector<1x16xf32>,
        %parallel_loop3A_281 = vector.shape_cast %parallel_loop3A_280 : vector<1x16xf32> to vector<16xf32>
        %parallel_loop3A_282 = vector.shape_cast %parallel_loop3A_277 : vector<16xf32> to vector<1x16xf32>
        tpu.vector_store %arg29[%parallel_loop3A_278, %parallel_loop3A_279], %parallel_loop3A_282 {strides = array<i32>} : memref<32x384xf32, #tpu.memory_space<vmem>>, vector<1x16xf32>,
        %parallel_loop3A_283 = arith.index_cast %parallel_loop3A_262 : i32 to index
        %parallel_loop3A_284 = arith.constant 16 : index
        %parallel_loop3A_285 = tpu.vector_load %arg23[%parallel_loop3A_283, %parallel_loop3A_284] {strides = array<i32>} : memref<32x128xf32, #tpu.memory_space<vmem>>, vector<1x16xf32>,
        %parallel_loop3A_286 = vector.shape_cast %parallel_loop3A_285 : vector<1x16xf32> to vector<16xf32>
        %parallel_loop3A_287 = arith.index_cast %parallel_loop3A_262 : i32 to index
        %parallel_loop3A_288 = arith.constant 16 : index
        %parallel_loop3A_289 = tpu.vector_load %arg25[%parallel_loop3A_287, %parallel_loop3A_288] {strides = array<i32>} : memref<32x128xf32, #tpu.memory_space<vmem>>, vector<1x16xf32>,
        %parallel_loop3A_290 = vector.shape_cast %parallel_loop3A_289 : vector<1x16xf32> to vector<16xf32>
        %parallel_loop3A_291 = arith.addf %parallel_loop3A_286, %parallel_loop3A_290 : vector<16xf32>
        %parallel_loop3A_292 = arith.select %parallel_loop3A_267, %parallel_loop3A_291, %broadcast_in_dim3A_24 : vector<16xi1>, vector<16xf32>
        %parallel_loop3A_293 = arith.index_cast %parallel_loop3A_262 : i32 to index
        %parallel_loop3A_294 = arith.constant 16 : index
        %parallel_loop3A_295 = tpu.vector_load %arg29[%parallel_loop3A_293, %parallel_loop3A_294] {strides = array<i32>} : memref<32x384xf32, #tpu.memory_space<vmem>>, vector<1x16xf32>,
        %parallel_loop3A_296 = vector.shape_cast %parallel_loop3A_295 : vector<1x16xf32> to vector<16xf32>
        %parallel_loop3A_297 = vector.shape_cast %parallel_loop3A_292 : vector<16xf32> to vector<1x16xf32>
        tpu.vector_store %arg29[%parallel_loop3A_293, %parallel_loop3A_294], %parallel_loop3A_297 {strides = array<i32>} : memref<32x384xf32, #tpu.memory_space<vmem>>, vector<1x16xf32>,
        %parallel_loop3A_298 = arith.index_cast %parallel_loop3A_262 : i32 to index
        %parallel_loop3A_299 = arith.constant 32 : index
        %parallel_loop3A_300 = tpu.vector_load %arg23[%parallel_loop3A_298, %parallel_loop3A_299] {strides = array<i32>} : memref<32x128xf32, #tpu.memory_space<vmem>>, vector<1x16xf32>,
        %parallel_loop3A_301 = vector.shape_cast %parallel_loop3A_300 : vector<1x16xf32> to vector<16xf32>
        %parallel_loop3A_302 = arith.index_cast %parallel_loop3A_262 : i32 to index
        %parallel_loop3A_303 = arith.constant 32 : index
        %parallel_loop3A_304 = tpu.vector_load %arg25[%parallel_loop3A_302, %parallel_loop3A_303] {strides = array<i32>} : memref<32x128xf32, #tpu.memory_space<vmem>>, vector<1x16xf32>,
        %parallel_loop3A_305 = vector.shape_cast %parallel_loop3A_304 : vector<1x16xf32> to vector<16xf32>
        %parallel_loop3A_306 = arith.addf %parallel_loop3A_301, %parallel_loop3A_305 : vector<16xf32>
        %parallel_loop3A_307 = arith.select %parallel_loop3A_267, %parallel_loop3A_306, %broadcast_in_dim3A_24 : vector<16xi1>, vector<16xf32>
        %parallel_loop3A_308 = arith.index_cast %parallel_loop3A_262 : i32 to index
        %parallel_loop3A_309 = arith.constant 32 : index
        %parallel_loop3A_310 = tpu.vector_load %arg29[%parallel_loop3A_308, %parallel_loop3A_309] {strides = array<i32>} : memref<32x384xf32, #tpu.memory_space<vmem>>, vector<1x16xf32>,
        %parallel_loop3A_311 = vector.shape_cast %parallel_loop3A_310 : vector<1x16xf32> to vector<16xf32>
        %parallel_loop3A_312 = vector.shape_cast %parallel_loop3A_307 : vector<16xf32> to vector<1x16xf32>
        tpu.vector_store %arg29[%parallel_loop3A_308, %parallel_loop3A_309], %parallel_loop3A_312 {strides = array<i32>} : memref<32x384xf32, #tpu.memory_space<vmem>>, vector<1x16xf32>,
        %parallel_loop3A_313 = arith.index_cast %parallel_loop3A_262 : i32 to index
        %parallel_loop3A_314 = arith.constant 48 : index
        %parallel_loop3A_315 = tpu.vector_load %arg23[%parallel_loop3A_313, %parallel_loop3A_314] {strides = array<i32>} : memref<32x128xf32, #tpu.memory_space<vmem>>, vector<1x16xf32>,
        %parallel_loop3A_316 = vector.shape_cast %parallel_loop3A_315 : vector<1x16xf32> to vector<16xf32>
        %parallel_loop3A_317 = arith.index_cast %parallel_loop3A_262 : i32 to index
        %parallel_loop3A_318 = arith.constant 48 : index
        %parallel_loop3A_319 = tpu.vector_load %arg25[%parallel_loop3A_317, %parallel_loop3A_318] {strides = array<i32>} : memref<32x128xf32, #tpu.memory_space<vmem>>, vector<1x16xf32>,
        %parallel_loop3A_320 = vector.shape_cast %parallel_loop3A_319 : vector<1x16xf32> to vector<16xf32>
        %parallel_loop3A_321 = arith.addf %parallel_loop3A_316, %parallel_loop3A_320 : vector<16xf32>
        %parallel_loop3A_322 = arith.select %parallel_loop3A_267, %parallel_loop3A_321, %broadcast_in_dim3A_24 : vector<16xi1>, vector<16xf32>
        %parallel_loop3A_323 = arith.index_cast %parallel_loop3A_262 : i32 to index
        %parallel_loop3A_324 = arith.constant 48 : index
        %parallel_loop3A_325 = tpu.vector_load %arg29[%parallel_loop3A_323, %parallel_loop3A_324] {strides = array<i32>} : memref<32x384xf32, #tpu.memory_space<vmem>>, vector<1x16xf32>,
        %parallel_loop3A_326 = vector.shape_cast %parallel_loop3A_325 : vector<1x16xf32> to vector<16xf32>
        %parallel_loop3A_327 = vector.shape_cast %parallel_loop3A_322 : vector<16xf32> to vector<1x16xf32>
        tpu.vector_store %arg29[%parallel_loop3A_323, %parallel_loop3A_324], %parallel_loop3A_327 {strides = array<i32>} : memref<32x384xf32, #tpu.memory_space<vmem>>, vector<1x16xf32>,
        %parallel_loop3A_328 = arith.index_cast %parallel_loop3A_262 : i32 to index
        %parallel_loop3A_329 = arith.constant 64 : index
        %parallel_loop3A_330 = tpu.vector_load %arg23[%parallel_loop3A_328, %parallel_loop3A_329] {strides = array<i32>} : memref<32x128xf32, #tpu.memory_space<vmem>>, vector<1x16xf32>,
        %parallel_loop3A_331 = vector.shape_cast %parallel_loop3A_330 : vector<1x16xf32> to vector<16xf32>
        %parallel_loop3A_332 = arith.index_cast %parallel_loop3A_262 : i32 to index
        %parallel_loop3A_333 = arith.constant 64 : index
        %parallel_loop3A_334 = tpu.vector_load %arg25[%parallel_loop3A_332, %parallel_loop3A_333] {strides = array<i32>} : memref<32x128xf32, #tpu.memory_space<vmem>>, vector<1x16xf32>,
        %parallel_loop3A_335 = vector.shape_cast %parallel_loop3A_334 : vector<1x16xf32> to vector<16xf32>
        %parallel_loop3A_336 = arith.addf %parallel_loop3A_331, %parallel_loop3A_335 : vector<16xf32>
        %parallel_loop3A_337 = arith.select %parallel_loop3A_267, %parallel_loop3A_336, %broadcast_in_dim3A_24 : vector<16xi1>, vector<16xf32>
        %parallel_loop3A_338 = arith.index_cast %parallel_loop3A_262 : i32 to index
        %parallel_loop3A_339 = arith.constant 64 : index
        %parallel_loop3A_340 = tpu.vector_load %arg29[%parallel_loop3A_338, %parallel_loop3A_339] {strides = array<i32>} : memref<32x384xf32, #tpu.memory_space<vmem>>, vector<1x16xf32>,
        %parallel_loop3A_341 = vector.shape_cast %parallel_loop3A_340 : vector<1x16xf32> to vector<16xf32>
        %parallel_loop3A_342 = vector.shape_cast %parallel_loop3A_337 : vector<16xf32> to vector<1x16xf32>
        tpu.vector_store %arg29[%parallel_loop3A_338, %parallel_loop3A_339], %parallel_loop3A_342 {strides = array<i32>} : memref<32x384xf32, #tpu.memory_space<vmem>>, vector<1x16xf32>,
        %parallel_loop3A_343 = arith.index_cast %parallel_loop3A_262 : i32 to index
        %parallel_loop3A_344 = arith.constant 80 : index
        %parallel_loop3A_345 = tpu.vector_load %arg23[%parallel_loop3A_343, %parallel_loop3A_344] {strides = array<i32>} : memref<32x128xf32, #tpu.memory_space<vmem>>, vector<1x16xf32>,
        %parallel_loop3A_346 = vector.shape_cast %parallel_loop3A_345 : vector<1x16xf32> to vector<16xf32>
        %parallel_loop3A_347 = arith.index_cast %parallel_loop3A_262 : i32 to index
        %parallel_loop3A_348 = arith.constant 80 : index
        %parallel_loop3A_349 = tpu.vector_load %arg25[%parallel_loop3A_347, %parallel_loop3A_348] {strides = array<i32>} : memref<32x128xf32, #tpu.memory_space<vmem>>, vector<1x16xf32>,
        %parallel_loop3A_350 = vector.shape_cast %parallel_loop3A_349 : vector<1x16xf32> to vector<16xf32>
        %parallel_loop3A_351 = arith.addf %parallel_loop3A_346, %parallel_loop3A_350 : vector<16xf32>
        %parallel_loop3A_352 = arith.select %parallel_loop3A_267, %parallel_loop3A_351, %broadcast_in_dim3A_24 : vector<16xi1>, vector<16xf32>
        %parallel_loop3A_353 = arith.index_cast %parallel_loop3A_262 : i32 to index
        %parallel_loop3A_354 = arith.constant 80 : index
        %parallel_loop3A_355 = tpu.vector_load %arg29[%parallel_loop3A_353, %parallel_loop3A_354] {strides = array<i32>} : memref<32x384xf32, #tpu.memory_space<vmem>>, vector<1x16xf32>,
        %parallel_loop3A_356 = vector.shape_cast %parallel_loop3A_355 : vector<1x16xf32> to vector<16xf32>
        %parallel_loop3A_357 = vector.shape_cast %parallel_loop3A_352 : vector<16xf32> to vector<1x16xf32>
        tpu.vector_store %arg29[%parallel_loop3A_353, %parallel_loop3A_354], %parallel_loop3A_357 {strides = array<i32>} : memref<32x384xf32, #tpu.memory_space<vmem>>, vector<1x16xf32>,
        %parallel_loop3A_358 = arith.index_cast %parallel_loop3A_262 : i32 to index
        %parallel_loop3A_359 = arith.constant 96 : index
        %parallel_loop3A_360 = tpu.vector_load %arg23[%parallel_loop3A_358, %parallel_loop3A_359] {strides = array<i32>} : memref<32x128xf32, #tpu.memory_space<vmem>>, vector<1x16xf32>,
        %parallel_loop3A_361 = vector.shape_cast %parallel_loop3A_360 : vector<1x16xf32> to vector<16xf32>
        %parallel_loop3A_362 = arith.index_cast %parallel_loop3A_262 : i32 to index
        %parallel_loop3A_363 = arith.constant 96 : index
        %parallel_loop3A_364 = tpu.vector_load %arg25[%parallel_loop3A_362, %parallel_loop3A_363] {strides = array<i32>} : memref<32x128xf32, #tpu.memory_space<vmem>>, vector<1x16xf32>,
        %parallel_loop3A_365 = vector.shape_cast %parallel_loop3A_364 : vector<1x16xf32> to vector<16xf32>
        %parallel_loop3A_366 = arith.addf %parallel_loop3A_361, %parallel_loop3A_365 : vector<16xf32>
        %parallel_loop3A_367 = arith.select %parallel_loop3A_267, %parallel_loop3A_366, %broadcast_in_dim3A_24 : vector<16xi1>, vector<16xf32>
        %parallel_loop3A_368 = arith.index_cast %parallel_loop3A_262 : i32 to index
        %parallel_loop3A_369 = arith.constant 96 : index
        %parallel_loop3A_370 = tpu.vector_load %arg29[%parallel_loop3A_368, %parallel_loop3A_369] {strides = array<i32>} : memref<32x384xf32, #tpu.memory_space<vmem>>, vector<1x16xf32>,
        %parallel_loop3A_371 = vector.shape_cast %parallel_loop3A_370 : vector<1x16xf32> to vector<16xf32>
        %parallel_loop3A_372 = vector.shape_cast %parallel_loop3A_367 : vector<16xf32> to vector<1x16xf32>
        tpu.vector_store %arg29[%parallel_loop3A_368, %parallel_loop3A_369], %parallel_loop3A_372 {strides = array<i32>} : memref<32x384xf32, #tpu.memory_space<vmem>>, vector<1x16xf32>,
        %parallel_loop3A_373 = arith.index_cast %parallel_loop3A_262 : i32 to index
        %parallel_loop3A_374 = arith.constant 112 : index
        %parallel_loop3A_375 = tpu.vector_load %arg23[%parallel_loop3A_373, %parallel_loop3A_374] {strides = array<i32>} : memref<32x128xf32, #tpu.memory_space<vmem>>, vector<1x16xf32>,
        %parallel_loop3A_376 = vector.shape_cast %parallel_loop3A_375 : vector<1x16xf32> to vector<16xf32>
        %parallel_loop3A_377 = arith.index_cast %parallel_loop3A_262 : i32 to index
        %parallel_loop3A_378 = arith.constant 112 : index
        %parallel_loop3A_379 = tpu.vector_load %arg25[%parallel_loop3A_377, %parallel_loop3A_378] {strides = array<i32>} : memref<32x128xf32, #tpu.memory_space<vmem>>, vector<1x16xf32>,
        %parallel_loop3A_380 = vector.shape_cast %parallel_loop3A_379 : vector<1x16xf32> to vector<16xf32>
        %parallel_loop3A_381 = arith.addf %parallel_loop3A_376, %parallel_loop3A_380 : vector<16xf32>
        %parallel_loop3A_382 = arith.select %parallel_loop3A_267, %parallel_loop3A_381, %broadcast_in_dim3A_24 : vector<16xi1>, vector<16xf32>
        %parallel_loop3A_383 = arith.index_cast %parallel_loop3A_262 : i32 to index
        %parallel_loop3A_384 = arith.constant 112 : index
        %parallel_loop3A_385 = tpu.vector_load %arg29[%parallel_loop3A_383, %parallel_loop3A_384] {strides = array<i32>} : memref<32x384xf32, #tpu.memory_space<vmem>>, vector<1x16xf32>,
        %parallel_loop3A_386 = vector.shape_cast %parallel_loop3A_385 : vector<1x16xf32> to vector<16xf32>
        %parallel_loop3A_387 = vector.shape_cast %parallel_loop3A_382 : vector<16xf32> to vector<1x16xf32>
        tpu.vector_store %arg29[%parallel_loop3A_383, %parallel_loop3A_384], %parallel_loop3A_387 {strides = array<i32>} : memref<32x384xf32, #tpu.memory_space<vmem>>, vector<1x16xf32>,
        %parallel_loop3A_388 = arith.index_cast %parallel_loop3A_262 : i32 to index
        %parallel_loop3A_389 = arith.constant 0 : index
        %parallel_loop3A_390 = tpu.vector_load %arg27[%parallel_loop3A_388, %parallel_loop3A_389] {strides = array<i32>} : memref<32x256xf32, #tpu.memory_space<vmem>>, vector<1x16xf32>,
        %parallel_loop3A_391 = vector.shape_cast %parallel_loop3A_390 : vector<1x16xf32> to vector<16xf32>
        %parallel_loop3A_392 = arith.select %parallel_loop3A_267, %parallel_loop3A_391, %broadcast_in_dim3A_24 : vector<16xi1>, vector<16xf32>
        %parallel_loop3A_393 = arith.index_cast %parallel_loop3A_262 : i32 to index
        %parallel_loop3A_394 = arith.constant 128 : index
        %parallel_loop3A_395 = tpu.vector_load %arg29[%parallel_loop3A_393, %parallel_loop3A_394] {strides = array<i32>} : memref<32x384xf32, #tpu.memory_space<vmem>>, vector<1x16xf32>,
        %parallel_loop3A_396 = vector.shape_cast %parallel_loop3A_395 : vector<1x16xf32> to vector<16xf32>
        %parallel_loop3A_397 = vector.shape_cast %parallel_loop3A_392 : vector<16xf32> to vector<1x16xf32>
        tpu.vector_store %arg29[%parallel_loop3A_393, %parallel_loop3A_394], %parallel_loop3A_397 {strides = array<i32>} : memref<32x384xf32, #tpu.memory_space<vmem>>, vector<1x16xf32>,
        %parallel_loop3A_398 = arith.index_cast %parallel_loop3A_262 : i32 to index
        %parallel_loop3A_399 = arith.constant 16 : index
        %parallel_loop3A_400 = tpu.vector_load %arg27[%parallel_loop3A_398, %parallel_loop3A_399] {strides = array<i32>} : memref<32x256xf32, #tpu.memory_space<vmem>>, vector<1x16xf32>,
        %parallel_loop3A_401 = vector.shape_cast %parallel_loop3A_400 : vector<1x16xf32> to vector<16xf32>
        %parallel_loop3A_402 = arith.select %parallel_loop3A_267, %parallel_loop3A_401, %broadcast_in_dim3A_24 : vector<16xi1>, vector<16xf32>
        %parallel_loop3A_403 = arith.index_cast %parallel_loop3A_262 : i32 to index
        %parallel_loop3A_404 = arith.constant 144 : index
        %parallel_loop3A_405 = tpu.vector_load %arg29[%parallel_loop3A_403, %parallel_loop3A_404] {strides = array<i32>} : memref<32x384xf32, #tpu.memory_space<vmem>>, vector<1x16xf32>,
        %parallel_loop3A_406 = vector.shape_cast %parallel_loop3A_405 : vector<1x16xf32> to vector<16xf32>
        %parallel_loop3A_407 = vector.shape_cast %parallel_loop3A_402 : vector<16xf32> to vector<1x16xf32>
        tpu.vector_store %arg29[%parallel_loop3A_403, %parallel_loop3A_404], %parallel_loop3A_407 {strides = array<i32>} : memref<32x384xf32, #tpu.memory_space<vmem>>, vector<1x16xf32>,
        %parallel_loop3A_408 = arith.index_cast %parallel_loop3A_262 : i32 to index
        %parallel_loop3A_409 = arith.constant 32 : index
        %parallel_loop3A_410 = tpu.vector_load %arg27[%parallel_loop3A_408, %parallel_loop3A_409] {strides = array<i32>} : memref<32x256xf32, #tpu.memory_space<vmem>>, vector<1x16xf32>,
        %parallel_loop3A_411 = vector.shape_cast %parallel_loop3A_410 : vector<1x16xf32> to vector<16xf32>
        %parallel_loop3A_412 = arith.select %parallel_loop3A_267, %parallel_loop3A_411, %broadcast_in_dim3A_24 : vector<16xi1>, vector<16xf32>
        %parallel_loop3A_413 = arith.index_cast %parallel_loop3A_262 : i32 to index
        %parallel_loop3A_414 = arith.constant 160 : index
        %parallel_loop3A_415 = tpu.vector_load %arg29[%parallel_loop3A_413, %parallel_loop3A_414] {strides = array<i32>} : memref<32x384xf32, #tpu.memory_space<vmem>>, vector<1x16xf32>,
        %parallel_loop3A_416 = vector.shape_cast %parallel_loop3A_415 : vector<1x16xf32> to vector<16xf32>
        %parallel_loop3A_417 = vector.shape_cast %parallel_loop3A_412 : vector<16xf32> to vector<1x16xf32>
        tpu.vector_store %arg29[%parallel_loop3A_413, %parallel_loop3A_414], %parallel_loop3A_417 {strides = array<i32>} : memref<32x384xf32, #tpu.memory_space<vmem>>, vector<1x16xf32>,
        %parallel_loop3A_418 = arith.index_cast %parallel_loop3A_262 : i32 to index
        %parallel_loop3A_419 = arith.constant 48 : index
        %parallel_loop3A_420 = tpu.vector_load %arg27[%parallel_loop3A_418, %parallel_loop3A_419] {strides = array<i32>} : memref<32x256xf32, #tpu.memory_space<vmem>>, vector<1x16xf32>,
        %parallel_loop3A_421 = vector.shape_cast %parallel_loop3A_420 : vector<1x16xf32> to vector<16xf32>
        %parallel_loop3A_422 = arith.select %parallel_loop3A_267, %parallel_loop3A_421, %broadcast_in_dim3A_24 : vector<16xi1>, vector<16xf32>
        %parallel_loop3A_423 = arith.index_cast %parallel_loop3A_262 : i32 to index
        %parallel_loop3A_424 = arith.constant 176 : index
        %parallel_loop3A_425 = tpu.vector_load %arg29[%parallel_loop3A_423, %parallel_loop3A_424] {strides = array<i32>} : memref<32x384xf32, #tpu.memory_space<vmem>>, vector<1x16xf32>,
        %parallel_loop3A_426 = vector.shape_cast %parallel_loop3A_425 : vector<1x16xf32> to vector<16xf32>
        %parallel_loop3A_427 = vector.shape_cast %parallel_loop3A_422 : vector<16xf32> to vector<1x16xf32>
        tpu.vector_store %arg29[%parallel_loop3A_423, %parallel_loop3A_424], %parallel_loop3A_427 {strides = array<i32>} : memref<32x384xf32, #tpu.memory_space<vmem>>, vector<1x16xf32>,
        %parallel_loop3A_428 = arith.index_cast %parallel_loop3A_262 : i32 to index
        %parallel_loop3A_429 = arith.constant 64 : index
        %parallel_loop3A_430 = tpu.vector_load %arg27[%parallel_loop3A_428, %parallel_loop3A_429] {strides = array<i32>} : memref<32x256xf32, #tpu.memory_space<vmem>>, vector<1x16xf32>,
        %parallel_loop3A_431 = vector.shape_cast %parallel_loop3A_430 : vector<1x16xf32> to vector<16xf32>
        %parallel_loop3A_432 = arith.select %parallel_loop3A_267, %parallel_loop3A_431, %broadcast_in_dim3A_24 : vector<16xi1>, vector<16xf32>
        %parallel_loop3A_433 = arith.index_cast %parallel_loop3A_262 : i32 to index
        %parallel_loop3A_434 = arith.constant 192 : index
        %parallel_loop3A_435 = tpu.vector_load %arg29[%parallel_loop3A_433, %parallel_loop3A_434] {strides = array<i32>} : memref<32x384xf32, #tpu.memory_space<vmem>>, vector<1x16xf32>,
        %parallel_loop3A_436 = vector.shape_cast %parallel_loop3A_435 : vector<1x16xf32> to vector<16xf32>
        %parallel_loop3A_437 = vector.shape_cast %parallel_loop3A_432 : vector<16xf32> to vector<1x16xf32>
        tpu.vector_store %arg29[%parallel_loop3A_433, %parallel_loop3A_434], %parallel_loop3A_437 {strides = array<i32>} : memref<32x384xf32, #tpu.memory_space<vmem>>, vector<1x16xf32>,
        %parallel_loop3A_438 = arith.index_cast %parallel_loop3A_262 : i32 to index
        %parallel_loop3A_439 = arith.constant 80 : index
        %parallel_loop3A_440 = tpu.vector_load %arg27[%parallel_loop3A_438, %parallel_loop3A_439] {strides = array<i32>} : memref<32x256xf32, #tpu.memory_space<vmem>>, vector<1x16xf32>,
        %parallel_loop3A_441 = vector.shape_cast %parallel_loop3A_440 : vector<1x16xf32> to vector<16xf32>
        %parallel_loop3A_442 = arith.select %parallel_loop3A_267, %parallel_loop3A_441, %broadcast_in_dim3A_24 : vector<16xi1>, vector<16xf32>
        %parallel_loop3A_443 = arith.index_cast %parallel_loop3A_262 : i32 to index
        %parallel_loop3A_444 = arith.constant 208 : index
        %parallel_loop3A_445 = tpu.vector_load %arg29[%parallel_loop3A_443, %parallel_loop3A_444] {strides = array<i32>} : memref<32x384xf32, #tpu.memory_space<vmem>>, vector<1x16xf32>,
        %parallel_loop3A_446 = vector.shape_cast %parallel_loop3A_445 : vector<1x16xf32> to vector<16xf32>
        %parallel_loop3A_447 = vector.shape_cast %parallel_loop3A_442 : vector<16xf32> to vector<1x16xf32>
        tpu.vector_store %arg29[%parallel_loop3A_443, %parallel_loop3A_444], %parallel_loop3A_447 {strides = array<i32>} : memref<32x384xf32, #tpu.memory_space<vmem>>, vector<1x16xf32>,
        %parallel_loop3A_448 = arith.index_cast %parallel_loop3A_262 : i32 to index
        %parallel_loop3A_449 = arith.constant 96 : index
        %parallel_loop3A_450 = tpu.vector_load %arg27[%parallel_loop3A_448, %parallel_loop3A_449] {strides = array<i32>} : memref<32x256xf32, #tpu.memory_space<vmem>>, vector<1x16xf32>,
        %parallel_loop3A_451 = vector.shape_cast %parallel_loop3A_450 : vector<1x16xf32> to vector<16xf32>
        %parallel_loop3A_452 = arith.select %parallel_loop3A_267, %parallel_loop3A_451, %broadcast_in_dim3A_24 : vector<16xi1>, vector<16xf32>
        %parallel_loop3A_453 = arith.index_cast %parallel_loop3A_262 : i32 to index
        %parallel_loop3A_454 = arith.constant 224 : index
        %parallel_loop3A_455 = tpu.vector_load %arg29[%parallel_loop3A_453, %parallel_loop3A_454] {strides = array<i32>} : memref<32x384xf32, #tpu.memory_space<vmem>>, vector<1x16xf32>,
        %parallel_loop3A_456 = vector.shape_cast %parallel_loop3A_455 : vector<1x16xf32> to vector<16xf32>
        %parallel_loop3A_457 = vector.shape_cast %parallel_loop3A_452 : vector<16xf32> to vector<1x16xf32>
        tpu.vector_store %arg29[%parallel_loop3A_453, %parallel_loop3A_454], %parallel_loop3A_457 {strides = array<i32>} : memref<32x384xf32, #tpu.memory_space<vmem>>, vector<1x16xf32>,
        %parallel_loop3A_458 = arith.index_cast %parallel_loop3A_262 : i32 to index
        %parallel_loop3A_459 = arith.constant 112 : index
        %parallel_loop3A_460 = tpu.vector_load %arg27[%parallel_loop3A_458, %parallel_loop3A_459] {strides = array<i32>} : memref<32x256xf32, #tpu.memory_space<vmem>>, vector<1x16xf32>,
        %parallel_loop3A_461 = vector.shape_cast %parallel_loop3A_460 : vector<1x16xf32> to vector<16xf32>
        %parallel_loop3A_462 = arith.select %parallel_loop3A_267, %parallel_loop3A_461, %broadcast_in_dim3A_24 : vector<16xi1>, vector<16xf32>
        %parallel_loop3A_463 = arith.index_cast %parallel_loop3A_262 : i32 to index
        %parallel_loop3A_464 = arith.constant 240 : index
        %parallel_loop3A_465 = tpu.vector_load %arg29[%parallel_loop3A_463, %parallel_loop3A_464] {strides = array<i32>} : memref<32x384xf32, #tpu.memory_space<vmem>>, vector<1x16xf32>,
        %parallel_loop3A_466 = vector.shape_cast %parallel_loop3A_465 : vector<1x16xf32> to vector<16xf32>
        %parallel_loop3A_467 = vector.shape_cast %parallel_loop3A_462 : vector<16xf32> to vector<1x16xf32>
        tpu.vector_store %arg29[%parallel_loop3A_463, %parallel_loop3A_464], %parallel_loop3A_467 {strides = array<i32>} : memref<32x384xf32, #tpu.memory_space<vmem>>, vector<1x16xf32>,
        %parallel_loop3A_468 = arith.index_cast %parallel_loop3A_262 : i32 to index
        %parallel_loop3A_469 = arith.constant 128 : index
        %parallel_loop3A_470 = tpu.vector_load %arg27[%parallel_loop3A_468, %parallel_loop3A_469] {strides = array<i32>} : memref<32x256xf32, #tpu.memory_space<vmem>>, vector<1x16xf32>,
        %parallel_loop3A_471 = vector.shape_cast %parallel_loop3A_470 : vector<1x16xf32> to vector<16xf32>
        %parallel_loop3A_472 = arith.select %parallel_loop3A_267, %parallel_loop3A_471, %broadcast_in_dim3A_24 : vector<16xi1>, vector<16xf32>
        %parallel_loop3A_473 = arith.index_cast %parallel_loop3A_262 : i32 to index
        %parallel_loop3A_474 = arith.constant 256 : index
        %parallel_loop3A_475 = tpu.vector_load %arg29[%parallel_loop3A_473, %parallel_loop3A_474] {strides = array<i32>} : memref<32x384xf32, #tpu.memory_space<vmem>>, vector<1x16xf32>,
        %parallel_loop3A_476 = vector.shape_cast %parallel_loop3A_475 : vector<1x16xf32> to vector<16xf32>
        %parallel_loop3A_477 = vector.shape_cast %parallel_loop3A_472 : vector<16xf32> to vector<1x16xf32>
        tpu.vector_store %arg29[%parallel_loop3A_473, %parallel_loop3A_474], %parallel_loop3A_477 {strides = array<i32>} : memref<32x384xf32, #tpu.memory_space<vmem>>, vector<1x16xf32>,
        %parallel_loop3A_478 = arith.index_cast %parallel_loop3A_262 : i32 to index
        %parallel_loop3A_479 = arith.constant 144 : index
        %parallel_loop3A_480 = tpu.vector_load %arg27[%parallel_loop3A_478, %parallel_loop3A_479] {strides = array<i32>} : memref<32x256xf32, #tpu.memory_space<vmem>>, vector<1x16xf32>,
        %parallel_loop3A_481 = vector.shape_cast %parallel_loop3A_480 : vector<1x16xf32> to vector<16xf32>
        %parallel_loop3A_482 = arith.select %parallel_loop3A_267, %parallel_loop3A_481, %broadcast_in_dim3A_24 : vector<16xi1>, vector<16xf32>
        %parallel_loop3A_483 = arith.index_cast %parallel_loop3A_262 : i32 to index
        %parallel_loop3A_484 = arith.constant 272 : index
        %parallel_loop3A_485 = tpu.vector_load %arg29[%parallel_loop3A_483, %parallel_loop3A_484] {strides = array<i32>} : memref<32x384xf32, #tpu.memory_space<vmem>>, vector<1x16xf32>,
        %parallel_loop3A_486 = vector.shape_cast %parallel_loop3A_485 : vector<1x16xf32> to vector<16xf32>
        %parallel_loop3A_487 = vector.shape_cast %parallel_loop3A_482 : vector<16xf32> to vector<1x16xf32>
        tpu.vector_store %arg29[%parallel_loop3A_483, %parallel_loop3A_484], %parallel_loop3A_487 {strides = array<i32>} : memref<32x384xf32, #tpu.memory_space<vmem>>, vector<1x16xf32>,
        %parallel_loop3A_488 = arith.index_cast %parallel_loop3A_262 : i32 to index
        %parallel_loop3A_489 = arith.constant 160 : index
        %parallel_loop3A_490 = tpu.vector_load %arg27[%parallel_loop3A_488, %parallel_loop3A_489] {strides = array<i32>} : memref<32x256xf32, #tpu.memory_space<vmem>>, vector<1x16xf32>,
        %parallel_loop3A_491 = vector.shape_cast %parallel_loop3A_490 : vector<1x16xf32> to vector<16xf32>
        %parallel_loop3A_492 = arith.select %parallel_loop3A_267, %parallel_loop3A_491, %broadcast_in_dim3A_24 : vector<16xi1>, vector<16xf32>
        %parallel_loop3A_493 = arith.index_cast %parallel_loop3A_262 : i32 to index
        %parallel_loop3A_494 = arith.constant 288 : index
        %parallel_loop3A_495 = tpu.vector_load %arg29[%parallel_loop3A_493, %parallel_loop3A_494] {strides = array<i32>} : memref<32x384xf32, #tpu.memory_space<vmem>>, vector<1x16xf32>,
        %parallel_loop3A_496 = vector.shape_cast %parallel_loop3A_495 : vector<1x16xf32> to vector<16xf32>
        %parallel_loop3A_497 = vector.shape_cast %parallel_loop3A_492 : vector<16xf32> to vector<1x16xf32>
        tpu.vector_store %arg29[%parallel_loop3A_493, %parallel_loop3A_494], %parallel_loop3A_497 {strides = array<i32>} : memref<32x384xf32, #tpu.memory_space<vmem>>, vector<1x16xf32>,
        %parallel_loop3A_498 = arith.index_cast %parallel_loop3A_262 : i32 to index
        %parallel_loop3A_499 = arith.constant 176 : index
        %parallel_loop3A_500 = tpu.vector_load %arg27[%parallel_loop3A_498, %parallel_loop3A_499] {strides = array<i32>} : memref<32x256xf32, #tpu.memory_space<vmem>>, vector<1x16xf32>,
        %parallel_loop3A_501 = vector.shape_cast %parallel_loop3A_500 : vector<1x16xf32> to vector<16xf32>
        %parallel_loop3A_502 = arith.select %parallel_loop3A_267, %parallel_loop3A_501, %broadcast_in_dim3A_24 : vector<16xi1>, vector<16xf32>
        %parallel_loop3A_503 = arith.index_cast %parallel_loop3A_262 : i32 to index
        %parallel_loop3A_504 = arith.constant 304 : index
        %parallel_loop3A_505 = tpu.vector_load %arg29[%parallel_loop3A_503, %parallel_loop3A_504] {strides = array<i32>} : memref<32x384xf32, #tpu.memory_space<vmem>>, vector<1x16xf32>,
        %parallel_loop3A_506 = vector.shape_cast %parallel_loop3A_505 : vector<1x16xf32> to vector<16xf32>
        %parallel_loop3A_507 = vector.shape_cast %parallel_loop3A_502 : vector<16xf32> to vector<1x16xf32>
        tpu.vector_store %arg29[%parallel_loop3A_503, %parallel_loop3A_504], %parallel_loop3A_507 {strides = array<i32>} : memref<32x384xf32, #tpu.memory_space<vmem>>, vector<1x16xf32>,
        %parallel_loop3A_508 = arith.index_cast %parallel_loop3A_262 : i32 to index
        %parallel_loop3A_509 = arith.constant 192 : index
        %parallel_loop3A_510 = tpu.vector_load %arg27[%parallel_loop3A_508, %parallel_loop3A_509] {strides = array<i32>} : memref<32x256xf32, #tpu.memory_space<vmem>>, vector<1x16xf32>,
        %parallel_loop3A_511 = vector.shape_cast %parallel_loop3A_510 : vector<1x16xf32> to vector<16xf32>
        %parallel_loop3A_512 = arith.select %parallel_loop3A_267, %parallel_loop3A_511, %broadcast_in_dim3A_24 : vector<16xi1>, vector<16xf32>
        %parallel_loop3A_513 = arith.index_cast %parallel_loop3A_262 : i32 to index
        %parallel_loop3A_514 = arith.constant 320 : index
        %parallel_loop3A_515 = tpu.vector_load %arg29[%parallel_loop3A_513, %parallel_loop3A_514] {strides = array<i32>} : memref<32x384xf32, #tpu.memory_space<vmem>>, vector<1x16xf32>,
        %parallel_loop3A_516 = vector.shape_cast %parallel_loop3A_515 : vector<1x16xf32> to vector<16xf32>
        %parallel_loop3A_517 = vector.shape_cast %parallel_loop3A_512 : vector<16xf32> to vector<1x16xf32>
        tpu.vector_store %arg29[%parallel_loop3A_513, %parallel_loop3A_514], %parallel_loop3A_517 {strides = array<i32>} : memref<32x384xf32, #tpu.memory_space<vmem>>, vector<1x16xf32>,
        %parallel_loop3A_518 = arith.index_cast %parallel_loop3A_262 : i32 to index
        %parallel_loop3A_519 = arith.constant 208 : index
        %parallel_loop3A_520 = tpu.vector_load %arg27[%parallel_loop3A_518, %parallel_loop3A_519] {strides = array<i32>} : memref<32x256xf32, #tpu.memory_space<vmem>>, vector<1x16xf32>,
        %parallel_loop3A_521 = vector.shape_cast %parallel_loop3A_520 : vector<1x16xf32> to vector<16xf32>
        %parallel_loop3A_522 = arith.select %parallel_loop3A_267, %parallel_loop3A_521, %broadcast_in_dim3A_24 : vector<16xi1>, vector<16xf32>
        %parallel_loop3A_523 = arith.index_cast %parallel_loop3A_262 : i32 to index
        %parallel_loop3A_524 = arith.constant 336 : index
        %parallel_loop3A_525 = tpu.vector_load %arg29[%parallel_loop3A_523, %parallel_loop3A_524] {strides = array<i32>} : memref<32x384xf32, #tpu.memory_space<vmem>>, vector<1x16xf32>,
        %parallel_loop3A_526 = vector.shape_cast %parallel_loop3A_525 : vector<1x16xf32> to vector<16xf32>
        %parallel_loop3A_527 = vector.shape_cast %parallel_loop3A_522 : vector<16xf32> to vector<1x16xf32>
        tpu.vector_store %arg29[%parallel_loop3A_523, %parallel_loop3A_524], %parallel_loop3A_527 {strides = array<i32>} : memref<32x384xf32, #tpu.memory_space<vmem>>, vector<1x16xf32>,
        %parallel_loop3A_528 = arith.index_cast %parallel_loop3A_262 : i32 to index
        %parallel_loop3A_529 = arith.constant 224 : index
        %parallel_loop3A_530 = tpu.vector_load %arg27[%parallel_loop3A_528, %parallel_loop3A_529] {strides = array<i32>} : memref<32x256xf32, #tpu.memory_space<vmem>>, vector<1x16xf32>,
        %parallel_loop3A_531 = vector.shape_cast %parallel_loop3A_530 : vector<1x16xf32> to vector<16xf32>
        %parallel_loop3A_532 = arith.select %parallel_loop3A_267, %parallel_loop3A_531, %broadcast_in_dim3A_24 : vector<16xi1>, vector<16xf32>
        %parallel_loop3A_533 = arith.index_cast %parallel_loop3A_262 : i32 to index
        %parallel_loop3A_534 = arith.constant 352 : index
        %parallel_loop3A_535 = tpu.vector_load %arg29[%parallel_loop3A_533, %parallel_loop3A_534] {strides = array<i32>} : memref<32x384xf32, #tpu.memory_space<vmem>>, vector<1x16xf32>,
        %parallel_loop3A_536 = vector.shape_cast %parallel_loop3A_535 : vector<1x16xf32> to vector<16xf32>
        %parallel_loop3A_537 = vector.shape_cast %parallel_loop3A_532 : vector<16xf32> to vector<1x16xf32>
        tpu.vector_store %arg29[%parallel_loop3A_533, %parallel_loop3A_534], %parallel_loop3A_537 {strides = array<i32>} : memref<32x384xf32, #tpu.memory_space<vmem>>, vector<1x16xf32>,
        %parallel_loop3A_538 = arith.index_cast %parallel_loop3A_262 : i32 to index
        %parallel_loop3A_539 = arith.constant 240 : index
        %parallel_loop3A_540 = tpu.vector_load %arg27[%parallel_loop3A_538, %parallel_loop3A_539] {strides = array<i32>} : memref<32x256xf32, #tpu.memory_space<vmem>>, vector<1x16xf32>,
        %parallel_loop3A_541 = vector.shape_cast %parallel_loop3A_540 : vector<1x16xf32> to vector<16xf32>
        %parallel_loop3A_542 = arith.select %parallel_loop3A_267, %parallel_loop3A_541, %broadcast_in_dim3A_24 : vector<16xi1>, vector<16xf32>
        %parallel_loop3A_543 = arith.index_cast %parallel_loop3A_262 : i32 to index
        %parallel_loop3A_544 = arith.constant 368 : index
        %parallel_loop3A_545 = tpu.vector_load %arg29[%parallel_loop3A_543, %parallel_loop3A_544] {strides = array<i32>} : memref<32x384xf32, #tpu.memory_space<vmem>>, vector<1x16xf32>,
        %parallel_loop3A_546 = vector.shape_cast %parallel_loop3A_545 : vector<1x16xf32> to vector<16xf32>
        %parallel_loop3A_547 = vector.shape_cast %parallel_loop3A_542 : vector<16xf32> to vector<1x16xf32>
        tpu.vector_store %arg29[%parallel_loop3A_543, %parallel_loop3A_544], %parallel_loop3A_547 {strides = array<i32>} : memref<32x384xf32, #tpu.memory_space<vmem>>, vector<1x16xf32>,
      } {sc.loop_unroll_factor = 2 : i64, sc.parallel_access}
      %mul3A_254 = arith.constant 1024 : i32
      %mul3A_255 = arith.muli %add3A_210, %mul3A_254 : i32
      %add3A_256 = arith.addi %mul3A_255, %multiple_of3A : i32
      %multiple_of3A_257 = tpu.assume_multiple %add3A_256, 8 : i32
      %dma_start3A_258 = arith.constant 0 : i32
      %dma_start3A_259 = tpu.memref_slice %arg10[%multiple_of3A_257, %dma_start3A_258] : memref<52224x384xf32, #tpu.memory_space<hbm>> -> memref<32x384xf32, #tpu.memory_space<hbm>>
      %dma_start3A_260 = arith.constant 0 : i32
      %dma_start3A_261 = tpu.memref_slice %arg10[%multiple_of3A_257, %dma_start3A_260] : memref<52224x384xf32, #tpu.memory_space<hbm>> -> memref<32x384xf32, #tpu.memory_space<hbm>>
      tpu.enqueue_dma source(%arg29 : memref<32x384xf32, #tpu.memory_space<vmem>>) target(%dma_start3A_261 : memref<32x384xf32, #tpu.memory_space<hbm>>) target_semaphore(%arg41 : memref<!tpu.dma_semaphore, #tpu.memory_space<semaphore_mem>>)
    }
    %scan3A_126 = arith.constant 25 : i32
    %add3A_127 = arith.constant 49152 : i32
    %add3A_128 = arith.addi %add3A_127, %multiple_of3A : i32
    %multiple_of3A_129 = tpu.assume_multiple %add3A_128, 8 : i32
    %dma_wait3A_130 = arith.constant 0 : i32
    %dma_wait3A_131 = tpu.memref_slice %arg10[%multiple_of3A_129, %dma_wait3A_130] : memref<52224x384xf32, #tpu.memory_space<hbm>> -> memref<32x384xf32, #tpu.memory_space<hbm>>
    %dma_wait3A_132 = arith.constant 0 : i32
    %dma_wait3A_133 = tpu.memref_slice %arg10[%multiple_of3A_129, %dma_wait3A_132] : memref<52224x384xf32, #tpu.memory_space<hbm>> -> memref<32x384xf32, #tpu.memory_space<hbm>>
    tpu.wait_dma2 semaphore(%arg40 : memref<!tpu.dma_semaphore, #tpu.memory_space<semaphore_mem>>) src(%arg28 : memref<32x384xf32, #tpu.memory_space<vmem>>) dst(%dma_wait3A_133 : memref<32x384xf32, #tpu.memory_space<hbm>>)
    %add3A_134 = arith.constant 50176 : i32
    %add3A_135 = arith.addi %add3A_134, %multiple_of3A : i32
    %multiple_of3A_136 = tpu.assume_multiple %add3A_135, 8 : i32
    %dma_wait3A_137 = arith.constant 0 : i32
    %dma_wait3A_138 = tpu.memref_slice %arg10[%multiple_of3A_136, %dma_wait3A_137] : memref<52224x384xf32, #tpu.memory_space<hbm>> -> memref<32x384xf32, #tpu.memory_space<hbm>>
    %dma_wait3A_139 = arith.constant 0 : i32
    %dma_wait3A_140 = tpu.memref_slice %arg10[%multiple_of3A_136, %dma_wait3A_139] : memref<52224x384xf32, #tpu.memory_space<hbm>> -> memref<32x384xf32, #tpu.memory_space<hbm>>
    tpu.wait_dma2 semaphore(%arg41 : memref<!tpu.dma_semaphore, #tpu.memory_space<semaphore_mem>>) src(%arg29 : memref<32x384xf32, #tpu.memory_space<vmem>>) dst(%dma_wait3A_140 : memref<32x384xf32, #tpu.memory_space<hbm>>)
    %add3A_141 = arith.constant 51200 : i32
    %add3A_142 = arith.addi %add3A_141, %multiple_of3A : i32
    %multiple_of3A_143 = tpu.assume_multiple %add3A_142, 8 : i32
    %dma_wait3A_144 = arith.constant 0 : i32
    %dma_wait3A_145 = tpu.memref_slice %arg10[%multiple_of3A_143, %dma_wait3A_144] : memref<52224x384xf32, #tpu.memory_space<hbm>> -> memref<32x384xf32, #tpu.memory_space<hbm>>
    %dma_wait3A_146 = arith.constant 0 : i32
    %dma_wait3A_147 = tpu.memref_slice %arg10[%multiple_of3A_143, %dma_wait3A_146] : memref<52224x384xf32, #tpu.memory_space<hbm>> -> memref<32x384xf32, #tpu.memory_space<hbm>>
    tpu.wait_dma2 semaphore(%arg42 : memref<!tpu.dma_semaphore, #tpu.memory_space<semaphore_mem>>) src(%arg30 : memref<32x384xf32, #tpu.memory_space<vmem>>) dst(%dma_wait3A_147 : memref<32x384xf32, #tpu.memory_space<hbm>>)
    %dma_start3A_148 = arith.constant 0 : i32
    %dma_start3A_149 = arith.constant 0 : i32
    %dma_start3A_150 = tpu.memref_slice %arg10[%dma_start3A_148, %dma_start3A_149] : memref<52224x384xf32, #tpu.memory_space<hbm>> -> memref<52224x384xf32, #tpu.memory_space<hbm>>
    tpu.enqueue_indirect_dma source(%arg17 : memref<32x384xf32, #tpu.memory_space<vmem>>) target(%dma_start3A_150 : memref<52224x384xf32, #tpu.memory_space<hbm>>) offsets(%arg18 : memref<32xi32, #tpu.memory_space<vmem>>) semaphore(%arg43 : memref<!tpu.dma_semaphore, #tpu.memory_space<semaphore_mem>>)
    %dma_wait3A_151 = arith.constant 0 : i32
    %dma_wait3A_152 = arith.constant 0 : i32
    %dma_wait3A_153 = tpu.memref_slice %arg10[%dma_wait3A_151, %dma_wait3A_152] : memref<52224x384xf32, #tpu.memory_space<hbm>> -> memref<52224x384xf32, #tpu.memory_space<hbm>>
    tpu.wait_indirect_dma semaphore(%arg43 : memref<!tpu.dma_semaphore, #tpu.memory_space<semaphore_mem>>) src(%arg17 : memref<32x384xf32, #tpu.memory_space<vmem>>) dst(%dma_wait3A_153 : memref<52224x384xf32, #tpu.memory_space<hbm>>)
    %mul3A_154 = arith.constant 51 : i32
    %mul3A_155 = arith.muli %multiple_of3A, %mul3A_154 : i32
    "tpu.region"() ({
      %run_scoped3A = tpu.sem_alloc : memref<!tpu.dma_semaphore, #tpu.memory_space<semaphore_mem>>
      %dma_start3A_156 = arith.constant 0 : i32
      %dma_start3A_157 = tpu.memref_slice %arg19[%dma_start3A_156] : memref<1648xf32, #tpu.memory_space<vmem>> -> memref<1632xf32, #tpu.memory_space<vmem>>
      %dma_start3A_158 = tpu.memref_slice %arg11[%mul3A_155] : memref<52224xf32, #tpu.memory_space<hbm>> -> memref<1632xf32, #tpu.memory_space<hbm>>
      %dma_start3A_159 = tpu.memref_slice %arg11[%mul3A_155] : memref<52224xf32, #tpu.memory_space<hbm>> -> memref<1632xf32, #tpu.memory_space<hbm>>
      %dma_start3A_160 = arith.constant 0 : i32
      %dma_start3A_161 = tpu.memref_slice %arg19[%dma_start3A_160] : memref<1648xf32, #tpu.memory_space<vmem>> -> memref<1632xf32, #tpu.memory_space<vmem>>
      tpu.enqueue_dma source(%dma_start3A_161 : memref<1632xf32, #tpu.memory_space<vmem>>) target(%dma_start3A_159 : memref<1632xf32, #tpu.memory_space<hbm>>) target_semaphore(%run_scoped3A : memref<!tpu.dma_semaphore, #tpu.memory_space<semaphore_mem>>)
      %dma_wait3A_162 = arith.constant 0 : i32
      %dma_wait3A_163 = tpu.memref_slice %arg19[%dma_wait3A_162] : memref<1648xf32, #tpu.memory_space<vmem>> -> memref<1632xf32, #tpu.memory_space<vmem>>
      %dma_wait3A_164 = tpu.memref_slice %arg11[%mul3A_155] : memref<52224xf32, #tpu.memory_space<hbm>> -> memref<1632xf32, #tpu.memory_space<hbm>>
      %dma_wait3A_165 = tpu.memref_slice %arg11[%mul3A_155] : memref<52224xf32, #tpu.memory_space<hbm>> -> memref<1632xf32, #tpu.memory_space<hbm>>
      %dma_wait3A_166 = arith.constant 0 : i32
      %dma_wait3A_167 = tpu.memref_slice %arg19[%dma_wait3A_166] : memref<1648xf32, #tpu.memory_space<vmem>> -> memref<1632xf32, #tpu.memory_space<vmem>>
      tpu.wait_dma2 semaphore(%run_scoped3A : memref<!tpu.dma_semaphore, #tpu.memory_space<semaphore_mem>>) src(%dma_wait3A_167 : memref<1632xf32, #tpu.memory_space<vmem>>) dst(%dma_wait3A_165 : memref<1632xf32, #tpu.memory_space<hbm>>)
      tpu.yield
    }) : () -> ()
    return
  }
}

</mosaic_0001>

<sc_bundles>
// kernel: _run.3.cloned.1.call-start
scs
__scs_entry_jumppad:
0x0: {  	(pc) =	sbr.rel $0x88, $3  }
0x1: {  	(tag) =	ssettag $0x0;
	lr =	simm.s32 $0x1  }
0x2: {  	[smem:$0x3F99] =	sst lr;
	_ =	strace $0xD0000000  }
0x3: {  	_ = 	snop  }
0x4: {  	_ = 	snop  }
0x5: {  	_ = 	snop  }
0x6: {  	_ = 	snop  }
0x7: {  	_ = 	snop  }
__scs_overlays_trampoline_lowered:
0x8: {  	[smem:$0x3FA8] =	sst s0  }
0x9: {  	[smem:$0x3FA9] =	sst s1  }
0xa: {  	[smem:$0x3FAA] =	sst s2  }
0xb: {  	[smem:$0x3FAB] =	sst s3  }
0xc: {  	[smem:$0x3FAC] =	sst s4  }
0xd: {  	[smem:$0x3FAD] =	sst s5  }
0xe: {  	[smem:$0x3FAE] =	sst s6  }
0xf: {  	[smem:$0x3FAF] =	sst s7  }
0x10: {  	[smem:$0x3FB0] =	sst s8  }
0x11: {  	[smem:$0x3FB1] =	sst s9;
	s0 =	simm.s32 @!p0 $0x0  }
0x12: {  	s1 =	sld [smem:$0x3F97];
	s0 =	simm.s32 @p0 $0x1  }
0x13: {  	[smem:$0x3FB2] =	sst s0;
	s0 =	simm.s32 @!p1 $0x0  }
0x14: {  	s2 =	sld [smem:$0x3F96];
	s0 =	simm.s32 @p1 $0x1  }
0x15: {  	[smem:$0x3FB3] =	sst s0;
	s0 =	simm.s32 @!p2 $0x0  }
0x16: {  	s3 =	sld [smem:$0x3FDB];
	s0 =	simm.s32 @p2 $0x1  }
0x17: {  	s4 =	simm.s32 $0x1BF5;
	[smem:$0x3FB5] =	sst s0  }
0x18: {  	s0 =	sld [smem:$0x3F98];
	_ =	swait.ge [sflag:s4], $0x0  }
0x19: {  	s7 =	sld [smem:$0x3F99]  }
0x1a: {  	s8 =	sadd.s32 $0xFFFFE003, lr  }
0x1b: {  	s9 =	sadd.s32 $0xFFFFFEF7, lr;
	s5 =	simm.s32 $0xFFFFFFFF;
	p2 =	slt.u32 s8, $0xFFFFF086  }
0x1c: {  	p1 =	slt.u32 s9, $0xF7A;
	s5 =	simm.s32 @!p2 $0x0  }
0x1d: {  	s5 =	simm.s32 @p1 $0x1;
	p0 =	seq.s32 s7, s2  }
0x1e: {  	s7 =	smul.u32 @!p0 $0xF7A, s2;
	p2 =	seq.s32 @!p0 s5, $0x0  }
0x1f: {  	s9 =	smul.u32 $0xF7A, s1;
	s8 =	simm.s32 @!p0 $0x1BF5;
	p2 =	por !p2, p0  }
0x20: {  	[sflag:s8] =	ssyncset.s32 @!p0 $0xFFFFF086;
	s6 =	sadd.s32 @!p0 s3, s7;
	s7 =	simm.s32 @!p0 $0x108  }
0x21: {  	s3 =	sadd.s32 s3, s9;
	s6 =	sadd.s32 @!p0 $0x88, s6;
	s7 =	simm.s32 @p2 $0x1082  }
0x22: {  	[simem:s7], [sflag:s8] =	dma.local @!p0 [hbm:s6], $0xF7A  }
0x23: {  	s9 =	sor.u32 $0xD0000000, s2;
	s6 =	simm.s32 $0x108;
	_ =	swait.ge @!p0 [sflag:s8], $0x0  }
0x24: {  	s3 =	sadd.s32 $0x88, s3;
	s6 =	simm.s32 @!p1 $0x1082;
	[sflag:s4] =	ssyncset.s32 $0xFFFFF086  }
0x25: {  	[simem:s6], [sflag:s4] =	dma.local [hbm:s3], $0xF7A  }
0x26: {  	[smem:$0x3F99] =	sst s1;
	(tag) =	ssettag s2;
	_ =	strace s9  }
0x27: {  	s1 =	sld [smem:$0x3FA9]  }
0x28: {  	s2 =	sld [smem:$0x3FAA]  }
0x29: {  	s4 =	sld [smem:$0x3FAC]  }
0x2a: {  	p0 =	seq.s32 s5, $0x0;
	s5 =	sld [smem:$0x3FAD]  }
0x2b: {  	s6 =	sld [smem:$0x3FAE]  }
0x2c: {  	s7 =	sld [smem:$0x3FAF]  }
0x2d: {  	s3 =	simm.s32 $0x108;
	s8 =	sld [smem:$0x3FB0]  }
0x2e: {  	s3 =	simm.s32 @!p0 $0x1082;
	s9 =	sld [smem:$0x3FB1]  }
0x2f: {  	lr =	sadd.s32 s0, s3;
	s0 =	sld [smem:$0x3FA8]  }
0x30: {  	s3 =	sld [smem:$0x3FAB]  }
0x31: {  	[smem:$0x3FB4] =	sst s10  }
0x32: {  	s10 =	sld [smem:$0x3FB2];
	_ =	sdelay $0x3  }
0x33: {  	p0 =	seq.s32 s10, $0x1;
	s10 =	sld [smem:$0x3FB4];
	_ =	sdelay $0x3  }
0x34: {  	[smem:$0x3FB4] =	sst s10  }
0x35: {  	s10 =	sld [smem:$0x3FB3];
	_ =	sdelay $0x3  }
0x36: {  	p1 =	seq.s32 s10, $0x1;
	s10 =	sld [smem:$0x3FB4];
	_ =	sdelay $0x3  }
0x37: {  	[smem:$0x3FB4] =	sst s10  }
0x38: {  	s10 =	sld [smem:$0x3FB5]  }
0x39: {  	_ = 	snop;
	(pc) =	sbr.ind lr, $3  }
0x3a: {  	_ = 	snop  }
0x3b: {  	_ = 	snop  }
0x3c: {  	p2 =	seq.s32 s10, $0x1;
	s10 =	sld [smem:$0x3FB4]  }
0x3d: {  	_ =	shalt  }
0x3e: {  	_ =	shalt  }
0x3f: {  	_ =	shalt  }
0x40: {  	_ =	shalt  }
0x41: {  	_ =	shalt  }
0x42: {  	_ =	shalt  }
0x43: {  	_ =	shalt  }
0x44: {  	_ =	shalt  }
0x45: {  	_ =	shalt  }
0x46: {  	_ =	shalt  }
0x47: {  	_ =	shalt  }
0x48: {  	_ =	shalt  }
0x49: {  	_ =	shalt  }
0x4a: {  	_ =	shalt  }
0x4b: {  	_ =	shalt  }
0x4c: {  	_ =	shalt  }
0x4d: {  	_ =	shalt  }
0x4e: {  	_ =	shalt  }
0x4f: {  	_ =	shalt  }
0x50: {  	_ =	shalt  }
0x51: {  	_ =	shalt  }
0x52: {  	_ =	shalt  }
0x53: {  	_ =	shalt  }
0x54: {  	_ =	shalt  }
0x55: {  	_ =	shalt  }
0x56: {  	_ =	shalt  }
0x57: {  	_ =	shalt  }
0x58: {  	_ =	shalt  }
0x59: {  	_ =	shalt  }
0x5a: {  	_ =	shalt  }
0x5b: {  	_ =	shalt  }
0x5c: {  	_ =	shalt  }
0x5d: {  	_ =	shalt  }
0x5e: {  	_ =	shalt  }
0x5f: {  	_ =	shalt  }
0x60: {  	_ =	shalt  }
0x61: {  	_ =	shalt  }
0x62: {  	_ =	shalt  }
0x63: {  	_ =	shalt  }
0x64: {  	_ =	shalt  }
0x65: {  	_ =	shalt  }
0x66: {  	_ =	shalt  }
0x67: {  	_ =	shalt  }
0x68: {  	_ =	shalt  }
0x69: {  	_ =	shalt  }
0x6a: {  	_ =	shalt  }
0x6b: {  	_ =	shalt  }
0x6c: {  	_ =	shalt  }
0x6d: {  	_ =	shalt  }
0x6e: {  	_ =	shalt  }
0x6f: {  	_ =	shalt  }
0x70: {  	_ =	shalt  }
0x71: {  	_ =	shalt  }
0x72: {  	_ =	shalt  }
0x73: {  	_ =	shalt  }
0x74: {  	_ =	shalt  }
0x75: {  	_ =	shalt  }
0x76: {  	_ =	shalt  }
0x77: {  	_ =	shalt  }
0x78: {  	_ =	shalt  }
0x79: {  	_ =	shalt  }
0x7a: {  	_ =	shalt  }
0x7b: {  	_ =	shalt  }
0x7c: {  	_ =	shalt  }
0x7d: {  	_ =	shalt  }
0x7e: {  	_ =	shalt  }
0x7f: {  	_ =	shalt  }
0x80: {  	_ =	shalt  }
0x81: {  	_ =	shalt  }
0x82: {  	_ =	shalt  }
0x83: {  	_ =	shalt  }
0x84: {  	_ =	shalt  }
0x85: {  	_ =	shalt  }
0x86: {  	_ =	shalt  }
0x87: {  	_ =	shalt  }
.Lfunc_end0:
.L_simem_size_0:
called_computation_lowered:
.L_overlay_start_0:
0x88: {  	s2 =	sld [smem:$0x3FD9]  }
0x89: {  	s3 =	sld [smem:$0x3FFE];
	_ =	sdelay $0x1  }
0x8a: {  	s1 =	srdreg.scid  }
0x8b: {  	s0 =	sand.u32 $0x1, s1  }
0x8c: {  	s30 =	sshll.u32 s0, $0xA;
	s2 =	sadd.s32 s3, s2  }
0x8d: {  	s2 =	sadd.s32 s2, s30  }
0x8e: {  	[smem:$0x3FC0] =	sst s2  }
0x8f: {  	_ = 	snop  }
0x90: {  	s2 =	sld [smem:$0x3FC9]  }
0x91: {  	s31 =	sld [smem:$0x3FC8]  }
0x92: {  	s4 =	sld [smem:$0x3FC7]  }
0x93: {  	s5 =	sld [smem:$0x3FC6]  }
0x94: {  	s6 =	sld [smem:$0x3FD0]  }
0x95: {  	s7 =	sld [smem:$0x3FC5]  }
0x96: {  	s8 =	sld [smem:$0x3FC3]  }
0x97: {  	s10 =	simm.s32 $0xA;
	s11 =	simm.s32 $0x10;
	s9 =	sld [smem:$0x3FC2]  }
0x98: {  	[smem:s11], [sflag:s10] =	dma.local [hbm:s6], $0x1  }
0x99: {  	_ =	swait.eq [sflag:s10], $0x1  }
0x9a: {  	[sflag:s10] =	ssyncset.done $0x0  }
0x9b: {  	s16 =	sld [smem:$0x10];
	[sflag:s10] =	ssyncadd.s32 $0xFFFFFFFF  }
0x9c: {  	s17 =	sld [smem:$0x11];
	(tm) =	ssettm $0x1  }
0x9d: {  	s18 =	sld [smem:$0x3FFB];
	_ =	sdelay $0x3  }
0x9e: {  	_ =	strace s18  }
0x9f: {  	s11 =	sld [smem:$0x3FFC];
	_ =	sdelay $0x3  }
0xa0: {  	_ =	strace s11  }
0xa1: {  	s11 =	sld [smem:$0x3FFD];
	_ =	sdelay $0x3  }
0xa2: {  	_ =	strace s11  }
0xa3: {  	_ =	strace $0x8FFFFFFF  }
0xa4: {  	s19 =	sld [smem:$0x3FDB];
	_ =	sdelay $0x1  }
0xa5: {  	s12 =	simm.s32 $_scs_section_size  }
0xa6: {  	s13 =	simm.s32 $_size__tile_overlayer_lowered;
	s14 =	simm.s32 $_tile_overlayer_lowered  }
0xa7: {  	s22 =	simm.s32 $0x1BFF;
	s21 =	sshll.u32 s14, $0x1;
	s11 =	sadd.s32 s12, s19  }
0xa8: {  	s15 =	simm.s32 $0x0;
	s20 =	sshll.u32 s13, $0x1;
	s13 =	sadd.s32 s21, s11  }
0xa9: {  	[timem:s15], [sflag:s22] =	dma.local [hbm:s13], s20  }
0xaa: {  	_ =	swait.ge [sflag:s22], s20  }
0xab: {  	s12 =	ssub.s32 $0x0, s20;
	[sflag:s22] =	ssyncset.done $0x0  }
0xac: {  	[sflag:s22] =	ssyncadd.s32 s12;
	_ =	sdelay $0x1  }
0xad: {  	s23 =	simm.s32 $0x1B8B  }
0xae: {  	_ =	swait.ge [sflag:s23], $0x1  }
0xaf: {  	[sflag:s23] =	ssyncset.done $0x0  }
0xb0: {  	s25 =	simm.s32 $0x1B8E;
	s24 =	sld [smem:$0x3FFE];
	[sflag:s23] =	ssyncadd.s32 $0xFFFFFFFF  }
0xb1: {  	s26 =	simm.s32 $execute0_lowered;
	[smem:$0x3FD2] =	sst s25  }
0xb2: {  	s13 =	sshll.u32 s26, $0x1;
	_ =	strace $0x80000046;
	[dreg:$0x1] =	wrdreg $0xFFFFFFFF  }
0xb3: {  	s28 =	simm.s32 $_size_execute0_lowered;
	s11 =	sadd.s32 s11, s13;
	[dreg:$0x0] =	wrdreg $0x0  }
0xb4: {  	s13 =	sshll.u32 s28, $0x1;
	[dreg:$0x2] =	wrdreg s11  }
0xb5: {  	[dreg:$0x3] =	wrdreg s13  }
0xb6: {  	[dreg:$0x4] =	wrdreg $0xC0  }
0xb7: {  	_ =	task [dreg:s15], $0x5FFFF  }
0xb8: {  	[dreg:$0x1] =	wrdreg $0xFFFFFFFF  }
0xb9: {  	[dreg:$0x0] =	wrdreg $0x60  }
0xba: {  	[dreg:$0x2] =	wrdreg s2  }
0xbb: {  	[dreg:$0x3] =	wrdreg s31  }
0xbc: {  	[dreg:$0x4] =	wrdreg s4  }
0xbd: {  	[dreg:$0x5] =	wrdreg s5  }
0xbe: {  	[dreg:$0x6] =	wrdreg s7  }
0xbf: {  	[dreg:$0x7] =	wrdreg s24  }
0xc0: {  	[dreg:$0x8] =	wrdreg s8  }
0xc1: {  	[dreg:$0x9] =	wrdreg s9  }
0xc2: {  	[dreg:$0xa] =	wrdreg s16  }
0xc3: {  	[dreg:$0xb] =	wrdreg s17  }
0xc4: {  	[dreg:$0xc] =	wrdreg $0x9  }
0xc5: {  	_ =	task.clear_ibuf [dreg:s15], $0xDFFFF;
	_ =	strace $0x90000046  }
0xc6: {  	s29 =	simm.s32 $0x9;
	_ =	strace $0x80000048  }
0xc7: {  	_ =	swait.ge [sflag:s29], $0x1  }
0xc8: {  	[sflag:s29] =	ssyncadd.s32 $0xFFFFFFFF  }
0xc9: {  	_ =	strace $0x90000048  }
0xca: {  	_ =	sfence  }
0xcb: {  	s30 =	sld [smem:$0x0];
	_ =	sdelay $0x2  }
0xcc: {  	s31 =	sshll.u32 s1, $0xD;
	s1 =	sshrl.u32 s1, $0x2  }
0xcd: {  	s3 =	sand.u32 $0x4000, s31;
	s1 =	sadd.s32 s1, s30  }
0xce: {  	s0 =	sor.u32 s3, s0;
	s1 =	sshll.u32 s1, $0x11  }
0xcf: {  	s0 =	sor.u32 s1, s0  }
0xd0: {  	s0 =	sadd.s32 $0x8F2B, s0  }
0xd1: {  	[sflag:s0] =	ssyncadd.remote.s32 $0x1  }
0xd2: {  	_ =	sfence.sel $0xFFFF  }
0xd3: {  	[dreg:$0x0] =	wrdreg $0xFFFFFFFF;
	(pc) =	sbr.abs _section_cstart, $3  }
0xd4: {  	[dreg:$0x1] =	wrdreg $0xFFFFFFFF  }
0xd5: {  	_ =	task.clear_ibuf [dreg:s15], $0x2FFFF;
	_ =	strace $0x9FFFFFFF  }
0xd6: {  	(tm) =	ssettm $0x7FFFFFFF  }
0xd7: {  	_ =	shalt  }
tec
execute0_lowered:
.L_overlay_start_1:
0x0: {  	(tag) =	ssettag $0x1  }
0x1: {  	s12 =	rddreg [dreg:$0x0]  }
0x2: {  	s13 =	rddreg [dreg:$0x1]  }
0x3: {  	s0 =	rddreg [dreg:$0x2]  }
0x4: {  	s1 =	rddreg [dreg:$0x3]  }
0x5: {  	s2 =	rddreg [dreg:$0x4]  }
0x6: {  	s3 =	rddreg [dreg:$0x5]  }
0x7: {  	s14 =	rddreg [dreg:$0x8]  }
0x8: {  	s4 =	rddreg [dreg:$0x9]  }
0x9: {  	s5 =	srdreg.scid;
	s8 =	stileid.u32  }
0xa: {  	s15 =	simm.s32 $0x0;
	s5 =	sand.u32 $0x1, s5;
	s6 =	sshll.u32 s8, $0x1  }
0xb: {  	[smem:$0x7FF] =	sst s15;
	s8 =	sshrl.u32 s8, $0x1;
	s6 =	sor.u32 s5, s6  }
0xc: {  	_ =	strace $0x80000047;
	s10 =	sshll.u32 s8, $0x5;
	s30 =	sshll.u32 s8, $0x8  }
0xd: {  	s9 =	sshll.u32 s8, $0x7;
	s10 =	sadd.s32 s12, s10;
	[dreg:$0xd] =	wrdreg s30  }
0xe: {  	s7 =	sshll.u32 s6, $0x9;
	s12 =	sshll.u32 s6, $0xD;
	[dreg:$0xc] =	wrdreg s10  }
0xf: {  	s16 =	sshll.u32 s6, $0x5;
	s30 =	sor.u32 $0x1800, s30;
	[dreg:$0x11] =	wrdreg s12  }
0x10: {  	s17 =	sshll.u32 s6, $0x4;
	s18 =	sshll.u32 s6, $0xA;
	[dreg:$0x1c] =	wrdreg s30  }
0x11: {  	s19 =	smul.u32 $0x600, s6;
	s31 =	sadd.s32 $0x100, s10;
	[dreg:$0xb] =	wrdreg s16  }
0x12: {  	s22 =	sshll.u32 s6, $0x2;
	s0 =	sadd.s32 s0, s17;
	[dreg:$0xe] =	wrdreg s31  }
0x13: {  	s23 =	smul.u32 $0xCC, s6;
	s20 =	sadd.s32 s13, s18;
	[dreg:$0x12] =	wrdreg s0  }
0x14: {  	s3 =	sadd.s32 s7, s3;
	s1 =	sadd.s32 s1, s18;
	[dreg:$0x13] =	wrdreg s20  }
0x15: {  	s9 =	ssub.s32 s16, s9;
	[dreg:$0x14] =	wrdreg s1;
	s21 =	sadd.s32 $0x600, s3  }
0x16: {  	s11 =	sand.u32 $0x60, s16;
	s1 =	sadd.s32 s2, s22;
	[dreg:$0x15] =	wrdreg s21  }
0x17: {  	s9 =	sand.u32 $0xFFFFFF80, s9;
	s25 =	sadd.s32 s4, s23;
	[dreg:$0x16] =	wrdreg s1  }
0x18: {  	s0 =	sadd.s32 s19, s14;
	s31 =	sadd.s32 $0x100, s14;
	[dreg:$0x18] =	wrdreg s25  }
0x19: {  	s29 =	sor.u32 s11, s9;
	s0 =	sadd.s32 $0x258000, s0;
	[dreg:$0x1d] =	wrdreg s31  }
0x1a: {  	s9 =	sadd.s32 $0xA800, s29;
	[dreg:$0x17] =	wrdreg s0  }
0x1b: {  	v0 =	vlaneseq.u32;
	s5 =	ssub.s32 $0x2, s5;
	s10 =	sadd.s32 $0xA880, s29;
	[dreg:$0xf] =	wrdreg s9  }
0x1c: {  	v3 =	vimm.f32 $0.0e+00;
	vm0 =	vmmov $0xffff;
	vm1 =	vmmov $0xff;
	s28 =	sshrl.u32 s5, $0x1;
	s26 =	sadd.s32 $0xA900, s29;
	[dreg:$0x10] =	wrdreg s10  }
0x1d: {  	v4 =	vor.u32 $0x10, v0;
	v5 =	vor.u32 $0x20, v0;
	v8 =	vshrl.u32 v0, $0x3;
	s5 =	ssub.s32 s5, s28;
	s28 =	sadd.s32 $0xA980, s29;
	[dreg:$0x19] =	wrdreg s26  }
0x1e: {  	v6 =	vor.u32 $0x30, v0;
	v7 =	vand.u32 $0x7, v0;
	v9 =	vor.u32 $0x8, v0;
	s24 =	sor.u32 $0x10, s16;
	s29 =	smax.u32 s5, $0x1;
	[dreg:$0x1a] =	wrdreg s28  }
0x1f: {  	v8 =	vmul.u32 $0x8, v8;
	v2 =	vor.u32 s16, v0;
	s4 =	simm.s32 $0xE;
	v1 =	vor.u32 s24, v0;
	s1 =	simm.s32 $0x0;
	[dreg:$0x1b] =	wrdreg s29  }
.LBB2_1:
0x20: {  	[dreg:$0x1e] =	wrdreg s1  }
0x21: {  	s0 =	rddreg [dreg:$0xc];
	s9 =	simm.s32 $0xA800  }
0x22: {  	[tilespmem:s9], [sflag:$0x2] =	stream.linear.gather [hbm4b:s0+s15], $0x100, $0x38;
	[tilespmem:$0x1BA00] =	vst v63  }
0x23: {  	s10 =	rddreg [dreg:$0xe];
	s11 =	simm.s32 $0xA900;
	s12 =	simm.s32 $0x2  }
0x24: {  	[tilespmem:s11], [sflag:$0x3] =	stream.linear.gather [hbm4b:s10+s15], $0x100, $0x38;
	[tilespmem:$0x1BA00] =	vst v63  }
0x25: {  	_ =	swait.ge [sflag:s12], $0x100  }
0x26: {  	[sflag:s12] =	ssyncset.done $0x0  }
0x27: {  	s13 =	rddreg [dreg:$0xf];
	[sflag:s12] =	ssyncadd.s32 $0xFFFFFF00  }
0x28: {  	s2 =	simm.s32 $0x20;
	s3 =	simm.s32 $0xAA00;
	s0 =	rddreg [dreg:$0x6]  }
0x29: {  	[tilespmem:s3], [sflag:$0x4] =	stream.indirect.gather [hbm4b:s0+s2], $0x80, s13, s2, $0xb8;
	[tilespmem:$0x1BA00] =	vst v63  }
0x2a: {  	s16 =	simm.s32 $0xCA00;
	s14 =	rddreg [dreg:$0x10]  }
0x2b: {  	[tilespmem:s16], [sflag:$0x6] =	stream.indirect.gather [hbm4b:s0+s2], $0x80, s14, s2, $0xb8;
	[tilespmem:$0x1BA00] =	vst v63  }
0x2c: {  	s18 =	simm.s32 $0xEA00;
	s17 =	rddreg [dreg:$0x13]  }
0x2d: {  	[tilespmem:s18], [sflag:$0x8] =	stream.linear.gather [hbm4b:s17+s15], $0x2000, $0x38;
	[tilespmem:$0x1BA00] =	vst v63  }
0x2e: {  	s19 =	rddreg [dreg:$0x12]  }
0x2f: {  	[tilespmem:s15], [sflag:$0xE] =	stream.linear.gather [hbm4b:s19+s15], $0x80, $0x38;
	[tilespmem:$0x1BA00] =	vst v63  }
0x30: {  	_ =	swait.ge [sflag:s4], $0x80  }
0x31: {  	[sflag:s4] =	ssyncset.done $0x0  }
0x32: {  	[sflag:s4] =	ssyncadd.s32 $0xFFFFFF80  }
0x33: {  	s21 =	simm.s32 $0x80;
	s22 =	simm.s32 $0x1;
	s20 =	rddreg [dreg:$0x7]  }
0x34: {  	[tilespmem:s21], [sflag:$0x1] =	stream.indirect.gather [hbm4b:s20+s21], $0x80, s15, s21, $0xb8;
	[tilespmem:$0x1BA00] =	vst v63  }
0x35: {  	_ =	swait.ge [sflag:s22], $0x4000  }
0x36: {  	[sflag:s22] =	ssyncset.done $0x0  }
0x37: {  	s24 =	simm.s32 $0x4080;
	s23 =	rddreg [dreg:$0x14];
	[sflag:s22] =	ssyncadd.s32 $0xFFFFC000  }
0x38: {  	[tilespmem:s24], [sflag:$0xE] =	stream.linear.gather [hbm4b:s23+s15], $0x2000, $0x38;
	[tilespmem:$0x1BA00] =	vst v63  }
0x39: {  	_ =	swait.ge [sflag:s4], $0x2000  }
0x3a: {  	[sflag:s4] =	ssyncset.done $0x0  }
0x3b: {  	s0 =	simm.s32 $0x6080;
	s25 =	rddreg [dreg:$0x15];
	[sflag:s4] =	ssyncadd.s32 $0xFFFFE000  }
0x3c: {  	[tilespmem:s0], [sflag:$0xE] =	stream.linear.gather [hbm4b:s25+s15], $0x1000, $0x38;
	[tilespmem:$0x1BA00] =	vst v63  }
0x3d: {  	_ =	swait.ge [sflag:s4], $0x1000  }
0x3e: {  	[sflag:s4] =	ssyncset.done $0x0  }
0x3f: {  	s28 =	simm.s32 $0x7080;
	s26 =	rddreg [dreg:$0x16];
	[sflag:s4] =	ssyncadd.s32 $0xFFFFF000  }
0x40: {  	[tilespmem:s28], [sflag:$0xE] =	stream.linear.gather [hbm4b:s26+s15], $0x20, $0x38;
	[tilespmem:$0x1BA00] =	vst v63  }
0x41: {  	_ =	swait.ge [sflag:s4], $0x20  }
0x42: {  	[sflag:s4] =	ssyncset.done $0x0  }
0x43: {  	s29 =	simm.s32 $0x180;
	[sflag:s4] =	ssyncadd.s32 $0xFFFFFFE0  }
0x44: {  	v10 =	vld [tilespmem:s29+$0xFFFFFF00]  }
0x45: {  	v11 =	vld [tilespmem:s29+$0x80]  }
0x46: {  	v12 =	vld [tilespmem:s29+$0x0]  }
0x47: {  	v13 =	vld [tilespmem:s29+$0xFFFFFF80];
	_ =	sdelay $0x4  }
0x48: {  	s30 =	simm.s32 $0x0;
	v11 =	vadd.f32 v11, v12;
	v10 =	vadd.f32 v13, v10  }
0x49: {  	s1 =	smul.u32 $0xC00, s30  }
0x4a: {  	s31 =	sand.u32 $0x380, s15;
	v10 =	vadd.f32 v11, v10  }
0x4b: {  	s1 =	sor.u32 s31, s1  }
0x4c: {  	[tilespmem:s1+$0x7100] =	vst v10  }
0x4d: {  	v10 =	vld [tilespmem:s29+$0x90]  }
0x4e: {  	v11 =	vld [tilespmem:s29+$0xFFFFFF90]  }
0x4f: {  	v50 =	vld [tilespmem:s29+$0x10]  }
0x50: {  	v51 =	vld [tilespmem:s29+$0xFFFFFF10];
	_ =	sdelay $0x4  }
0x51: {  	v10 =	vadd.f32 v10, v50;
	v11 =	vadd.f32 v11, v51;
	_ =	sdelay $0x1  }
0x52: {  	v10 =	vadd.f32 v10, v11;
	_ =	sdelay $0x1  }
0x53: {  	[tilespmem:s1+$0x7110] =	vst v10  }
0x54: {  	v10 =	vld [tilespmem:s29+$0xFFFFFF20]  }
0x55: {  	v11 =	vld [tilespmem:s29+$0xFFFFFFA0]  }
0x56: {  	v52 =	vld [tilespmem:s29+$0xA0]  }
0x57: {  	v53 =	vld [tilespmem:s29+$0x20];
	_ =	sdelay $0x4  }
0x58: {  	v10 =	vadd.f32 v11, v10;
	v11 =	vadd.f32 v52, v53;
	_ =	sdelay $0x1  }
0x59: {  	v10 =	vadd.f32 v11, v10;
	_ =	sdelay $0x1  }
0x5a: {  	[tilespmem:s1+$0x7120] =	vst v10  }
0x5b: {  	v10 =	vld [tilespmem:s29+$0xFFFFFFB0]  }
0x5c: {  	v11 =	vld [tilespmem:s29+$0xB0]  }
0x5d: {  	v54 =	vld [tilespmem:s29+$0x30]  }
0x5e: {  	v55 =	vld [tilespmem:s29+$0xFFFFFF30];
	_ =	sdelay $0x4  }
0x5f: {  	v11 =	vadd.f32 v11, v54;
	v10 =	vadd.f32 v10, v55;
	_ =	sdelay $0x1  }
0x60: {  	v10 =	vadd.f32 v11, v10;
	_ =	sdelay $0x1  }
0x61: {  	[tilespmem:s1+$0x7130] =	vst v10  }
0x62: {  	v10 =	vld [tilespmem:s29+$0xFFFFFFC0]  }
0x63: {  	v11 =	vld [tilespmem:s29+$0xC0]  }
0x64: {  	v56 =	vld [tilespmem:s29+$0x40]  }
0x65: {  	v57 =	vld [tilespmem:s29+$0xFFFFFF40];
	_ =	sdelay $0x4  }
0x66: {  	v11 =	vadd.f32 v11, v56;
	v10 =	vadd.f32 v10, v57;
	_ =	sdelay $0x1  }
0x67: {  	v10 =	vadd.f32 v11, v10;
	_ =	sdelay $0x1  }
0x68: {  	[tilespmem:s1+$0x7140] =	vst v10  }
0x69: {  	v10 =	vld [tilespmem:s29+$0xFFFFFF50]  }
0x6a: {  	v11 =	vld [tilespmem:s29+$0xFFFFFFD0]  }
0x6b: {  	v58 =	vld [tilespmem:s29+$0x50]  }
0x6c: {  	v59 =	vld [tilespmem:s29+$0xD0];
	_ =	sdelay $0x4  }
0x6d: {  	v10 =	vadd.f32 v11, v10;
	v11 =	vadd.f32 v59, v58;
	_ =	sdelay $0x1  }
0x6e: {  	v10 =	vadd.f32 v11, v10;
	_ =	sdelay $0x1  }
0x6f: {  	[tilespmem:s1+$0x7150] =	vst v10  }
0x70: {  	v10 =	vld [tilespmem:s29+$0xE0]  }
0x71: {  	v11 =	vld [tilespmem:s29+$0xFFFFFFE0]  }
0x72: {  	v60 =	vld [tilespmem:s29+$0xFFFFFF60]  }
0x73: {  	v61 =	vld [tilespmem:s29+$0x60];
	_ =	sdelay $0x4  }
0x74: {  	v11 =	vadd.f32 v11, v60;
	v10 =	vadd.f32 v10, v61;
	_ =	sdelay $0x1  }
0x75: {  	v10 =	vadd.f32 v10, v11;
	_ =	sdelay $0x1  }
0x76: {  	[tilespmem:s1+$0x7160] =	vst v10  }
0x77: {  	v10 =	vld [tilespmem:s29+$0xFFFFFF70]  }
0x78: {  	v11 =	vld [tilespmem:s29+$0xFFFFFFF0]  }
0x79: {  	v62 =	vld [tilespmem:s29+$0xF0]  }
0x7a: {  	v63 =	vld [tilespmem:s29+$0x70];
	_ =	sdelay $0x4  }
0x7b: {  	v10 =	vadd.f32 v11, v10;
	v11 =	vadd.f32 v62, v63;
	_ =	sdelay $0x1  }
0x7c: {  	v10 =	vadd.f32 v11, v10;
	_ =	sdelay $0x1  }
0x7d: {  	s2 =	simm.s32 $0x4100;
	[tilespmem:s1+$0x7170] =	vst v10  }
0x7e: {  	v10 =	vld [tilespmem:s2+$0xFFFFFF80];
	_ =	sdelay $0x4  }
0x7f: {  	[tilespmem:s1+$0x7500] =	vst v10  }
0x80: {  	v10 =	vld [tilespmem:s2+$0xFFFFFF90];
	_ =	sdelay $0x4  }
0x81: {  	[tilespmem:s1+$0x7510] =	vst v10  }
0x82: {  	v10 =	vld [tilespmem:s2+$0xFFFFFFA0];
	_ =	sdelay $0x4  }
0x83: {  	[tilespmem:s1+$0x7520] =	vst v10  }
0x84: {  	v10 =	vld [tilespmem:s2+$0xFFFFFFB0];
	_ =	sdelay $0x4  }
0x85: {  	[tilespmem:s1+$0x7530] =	vst v10  }
0x86: {  	v10 =	vld [tilespmem:s2+$0xFFFFFFC0];
	_ =	sdelay $0x4  }
0x87: {  	[tilespmem:s1+$0x7540] =	vst v10  }
0x88: {  	v10 =	vld [tilespmem:s2+$0xFFFFFFD0];
	_ =	sdelay $0x4  }
0x89: {  	[tilespmem:s1+$0x7550] =	vst v10  }
0x8a: {  	v10 =	vld [tilespmem:s2+$0xFFFFFFE0];
	_ =	sdelay $0x4  }
0x8b: {  	[tilespmem:s1+$0x7560] =	vst v10  }
0x8c: {  	v10 =	vld [tilespmem:s2+$0xFFFFFFF0];
	_ =	sdelay $0x4  }
0x8d: {  	[tilespmem:s1+$0x7570] =	vst v10  }
0x8e: {  	v10 =	vld [tilespmem:s2+$0x0];
	_ =	sdelay $0x4  }
0x8f: {  	[tilespmem:s1+$0x7900] =	vst v10  }
0x90: {  	v10 =	vld [tilespmem:s2+$0x10];
	_ =	sdelay $0x4  }
0x91: {  	[tilespmem:s1+$0x7910] =	vst v10  }
0x92: {  	v10 =	vld [tilespmem:s2+$0x20];
	_ =	sdelay $0x4  }
0x93: {  	[tilespmem:s1+$0x7920] =	vst v10  }
0x94: {  	v10 =	vld [tilespmem:s2+$0x30];
	_ =	sdelay $0x4  }
0x95: {  	[tilespmem:s1+$0x7930] =	vst v10  }
0x96: {  	v10 =	vld [tilespmem:s2+$0x40];
	_ =	sdelay $0x4  }
0x97: {  	[tilespmem:s1+$0x7940] =	vst v10  }
0x98: {  	v10 =	vld [tilespmem:s2+$0x50];
	_ =	sdelay $0x2  }
0x99: {  	s5 =	simm.s32 $0xA1A0  }
0x9a: {  	s6 =	simm.s32 $0x1;
	s9 =	simm.s32 $0x6080;
	s10 =	simm.s32 $0x4200  }
0x9b: {  	s11 =	simm.s32 $0x380;
	s12 =	simm.s32 $0x0;
	s4 =	simm.s32 $0xA1A0;
	[tilespmem:s1+$0x7950] =	vst v10  }
.LBB2_2:
0x9c: {  	s12 =	sadd.s32 $0x80, s12;
	s0 =	sadd.s32 $0x80, s0;
	s5 =	sadd.s32 $0x33, s5  }
0x9d: {  	p0 =	sne.s32 s6, $0x1F;
	s3 =	smov.u32 s6;
	s6 =	sadd.s32 $0x1, s6  }
0x9e: {  	v10 =	vld [tilespmem:s2+$0x60];
	_ =	sdelay $0x4  }
0x9f: {  	[tilespmem:s1+$0x7960] =	vst v10  }
0xa0: {  	v10 =	vld [tilespmem:s2+$0x70];
	s2 =	smov.u32 s10;
	_ =	sdelay $0x4  }
0xa1: {  	[tilespmem:s1+$0x7970] =	vst v10  }
0xa2: {  	v10 =	vld [tilespmem:s9+$0x0];
	s9 =	smov.u32 s0;
	_ =	sdelay $0x4  }
0xa3: {  	v10 =	vadd.s32 $0x1, v10  }
0xa4: {  	vm2 =	vgt.s32 v10, v0;
	vm3 =	vgt.s32 v10, v4;
	vm4 =	vgt.s32 v10, v5  }
0xa5: {  	v11 =	vsel vm2, $0x3F800000, v3;
	v12 =	vsel vm3, $0x3F800000, v3;
	vm2 =	vgt.s32 v10, v6  }
0xa6: {  	v10 =	vsel vm4, $0x3F800000, v3;
	[tilespmem:s4+$0xFFFFFFE0] =	vst v11;
	v11 =	vsel vm2, $0x3F800000, v3  }
0xa7: {  	[tilespmem:s4+$0xFFFFFFF0] =	vst v12  }
0xa8: {  	[tilespmem:s4+$0x0] =	vst v10  }
0xa9: {  	[tilespmem:s4+$0x10] =	vst v11;
	s4 =	smov.u32 s5  }
0xaa: {  	[tilespmem:s1+$0x19270] =	vst v3  }
0xab: {  	[tilespmem:s1+$0x18A00] =	vst v3  }
0xac: {  	[tilespmem:s1+$0x19260] =	vst v3  }
0xad: {  	[tilespmem:s1+$0x19250] =	vst v3  }
0xae: {  	[tilespmem:s1+$0x19240] =	vst v3  }
0xaf: {  	[tilespmem:s1+$0x19230] =	vst v3  }
0xb0: {  	[tilespmem:s1+$0x19220] =	vst v3  }
0xb1: {  	[tilespmem:s1+$0x19210] =	vst v3  }
0xb2: {  	[tilespmem:s1+$0x19200] =	vst v3  }
0xb3: {  	[tilespmem:s1+$0x18E70] =	vst v3  }
0xb4: {  	[tilespmem:s1+$0x18E60] =	vst v3  }
0xb5: {  	[tilespmem:s1+$0x18E50] =	vst v3  }
0xb6: {  	[tilespmem:s1+$0x18E40] =	vst v3  }
0xb7: {  	[tilespmem:s1+$0x18E30] =	vst v3  }
0xb8: {  	[tilespmem:s1+$0x18E20] =	vst v3  }
0xb9: {  	[tilespmem:s1+$0x18E10] =	vst v3  }
0xba: {  	[tilespmem:s1+$0x18E00] =	vst v3  }
0xbb: {  	[tilespmem:s1+$0x18A70] =	vst v3  }
0xbc: {  	[tilespmem:s1+$0x18A60] =	vst v3  }
0xbd: {  	[tilespmem:s1+$0x18A50] =	vst v3  }
0xbe: {  	[tilespmem:s1+$0x18A40] =	vst v3  }
0xbf: {  	[tilespmem:s1+$0x18A30] =	vst v3  }
0xc0: {  	[tilespmem:s1+$0x18A20] =	vst v3  }
0xc1: {  	[tilespmem:s1+$0x18A10] =	vst v3  }
0xc2: {  	v10 =	vld [tilespmem:s11+$0xFFFFFF00]  }
0xc3: {  	v11 =	vld [tilespmem:s11+$0x80]  }
0xc4: {  	v12 =	vld [tilespmem:s11+$0x0]  }
0xc5: {  	v13 =	vld [tilespmem:s11+$0xFFFFFF80];
	_ =	sdelay $0x3  }
0xc6: {  	v11 =	vadd.f32 v11, v12  }
0xc7: {  	s1 =	sshrl.u32 s3, $0x3;
	v10 =	vadd.f32 v13, v10  }
0xc8: {  	s1 =	smul.u32 $0xC00, s1  }
0xc9: {  	s3 =	sand.u32 $0x380, s12;
	v10 =	vadd.f32 v11, v10  }
0xca: {  	s1 =	sor.u32 s3, s1  }
0xcb: {  	[tilespmem:s1+$0x7100] =	vst v10  }
0xcc: {  	v10 =	vld [tilespmem:s11+$0x90]  }
0xcd: {  	v11 =	vld [tilespmem:s11+$0xFFFFFF90]  }
0xce: {  	v12 =	vld [tilespmem:s11+$0x10]  }
0xcf: {  	v13 =	vld [tilespmem:s11+$0xFFFFFF10];
	_ =	sdelay $0x3  }
0xd0: {  	v10 =	vadd.f32 v10, v12  }
0xd1: {  	v11 =	vadd.f32 v11, v13;
	_ =	sdelay $0x1  }
0xd2: {  	v10 =	vadd.f32 v10, v11;
	_ =	sdelay $0x1  }
0xd3: {  	[tilespmem:s1+$0x7110] =	vst v10  }
0xd4: {  	v10 =	vld [tilespmem:s11+$0xFFFFFF20]  }
0xd5: {  	v11 =	vld [tilespmem:s11+$0xFFFFFFA0]  }
0xd6: {  	v12 =	vld [tilespmem:s11+$0xA0]  }
0xd7: {  	v13 =	vld [tilespmem:s11+$0x20];
	_ =	sdelay $0x2  }
0xd8: {  	v10 =	vadd.f32 v11, v10;
	_ =	sdelay $0x1  }
0xd9: {  	v11 =	vadd.f32 v12, v13;
	_ =	sdelay $0x1  }
0xda: {  	v10 =	vadd.f32 v11, v10;
	_ =	sdelay $0x1  }
0xdb: {  	[tilespmem:s1+$0x7120] =	vst v10  }
0xdc: {  	v10 =	vld [tilespmem:s11+$0xFFFFFFB0]  }
0xdd: {  	v11 =	vld [tilespmem:s11+$0xB0]  }
0xde: {  	v12 =	vld [tilespmem:s11+$0x30]  }
0xdf: {  	v13 =	vld [tilespmem:s11+$0xFFFFFF30];
	_ =	sdelay $0x3  }
0xe0: {  	v11 =	vadd.f32 v11, v12  }
0xe1: {  	v10 =	vadd.f32 v10, v13;
	_ =	sdelay $0x1  }
0xe2: {  	v10 =	vadd.f32 v11, v10;
	_ =	sdelay $0x1  }
0xe3: {  	[tilespmem:s1+$0x7130] =	vst v10  }
0xe4: {  	v10 =	vld [tilespmem:s11+$0xFFFFFFC0]  }
0xe5: {  	v11 =	vld [tilespmem:s11+$0xC0]  }
0xe6: {  	v12 =	vld [tilespmem:s11+$0x40]  }
0xe7: {  	v13 =	vld [tilespmem:s11+$0xFFFFFF40];
	_ =	sdelay $0x3  }
0xe8: {  	v11 =	vadd.f32 v11, v12  }
0xe9: {  	v10 =	vadd.f32 v10, v13;
	_ =	sdelay $0x1  }
0xea: {  	v10 =	vadd.f32 v11, v10;
	_ =	sdelay $0x1  }
0xeb: {  	[tilespmem:s1+$0x7140] =	vst v10  }
0xec: {  	v10 =	vld [tilespmem:s11+$0xFFFFFF50]  }
0xed: {  	v11 =	vld [tilespmem:s11+$0xFFFFFFD0]  }
0xee: {  	v12 =	vld [tilespmem:s11+$0x50]  }
0xef: {  	v13 =	vld [tilespmem:s11+$0xD0];
	_ =	sdelay $0x2  }
0xf0: {  	v10 =	vadd.f32 v11, v10;
	_ =	sdelay $0x1  }
0xf1: {  	v11 =	vadd.f32 v13, v12;
	_ =	sdelay $0x1  }
0xf2: {  	v10 =	vadd.f32 v11, v10;
	_ =	sdelay $0x1  }
0xf3: {  	[tilespmem:s1+$0x7150] =	vst v10  }
0xf4: {  	v10 =	vld [tilespmem:s11+$0xE0]  }
0xf5: {  	v11 =	vld [tilespmem:s11+$0xFFFFFFE0]  }
0xf6: {  	v12 =	vld [tilespmem:s11+$0xFFFFFF60]  }
0xf7: {  	v13 =	vld [tilespmem:s11+$0x60];
	_ =	sdelay $0x3  }
0xf8: {  	v11 =	vadd.f32 v11, v12  }
0xf9: {  	v10 =	vadd.f32 v10, v13;
	_ =	sdelay $0x1  }
0xfa: {  	v10 =	vadd.f32 v10, v11;
	_ =	sdelay $0x1  }
0xfb: {  	[tilespmem:s1+$0x7160] =	vst v10  }
0xfc: {  	v10 =	vld [tilespmem:s11+$0xFFFFFF70]  }
0xfd: {  	v11 =	vld [tilespmem:s11+$0xFFFFFFF0]  }
0xfe: {  	v12 =	vld [tilespmem:s11+$0xF0]  }
0xff: {  	v13 =	vld [tilespmem:s11+$0x70];
	_ =	sdelay $0x2  }
0x100: {  	v10 =	vadd.f32 v11, v10;
	_ =	sdelay $0x1  }
0x101: {  	v11 =	vadd.f32 v12, v13;
	_ =	sdelay $0x1  }
0x102: {  	v10 =	vadd.f32 v11, v10;
	_ =	sdelay $0x1  }
0x103: {  	[tilespmem:s1+$0x7170] =	vst v10  }
0x104: {  	v10 =	vld [tilespmem:s10+$0xFFFFFF80];
	_ =	sdelay $0x4  }
0x105: {  	[tilespmem:s1+$0x7500] =	vst v10  }
0x106: {  	v10 =	vld [tilespmem:s10+$0xFFFFFF90];
	_ =	sdelay $0x4  }
0x107: {  	[tilespmem:s1+$0x7510] =	vst v10  }
0x108: {  	v10 =	vld [tilespmem:s10+$0xFFFFFFA0];
	_ =	sdelay $0x4  }
0x109: {  	[tilespmem:s1+$0x7520] =	vst v10  }
0x10a: {  	v10 =	vld [tilespmem:s10+$0xFFFFFFB0];
	_ =	sdelay $0x4  }
0x10b: {  	[tilespmem:s1+$0x7530] =	vst v10  }
0x10c: {  	v10 =	vld [tilespmem:s10+$0xFFFFFFC0];
	_ =	sdelay $0x4  }
0x10d: {  	[tilespmem:s1+$0x7540] =	vst v10  }
0x10e: {  	v10 =	vld [tilespmem:s10+$0xFFFFFFD0];
	_ =	sdelay $0x4  }
0x10f: {  	[tilespmem:s1+$0x7550] =	vst v10  }
0x110: {  	v10 =	vld [tilespmem:s10+$0xFFFFFFE0];
	_ =	sdelay $0x4  }
0x111: {  	[tilespmem:s1+$0x7560] =	vst v10  }
0x112: {  	v10 =	vld [tilespmem:s10+$0xFFFFFFF0];
	_ =	sdelay $0x4  }
0x113: {  	[tilespmem:s1+$0x7570] =	vst v10  }
0x114: {  	v10 =	vld [tilespmem:s10+$0x0];
	_ =	sdelay $0x4  }
0x115: {  	[tilespmem:s1+$0x7900] =	vst v10  }
0x116: {  	v10 =	vld [tilespmem:s10+$0x10];
	_ =	sdelay $0x4  }
0x117: {  	[tilespmem:s1+$0x7910] =	vst v10  }
0x118: {  	v10 =	vld [tilespmem:s10+$0x20];
	_ =	sdelay $0x4  }
0x119: {  	[tilespmem:s1+$0x7920] =	vst v10  }
0x11a: {  	v10 =	vld [tilespmem:s10+$0x30];
	_ =	sdelay $0x4  }
0x11b: {  	[tilespmem:s1+$0x7930] =	vst v10  }
0x11c: {  	v10 =	vld [tilespmem:s10+$0x40];
	_ =	sdelay $0x4  }
0x11d: {  	[tilespmem:s1+$0x7940] =	vst v10  }
0x11e: {  	v10 =	vld [tilespmem:s10+$0x50]  }
.Ltmp0:
0x11f: {  	(pc) =	sbr.rel @p0 .LBB2_2-.Ltmp0, $2  }
0x120: {  	_ =	sdelay $0x2  }
0x121: {  	s11 =	sadd.s32 $0x200, s11;
	s10 =	sadd.s32 $0x100, s10;
	[tilespmem:s1+$0x7950] =	vst v10  }
0x122: {  	v10 =	vld [tilespmem:s2+$0x60];
	_ =	sdelay $0x4  }
0x123: {  	[tilespmem:s1+$0x7960] =	vst v10  }
0x124: {  	v10 =	vld [tilespmem:s2+$0x70];
	_ =	sdelay $0x4  }
0x125: {  	[tilespmem:s1+$0x7970] =	vst v10  }
0x126: {  	v10 =	vld [tilespmem:s9+$0x0];
	_ =	sdelay $0x4  }
0x127: {  	v10 =	vadd.s32 $0x1, v10  }
0x128: {  	vm2 =	vgt.s32 v10, v0  }
0x129: {  	vm3 =	vgt.s32 v10, v4;
	v11 =	vsel vm2, $0x3F800000, v3  }
0x12a: {  	vm2 =	vgt.s32 v10, v5;
	v12 =	vsel vm3, $0x3F800000, v3;
	[tilespmem:s4+$0xFFFFFFE0] =	vst v11  }
0x12b: {  	vm3 =	vgt.s32 v10, v6;
	v10 =	vsel vm2, $0x3F800000, v3;
	[tilespmem:s4+$0xFFFFFFF0] =	vst v12  }
0x12c: {  	v11 =	vsel vm3, $0x3F800000, v3;
	[tilespmem:s4+$0x0] =	vst v10  }
0x12d: {  	[tilespmem:s4+$0x10] =	vst v11  }
0x12e: {  	[tilespmem:s1+$0x19270] =	vst v3  }
0x12f: {  	[tilespmem:s1+$0x18A00] =	vst v3  }
0x130: {  	[tilespmem:s1+$0x19260] =	vst v3  }
0x131: {  	[tilespmem:s1+$0x19250] =	vst v3  }
0x132: {  	[tilespmem:s1+$0x19240] =	vst v3  }
0x133: {  	[tilespmem:s1+$0x19230] =	vst v3  }
0x134: {  	[tilespmem:s1+$0x19220] =	vst v3  }
0x135: {  	[tilespmem:s1+$0x19210] =	vst v3  }
0x136: {  	[tilespmem:s1+$0x19200] =	vst v3  }
0x137: {  	[tilespmem:s1+$0x18E70] =	vst v3  }
0x138: {  	[tilespmem:s1+$0x18E60] =	vst v3  }
0x139: {  	[tilespmem:s1+$0x18E50] =	vst v3  }
0x13a: {  	[tilespmem:s1+$0x18E40] =	vst v3  }
0x13b: {  	[tilespmem:s1+$0x18E30] =	vst v3  }
0x13c: {  	[tilespmem:s1+$0x18E20] =	vst v3  }
0x13d: {  	[tilespmem:s1+$0x18E10] =	vst v3  }
0x13e: {  	[tilespmem:s1+$0x18E00] =	vst v3  }
0x13f: {  	[tilespmem:s1+$0x18A70] =	vst v3  }
0x140: {  	[tilespmem:s1+$0x18A60] =	vst v3  }
0x141: {  	[tilespmem:s1+$0x18A50] =	vst v3  }
0x142: {  	[tilespmem:s1+$0x18A40] =	vst v3  }
0x143: {  	[tilespmem:s1+$0x18A30] =	vst v3  }
0x144: {  	[tilespmem:s1+$0x18A20] =	vst v3  }
0x145: {  	[tilespmem:s1+$0x18A10] =	vst v3  }
0x146: {  	v10 =	vld [tilespmem:$0x7080]  }
0x147: {  	v11 =	vld [tilespmem:$0x7090];
	_ =	sdelay $0x3  }
0x148: {  	v10 =	vshll.u32 v10, $0xA  }
0x149: {  	v11 =	vshll.u32 v11, $0xA;
	v10 =	vor.u32 v2, v10  }
0x14a: {  	s30 =	simm.s32 $0x0;
	[tilespmem:$0xA100] =	vst v10;
	v10 =	vadd.s32 v11, v1  }
0x14b: {  	s0 =	rddreg [dreg:$0x17];
	s31 =	simm.s32 $0x18A00;
	s5 =	simm.s32 $0x0;
	[tilespmem:$0xA110] =	vst v10  }
0x14c: {  	[hbm4b:s0+s30] =	stream.linear.scatter [tilespmem:s31], [sflag:$0xC], $0x3000, $0x38;
	[tilespmem:$0x1BA00] =	vst v63  }
.LBB2_4:
0x14d: {  	s0 =	simm.s32 $0x4  }
0x14e: {  	_ =	swait.ge [sflag:s0], $0x1000  }
0x14f: {  	[sflag:s0] =	ssyncset.done $0x0  }
0x150: {  	s1 =	simm.s32 $0x6;
	[sflag:s0] =	ssyncadd.s32 $0xFFFFF000  }
0x151: {  	_ =	swait.ge [sflag:s1], $0x1000  }
0x152: {  	[sflag:s1] =	ssyncset.done $0x0  }
0x153: {  	s16 =	sshll.u32 s5, $0x1;
	s3 =	simm.s32 $0x8;
	[sflag:s1] =	ssyncadd.s32 $0xFFFFF000  }
0x154: {  	s1 =	sadd.s32 $0x2, s16;
	_ =	swait.ge [sflag:s3], $0x2000  }
0x155: {  	p0 =	seq.s32 s5, $0x18;
	[smem:$0x7FC] =	sst s1  }
0x156: {  	s1 =	sshll.u32 @!p0 s1, $0xB;
	[sflag:s3] =	ssyncset.done $0x0;
	s2 =	rddreg [dreg:$0xd]  }
0x157: {  	s1 =	sor.u32 @!p0 s2, s1;
	[sflag:s3] =	ssyncadd.s32 $0xFFFFE000  }
0x158: {  	s19 =	simm.s32 $0x3;
	s1 =	sshrl.u32 @!p0 s1, $0x3;
	s2 =	rddreg [dreg:$0x0]  }
0x159: {  	s3 =	simm.s32 @!p0 $0xA800;
	s1 =	sadd.s32 @!p0 s2, s1;
	s2 =	simm.s32 @!p0 $0x0  }
0x15a: {  	[tilespmem:s3], [sflag:$0x2] =	stream.linear.gather @!p0 [hbm4b:s1+s2], $0x100, $0x38;
	[tilespmem:$0x1BA00] =	vst v63  }
0x15b: {  	_ =	swait.ge [sflag:s19], $0x100  }
0x15c: {  	[sflag:s19] =	ssyncset.done $0x0;
	s20 =	rddreg [dreg:$0x19]  }
0x15d: {  	s21 =	simm.s32 $0x20;
	s22 =	rddreg [dreg:$0x1a];
	[sflag:s19] =	ssyncadd.s32 $0xFFFFFF00  }
0x15e: {  	s4 =	simm.s32 $0xBA00;
	s6 =	sor.u32 $0x1, s16;
	s1 =	rddreg [dreg:$0x6]  }
0x15f: {  	[tilespmem:s4], [sflag:$0x5] =	stream.indirect.gather [hbm4b:s1+s21], $0x80, s20, s21, $0xb8;
	[tilespmem:$0x1BA00] =	vst v63  }
0x160: {  	s23 =	simm.s32 $0xDA00;
	s24 =	sshll.u32 s6, $0x12;
	s25 =	rddreg [dreg:$0x11]  }
0x161: {  	[tilespmem:s23], [sflag:$0x7] =	stream.indirect.gather [hbm4b:s1+s21], $0x80, s22, s21, $0xb8;
	[tilespmem:$0x1BA00] =	vst v63  }
0x162: {  	s1 =	sor.u32 s25, s24  }
0x163: {  	s28 =	simm.s32 $0x10A00;
	s26 =	rddreg [dreg:$0x1];
	s1 =	sshrl.u32 s1, $0x3  }
0x164: {  	p1 =	seq.s32 s5, $0x0;
	[dreg:$0x1f] =	wrdreg s5;
	s1 =	sadd.s32 s26, s1  }
0x165: {  	[tilespmem:s28], [sflag:$0x9] =	stream.linear.gather [hbm4b:s1+s15], $0x2000, $0x38;
	[tilespmem:$0x1BA00] =	vst v63  }
0x166: {  	[smem:$0x7FD] =	sst s6;
	s1 =	simm.s32 @!p1 $0xA  }
0x167: {  	_ =	swait.ge @!p1 [sflag:s1], $0x3000  }
0x168: {  	[sflag:s1] =	ssyncset.done @!p1 $0x0  }
0x169: {  	s31 =	simm.s32 $0xAA80;
	[sflag:s1] =	ssyncadd.s32 @!p1 $0xFFFFD000  }
0x16a: {  	s2 =	simm.s32 $0xCA80;
	v11 =	vld [tilespmem:s31+$0x0]  }
0x16b: {  	s17 =	simm.s32 $0x6100;
	v12 =	vld [tilespmem:s2+$0x0]  }
0x16c: {  	v13 =	vld [tilespmem:s17+$0x0]  }
0x16d: {  	s18 =	simm.s32 $0x0  }
0x16e: {  	s1 =	smul.u32 $0x3000, s18;
	_ =	sdelay $0x1  }
0x16f: {  	v10 =	vmov s16;
	s19 =	simm.s32 $0x80;
	s3 =	sshra.s32 s1, $0x2;
	v11 =	vadd.f32 v12, v11  }
0x170: {  	s14 =	sand.u32 $0x380, s19;
	s20 =	sadd.s32 $0x12A00, s3;
	vm2 =	vlt.s32 v10, v13  }
0x171: {  	s21 =	sadd.s32 s14, s20;
	v11 =	vnsel vm2, $0x0, v11  }
0x172: {  	[tilespmem:s21+$0x0] =	vst v11  }
0x173: {  	v11 =	vld [tilespmem:s31+$0x10]  }
0x174: {  	v12 =	vld [tilespmem:s2+$0x10];
	_ =	sdelay $0x4  }
0x175: {  	v11 =	vadd.f32 v12, v11;
	_ =	sdelay $0x1  }
0x176: {  	v11 =	vnsel vm2, $0x0, v11  }
0x177: {  	[tilespmem:s21+$0x10] =	vst v11  }
0x178: {  	v11 =	vld [tilespmem:s31+$0x20]  }
0x179: {  	v12 =	vld [tilespmem:s2+$0x20];
	_ =	sdelay $0x4  }
0x17a: {  	v11 =	vadd.f32 v12, v11;
	_ =	sdelay $0x1  }
0x17b: {  	v11 =	vnsel vm2, $0x0, v11  }
0x17c: {  	[tilespmem:s21+$0x20] =	vst v11  }
0x17d: {  	v11 =	vld [tilespmem:s31+$0x30]  }
0x17e: {  	v12 =	vld [tilespmem:s2+$0x30];
	_ =	sdelay $0x4  }
0x17f: {  	v11 =	vadd.f32 v12, v11;
	_ =	sdelay $0x1  }
0x180: {  	v11 =	vnsel vm2, $0x0, v11  }
0x181: {  	[tilespmem:s21+$0x30] =	vst v11  }
0x182: {  	v11 =	vld [tilespmem:s31+$0x40]  }
0x183: {  	v12 =	vld [tilespmem:s2+$0x40];
	_ =	sdelay $0x2  }
0x184: {  	v14 =	vld [tilespmem:s2+$0xFFFFFF80]  }
0x185: {  	v13 =	vld [tilespmem:s31+$0xFFFFFF80]  }
0x186: {  	v11 =	vadd.f32 v12, v11;
	v12 =	vld [tilespmem:s17+$0xFFFFFF80];
	_ =	sdelay $0x1  }
0x187: {  	s10 =	simm.s32 $0x6200  }
0x188: {  	s8 =	simm.s32 $0xAB80;
	v15 =	vld [tilespmem:s10+$0x0]  }
0x189: {  	s13 =	simm.s32 $0xCB80;
	s22 =	simm.s32 $0x0;
	v13 =	vadd.f32 v14, v13;
	v14 =	vld [tilespmem:s8+$0x0];
	v11 =	vnsel vm2, $0x0, v11  }
0x18a: {  	s0 =	sand.u32 $0x300, s22;
	[tilespmem:s21+$0x40] =	vst v11;
	vm3 =	vlt.s32 v10, v12;
	v12 =	vld [tilespmem:s13+$0x0]  }
0x18b: {  	s16 =	sadd.s32 s0, s20;
	v11 =	vld [tilespmem:s31+$0x50];
	v13 =	vnsel vm3, $0x0, v13  }
0x18c: {  	s23 =	simm.s32 $0x0;
	[tilespmem:s16+$0x0] =	vst v13;
	v13 =	vld [tilespmem:s2+$0x50]  }
0x18d: {  	s4 =	smul.u32 $0x3000, s23;
	v16 =	vld [tilespmem:s31+$0xFFFFFF90]  }
0x18e: {  	v17 =	vld [tilespmem:s2+$0xFFFFFF90]  }
0x18f: {  	s24 =	simm.s32 $0x180;
	s6 =	sshra.s32 s4, $0x2;
	v12 =	vadd.f32 v12, v14  }
0x190: {  	s7 =	sand.u32 $0x380, s24;
	s9 =	sadd.s32 $0x12A00, s6;
	vm5 =	vlt.s32 v10, v15  }
0x191: {  	s18 =	sadd.s32 s7, s9;
	v11 =	vadd.f32 v13, v11;
	v12 =	vnsel vm5, $0x0, v12  }
0x192: {  	[tilespmem:s18+$0x0] =	vst v12  }
0x193: {  	v12 =	vadd.f32 v17, v16;
	v11 =	vnsel vm2, $0x0, v11;
	v13 =	vld [tilespmem:s8+$0x10]  }
0x194: {  	[tilespmem:s21+$0x50] =	vst v11;
	v11 =	vld [tilespmem:s13+$0x10]  }
0x195: {  	v12 =	vnsel vm3, $0x0, v12;
	v14 =	vld [tilespmem:s31+$0x60]  }
0x196: {  	[tilespmem:s16+$0x10] =	vst v12;
	v12 =	vld [tilespmem:s2+$0x60]  }
0x197: {  	v15 =	vld [tilespmem:s31+$0xFFFFFFA0]  }
0x198: {  	v16 =	vld [tilespmem:s2+$0xFFFFFFA0]  }
0x199: {  	v11 =	vadd.f32 v11, v13;
	_ =	sdelay $0x1  }
0x19a: {  	v12 =	vadd.f32 v12, v14;
	v11 =	vnsel vm5, $0x0, v11  }
0x19b: {  	vm4 =	vmmov vm2;
	[tilespmem:s18+$0x10] =	vst v11  }
0x19c: {  	v11 =	vadd.f32 v16, v15;
	v12 =	vnsel vm4, $0x0, v12;
	v13 =	vld [tilespmem:s8+$0x20]  }
0x19d: {  	[tilespmem:s21+$0x60] =	vst v12;
	v12 =	vld [tilespmem:s13+$0x20]  }
0x19e: {  	v11 =	vnsel vm3, $0x0, v11;
	v14 =	vld [tilespmem:s31+$0x70]  }
0x19f: {  	[tilespmem:s16+$0x20] =	vst v11;
	v11 =	vld [tilespmem:s2+$0x70]  }
0x1a0: {  	v15 =	vld [tilespmem:s31+$0xFFFFFFB0]  }
0x1a1: {  	v16 =	vld [tilespmem:s2+$0xFFFFFFB0]  }
0x1a2: {  	v12 =	vadd.f32 v12, v13;
	_ =	sdelay $0x1  }
0x1a3: {  	s25 =	simm.s32 $0x0;
	v11 =	vadd.f32 v11, v14;
	v12 =	vnsel vm5, $0x0, v12  }
0x1a4: {  	s4 =	sand.u32 $0x3FFFF800, s25;
	[tilespmem:s18+$0x20] =	vst v12  }
0x1a5: {  	s12 =	sadd.s32 $0xEA00, s4;
	v12 =	vadd.f32 v16, v15;
	v11 =	vnsel vm4, $0x0, v11;
	v13 =	vld [tilespmem:s8+$0x30]  }
0x1a6: {  	s4 =	sadd.s32 s14, s12;
	[tilespmem:s21+$0x70] =	vst v11;
	v11 =	vld [tilespmem:s13+$0x30]  }
0x1a7: {  	v12 =	vnsel vm3, $0x0, v12;
	v14 =	vld [tilespmem:s4+$0x0]  }
0x1a8: {  	[tilespmem:s16+$0x30] =	vst v12  }
0x1a9: {  	v12 =	vld [tilespmem:s31+$0xFFFFFFC0]  }
0x1aa: {  	v15 =	vld [tilespmem:s2+$0xFFFFFFC0]  }
0x1ab: {  	s19 =	sadd.s32 $0x12E00, s3;
	v17 =	vld [tilespmem:s10+$0xFFFFFF80];
	v11 =	vadd.f32 v11, v13  }
0x1ac: {  	s17 =	sadd.s32 s14, s19;
	v16 =	vld [tilespmem:s8+$0xFFFFFF80];
	v14 =	vnsel vm4, $0x0, v14  }
0x1ad: {  	v13 =	vld [tilespmem:s13+$0xFFFFFF80];
	[tilespmem:s17+$0x0] =	vst v14;
	v11 =	vnsel vm5, $0x0, v11  }
0x1ae: {  	v14 =	vld [tilespmem:s4+$0x10];
	[tilespmem:s18+$0x30] =	vst v11  }
0x1af: {  	v12 =	vadd.f32 v15, v12;
	v11 =	vld [tilespmem:s8+$0x40]  }
0x1b0: {  	v15 =	vld [tilespmem:s13+$0x40]  }
0x1b1: {  	v12 =	vnsel vm3, $0x0, v12  }
0x1b2: {  	s26 =	simm.s32 $0x100;
	v13 =	vadd.f32 v13, v16;
	[tilespmem:s16+$0x40] =	vst v12  }
0x1b3: {  	s1 =	sand.u32 $0x300, s26;
	vm2 =	vlt.s32 v10, v17;
	v12 =	vld [tilespmem:s31+$0xFFFFFFD0]  }
0x1b4: {  	s15 =	sadd.s32 s1, s9;
	v16 =	vld [tilespmem:s2+$0xFFFFFFD0];
	v13 =	vnsel vm2, $0x0, v13  }
0x1b5: {  	[tilespmem:s15+$0x0] =	vst v13;
	v13 =	vnsel vm4, $0x0, v14;
	v11 =	vadd.f32 v15, v11  }
0x1b6: {  	v14 =	vld [tilespmem:s8+$0xFFFFFF90];
	[tilespmem:s17+$0x10] =	vst v13  }
0x1b7: {  	v13 =	vld [tilespmem:s4+$0x20];
	v11 =	vnsel vm5, $0x0, v11  }
0x1b8: {  	v15 =	vld [tilespmem:s13+$0xFFFFFF90];
	[tilespmem:s18+$0x40] =	vst v11  }
0x1b9: {  	v12 =	vadd.f32 v16, v12;
	v11 =	vld [tilespmem:s8+$0x50]  }
0x1ba: {  	v17 =	vld [tilespmem:s13+$0x50]  }
0x1bb: {  	v12 =	vnsel vm3, $0x0, v12  }
0x1bc: {  	[tilespmem:s16+$0x50] =	vst v12;
	v13 =	vnsel vm4, $0x0, v13  }
0x1bd: {  	v12 =	vld [tilespmem:s31+$0xFFFFFFE0];
	[tilespmem:s17+$0x20] =	vst v13  }
0x1be: {  	v13 =	vadd.f32 v15, v14;
	v14 =	vld [tilespmem:s4+$0x30]  }
0x1bf: {  	v15 =	vld [tilespmem:s2+$0xFFFFFFE0];
	v11 =	vadd.f32 v17, v11  }
0x1c0: {  	s21 =	simm.s32 $0x6300  }
0x1c1: {  	s9 =	simm.s32 $0xCC80;
	v18 =	vld [tilespmem:s21+$0x0];
	v11 =	vnsel vm5, $0x0, v11  }
0x1c2: {  	v13 =	vnsel vm2, $0x0, v13;
	v17 =	vld [tilespmem:s9+$0x0];
	[tilespmem:s18+$0x50] =	vst v11  }
0x1c3: {  	[tilespmem:s15+$0x10] =	vst v13;
	v11 =	vnsel vm4, $0x0, v14;
	v14 =	vld [tilespmem:s8+$0x60]  }
0x1c4: {  	v12 =	vadd.f32 v15, v12;
	[tilespmem:s17+$0x30] =	vst v11;
	v11 =	vld [tilespmem:s13+$0x60]  }
0x1c5: {  	s11 =	simm.s32 $0xAC80;
	vm8 =	vmmov vm3;
	v13 =	vld [tilespmem:s8+$0xFFFFFFA0]  }
0x1c6: {  	v15 =	vld [tilespmem:s11+$0x0];
	v12 =	vnsel vm8, $0x0, v12  }
0x1c7: {  	[tilespmem:s16+$0x60] =	vst v12;
	v12 =	vld [tilespmem:s13+$0xFFFFFFA0]  }
0x1c8: {  	v16 =	vld [tilespmem:s4+$0x40]  }
0x1c9: {  	v11 =	vadd.f32 v11, v14  }
0x1ca: {  	s28 =	simm.s32 $0x0;
	vm6 =	vmmov vm5;
	v19 =	vld [tilespmem:s2+$0xFFFFFFF0]  }
0x1cb: {  	v14 =	vld [tilespmem:s31+$0xFFFFFFF0];
	s31 =	smul.u32 $0x3000, s28;
	v11 =	vnsel vm6, $0x0, v11  }
0x1cc: {  	v15 =	vadd.f32 v17, v15;
	v12 =	vadd.f32 v12, v13;
	[tilespmem:s18+$0x60] =	vst v11  }
0x1cd: {  	s5 =	simm.s32 $0x280;
	vm3 =	vlt.s32 v10, v18;
	v16 =	vnsel vm4, $0x0, v16;
	s10 =	sshra.s32 s31, $0x2;
	v11 =	vld [tilespmem:s8+$0x70]  }
0x1ce: {  	s20 =	sand.u32 $0x380, s5;
	v13 =	vnsel vm3, $0x0, v15;
	[tilespmem:s17+$0x40] =	vst v16;
	s23 =	sadd.s32 $0x12A00, s10;
	v12 =	vnsel vm2, $0x0, v12;
	v15 =	vld [tilespmem:s13+$0x70]  }
0x1cf: {  	v16 =	vld [tilespmem:s4+$0x50];
	s24 =	sadd.s32 s20, s23;
	[tilespmem:s15+$0x20] =	vst v12  }
0x1d0: {  	[tilespmem:s24+$0x0] =	vst v13;
	v13 =	vadd.f32 v19, v14;
	v17 =	vld [tilespmem:s8+$0xFFFFFFB0]  }
0x1d1: {  	v14 =	vld [tilespmem:s11+$0x10]  }
0x1d2: {  	v12 =	vld [tilespmem:s9+$0x10];
	v13 =	vnsel vm8, $0x0, v13  }
0x1d3: {  	v18 =	vld [tilespmem:s13+$0xFFFFFFB0];
	[tilespmem:s16+$0x70] =	vst v13;
	s16 =	simm.s32 $0x200;
	v11 =	vadd.f32 v15, v11  }
0x1d4: {  	s12 =	sadd.s32 s0, s12;
	v13 =	vnsel vm4, $0x0, v16;
	v16 =	vld [tilespmem:s11+$0xFFFFFF80];
	s2 =	sand.u32 $0x3FFFF800, s16  }
0x1d5: {  	v15 =	vld [tilespmem:s12+$0x0];
	[tilespmem:s17+$0x50] =	vst v13;
	s28 =	sadd.s32 $0xEA00, s2;
	v11 =	vnsel vm6, $0x0, v11  }
0x1d6: {  	v13 =	vld [tilespmem:s4+$0x60];
	s5 =	sadd.s32 s7, s28;
	[tilespmem:s18+$0x70] =	vst v11  }
0x1d7: {  	v12 =	vadd.f32 v12, v14;
	v11 =	vld [tilespmem:s5+$0x0]  }
0x1d8: {  	v14 =	vld [tilespmem:s9+$0xFFFFFF80]  }
0x1d9: {  	v17 =	vadd.f32 v18, v17;
	v18 =	vld [tilespmem:s21+$0xFFFFFF80];
	v12 =	vnsel vm3, $0x0, v12  }
0x1da: {  	[tilespmem:s24+$0x10] =	vst v12  }
0x1db: {  	s30 =	sadd.s32 $0x12E00, s6;
	v17 =	vnsel vm2, $0x0, v17;
	v12 =	vld [tilespmem:s11+$0x20]  }
0x1dc: {  	vm5 =	vmmov vm4;
	s18 =	sadd.s32 s7, s30;
	[tilespmem:s15+$0x30] =	vst v17;
	v19 =	vld [tilespmem:s9+$0x20];
	v11 =	vnsel vm6, $0x0, v11  }
0x1dd: {  	s22 =	sadd.s32 s0, s19;
	s19 =	simm.s32 $0x200;
	v17 =	vld [tilespmem:s8+$0xFFFFFFC0];
	v13 =	vnsel vm5, $0x0, v13;
	v14 =	vadd.f32 v14, v16;
	[tilespmem:s18+$0x0] =	vst v11  }
0x1de: {  	s31 =	sand.u32 $0x300, s19;
	vm4 =	vlt.s32 v10, v18;
	[tilespmem:s17+$0x60] =	vst v13;
	v11 =	vnsel vm8, $0x0, v15;
	v15 =	vld [tilespmem:s5+$0x10]  }
0x1df: {  	s23 =	sadd.s32 s31, s23;
	v13 =	vnsel vm4, $0x0, v14;
	[tilespmem:s22+$0x0] =	vst v11;
	v11 =	vld [tilespmem:s13+$0xFFFFFFC0]  }
0x1e0: {  	[tilespmem:s23+$0x0] =	vst v13  }
0x1e1: {  	v12 =	vadd.f32 v19, v12;
	v13 =	vld [tilespmem:s11+$0xFFFFFF90]  }
0x1e2: {  	v18 =	vld [tilespmem:s9+$0xFFFFFF90]  }
0x1e3: {  	v16 =	vld [tilespmem:s12+$0x10];
	v12 =	vnsel vm3, $0x0, v12  }
0x1e4: {  	v14 =	vld [tilespmem:s4+$0x70];
	[tilespmem:s24+$0x20] =	vst v12;
	v12 =	vnsel vm6, $0x0, v15;
	v11 =	vadd.f32 v11, v17  }
0x1e5: {  	v15 =	vld [tilespmem:s11+$0x30];
	[tilespmem:s18+$0x10] =	vst v12  }
0x1e6: {  	v12 =	vld [tilespmem:s5+$0x20];
	v11 =	vnsel vm2, $0x0, v11  }
0x1e7: {  	v17 =	vld [tilespmem:s9+$0x30];
	[tilespmem:s15+$0x40] =	vst v11  }
0x1e8: {  	v13 =	vadd.f32 v18, v13;
	v11 =	vnsel vm8, $0x0, v16;
	v16 =	vld [tilespmem:s8+$0xFFFFFFD0]  }
0x1e9: {  	v14 =	vnsel vm5, $0x0, v14;
	[tilespmem:s22+$0x10] =	vst v11;
	v11 =	vld [tilespmem:s13+$0xFFFFFFD0]  }
0x1ea: {  	[tilespmem:s17+$0x70] =	vst v14;
	v13 =	vnsel vm4, $0x0, v13  }
0x1eb: {  	v14 =	vld [tilespmem:s4+$0x400];
	[tilespmem:s23+$0x10] =	vst v13;
	v12 =	vnsel vm6, $0x0, v12  }
0x1ec: {  	v13 =	vld [tilespmem:s11+$0xFFFFFFA0];
	v15 =	vadd.f32 v17, v15;
	[tilespmem:s18+$0x20] =	vst v12  }
0x1ed: {  	v12 =	vld [tilespmem:s5+$0x30]  }
0x1ee: {  	v15 =	vnsel vm3, $0x0, v15;
	v11 =	vadd.f32 v11, v16;
	v16 =	vld [tilespmem:s9+$0xFFFFFFA0]  }
0x1ef: {  	v18 =	vld [tilespmem:s12+$0x20];
	[tilespmem:s24+$0x30] =	vst v15  }
0x1f0: {  	v15 =	vld [tilespmem:s11+$0x40]  }
0x1f1: {  	v17 =	vld [tilespmem:s9+$0x40]  }
0x1f2: {  	s29 =	simm.s32 $0xAD80;
	v11 =	vnsel vm2, $0x0, v11  }
0x1f3: {  	v20 =	vld [tilespmem:s29+$0x0];
	[tilespmem:s15+$0x50] =	vst v11;
	v11 =	vnsel vm6, $0x0, v12;
	v13 =	vadd.f32 v16, v13  }
0x1f4: {  	v12 =	vld [tilespmem:s8+$0xFFFFFFE0];
	[tilespmem:s18+$0x30] =	vst v11  }
0x1f5: {  	v11 =	vnsel vm5, $0x0, v14;
	v14 =	vld [tilespmem:s5+$0x40];
	v13 =	vnsel vm4, $0x0, v13  }
0x1f6: {  	v16 =	vnsel vm8, $0x0, v18;
	v18 =	vld [tilespmem:s13+$0xFFFFFFE0];
	v15 =	vadd.f32 v17, v15;
	[tilespmem:s23+$0x20] =	vst v13  }
0x1f7: {  	v13 =	vld [tilespmem:s11+$0xFFFFFFB0]  }
0x1f8: {  	v15 =	vnsel vm3, $0x0, v15;
	v17 =	vld [tilespmem:s9+$0xFFFFFFB0]  }
0x1f9: {  	v22 =	vld [tilespmem:s29+$0xFFFFFF80];
	[tilespmem:s24+$0x40] =	vst v15  }
0x1fa: {  	v15 =	vld [tilespmem:s11+$0x50];
	v14 =	vnsel vm6, $0x0, v14  }
0x1fb: {  	s25 =	sadd.s32 $0x13200, s3;
	v12 =	vadd.f32 v18, v12;
	v18 =	vld [tilespmem:s9+$0x50];
	[tilespmem:s18+$0x40] =	vst v14  }
0x1fc: {  	s26 =	simm.s32 $0xCD80;
	s19 =	sadd.s32 s14, s25;
	v14 =	vld [tilespmem:s5+$0x50]  }
0x1fd: {  	v21 =	vld [tilespmem:s26+$0x0];
	[tilespmem:s19+$0x0] =	vst v11;
	v13 =	vadd.f32 v17, v13  }
0x1fe: {  	[tilespmem:s22+$0x20] =	vst v16;
	v11 =	vld [tilespmem:s4+$0x410]  }
0x1ff: {  	s21 =	simm.s32 $0x6400;
	v16 =	vld [tilespmem:s12+$0x30];
	v13 =	vnsel vm4, $0x0, v13  }
0x200: {  	v23 =	vld [tilespmem:s21+$0xFFFFFF80];
	[tilespmem:s23+$0x30] =	vst v13  }
0x201: {  	vm7 =	vmmov vm2;
	v15 =	vadd.f32 v18, v15;
	v18 =	vld [tilespmem:s9+$0xFFFFFFC0];
	v14 =	vnsel vm6, $0x0, v14  }
0x202: {  	v12 =	vnsel vm7, $0x0, v12;
	[tilespmem:s18+$0x50] =	vst v14;
	v14 =	vld [tilespmem:s11+$0xFFFFFFC0]  }
0x203: {  	vm2 =	vmmov vm8;
	v11 =	vnsel vm5, $0x0, v11;
	[tilespmem:s15+$0x60] =	vst v12;
	v13 =	vld [tilespmem:s5+$0x60]  }
0x204: {  	v12 =	vnsel vm2, $0x0, v16;
	[tilespmem:s19+$0x10] =	vst v11;
	v16 =	vld [tilespmem:s8+$0xFFFFFFF0];
	v15 =	vnsel vm3, $0x0, v15  }
0x205: {  	v11 =	vld [tilespmem:s4+$0x420];
	[tilespmem:s24+$0x50] =	vst v15  }
0x206: {  	v15 =	vld [tilespmem:s11+$0x60]  }
0x207: {  	vm8 =	vmmov vm6;
	v19 =	vld [tilespmem:s9+$0x60]  }
0x208: {  	[tilespmem:s22+$0x30] =	vst v12;
	v12 =	vld [tilespmem:s13+$0xFFFFFFF0];
	v14 =	vadd.f32 v18, v14;
	v13 =	vnsel vm8, $0x0, v13  }
0x209: {  	v18 =	vld [tilespmem:s21+$0x0];
	[tilespmem:s18+$0x60] =	vst v13  }
0x20a: {  	v14 =	vnsel vm4, $0x0, v14;
	v13 =	vld [tilespmem:s5+$0x70]  }
0x20b: {  	v11 =	vnsel vm5, $0x0, v11;
	[tilespmem:s23+$0x40] =	vst v14;
	v14 =	vld [tilespmem:s26+$0xFFFFFF80]  }
0x20c: {  	s8 =	simm.s32 $0x0;
	v17 =	vld [tilespmem:s12+$0x40];
	[tilespmem:s19+$0x20] =	vst v11;
	v15 =	vadd.f32 v19, v15  }
0x20d: {  	s3 =	smul.u32 $0x3000, s8;
	vm3 =	vmmov vm3;
	v43 =	vld [tilespmem:s4+$0x430]  }
0x20e: {  	v15 =	vnsel vm3, $0x0, v15;
	v19 =	vld [tilespmem:s11+$0xFFFFFFD0]  }
0x20f: {  	v20 =	vadd.f32 v21, v20;
	s13 =	simm.s32 $0x380;
	s16 =	sshra.s32 s3, $0x2;
	[tilespmem:s24+$0x60] =	vst v15;
	v24 =	vld [tilespmem:s9+$0xFFFFFFD0];
	v13 =	vnsel vm8, $0x0, v13  }
0x210: {  	s14 =	sadd.s32 $0x12A00, s16;
	s21 =	simm.s32 $0x300;
	vm9 =	vlt.s32 v10, v18;
	v14 =	vadd.f32 v14, v22;
	[tilespmem:s18+$0x70] =	vst v13;
	s18 =	sand.u32 $0x380, s13;
	v13 =	vld [tilespmem:s11+$0x70]  }
0x211: {  	vm10 =	vlt.s32 v10, v23;
	s17 =	sand.u32 $0x300, s21;
	v15 =	vnsel vm9, $0x0, v20;
	v18 =	vld [tilespmem:s5+$0x400];
	s2 =	sadd.s32 s18, s14  }
0x212: {  	s14 =	sadd.s32 s17, s14;
	v11 =	vnsel vm10, $0x0, v14;
	[tilespmem:s2+$0x0] =	vst v15;
	v15 =	vld [tilespmem:s9+$0x70]  }
0x213: {  	s13 =	simm.s32 $0x400;
	[tilespmem:s14+$0x0] =	vst v11;
	v11 =	vadd.f32 v12, v16;
	v42 =	vld [tilespmem:s29+$0x10]  }
0x214: {  	s3 =	sadd.s32 $0x13200, s6;
	v17 =	vnsel vm2, $0x0, v17;
	s6 =	sand.u32 $0x3FFFF800, s13;
	v14 =	vld [tilespmem:s26+$0x10]  }
0x215: {  	[tilespmem:s22+$0x40] =	vst v17;
	s13 =	sadd.s32 $0xEA00, s6;
	s6 =	sadd.s32 $0x12E00, s10;
	v12 =	vld [tilespmem:s29+$0xFFFFFF90];
	v11 =	vnsel vm7, $0x0, v11  }
0x216: {  	s21 =	sadd.s32 s7, s3;
	s7 =	sadd.s32 s1, s30;
	s30 =	sadd.s32 s31, s6;
	[tilespmem:s15+$0x70] =	vst v11;
	v11 =	vld [tilespmem:s12+$0x50]  }
0x217: {  	s15 =	sadd.s32 s1, s28;
	s28 =	sadd.s32 s20, s6;
	s6 =	simm.s32 $0xCE80;
	v16 =	vnsel vm8, $0x0, v18;
	v18 =	vld [tilespmem:s26+$0xFFFFFF90];
	v13 =	vadd.f32 v15, v13  }
0x218: {  	v51 =	vld [tilespmem:s6+$0xFFFFFF80];
	[tilespmem:s21+$0x0] =	vst v16;
	v15 =	vadd.f32 v24, v19  }
0x219: {  	v16 =	vld [tilespmem:s5+$0x410];
	v14 =	vadd.f32 v14, v42;
	v13 =	vnsel vm3, $0x0, v13  }
0x21a: {  	s8 =	sadd.s32 s20, s13;
	v15 =	vnsel vm4, $0x0, v15;
	[tilespmem:s24+$0x70] =	vst v13;
	v13 =	vld [tilespmem:s15+$0x0]  }
0x21b: {  	[tilespmem:s23+$0x50] =	vst v15;
	v14 =	vnsel vm9, $0x0, v14;
	v15 =	vld [tilespmem:s8+$0x0]  }
0x21c: {  	v17 =	vld [tilespmem:s11+$0xFFFFFFE0];
	[tilespmem:s2+$0x10] =	vst v14  }
0x21d: {  	v12 =	vadd.f32 v18, v12;
	v14 =	vld [tilespmem:s29+$0x20]  }
0x21e: {  	s24 =	sadd.s32 s31, s13;
	s13 =	simm.s32 $0xAE80;
	v18 =	vld [tilespmem:s26+$0x20];
	v16 =	vnsel vm8, $0x0, v16  }
0x21f: {  	v50 =	vld [tilespmem:s13+$0xFFFFFF80];
	v12 =	vnsel vm10, $0x0, v12;
	[tilespmem:s21+$0x10] =	vst v16  }
0x220: {  	[tilespmem:s14+$0x10] =	vst v12;
	v12 =	vld [tilespmem:s5+$0x420]  }
0x221: {  	v16 =	vld [tilespmem:s29+$0xFFFFFFA0];
	v15 =	vnsel vm3, $0x0, v15  }
0x222: {  	v19 =	vld [tilespmem:s26+$0xFFFFFFA0];
	v13 =	vnsel vm7, $0x0, v13;
	[tilespmem:s28+$0x0] =	vst v15  }
0x223: {  	[tilespmem:s7+$0x0] =	vst v13;
	v15 =	vnsel vm5, $0x0, v43;
	v14 =	vadd.f32 v18, v14;
	v44 =	vld [tilespmem:s8+$0x10]  }
0x224: {  	[tilespmem:s19+$0x30] =	vst v15;
	v15 =	vld [tilespmem:s9+$0xFFFFFFE0]  }
0x225: {  	v13 =	vld [tilespmem:s15+$0x10];
	v14 =	vnsel vm9, $0x0, v14  }
0x226: {  	v18 =	vld [tilespmem:s4+$0x440];
	v12 =	vnsel vm8, $0x0, v12;
	[tilespmem:s2+$0x20] =	vst v14  }
0x227: {  	[tilespmem:s21+$0x20] =	vst v12;
	v12 =	vadd.f32 v19, v16;
	v16 =	vld [tilespmem:s29+$0x30]  }
0x228: {  	v14 =	vld [tilespmem:s5+$0x430];
	v19 =	vnsel vm3, $0x0, v44  }
0x229: {  	v15 =	vadd.f32 v15, v17;
	v12 =	vnsel vm10, $0x0, v12;
	v17 =	vld [tilespmem:s26+$0x30];
	[tilespmem:s28+$0x10] =	vst v19  }
0x22a: {  	vm6 =	vmmov vm4;
	v11 =	vnsel vm2, $0x0, v11;
	[tilespmem:s14+$0x20] =	vst v12;
	v12 =	vld [tilespmem:s8+$0x20]  }
0x22b: {  	[tilespmem:s22+$0x50] =	vst v11;
	v15 =	vnsel vm6, $0x0, v15;
	v19 =	vld [tilespmem:s29+$0xFFFFFFB0]  }
0x22c: {  	v18 =	vnsel vm5, $0x0, v18;
	[tilespmem:s23+$0x60] =	vst v15;
	v15 =	vld [tilespmem:s26+$0xFFFFFFB0]  }
0x22d: {  	[tilespmem:s19+$0x40] =	vst v18;
	v18 =	vld [tilespmem:s12+$0x60]  }
0x22e: {  	v13 =	vnsel vm7, $0x0, v13;
	v11 =	vld [tilespmem:s4+$0x450]  }
0x22f: {  	[tilespmem:s7+$0x10] =	vst v13;
	v45 =	vld [tilespmem:s11+$0xFFFFFFF0];
	v13 =	vnsel vm8, $0x0, v14;
	v14 =	vadd.f32 v17, v16  }
0x230: {  	v16 =	vld [tilespmem:s15+$0x20];
	[tilespmem:s21+$0x30] =	vst v13;
	v12 =	vnsel vm3, $0x0, v12  }
0x231: {  	v13 =	vld [tilespmem:s5+$0x440];
	v14 =	vnsel vm9, $0x0, v14;
	[tilespmem:s28+$0x20] =	vst v12;
	v12 =	vadd.f32 v15, v19  }
0x232: {  	[tilespmem:s2+$0x30] =	vst v14;
	v15 =	vld [tilespmem:s8+$0x30]  }
0x233: {  	v14 =	vld [tilespmem:s29+$0x40];
	v12 =	vnsel vm10, $0x0, v12  }
0x234: {  	v17 =	vld [tilespmem:s26+$0x40];
	[tilespmem:s14+$0x30] =	vst v12  }
0x235: {  	v12 =	vld [tilespmem:s29+$0xFFFFFFC0]  }
0x236: {  	v11 =	vnsel vm5, $0x0, v11;
	v19 =	vld [tilespmem:s26+$0xFFFFFFC0]  }
0x237: {  	v46 =	vld [tilespmem:s9+$0xFFFFFFF0];
	[tilespmem:s19+$0x50] =	vst v11;
	v11 =	vnsel vm2, $0x0, v18  }
0x238: {  	v18 =	vld [tilespmem:s4+$0x460];
	[tilespmem:s22+$0x60] =	vst v11;
	v11 =	vnsel vm7, $0x0, v16  }
0x239: {  	v16 =	vld [tilespmem:s12+$0x70];
	[tilespmem:s7+$0x20] =	vst v11;
	v11 =	vnsel vm8, $0x0, v13;
	v13 =	vadd.f32 v17, v14  }
0x23a: {  	[tilespmem:s21+$0x40] =	vst v11;
	v14 =	vld [tilespmem:s15+$0x30];
	v11 =	vnsel vm3, $0x0, v15  }
0x23b: {  	v15 =	vld [tilespmem:s5+$0x450];
	[tilespmem:s28+$0x30] =	vst v11;
	v11 =	vadd.f32 v19, v12;
	v12 =	vnsel vm9, $0x0, v13  }
0x23c: {  	v13 =	vld [tilespmem:s8+$0x40];
	[tilespmem:s2+$0x40] =	vst v12  }
0x23d: {  	v11 =	vnsel vm10, $0x0, v11;
	v12 =	vld [tilespmem:s29+$0x50]  }
0x23e: {  	vm12 =	vmmov vm7;
	v16 =	vnsel vm2, $0x0, v16;
	v17 =	vld [tilespmem:s26+$0x50];
	[tilespmem:s14+$0x40] =	vst v11  }
0x23f: {  	v19 =	vadd.f32 v46, v45;
	[tilespmem:s22+$0x70] =	vst v16;
	v14 =	vnsel vm12, $0x0, v14;
	v11 =	vnsel vm5, $0x0, v18;
	v18 =	vld [tilespmem:s29+$0xFFFFFFD0]  }
0x240: {  	v15 =	vnsel vm8, $0x0, v15;
	[tilespmem:s7+$0x30] =	vst v14;
	v47 =	vld [tilespmem:s26+$0xFFFFFFD0]  }
0x241: {  	v16 =	vld [tilespmem:s12+$0x400];
	v14 =	vnsel vm6, $0x0, v19;
	[tilespmem:s21+$0x50] =	vst v15  }
0x242: {  	[tilespmem:s23+$0x70] =	vst v14;
	v14 =	vld [tilespmem:s15+$0x40]  }
0x243: {  	[tilespmem:s19+$0x60] =	vst v11;
	v15 =	vld [tilespmem:s5+$0x460];
	v13 =	vnsel vm3, $0x0, v13;
	v12 =	vadd.f32 v17, v12  }
0x244: {  	v11 =	vld [tilespmem:s4+$0x470];
	[tilespmem:s28+$0x40] =	vst v13  }
0x245: {  	v13 =	vadd.f32 v47, v18;
	v12 =	vnsel vm9, $0x0, v12;
	v18 =	vld [tilespmem:s8+$0x50]  }
0x246: {  	v17 =	vld [tilespmem:s24+$0x0];
	[tilespmem:s2+$0x50] =	vst v12  }
0x247: {  	vm2 =	vmmov vm2;
	v12 =	vnsel vm10, $0x0, v13;
	v13 =	vld [tilespmem:s29+$0x60]  }
0x248: {  	s9 =	sadd.s32 s0, s25;
	v16 =	vnsel vm2, $0x0, v16;
	[tilespmem:s14+$0x50] =	vst v12;
	v12 =	vld [tilespmem:s26+$0x60]  }
0x249: {  	[tilespmem:s9+$0x0] =	vst v16;
	v14 =	vnsel vm12, $0x0, v14;
	v19 =	vld [tilespmem:s29+$0xFFFFFFE0]  }
0x24a: {  	[tilespmem:s7+$0x40] =	vst v14;
	v14 =	vld [tilespmem:s26+$0xFFFFFFE0];
	v18 =	vnsel vm3, $0x0, v18  }
0x24b: {  	v48 =	vld [tilespmem:s12+$0x410];
	v17 =	vnsel vm6, $0x0, v17;
	[tilespmem:s28+$0x50] =	vst v18  }
0x24c: {  	v15 =	vnsel vm8, $0x0, v15;
	[tilespmem:s30+$0x0] =	vst v17;
	v17 =	vld [tilespmem:s8+$0x60]  }
0x24d: {  	[tilespmem:s21+$0x60] =	vst v15;
	v15 =	vld [tilespmem:s13+$0x0]  }
0x24e: {  	v16 =	vld [tilespmem:s15+$0x50];
	v13 =	vadd.f32 v12, v13  }
0x24f: {  	vm9 =	vmmov vm9;
	v18 =	vld [tilespmem:s24+$0x10];
	v14 =	vadd.f32 v14, v19  }
0x250: {  	vm4 =	vmmov vm10;
	vm10 =	vmmov vm3;
	v12 =	vld [tilespmem:s5+$0x470];
	v13 =	vnsel vm9, $0x0, v13  }
0x251: {  	s5 =	simm.s32 $0x6500;
	v19 =	vld [tilespmem:s6+$0x0];
	[tilespmem:s2+$0x60] =	vst v13;
	v13 =	vnsel vm4, $0x0, v14;
	v14 =	vnsel vm10, $0x0, v17  }
0x252: {  	v49 =	vld [tilespmem:s5+$0x0];
	[tilespmem:s28+$0x60] =	vst v14  }
0x253: {  	v16 =	vnsel vm12, $0x0, v16;
	v14 =	vld [tilespmem:s8+$0x70]  }
0x254: {  	[tilespmem:s7+$0x50] =	vst v16;
	v52 =	vld [tilespmem:s5+$0xFFFFFF80]  }
0x255: {  	s25 =	simm.s32 $0x1;
	v16 =	vld [tilespmem:s15+$0x60]  }
0x256: {  	s0 =	smul.u32 $0x3000, s25;
	v17 =	vld [tilespmem:s29+$0x70]  }
0x257: {  	[tilespmem:s14+$0x60] =	vst v13;
	v25 =	vld [tilespmem:s26+$0x70]  }
0x258: {  	s22 =	sshra.s32 s0, $0x2;
	v26 =	vld [tilespmem:s26+$0xFFFFFFF0];
	s26 =	simm.s32 $0x480;
	v15 =	vadd.f32 v19, v15;
	v14 =	vnsel vm10, $0x0, v14  }
0x259: {  	v13 =	vld [tilespmem:s29+$0xFFFFFFF0];
	vm11 =	vlt.s32 v10, v49;
	s23 =	sand.u32 $0x380, s26;
	[tilespmem:s28+$0x70] =	vst v14;
	v14 =	vnsel vm2, $0x0, v48;
	s28 =	sadd.s32 $0x12A00, s22  }
0x25a: {  	[tilespmem:s9+$0x10] =	vst v14;
	v14 =	vnsel vm11, $0x0, v15;
	v15 =	vld [tilespmem:s8+$0x400];
	s4 =	sadd.s32 s23, s28  }
0x25b: {  	v19 =	vadd.f32 v51, v50;
	v53 =	vld [tilespmem:s12+$0x420];
	[tilespmem:s4+$0x0] =	vst v14  }
0x25c: {  	s11 =	simm.s32 $0x400;
	vm7 =	vlt.s32 v10, v52;
	v14 =	vnsel vm6, $0x0, v18;
	v18 =	vld [tilespmem:s13+$0x10]  }
0x25d: {  	s25 =	sand.u32 $0x300, s11;
	[tilespmem:s30+$0x10] =	vst v14;
	v14 =	vnsel vm7, $0x0, v19;
	v19 =	vld [tilespmem:s6+$0x10]  }
0x25e: {  	s29 =	sadd.s32 s25, s28;
	v54 =	vld [tilespmem:s24+$0x20]  }
0x25f: {  	v16 =	vnsel vm12, $0x0, v16;
	v17 =	vadd.f32 v25, v17;
	s28 =	sadd.s32 $0x13200, s10;
	[tilespmem:s29+$0x0] =	vst v14  }
0x260: {  	[tilespmem:s7+$0x60] =	vst v16;
	s26 =	sadd.s32 s20, s28;
	v14 =	vld [tilespmem:s13+$0xFFFFFF90];
	v15 =	vnsel vm10, $0x0, v15  }
0x261: {  	v17 =	vnsel vm9, $0x0, v17;
	s20 =	simm.s32 $0x600;
	[tilespmem:s26+$0x0] =	vst v15;
	v15 =	vld [tilespmem:s6+$0xFFFFFF90]  }
0x262: {  	v55 =	vld [tilespmem:s15+$0x70];
	[tilespmem:s2+$0x70] =	vst v17;
	s0 =	sand.u32 $0x3FFFF800, s20;
	v20 =	vnsel vm2, $0x0, v53;
	v18 =	vadd.f32 v19, v18  }
0x263: {  	s10 =	sadd.s32 $0xEA00, s0;
	v16 =	vld [tilespmem:s8+$0x410];
	[tilespmem:s9+$0x20] =	vst v20;
	v19 =	vnsel vm6, $0x0, v54  }
0x264: {  	s0 =	sadd.s32 s18, s10;
	v17 =	vld [tilespmem:s12+$0x430];
	[tilespmem:s30+$0x20] =	vst v19;
	v18 =	vnsel vm11, $0x0, v18  }
0x265: {  	v19 =	vld [tilespmem:s0+$0x0];
	[tilespmem:s4+$0x10] =	vst v18  }
0x266: {  	v14 =	vadd.f32 v15, v14;
	v15 =	vld [tilespmem:s13+$0x20]  }
0x267: {  	v18 =	vld [tilespmem:s6+$0x20]  }
0x268: {  	v56 =	vld [tilespmem:s24+$0x30];
	v16 =	vnsel vm10, $0x0, v16  }
0x269: {  	v14 =	vnsel vm7, $0x0, v14;
	[tilespmem:s26+$0x10] =	vst v16  }
0x26a: {  	s2 =	sadd.s32 $0x12E00, s16;
	v20 =	vnsel vm12, $0x0, v55;
	[tilespmem:s29+$0x10] =	vst v14;
	v14 =	vld [tilespmem:s8+$0x420]  }
0x26b: {  	s20 =	sadd.s32 s18, s2;
	[tilespmem:s7+$0x70] =	vst v20;
	v19 =	vnsel vm9, $0x0, v19;
	v16 =	vld [tilespmem:s13+$0xFFFFFFA0]  }
0x26c: {  	vm6 =	vmmov vm6;
	v17 =	vnsel vm2, $0x0, v17;
	[tilespmem:s20+$0x0] =	vst v19;
	v19 =	vld [tilespmem:s6+$0xFFFFFFA0];
	v15 =	vadd.f32 v18, v15  }
0x26d: {  	[tilespmem:s9+$0x30] =	vst v17;
	v18 =	vnsel vm6, $0x0, v56  }
0x26e: {  	v17 =	vld [tilespmem:s15+$0x400];
	[tilespmem:s30+$0x30] =	vst v18;
	v15 =	vnsel vm11, $0x0, v15  }
0x26f: {  	v57 =	vld [tilespmem:s0+$0x10];
	v14 =	vnsel vm10, $0x0, v14;
	[tilespmem:s4+$0x20] =	vst v15  }
0x270: {  	[tilespmem:s26+$0x20] =	vst v14;
	v14 =	vld [tilespmem:s24+$0x40]  }
0x271: {  	v13 =	vadd.f32 v26, v13;
	v16 =	vadd.f32 v19, v16;
	v19 =	vld [tilespmem:s13+$0x30]  }
0x272: {  	v58 =	vld [tilespmem:s6+$0x30]  }
0x273: {  	v13 =	vnsel vm4, $0x0, v13;
	v15 =	vld [tilespmem:s8+$0x430]  }
0x274: {  	[tilespmem:s14+$0x70] =	vst v13;
	v18 =	vld [tilespmem:s12+$0x440];
	v20 =	vnsel vm9, $0x0, v57  }
0x275: {  	vm3 =	vmmov vm12;
	v16 =	vnsel vm7, $0x0, v16;
	[tilespmem:s20+$0x10] =	vst v20  }
0x276: {  	s1 =	sadd.s32 s1, s3;
	v13 =	vnsel vm3, $0x0, v17;
	[tilespmem:s29+$0x20] =	vst v16;
	v16 =	vld [tilespmem:s0+$0x20]  }
0x277: {  	s10 =	sadd.s32 s17, s10;
	[tilespmem:s1+$0x0] =	vst v13;
	v59 =	vld [tilespmem:s13+$0xFFFFFFB0];
	v14 =	vnsel vm6, $0x0, v14  }
0x278: {  	vm2 =	vmmov vm2;
	v13 =	vadd.f32 v58, v19;
	v19 =	vld [tilespmem:s10+$0x0];
	[tilespmem:s30+$0x40] =	vst v14;
	v15 =	vnsel vm10, $0x0, v15  }
0x279: {  	v18 =	vnsel vm2, $0x0, v18;
	v14 =	vld [tilespmem:s6+$0xFFFFFFB0];
	[tilespmem:s26+$0x30] =	vst v15  }
0x27a: {  	[tilespmem:s9+$0x40] =	vst v18;
	v13 =	vnsel vm11, $0x0, v13;
	v17 =	vld [tilespmem:s8+$0x440]  }
0x27b: {  	v15 =	vld [tilespmem:s24+$0x50];
	v16 =	vnsel vm9, $0x0, v16;
	[tilespmem:s4+$0x30] =	vst v13  }
0x27c: {  	v13 =	vld [tilespmem:s12+$0x450];
	[tilespmem:s20+$0x20] =	vst v16  }
0x27d: {  	v18 =	vld [tilespmem:s0+$0x30]  }
0x27e: {  	v16 =	vld [tilespmem:s15+$0x410];
	v14 =	vadd.f32 v14, v59  }
0x27f: {  	v60 =	vld [tilespmem:s13+$0x40];
	v17 =	vnsel vm10, $0x0, v17  }
0x280: {  	v61 =	vld [tilespmem:s6+$0x40];
	v14 =	vnsel vm7, $0x0, v14;
	[tilespmem:s26+$0x40] =	vst v17  }
0x281: {  	s7 =	sadd.s32 s17, s2;
	v19 =	vnsel vm4, $0x0, v19;
	[tilespmem:s29+$0x30] =	vst v14;
	v14 =	vld [tilespmem:s8+$0x450]  }
0x282: {  	[tilespmem:s7+$0x0] =	vst v19;
	v17 =	vld [tilespmem:s13+$0xFFFFFFC0];
	v18 =	vnsel vm9, $0x0, v18  }
0x283: {  	v15 =	vnsel vm6, $0x0, v15;
	[tilespmem:s20+$0x30] =	vst v18;
	v18 =	vld [tilespmem:s6+$0xFFFFFFC0]  }
0x284: {  	[tilespmem:s30+$0x50] =	vst v15;
	v13 =	vnsel vm2, $0x0, v13;
	v19 =	vld [tilespmem:s0+$0x40]  }
0x285: {  	v15 =	vnsel vm3, $0x0, v16;
	v16 =	vld [tilespmem:s10+$0x10];
	[tilespmem:s9+$0x50] =	vst v13  }
0x286: {  	v62 =	vld [tilespmem:s24+$0x60];
	[tilespmem:s1+$0x10] =	vst v15;
	v15 =	vadd.f32 v61, v60;
	v14 =	vnsel vm10, $0x0, v14  }
0x287: {  	[tilespmem:s26+$0x50] =	vst v14;
	v14 =	vld [tilespmem:s15+$0x420]  }
0x288: {  	v13 =	vnsel vm11, $0x0, v15;
	v17 =	vadd.f32 v18, v17;
	v18 =	vld [tilespmem:s12+$0x460]  }
0x289: {  	[tilespmem:s4+$0x40] =	vst v13;
	v15 =	vld [tilespmem:s8+$0x460];
	v13 =	vnsel vm9, $0x0, v19  }
0x28a: {  	v11 =	vnsel vm5, $0x0, v11;
	[tilespmem:s20+$0x40] =	vst v13;
	v13 =	vld [tilespmem:s13+$0x50]  }
0x28b: {  	[tilespmem:s19+$0x70] =	vst v11;
	v11 =	vnsel vm7, $0x0, v17;
	v17 =	vld [tilespmem:s0+$0x50]  }
0x28c: {  	v12 =	vnsel vm8, $0x0, v12;
	[tilespmem:s29+$0x40] =	vst v11;
	v11 =	vld [tilespmem:s6+$0x50]  }
0x28d: {  	[tilespmem:s21+$0x70] =	vst v12;
	v16 =	vnsel vm4, $0x0, v16;
	v12 =	vld [tilespmem:s13+$0xFFFFFFD0]  }
0x28e: {  	[tilespmem:s7+$0x10] =	vst v16;
	v16 =	vnsel vm6, $0x0, v62;
	v19 =	vld [tilespmem:s6+$0xFFFFFFD0]  }
0x28f: {  	[tilespmem:s30+$0x60] =	vst v16;
	v15 =	vnsel vm10, $0x0, v15  }
0x290: {  	v63 =	vld [tilespmem:s24+$0x70];
	v16 =	vnsel vm2, $0x0, v18;
	[tilespmem:s26+$0x60] =	vst v15  }
0x291: {  	[tilespmem:s9+$0x60] =	vst v16;
	v15 =	vld [tilespmem:s8+$0x470];
	v17 =	vnsel vm9, $0x0, v17  }
0x292: {  	v18 =	vld [tilespmem:s10+$0x20];
	v16 =	vadd.f32 v11, v13;
	v13 =	vnsel vm3, $0x0, v14;
	[tilespmem:s20+$0x50] =	vst v17  }
0x293: {  	[tilespmem:s1+$0x20] =	vst v13;
	v14 =	vadd.f32 v19, v12;
	v13 =	vld [tilespmem:s0+$0x60]  }
0x294: {  	v16 =	vnsel vm11, $0x0, v16;
	v12 =	vld [tilespmem:s15+$0x430]  }
0x295: {  	v11 =	vld [tilespmem:s12+$0x470];
	[tilespmem:s4+$0x50] =	vst v16;
	v14 =	vnsel vm7, $0x0, v14  }
0x296: {  	s3 =	simm.s32 $0xAF80;
	vm5 =	vmmov vm9;
	s19 =	simm.s32 $0x8;
	v16 =	vld [tilespmem:s13+$0x60];
	[tilespmem:s29+$0x50] =	vst v14;
	v15 =	vnsel vm10, $0x0, v15  }
0x297: {  	vm8 =	vmmov vm11;
	s14 =	simm.s32 $0x8;
	s12 =	sadd.s32 s31, s28;
	s8 =	simm.s32 $0xCE80;
	v17 =	vld [tilespmem:s6+$0x60];
	v14 =	vnsel vm6, $0x0, v63;
	[tilespmem:s26+$0x70] =	vst v15;
	v15 =	vnsel vm4, $0x0, v18  }
.LBB2_5:
0x298: {  	v18 =	vld [tilespmem:s3+$0x0];
	s6 =	sadd.s32 $0x100, s6;
	[tilespmem:s7+$0x20] =	vst v15;
	v13 =	vnsel vm5, $0x0, v13  }
0x299: {  	v15 =	vld [tilespmem:s6+$0x0];
	[tilespmem:s20+$0x60] =	vst v13;
	v12 =	vnsel vm3, $0x0, v12  }
0x29a: {  	s5 =	sadd.s32 $0x100, s5;
	v13 =	vld [tilespmem:s0+$0x70];
	[tilespmem:s30+$0x70] =	vst v14;
	v11 =	vnsel vm2, $0x0, v11;
	vm2 =	vmmov vm3;
	vm3 =	vmmov vm6;
	s30 =	smov.u32 s7  }
0x29b: {  	s19 =	sadd.s32 $0x2, s19;
	vm6 =	vmmov vm4;
	vm4 =	vmmov vm7;
	v14 =	vld [tilespmem:s5+$0x0];
	[tilespmem:s1+$0x30] =	vst v12  }
0x29c: {  	s2 =	sshrl.u32 s19, $0x3;
	p1 =	slt.u32 s19, $0x1E;
	v12 =	vld [tilespmem:s3+$0xFFFFFF80];
	v16 =	vadd.f32 v17, v16;
	[tilespmem:s9+$0x70] =	vst v11;
	s9 =	smov.u32 s1  }
0x29d: {  	s2 =	smul.u32 $0x3000, s2;
	s1 =	smov.u32 s12;
	v11 =	vld [tilespmem:s6+$0xFFFFFF80]  }
0x29e: {  	s11 =	sadd.s32 $0x100, s11;
	v17 =	vld [tilespmem:s5+$0xFFFFFF80];
	v16 =	vnsel vm8, $0x0, v16  }
0x29f: {  	s7 =	sand.u32 $0x300, s11;
	s2 =	sshra.s32 s2, $0x2;
	s12 =	sadd.s32 $0x80, s11;
	v15 =	vadd.f32 v15, v18;
	v18 =	vld [tilespmem:s13+$0xFFFFFFE0];
	[tilespmem:s4+$0x60] =	vst v16;
	v13 =	vnsel vm5, $0x0, v13  }
0x2a0: {  	s21 =	sadd.s32 $0x12A00, s2;
	s26 =	sand.u32 $0x380, s12;
	vm9 =	vlt.s32 v10, v14;
	v14 =	vld [tilespmem:s13+$0x70];
	[tilespmem:s20+$0x70] =	vst v13  }
0x2a1: {  	s28 =	sadd.s32 s7, s21;
	s20 =	sadd.s32 s26, s21;
	v13 =	vnsel vm9, $0x0, v15;
	v15 =	vld [tilespmem:s0+$0x400]  }
0x2a2: {  	v11 =	vadd.f32 v11, v12;
	[tilespmem:s20+$0x0] =	vst v13;
	v12 =	vld [tilespmem:s8+$0x70]  }
0x2a3: {  	vm7 =	vlt.s32 v10, v17;
	v13 =	vld [tilespmem:s3+$0x10]  }
0x2a4: {  	v11 =	vnsel vm7, $0x0, v11;
	v16 =	vld [tilespmem:s6+$0x10]  }
0x2a5: {  	s21 =	sadd.s32 $0x13200, s16;
	s16 =	smov.u32 s22;
	s22 =	smov.u32 s2;
	[tilespmem:s28+$0x0] =	vst v11;
	v11 =	vld [tilespmem:s8+$0xFFFFFFE0]  }
0x2a6: {  	s12 =	sadd.s32 s17, s21;
	s2 =	sadd.s32 s18, s21;
	s17 =	smov.u32 s25;
	v17 =	vld [tilespmem:s3+$0xFFFFFF90];
	v15 =	vnsel vm5, $0x0, v15  }
0x2a7: {  	s18 =	sshll.u32 s14, $0x8;
	s14 =	smov.u32 s19;
	s25 =	smov.u32 s7;
	v19 =	vld [tilespmem:s6+$0xFFFFFF90];
	v12 =	vadd.f32 v12, v14;
	[tilespmem:s2+$0x0] =	vst v15  }
0x2a8: {  	s7 =	sand.u32 $0x3FFFF800, s18;
	s18 =	smov.u32 s23;
	s23 =	smov.u32 s26;
	v14 =	vld [tilespmem:s0+$0x410]  }
0x2a9: {  	s7 =	sadd.s32 $0xEA00, s7;
	v13 =	vadd.f32 v16, v13;
	v12 =	vnsel vm8, $0x0, v12;
	v15 =	vld [tilespmem:s10+$0x30]  }
0x2aa: {  	s21 =	sadd.s32 s17, s7;
	s26 =	sadd.s32 s18, s7;
	v11 =	vadd.f32 v11, v18;
	[tilespmem:s4+$0x70] =	vst v12;
	v12 =	vld [tilespmem:s24+$0x400];
	s4 =	smov.u32 s20  }
0x2ab: {  	v13 =	vnsel vm9, $0x0, v13;
	v16 =	vld [tilespmem:s26+$0x0]  }
0x2ac: {  	v17 =	vadd.f32 v19, v17;
	[tilespmem:s4+$0x10] =	vst v13;
	v11 =	vnsel vm4, $0x0, v11;
	v13 =	vld [tilespmem:s15+$0x440]  }
0x2ad: {  	v18 =	vld [tilespmem:s3+$0x20];
	[tilespmem:s29+$0x60] =	vst v11;
	v11 =	vnsel vm5, $0x0, v14  }
0x2ae: {  	v14 =	vnsel vm7, $0x0, v17;
	v17 =	vld [tilespmem:s6+$0x20];
	v15 =	vnsel vm6, $0x0, v15;
	[tilespmem:s2+$0x10] =	vst v11  }
0x2af: {  	s20 =	sadd.s32 $0x12E00, s16;
	[tilespmem:s28+$0x10] =	vst v14;
	v11 =	vld [tilespmem:s0+$0x420];
	v12 =	vnsel vm3, $0x0, v12  }
0x2b0: {  	s7 =	sadd.s32 s17, s20;
	s20 =	sadd.s32 s18, s20;
	v14 =	vld [tilespmem:s3+$0xFFFFFFA0];
	v16 =	vnsel vm8, $0x0, v16;
	[tilespmem:s30+$0x30] =	vst v15  }
0x2b1: {  	v15 =	vld [tilespmem:s6+$0xFFFFFFA0];
	[tilespmem:s20+$0x0] =	vst v16;
	v13 =	vnsel vm2, $0x0, v13  }
0x2b2: {  	v16 =	vld [tilespmem:s26+$0x10];
	[tilespmem:s1+$0x0] =	vst v12  }
0x2b3: {  	v12 =	vadd.f32 v17, v18;
	v17 =	vld [tilespmem:s13+$0xFFFFFFF0];
	[tilespmem:s9+$0x40] =	vst v13;
	s13 =	smov.u32 s3  }
0x2b4: {  	v13 =	vld [tilespmem:s8+$0xFFFFFFF0];
	v11 =	vnsel vm5, $0x0, v11;
	s8 =	smov.u32 s6  }
0x2b5: {  	v12 =	vnsel vm9, $0x0, v12;
	v18 =	vld [tilespmem:s10+$0x40];
	[tilespmem:s2+$0x20] =	vst v11  }
0x2b6: {  	v11 =	vadd.f32 v15, v14;
	[tilespmem:s4+$0x20] =	vst v12;
	v12 =	vld [tilespmem:s0+$0x430]  }
0x2b7: {  	v14 =	vld [tilespmem:s3+$0x30];
	v15 =	vnsel vm8, $0x0, v16  }
0x2b8: {  	v11 =	vnsel vm7, $0x0, v11;
	v16 =	vld [tilespmem:s6+$0x30];
	[tilespmem:s20+$0x10] =	vst v15  }
0x2b9: {  	[tilespmem:s28+$0x20] =	vst v11;
	v11 =	vadd.f32 v13, v17;
	v13 =	vld [tilespmem:s26+$0x20]  }
0x2ba: {  	v15 =	vld [tilespmem:s3+$0xFFFFFFB0];
	v17 =	vnsel vm6, $0x0, v18  }
0x2bb: {  	v18 =	vld [tilespmem:s6+$0xFFFFFFB0];
	v11 =	vnsel vm4, $0x0, v11;
	[tilespmem:s30+$0x40] =	vst v17;
	v12 =	vnsel vm5, $0x0, v12  }
0x2bc: {  	v17 =	vld [tilespmem:s10+$0x50];
	[tilespmem:s2+$0x30] =	vst v12  }
0x2bd: {  	[tilespmem:s29+$0x70] =	vst v11;
	v11 =	vld [tilespmem:s0+$0x440];
	s29 =	smov.u32 s28  }
0x2be: {  	v12 =	vadd.f32 v16, v14;
	v14 =	vld [tilespmem:s21+$0x0];
	v13 =	vnsel vm8, $0x0, v13  }
0x2bf: {  	[tilespmem:s20+$0x20] =	vst v13;
	v13 =	vld [tilespmem:s24+$0x410]  }
0x2c0: {  	v12 =	vnsel vm9, $0x0, v12;
	v15 =	vadd.f32 v18, v15;
	v16 =	vld [tilespmem:s26+$0x30]  }
0x2c1: {  	[tilespmem:s4+$0x30] =	vst v12;
	v12 =	vnsel vm6, $0x0, v17;
	v17 =	vld [tilespmem:s15+$0x450]  }
0x2c2: {  	v15 =	vnsel vm7, $0x0, v15;
	v18 =	vld [tilespmem:s3+$0x40];
	[tilespmem:s30+$0x50] =	vst v12;
	v11 =	vnsel vm5, $0x0, v11  }
0x2c3: {  	v12 =	vld [tilespmem:s6+$0x40];
	v14 =	vnsel vm4, $0x0, v14;
	[tilespmem:s2+$0x40] =	vst v11  }
0x2c4: {  	[tilespmem:s29+$0x30] =	vst v15;
	v11 =	vld [tilespmem:s0+$0x450];
	v13 =	vnsel vm3, $0x0, v13  }
0x2c5: {  	v15 =	vld [tilespmem:s3+$0xFFFFFFC0];
	[tilespmem:s7+$0x0] =	vst v14;
	v14 =	vnsel vm8, $0x0, v16  }
0x2c6: {  	v16 =	vld [tilespmem:s6+$0xFFFFFFC0];
	[tilespmem:s20+$0x30] =	vst v14;
	v14 =	vnsel vm2, $0x0, v17  }
0x2c7: {  	v17 =	vld [tilespmem:s26+$0x40];
	[tilespmem:s1+$0x10] =	vst v13  }
0x2c8: {  	v13 =	vld [tilespmem:s21+$0x10];
	[tilespmem:s9+$0x50] =	vst v14  }
0x2c9: {  	v12 =	vadd.f32 v12, v18;
	v14 =	vld [tilespmem:s10+$0x60];
	v11 =	vnsel vm5, $0x0, v11  }
0x2ca: {  	[tilespmem:s2+$0x50] =	vst v11;
	v11 =	vld [tilespmem:s24+$0x420]  }
0x2cb: {  	v12 =	vnsel vm9, $0x0, v12;
	v15 =	vadd.f32 v16, v15;
	v16 =	vld [tilespmem:s0+$0x460]  }
0x2cc: {  	[tilespmem:s4+$0x40] =	vst v12;
	v12 =	vnsel vm8, $0x0, v17;
	v17 =	vld [tilespmem:s15+$0x460]  }
0x2cd: {  	v15 =	vnsel vm7, $0x0, v15;
	v18 =	vld [tilespmem:s3+$0x50];
	v13 =	vnsel vm4, $0x0, v13;
	[tilespmem:s20+$0x40] =	vst v12  }
0x2ce: {  	[tilespmem:s29+$0x40] =	vst v15;
	v12 =	vld [tilespmem:s26+$0x50];
	v14 =	vnsel vm6, $0x0, v14  }
0x2cf: {  	v15 =	vld [tilespmem:s6+$0x50];
	[tilespmem:s7+$0x10] =	vst v13;
	v11 =	vnsel vm3, $0x0, v11  }
0x2d0: {  	v19 =	vld [tilespmem:s3+$0xFFFFFFD0];
	[tilespmem:s30+$0x60] =	vst v14;
	v13 =	vnsel vm5, $0x0, v16  }
0x2d1: {  	v14 =	vld [tilespmem:s6+$0xFFFFFFD0];
	[tilespmem:s2+$0x60] =	vst v13;
	v13 =	vnsel vm2, $0x0, v17  }
0x2d2: {  	v16 =	vld [tilespmem:s0+$0x470];
	[tilespmem:s1+$0x20] =	vst v11;
	s0 =	smov.u32 s26  }
0x2d3: {  	v17 =	vld [tilespmem:s21+$0x20];
	v11 =	vnsel vm8, $0x0, v12;
	[tilespmem:s9+$0x60] =	vst v13  }
0x2d4: {  	v12 =	vadd.f32 v15, v18;
	[tilespmem:s20+$0x50] =	vst v11;
	v18 =	vld [tilespmem:s10+$0x70]  }
.Ltmp1:
0x2d5: {  	v13 =	vld [tilespmem:s0+$0x60];
	(pc) =	sbr.rel @p1 .LBB2_5-.Ltmp1, $4  }
0x2d6: {  	v14 =	vadd.f32 v14, v19;
	v11 =	vnsel vm9, $0x0, v12;
	v12 =	vld [tilespmem:s24+$0x430]  }
0x2d7: {  	[tilespmem:s4+$0x50] =	vst v11;
	v19 =	vnsel vm5, $0x0, v16;
	v11 =	vld [tilespmem:s15+$0x470];
	vm5 =	vmmov vm8;
	vm8 =	vmmov vm9;
	s15 =	smov.u32 s24;
	s24 =	smov.u32 s10;
	s10 =	smov.u32 s21  }
0x2d8: {  	v14 =	vnsel vm7, $0x0, v14;
	v16 =	vld [tilespmem:s3+$0x60];
	v15 =	vnsel vm4, $0x0, v17;
	[tilespmem:s2+$0x70] =	vst v19  }
0x2d9: {  	s3 =	sadd.s32 $0x100, s3;
	[tilespmem:s29+$0x50] =	vst v14;
	v17 =	vld [tilespmem:s6+$0x60];
	v14 =	vnsel vm6, $0x0, v18  }
0x2da: {  	_ = 	snop  }
0x2db: {  	v10 =	vld [tilespmem:s13+$0xFFFFFFE0]  }
0x2dc: {  	v18 =	vld [tilespmem:s8+$0xFFFFFFE0];
	_ =	sdelay $0x1  }
0x2dd: {  	v16 =	vadd.f32 v17, v16;
	_ =	sdelay $0x1  }
0x2de: {  	v16 =	vnsel vm8, $0x0, v16  }
0x2df: {  	v10 =	vadd.f32 v18, v10;
	[tilespmem:s4+$0x60] =	vst v16  }
0x2e0: {  	vm7 =	vmmov vm7;
	v16 =	vld [tilespmem:s13+$0x70]  }
0x2e1: {  	v10 =	vnsel vm7, $0x0, v10;
	v17 =	vld [tilespmem:s8+$0x70]  }
0x2e2: {  	[tilespmem:s29+$0x60] =	vst v10  }
0x2e3: {  	v10 =	vld [tilespmem:s13+$0xFFFFFFF0]  }
0x2e4: {  	v18 =	vld [tilespmem:s8+$0xFFFFFFF0];
	_ =	sdelay $0x1  }
0x2e5: {  	s2 =	sshll.u32 s14, $0x8;
	v16 =	vadd.f32 v17, v16  }
0x2e6: {  	s2 =	sand.u32 $0x3FFFF800, s2  }
0x2e7: {  	s2 =	sadd.s32 $0xEA00, s2;
	v16 =	vnsel vm8, $0x0, v16  }
0x2e8: {  	s3 =	sadd.s32 s23, s2;
	v10 =	vadd.f32 v18, v10;
	[tilespmem:s4+$0x70] =	vst v16  }
0x2e9: {  	v16 =	vld [tilespmem:s3+$0x0]  }
0x2ea: {  	v10 =	vnsel vm7, $0x0, v10  }
0x2eb: {  	s2 =	sadd.s32 s25, s2;
	[tilespmem:s29+$0x70] =	vst v10  }
0x2ec: {  	v10 =	vld [tilespmem:s2+$0x0]  }
0x2ed: {  	s13 =	sadd.s32 $0x12E00, s22  }
0x2ee: {  	s5 =	sadd.s32 s23, s13;
	v16 =	vnsel vm8, $0x0, v16  }
0x2ef: {  	[tilespmem:s5+$0x0] =	vst v16  }
0x2f0: {  	v16 =	vld [tilespmem:s3+$0x10]  }
0x2f1: {  	s4 =	sadd.s32 s25, s13;
	v10 =	vnsel vm7, $0x0, v10  }
0x2f2: {  	[tilespmem:s4+$0x0] =	vst v10  }
0x2f3: {  	v10 =	vld [tilespmem:s2+$0x10];
	_ =	sdelay $0x1  }
0x2f4: {  	v16 =	vnsel vm8, $0x0, v16  }
0x2f5: {  	[tilespmem:s5+$0x10] =	vst v16  }
0x2f6: {  	v16 =	vld [tilespmem:s3+$0x20]  }
0x2f7: {  	v10 =	vnsel vm7, $0x0, v10  }
0x2f8: {  	[tilespmem:s4+$0x10] =	vst v10  }
0x2f9: {  	v10 =	vld [tilespmem:s2+$0x20];
	_ =	sdelay $0x1  }
0x2fa: {  	v16 =	vnsel vm8, $0x0, v16  }
0x2fb: {  	[tilespmem:s5+$0x20] =	vst v16  }
0x2fc: {  	v16 =	vld [tilespmem:s3+$0x30]  }
0x2fd: {  	[tilespmem:s7+$0x20] =	vst v15;
	v10 =	vnsel vm7, $0x0, v10  }
0x2fe: {  	v15 =	vld [tilespmem:s10+$0x30];
	[tilespmem:s4+$0x20] =	vst v10  }
0x2ff: {  	v10 =	vld [tilespmem:s2+$0x30];
	_ =	sdelay $0x1  }
0x300: {  	v16 =	vnsel vm8, $0x0, v16  }
0x301: {  	vm10 =	vmmov vm4;
	[tilespmem:s5+$0x30] =	vst v16  }
0x302: {  	vm9 =	vmmov vm7;
	v15 =	vnsel vm10, $0x0, v15;
	v16 =	vld [tilespmem:s3+$0x40]  }
0x303: {  	[tilespmem:s7+$0x30] =	vst v15;
	v10 =	vnsel vm9, $0x0, v10  }
0x304: {  	v15 =	vld [tilespmem:s10+$0x40];
	[tilespmem:s4+$0x30] =	vst v10  }
0x305: {  	v10 =	vld [tilespmem:s2+$0x40];
	_ =	sdelay $0x1  }
0x306: {  	v16 =	vnsel vm8, $0x0, v16  }
0x307: {  	[tilespmem:s5+$0x40] =	vst v16  }
0x308: {  	v15 =	vnsel vm10, $0x0, v15;
	v16 =	vld [tilespmem:s3+$0x50]  }
0x309: {  	[tilespmem:s7+$0x40] =	vst v15;
	v10 =	vnsel vm9, $0x0, v10  }
0x30a: {  	v15 =	vld [tilespmem:s10+$0x50];
	[tilespmem:s4+$0x40] =	vst v10  }
0x30b: {  	v10 =	vld [tilespmem:s2+$0x50];
	_ =	sdelay $0x1  }
0x30c: {  	v16 =	vnsel vm8, $0x0, v16  }
0x30d: {  	[tilespmem:s5+$0x50] =	vst v16  }
0x30e: {  	v15 =	vnsel vm10, $0x0, v15;
	v16 =	vld [tilespmem:s3+$0x60]  }
0x30f: {  	[tilespmem:s7+$0x50] =	vst v15;
	v10 =	vnsel vm9, $0x0, v10  }
0x310: {  	v15 =	vld [tilespmem:s10+$0x60];
	[tilespmem:s4+$0x50] =	vst v10;
	v10 =	vnsel vm5, $0x0, v13  }
0x311: {  	v13 =	vld [tilespmem:s2+$0x60];
	[tilespmem:s20+$0x60] =	vst v10  }
0x312: {  	vm4 =	vmmov vm8;
	v10 =	vld [tilespmem:s0+$0x70]  }
0x313: {  	v16 =	vnsel vm4, $0x0, v16  }
0x314: {  	[tilespmem:s5+$0x60] =	vst v16  }
0x315: {  	v15 =	vnsel vm10, $0x0, v15;
	v16 =	vld [tilespmem:s3+$0x70]  }
0x316: {  	[tilespmem:s7+$0x60] =	vst v15;
	v13 =	vnsel vm9, $0x0, v13  }
0x317: {  	v15 =	vld [tilespmem:s10+$0x70];
	[tilespmem:s4+$0x60] =	vst v13;
	v10 =	vnsel vm5, $0x0, v10  }
0x318: {  	v13 =	vld [tilespmem:s2+$0x70];
	[tilespmem:s20+$0x70] =	vst v10  }
0x319: {  	v10 =	vld [tilespmem:s0+$0x400]  }
0x31a: {  	v16 =	vnsel vm4, $0x0, v16  }
0x31b: {  	[tilespmem:s5+$0x70] =	vst v16  }
0x31c: {  	[tilespmem:s30+$0x70] =	vst v14;
	v14 =	vnsel vm10, $0x0, v15;
	v15 =	vld [tilespmem:s3+$0x400]  }
0x31d: {  	s14 =	sadd.s32 $0x13200, s16;
	[tilespmem:s7+$0x70] =	vst v14;
	v14 =	vld [tilespmem:s24+$0x400];
	v13 =	vnsel vm9, $0x0, v13  }
0x31e: {  	s16 =	sadd.s32 s18, s14;
	[tilespmem:s4+$0x70] =	vst v13;
	v13 =	vld [tilespmem:s10+$0x400];
	v10 =	vnsel vm5, $0x0, v10  }
0x31f: {  	v16 =	vld [tilespmem:s2+$0x400];
	[tilespmem:s16+$0x0] =	vst v10  }
0x320: {  	s18 =	sadd.s32 $0x13200, s22;
	v10 =	vld [tilespmem:s0+$0x410]  }
0x321: {  	s6 =	sadd.s32 s23, s18;
	vm7 =	vmmov vm6;
	v15 =	vnsel vm4, $0x0, v15  }
0x322: {  	vm6 =	vmmov vm10;
	v14 =	vnsel vm7, $0x0, v14;
	[tilespmem:s6+$0x0] =	vst v15  }
0x323: {  	[tilespmem:s12+$0x0] =	vst v14;
	vm8 =	vmmov vm9;
	s4 =	sadd.s32 s17, s14;
	v13 =	vnsel vm6, $0x0, v13;
	v14 =	vld [tilespmem:s3+$0x410]  }
0x324: {  	s7 =	sadd.s32 s25, s18;
	v15 =	vld [tilespmem:s24+$0x410];
	[tilespmem:s4+$0x0] =	vst v13;
	v13 =	vnsel vm8, $0x0, v16  }
0x325: {  	v16 =	vld [tilespmem:s10+$0x410];
	[tilespmem:s7+$0x0] =	vst v13;
	v10 =	vnsel vm5, $0x0, v10  }
0x326: {  	v13 =	vld [tilespmem:s2+$0x410];
	[tilespmem:s16+$0x10] =	vst v10  }
0x327: {  	v10 =	vld [tilespmem:s0+$0x420]  }
0x328: {  	v14 =	vnsel vm4, $0x0, v14  }
0x329: {  	v15 =	vnsel vm7, $0x0, v15;
	[tilespmem:s6+$0x10] =	vst v14  }
0x32a: {  	[tilespmem:s12+$0x10] =	vst v15;
	v15 =	vnsel vm6, $0x0, v16;
	v14 =	vld [tilespmem:s3+$0x420]  }
0x32b: {  	v16 =	vld [tilespmem:s24+$0x420];
	[tilespmem:s4+$0x10] =	vst v15;
	v13 =	vnsel vm8, $0x0, v13  }
0x32c: {  	v15 =	vld [tilespmem:s10+$0x420];
	[tilespmem:s7+$0x10] =	vst v13;
	v10 =	vnsel vm5, $0x0, v10  }
0x32d: {  	v13 =	vld [tilespmem:s2+$0x420];
	[tilespmem:s16+$0x20] =	vst v10  }
0x32e: {  	v10 =	vld [tilespmem:s0+$0x430]  }
0x32f: {  	v14 =	vnsel vm4, $0x0, v14  }
0x330: {  	v16 =	vnsel vm7, $0x0, v16;
	[tilespmem:s6+$0x20] =	vst v14  }
0x331: {  	[tilespmem:s12+$0x20] =	vst v16;
	v15 =	vnsel vm6, $0x0, v15;
	v14 =	vld [tilespmem:s3+$0x430]  }
0x332: {  	v16 =	vld [tilespmem:s24+$0x430];
	[tilespmem:s4+$0x20] =	vst v15;
	v13 =	vnsel vm8, $0x0, v13  }
0x333: {  	v15 =	vld [tilespmem:s10+$0x430];
	[tilespmem:s7+$0x20] =	vst v13;
	v10 =	vnsel vm5, $0x0, v10  }
0x334: {  	v12 =	vnsel vm3, $0x0, v12;
	v13 =	vld [tilespmem:s2+$0x430];
	[tilespmem:s16+$0x30] =	vst v10  }
0x335: {  	[tilespmem:s1+$0x30] =	vst v12;
	v10 =	vld [tilespmem:s0+$0x440]  }
0x336: {  	v12 =	vnsel vm4, $0x0, v14;
	v14 =	vld [tilespmem:s15+$0x440]  }
0x337: {  	v16 =	vnsel vm7, $0x0, v16;
	[tilespmem:s6+$0x30] =	vst v12  }
0x338: {  	[tilespmem:s12+$0x30] =	vst v16;
	v15 =	vnsel vm6, $0x0, v15;
	v12 =	vld [tilespmem:s3+$0x440]  }
0x339: {  	v13 =	vnsel vm8, $0x0, v13;
	v16 =	vld [tilespmem:s24+$0x440];
	[tilespmem:s4+$0x30] =	vst v15  }
0x33a: {  	vm3 =	vmmov vm3;
	[tilespmem:s7+$0x30] =	vst v13;
	v10 =	vnsel vm5, $0x0, v10;
	v15 =	vld [tilespmem:s10+$0x440]  }
0x33b: {  	v13 =	vld [tilespmem:s2+$0x440];
	[tilespmem:s16+$0x40] =	vst v10;
	v14 =	vnsel vm3, $0x0, v14  }
0x33c: {  	v10 =	vld [tilespmem:s0+$0x450];
	[tilespmem:s1+$0x40] =	vst v14  }
0x33d: {  	vm7 =	vmmov vm7;
	v12 =	vnsel vm4, $0x0, v12;
	v14 =	vld [tilespmem:s15+$0x450]  }
0x33e: {  	vm6 =	vmmov vm6;
	v16 =	vnsel vm7, $0x0, v16;
	[tilespmem:s6+$0x40] =	vst v12  }
0x33f: {  	vm8 =	vmmov vm8;
	[tilespmem:s12+$0x40] =	vst v16;
	v15 =	vnsel vm6, $0x0, v15;
	v12 =	vld [tilespmem:s3+$0x450]  }
0x340: {  	v13 =	vnsel vm8, $0x0, v13;
	v16 =	vld [tilespmem:s24+$0x450];
	[tilespmem:s4+$0x40] =	vst v15  }
0x341: {  	[tilespmem:s7+$0x40] =	vst v13;
	v10 =	vnsel vm5, $0x0, v10;
	v15 =	vld [tilespmem:s10+$0x450]  }
0x342: {  	v13 =	vld [tilespmem:s2+$0x450];
	[tilespmem:s16+$0x50] =	vst v10;
	v14 =	vnsel vm3, $0x0, v14  }
0x343: {  	v10 =	vld [tilespmem:s0+$0x460];
	[tilespmem:s1+$0x50] =	vst v14  }
0x344: {  	v12 =	vnsel vm4, $0x0, v12;
	v14 =	vld [tilespmem:s15+$0x460]  }
0x345: {  	v16 =	vnsel vm7, $0x0, v16;
	[tilespmem:s6+$0x50] =	vst v12  }
0x346: {  	[tilespmem:s12+$0x50] =	vst v16;
	v15 =	vnsel vm6, $0x0, v15;
	v12 =	vld [tilespmem:s3+$0x460]  }
0x347: {  	v13 =	vnsel vm8, $0x0, v13;
	v16 =	vld [tilespmem:s24+$0x460];
	[tilespmem:s4+$0x50] =	vst v15  }
0x348: {  	[tilespmem:s7+$0x50] =	vst v13;
	v10 =	vnsel vm5, $0x0, v10;
	v15 =	vld [tilespmem:s10+$0x460]  }
0x349: {  	v13 =	vld [tilespmem:s2+$0x460];
	[tilespmem:s16+$0x60] =	vst v10;
	v10 =	vnsel vm3, $0x0, v14  }
0x34a: {  	v11 =	vnsel vm2, $0x0, v11;
	v14 =	vld [tilespmem:s0+$0x470];
	[tilespmem:s1+$0x60] =	vst v10  }
0x34b: {  	[tilespmem:s9+$0x70] =	vst v11;
	v10 =	vnsel vm4, $0x0, v12;
	v12 =	vld [tilespmem:s15+$0x470]  }
0x34c: {  	[tilespmem:s6+$0x60] =	vst v10;
	v10 =	vnsel vm7, $0x0, v16  }
0x34d: {  	[tilespmem:s12+$0x60] =	vst v10;
	v10 =	vnsel vm6, $0x0, v15  }
0x34e: {  	v16 =	vld [tilespmem:s3+$0x470];
	[tilespmem:s4+$0x60] =	vst v10;
	v10 =	vnsel vm8, $0x0, v13  }
0x34f: {  	v15 =	vld [tilespmem:s24+$0x470];
	v11 =	vnsel vm5, $0x0, v14;
	[tilespmem:s7+$0x60] =	vst v10  }
0x350: {  	v13 =	vld [tilespmem:s10+$0x470];
	[tilespmem:s16+$0x70] =	vst v11;
	v11 =	vnsel vm3, $0x0, v12  }
0x351: {  	v10 =	vld [tilespmem:s2+$0x470];
	s5 =	rddreg [dreg:$0x1f];
	[tilespmem:s1+$0x70] =	vst v11  }
0x352: {  	s19 =	sshll.u32 s5, $0xB;
	s1 =	rddreg [dreg:$0xb]  }
0x353: {  	v11 =	vnsel vm4, $0x0, v16;
	s0 =	sor.u32 s1, s19  }
0x354: {  	[tilespmem:s6+$0x70] =	vst v11;
	v11 =	vnsel vm7, $0x0, v15;
	s0 =	sshrl.u32 s0, $0x3  }
0x355: {  	[tilespmem:s12+$0x70] =	vst v11;
	v11 =	vnsel vm6, $0x0, v13;
	s0 =	smul.u32 $0x180, s0  }
0x356: {  	s21 =	simm.s32 $0x0;
	s20 =	rddreg [dreg:$0x8];
	[tilespmem:s4+$0x70] =	vst v11;
	v10 =	vnsel vm8, $0x0, v10  }
0x357: {  	s22 =	simm.s32 $0x12A00;
	s23 =	simm.s32 $0x5;
	[tilespmem:s7+$0x70] =	vst v10;
	s0 =	sadd.s32 s20, s0  }
0x358: {  	[hbm4b:s0+s21] =	stream.linear.scatter [tilespmem:s22], [sflag:$0xA], $0x3000, $0x38;
	[tilespmem:$0x1BA00] =	vst v63  }
0x359: {  	_ =	swait.ge [sflag:s23], $0x1000  }
0x35a: {  	[sflag:s23] =	ssyncset.done $0x0  }
0x35b: {  	s24 =	simm.s32 $0x7;
	[sflag:s23] =	ssyncadd.s32 $0xFFFFF000  }
0x35c: {  	_ =	swait.ge [sflag:s24], $0x1000  }
0x35d: {  	[sflag:s24] =	ssyncset.done $0x0  }
0x35e: {  	s25 =	simm.s32 $0x9;
	[sflag:s24] =	ssyncadd.s32 $0xFFFFF000  }
0x35f: {  	_ =	swait.ge [sflag:s25], $0x2000  }
0x360: {  	s0 =	sshll.u32 @!p0 s5, $0xC;
	[sflag:s25] =	ssyncset.done $0x0;
	s1 =	rddreg [dreg:$0x1c]  }
0x361: {  	s0 =	sadd.s32 @!p0 s1, s0;
	[sflag:s25] =	ssyncadd.s32 $0xFFFFE000  }
0x362: {  	s0 =	sshrl.u32 @!p0 s0, $0x3;
	s1 =	rddreg [dreg:$0x0]  }
0x363: {  	s2 =	simm.s32 @!p0 $0xA900;
	s0 =	sadd.s32 @!p0 s1, s0;
	s1 =	simm.s32 @!p0 $0x0  }
0x364: {  	[tilespmem:s2], [sflag:$0x3] =	stream.linear.gather @!p0 [hbm4b:s0+s1], $0x100, $0x38;
	[tilespmem:$0x1BA00] =	vst v63  }
0x365: {  	s0 =	simm.s32 @!p0 $0x2  }
0x366: {  	_ =	swait.ge @!p0 [sflag:s0], $0x100  }
0x367: {  	[sflag:s0] =	ssyncset.done @!p0 $0x0  }
0x368: {  	s4 =	rddreg [dreg:$0xf];
	[sflag:s0] =	ssyncadd.s32 @!p0 $0xFFFFFF00  }
0x369: {  	s2 =	simm.s32 @!p0 $0xAA00;
	s0 =	simm.s32 @!p0 $0x20;
	s3 =	rddreg [dreg:$0x6]  }
0x36a: {  	[tilespmem:s2], [sflag:$0x4] =	stream.indirect.gather @!p0 [hbm4b:s3+s0], $0x80, s4, s0, $0xb8;
	[tilespmem:$0x1BA00] =	vst v63  }
0x36b: {  	s2 =	simm.s32 @!p0 $0xCA00;
	s4 =	rddreg [dreg:$0x10]  }
0x36c: {  	[tilespmem:s2], [sflag:$0x6] =	stream.indirect.gather @!p0 [hbm4b:s3+s0], $0x80, s4, s0, $0xb8;
	[tilespmem:$0x1BA00] =	vst v63  }
0x36d: {  	s0 =	sld [smem:$0x7FC];
	_ =	sdelay $0x2  }
0x36e: {  	s2 =	rddreg [dreg:$0x11];
	s0 =	sshll.u32 @!p0 s0, $0x12  }
0x36f: {  	s0 =	sor.u32 @!p0 s2, s0  }
0x370: {  	s2 =	rddreg [dreg:$0x1];
	s0 =	sshrl.u32 @!p0 s0, $0x3  }
0x371: {  	p1 =	seq.s32 @!p0 s5, $0x0;
	s0 =	sadd.s32 @!p0 s2, s0;
	s2 =	simm.s32 @!p0 $0xEA00  }
0x372: {  	[tilespmem:s2], [sflag:$0x8] =	stream.linear.gather @!p0 [hbm4b:s0+s1], $0x2000, $0x38;
	[tilespmem:$0x1BA00] =	vst v63  }
0x373: {  	p0 =	por p0, !p1  }
0x374: {  	s0 =	simm.s32 @p0 $0xB  }
0x375: {  	_ =	swait.ge @p0 [sflag:s0], $0x3000  }
0x376: {  	[sflag:s0] =	ssyncset.done @p0 $0x0  }
0x377: {  	s26 =	simm.s32 $0xBA80;
	[sflag:s0] =	ssyncadd.s32 @p0 $0xFFFFD000  }
0x378: {  	s29 =	simm.s32 $0xDA80;
	v11 =	vld [tilespmem:s26+$0x0]  }
0x379: {  	s12 =	simm.s32 $0x6100;
	v12 =	vld [tilespmem:s29+$0x0]  }
0x37a: {  	v13 =	vld [tilespmem:s12+$0x0]  }
0x37b: {  	s13 =	simm.s32 $0x0;
	s14 =	sld [smem:$0x7FD]  }
0x37c: {  	s1 =	smul.u32 $0x3000, s13;
	_ =	sdelay $0x1  }
0x37d: {  	s15 =	simm.s32 $0x80;
	s3 =	sshra.s32 s1, $0x2;
	v10 =	vmov s14;
	v11 =	vadd.f32 v12, v11  }
0x37e: {  	s8 =	sand.u32 $0x380, s15;
	s16 =	sadd.s32 $0x15A00, s3;
	vm3 =	vlt.s32 v10, v13  }
0x37f: {  	s1 =	sadd.s32 s8, s16;
	v11 =	vnsel vm3, $0x0, v11  }
0x380: {  	[tilespmem:s1+$0x0] =	vst v11  }
0x381: {  	v11 =	vld [tilespmem:s26+$0x10]  }
0x382: {  	v12 =	vld [tilespmem:s29+$0x10];
	_ =	sdelay $0x4  }
0x383: {  	v11 =	vadd.f32 v12, v11;
	_ =	sdelay $0x1  }
0x384: {  	v11 =	vnsel vm3, $0x0, v11  }
0x385: {  	[tilespmem:s1+$0x10] =	vst v11  }
0x386: {  	v11 =	vld [tilespmem:s26+$0x20]  }
0x387: {  	v12 =	vld [tilespmem:s29+$0x20];
	_ =	sdelay $0x4  }
0x388: {  	v11 =	vadd.f32 v12, v11;
	_ =	sdelay $0x1  }
0x389: {  	v11 =	vnsel vm3, $0x0, v11  }
0x38a: {  	[tilespmem:s1+$0x20] =	vst v11  }
0x38b: {  	v11 =	vld [tilespmem:s26+$0x30]  }
0x38c: {  	v12 =	vld [tilespmem:s29+$0x30];
	_ =	sdelay $0x4  }
0x38d: {  	v11 =	vadd.f32 v12, v11  }
0x38e: {  	v13 =	vld [tilespmem:s26+$0xFFFFFF80]  }
0x38f: {  	v12 =	vld [tilespmem:s29+$0xFFFFFF80];
	v11 =	vnsel vm3, $0x0, v11  }
0x390: {  	v14 =	vld [tilespmem:s12+$0xFFFFFF80];
	[tilespmem:s1+$0x30] =	vst v11  }
0x391: {  	v11 =	vld [tilespmem:s26+$0x40]  }
0x392: {  	v15 =	vld [tilespmem:s29+$0x40];
	_ =	sdelay $0x1  }
0x393: {  	s17 =	simm.s32 $0x0;
	v12 =	vadd.f32 v12, v13  }
0x394: {  	s0 =	sand.u32 $0x300, s17;
	vm2 =	vlt.s32 v10, v14  }
0x395: {  	s7 =	sadd.s32 s0, s16;
	v12 =	vnsel vm2, $0x0, v12  }
0x396: {  	[tilespmem:s7+$0x0] =	vst v12;
	v11 =	vadd.f32 v15, v11  }
0x397: {  	v12 =	vld [tilespmem:s26+$0xFFFFFF90]  }
0x398: {  	v13 =	vld [tilespmem:s29+$0xFFFFFF90];
	v11 =	vnsel vm3, $0x0, v11  }
0x399: {  	[tilespmem:s1+$0x40] =	vst v11  }
0x39a: {  	v11 =	vld [tilespmem:s26+$0x50]  }
0x39b: {  	s14 =	simm.s32 $0xDB80;
	v14 =	vld [tilespmem:s29+$0x50]  }
0x39c: {  	s13 =	simm.s32 $0xBB80;
	v15 =	vld [tilespmem:s14+$0x0]  }
0x39d: {  	s18 =	simm.s32 $0x6200;
	v12 =	vadd.f32 v13, v12;
	v13 =	vld [tilespmem:s13+$0x0]  }
0x39e: {  	v16 =	vld [tilespmem:s18+$0x0]  }
0x39f: {  	s19 =	simm.s32 $0x0;
	v12 =	vnsel vm2, $0x0, v12  }
0x3a0: {  	s5 =	smul.u32 $0x3000, s19;
	[tilespmem:s7+$0x10] =	vst v12;
	v11 =	vadd.f32 v14, v11  }
0x3a1: {  	v12 =	vld [tilespmem:s26+$0xFFFFFFA0]  }
0x3a2: {  	s20 =	simm.s32 $0x180;
	s5 =	sshra.s32 s5, $0x2;
	v14 =	vld [tilespmem:s29+$0xFFFFFFA0];
	v13 =	vadd.f32 v15, v13;
	v11 =	vnsel vm3, $0x0, v11  }
0x3a3: {  	s6 =	sand.u32 $0x380, s20;
	s21 =	sadd.s32 $0x15A00, s5;
	vm5 =	vlt.s32 v10, v16;
	[tilespmem:s1+$0x50] =	vst v11  }
0x3a4: {  	s11 =	sadd.s32 s6, s21;
	v13 =	vnsel vm5, $0x0, v13;
	v11 =	vld [tilespmem:s26+$0x60]  }
0x3a5: {  	v15 =	vld [tilespmem:s29+$0x60];
	[tilespmem:s11+$0x0] =	vst v13  }
0x3a6: {  	v13 =	vld [tilespmem:s13+$0x10]  }
0x3a7: {  	v12 =	vadd.f32 v14, v12;
	v14 =	vld [tilespmem:s14+$0x10];
	_ =	sdelay $0x1  }
0x3a8: {  	v12 =	vnsel vm2, $0x0, v12  }
0x3a9: {  	[tilespmem:s7+$0x20] =	vst v12;
	v11 =	vadd.f32 v15, v11  }
0x3aa: {  	vm4 =	vmmov vm3;
	v12 =	vld [tilespmem:s26+$0xFFFFFFB0]  }
0x3ab: {  	v15 =	vld [tilespmem:s29+$0xFFFFFFB0];
	v13 =	vadd.f32 v14, v13;
	v11 =	vnsel vm4, $0x0, v11  }
0x3ac: {  	[tilespmem:s1+$0x60] =	vst v11  }
0x3ad: {  	v13 =	vnsel vm5, $0x0, v13;
	v11 =	vld [tilespmem:s26+$0x70]  }
0x3ae: {  	v14 =	vld [tilespmem:s29+$0x70];
	[tilespmem:s11+$0x10] =	vst v13  }
0x3af: {  	v13 =	vld [tilespmem:s13+$0x20]  }
0x3b0: {  	v12 =	vadd.f32 v15, v12;
	v15 =	vld [tilespmem:s14+$0x20];
	_ =	sdelay $0x1  }
0x3b1: {  	v12 =	vnsel vm2, $0x0, v12  }
0x3b2: {  	v17 =	vld [tilespmem:s18+$0xFFFFFF80];
	[tilespmem:s7+$0x30] =	vst v12  }
0x3b3: {  	s22 =	simm.s32 $0x0;
	v12 =	vld [tilespmem:s26+$0xFFFFFFC0];
	v11 =	vadd.f32 v14, v11  }
0x3b4: {  	s12 =	sand.u32 $0x3FFFF800, s22;
	v16 =	vld [tilespmem:s29+$0xFFFFFFC0];
	v13 =	vadd.f32 v15, v13  }
0x3b5: {  	s23 =	sadd.s32 $0x10A00, s12;
	v14 =	vld [tilespmem:s13+$0xFFFFFF80];
	v11 =	vnsel vm4, $0x0, v11  }
0x3b6: {  	s4 =	sadd.s32 s8, s23;
	v15 =	vld [tilespmem:s14+$0xFFFFFF80];
	[tilespmem:s1+$0x70] =	vst v11;
	v11 =	vnsel vm5, $0x0, v13  }
0x3b7: {  	v13 =	vld [tilespmem:s4+$0x0];
	[tilespmem:s11+$0x20] =	vst v11  }
0x3b8: {  	v11 =	vld [tilespmem:s13+$0x30]  }
0x3b9: {  	v12 =	vadd.f32 v16, v12;
	v16 =	vld [tilespmem:s14+$0x30];
	_ =	sdelay $0x1  }
0x3ba: {  	s25 =	simm.s32 $0x100;
	v14 =	vadd.f32 v15, v14;
	v12 =	vnsel vm2, $0x0, v12  }
0x3bb: {  	vm3 =	vlt.s32 v10, v17;
	s1 =	sand.u32 $0x300, s25;
	[tilespmem:s7+$0x40] =	vst v12  }
0x3bc: {  	s16 =	sadd.s32 $0x15E00, s3;
	s15 =	sadd.s32 s1, s21;
	v14 =	vnsel vm3, $0x0, v14;
	v12 =	vld [tilespmem:s26+$0xFFFFFFD0]  }
0x3bd: {  	s12 =	sadd.s32 s8, s16;
	v15 =	vld [tilespmem:s29+$0xFFFFFFD0];
	[tilespmem:s15+$0x0] =	vst v14;
	v13 =	vnsel vm4, $0x0, v13;
	v11 =	vadd.f32 v16, v11  }
0x3be: {  	v14 =	vld [tilespmem:s13+$0xFFFFFF90];
	[tilespmem:s12+$0x0] =	vst v13  }
0x3bf: {  	v13 =	vld [tilespmem:s4+$0x10];
	v11 =	vnsel vm5, $0x0, v11  }
0x3c0: {  	v16 =	vld [tilespmem:s14+$0xFFFFFF90];
	[tilespmem:s11+$0x30] =	vst v11  }
0x3c1: {  	v11 =	vld [tilespmem:s13+$0x40]  }
0x3c2: {  	v17 =	vld [tilespmem:s14+$0x40];
	_ =	sdelay $0x1  }
0x3c3: {  	v12 =	vadd.f32 v15, v12;
	v13 =	vnsel vm4, $0x0, v13  }
0x3c4: {  	[tilespmem:s12+$0x10] =	vst v13  }
0x3c5: {  	v12 =	vnsel vm2, $0x0, v12;
	v13 =	vadd.f32 v16, v14;
	v14 =	vld [tilespmem:s4+$0x20]  }
0x3c6: {  	[tilespmem:s7+$0x50] =	vst v12;
	v11 =	vadd.f32 v17, v11  }
0x3c7: {  	v12 =	vld [tilespmem:s26+$0xFFFFFFE0]  }
0x3c8: {  	v15 =	vld [tilespmem:s29+$0xFFFFFFE0];
	v11 =	vnsel vm5, $0x0, v11  }
0x3c9: {  	v13 =	vnsel vm3, $0x0, v13;
	[tilespmem:s11+$0x40] =	vst v11  }
0x3ca: {  	[tilespmem:s15+$0x10] =	vst v13;
	v11 =	vnsel vm4, $0x0, v14;
	v14 =	vld [tilespmem:s13+$0x50]  }
0x3cb: {  	[tilespmem:s12+$0x20] =	vst v11;
	v11 =	vld [tilespmem:s14+$0x50]  }
0x3cc: {  	v13 =	vld [tilespmem:s13+$0xFFFFFFA0]  }
0x3cd: {  	v12 =	vadd.f32 v15, v12;
	v15 =	vld [tilespmem:s14+$0xFFFFFFA0]  }
0x3ce: {  	v16 =	vld [tilespmem:s4+$0x30]  }
0x3cf: {  	s2 =	simm.s32 $0xDC80;
	vm6 =	vmmov vm2  }
0x3d0: {  	v18 =	vld [tilespmem:s2+$0x0];
	v12 =	vnsel vm6, $0x0, v12;
	v11 =	vadd.f32 v11, v14  }
0x3d1: {  	v21 =	vld [tilespmem:s2+$0xFFFFFF80];
	[tilespmem:s7+$0x60] =	vst v12  }
0x3d2: {  	v12 =	vld [tilespmem:s26+$0xFFFFFFF0];
	v13 =	vadd.f32 v15, v13;
	v11 =	vnsel vm5, $0x0, v11  }
0x3d3: {  	v14 =	vnsel vm4, $0x0, v16;
	v16 =	vld [tilespmem:s29+$0xFFFFFFF0];
	[tilespmem:s11+$0x50] =	vst v11  }
0x3d4: {  	[tilespmem:s12+$0x30] =	vst v14;
	v11 =	vnsel vm3, $0x0, v13;
	v13 =	vld [tilespmem:s13+$0x60]  }
0x3d5: {  	[tilespmem:s15+$0x20] =	vst v11;
	v11 =	vld [tilespmem:s14+$0x60]  }
0x3d6: {  	s18 =	simm.s32 $0xBC80;
	v14 =	vld [tilespmem:s4+$0x40]  }
0x3d7: {  	v17 =	vld [tilespmem:s18+$0x0];
	s26 =	simm.s32 $0x6300  }
0x3d8: {  	v19 =	vld [tilespmem:s26+$0x0]  }
0x3d9: {  	s29 =	simm.s32 $0x0;
	v15 =	vld [tilespmem:s13+$0xFFFFFFB0]  }
0x3da: {  	s10 =	smul.u32 $0x3000, s29;
	v20 =	vld [tilespmem:s14+$0xFFFFFFB0];
	v11 =	vadd.f32 v11, v13  }
0x3db: {  	vm8 =	vmmov vm5;
	v12 =	vadd.f32 v16, v12;
	v16 =	vld [tilespmem:s26+$0xFFFFFF80];
	v14 =	vnsel vm4, $0x0, v14  }
0x3dc: {  	s19 =	simm.s32 $0x280;
	v17 =	vadd.f32 v18, v17;
	s10 =	sshra.s32 s10, $0x2;
	[tilespmem:s12+$0x40] =	vst v14;
	v14 =	vld [tilespmem:s18+$0xFFFFFF80];
	v11 =	vnsel vm8, $0x0, v11  }
0x3dd: {  	s20 =	sand.u32 $0x380, s19;
	vm7 =	vlt.s32 v10, v19;
	s21 =	sadd.s32 $0x15A00, s10;
	v13 =	vld [tilespmem:s4+$0x50];
	[tilespmem:s11+$0x60] =	vst v11  }
0x3de: {  	v17 =	vnsel vm7, $0x0, v17;
	s24 =	sadd.s32 s20, s21;
	v11 =	vld [tilespmem:s13+$0x70]  }
0x3df: {  	[tilespmem:s24+$0x0] =	vst v17;
	v18 =	vld [tilespmem:s14+$0x70]  }
0x3e0: {  	v17 =	vld [tilespmem:s18+$0x10];
	v15 =	vadd.f32 v20, v15  }
0x3e1: {  	v12 =	vnsel vm6, $0x0, v12;
	v19 =	vld [tilespmem:s2+$0x10]  }
0x3e2: {  	s25 =	sadd.s32 s0, s23;
	[tilespmem:s7+$0x70] =	vst v12;
	v12 =	vnsel vm3, $0x0, v15  }
0x3e3: {  	s22 =	simm.s32 $0x200;
	v15 =	vld [tilespmem:s25+$0x0];
	[tilespmem:s15+$0x30] =	vst v12;
	v14 =	vadd.f32 v21, v14  }
0x3e4: {  	s19 =	simm.s32 $0x200;
	s31 =	sand.u32 $0x300, s22;
	vm2 =	vlt.s32 v10, v16;
	v12 =	vld [tilespmem:s13+$0xFFFFFFC0];
	v13 =	vnsel vm4, $0x0, v13;
	v11 =	vadd.f32 v18, v11  }
0x3e5: {  	s9 =	sadd.s32 s31, s21;
	s7 =	sand.u32 $0x3FFFF800, s19;
	[tilespmem:s12+$0x50] =	vst v13;
	v14 =	vnsel vm2, $0x0, v14;
	v18 =	vld [tilespmem:s14+$0xFFFFFFC0]  }
0x3e6: {  	s23 =	sadd.s32 $0x10A00, s7;
	v16 =	vadd.f32 v19, v17;
	v13 =	vld [tilespmem:s4+$0x60];
	[tilespmem:s9+$0x0] =	vst v14;
	v11 =	vnsel vm8, $0x0, v11  }
0x3e7: {  	s7 =	sadd.s32 s6, s23;
	v14 =	vld [tilespmem:s18+$0xFFFFFF90];
	[tilespmem:s11+$0x70] =	vst v11  }
0x3e8: {  	v16 =	vnsel vm7, $0x0, v16;
	v11 =	vld [tilespmem:s7+$0x0]  }
0x3e9: {  	[tilespmem:s24+$0x10] =	vst v16;
	v17 =	vld [tilespmem:s2+$0xFFFFFF90]  }
0x3ea: {  	v16 =	vld [tilespmem:s18+$0x20];
	v12 =	vadd.f32 v18, v12  }
0x3eb: {  	v15 =	vnsel vm6, $0x0, v15;
	s11 =	sadd.s32 s0, s16;
	v18 =	vld [tilespmem:s2+$0x20]  }
0x3ec: {  	s29 =	sadd.s32 $0x15E00, s5;
	[tilespmem:s11+$0x0] =	vst v15;
	v12 =	vnsel vm3, $0x0, v12  }
0x3ed: {  	s26 =	sadd.s32 s6, s29;
	v15 =	vld [tilespmem:s25+$0x10];
	[tilespmem:s15+$0x40] =	vst v12;
	v11 =	vnsel vm8, $0x0, v11  }
0x3ee: {  	vm5 =	vmmov vm4;
	[tilespmem:s26+$0x0] =	vst v11;
	v11 =	vadd.f32 v17, v14;
	v14 =	vld [tilespmem:s13+$0xFFFFFFD0]  }
0x3ef: {  	v13 =	vnsel vm5, $0x0, v13;
	v12 =	vld [tilespmem:s7+$0x10]  }
0x3f0: {  	[tilespmem:s12+$0x60] =	vst v13;
	v17 =	vld [tilespmem:s14+$0xFFFFFFD0];
	v13 =	vadd.f32 v18, v16;
	v11 =	vnsel vm2, $0x0, v11  }
0x3f1: {  	v16 =	vld [tilespmem:s4+$0x70];
	[tilespmem:s9+$0x10] =	vst v11  }
0x3f2: {  	v13 =	vnsel vm7, $0x0, v13;
	v11 =	vld [tilespmem:s18+$0xFFFFFFA0]  }
0x3f3: {  	[tilespmem:s24+$0x20] =	vst v13;
	v18 =	vld [tilespmem:s2+$0xFFFFFFA0]  }
0x3f4: {  	v13 =	vld [tilespmem:s18+$0x30];
	v12 =	vnsel vm8, $0x0, v12  }
0x3f5: {  	[tilespmem:s26+$0x10] =	vst v12;
	v12 =	vadd.f32 v17, v14;
	v17 =	vld [tilespmem:s2+$0x30]  }
0x3f6: {  	v15 =	vnsel vm6, $0x0, v15;
	v14 =	vld [tilespmem:s7+$0x20]  }
0x3f7: {  	[tilespmem:s11+$0x10] =	vst v15;
	v12 =	vnsel vm3, $0x0, v12  }
0x3f8: {  	v15 =	vld [tilespmem:s25+$0x20];
	v11 =	vadd.f32 v18, v11;
	[tilespmem:s15+$0x50] =	vst v12  }
0x3f9: {  	v12 =	vnsel vm5, $0x0, v16;
	v16 =	vld [tilespmem:s13+$0xFFFFFFE0]  }
0x3fa: {  	[tilespmem:s12+$0x70] =	vst v12;
	v18 =	vld [tilespmem:s14+$0xFFFFFFE0];
	v11 =	vnsel vm2, $0x0, v11  }
0x3fb: {  	v12 =	vld [tilespmem:s4+$0x400];
	v13 =	vadd.f32 v17, v13;
	[tilespmem:s9+$0x20] =	vst v11;
	v14 =	vnsel vm8, $0x0, v14  }
0x3fc: {  	v17 =	vld [tilespmem:s2+$0xFFFFFFB0];
	[tilespmem:s26+$0x20] =	vst v14  }
0x3fd: {  	v13 =	vnsel vm7, $0x0, v13;
	v11 =	vld [tilespmem:s7+$0x30]  }
0x3fe: {  	v14 =	vld [tilespmem:s18+$0xFFFFFFB0];
	[tilespmem:s24+$0x30] =	vst v13  }
0x3ff: {  	s22 =	sadd.s32 $0x16200, s3;
	v13 =	vld [tilespmem:s18+$0x40]  }
0x400: {  	s19 =	sadd.s32 s8, s22;
	v19 =	vld [tilespmem:s2+$0x40];
	v12 =	vnsel vm5, $0x0, v12  }
0x401: {  	v15 =	vnsel vm6, $0x0, v15;
	[tilespmem:s19+$0x0] =	vst v12;
	v12 =	vadd.f32 v18, v16  }
0x402: {  	[tilespmem:s11+$0x20] =	vst v15;
	vm3 =	vmmov vm3;
	v11 =	vnsel vm8, $0x0, v11  }
0x403: {  	v15 =	vld [tilespmem:s25+$0x30];
	[tilespmem:s26+$0x30] =	vst v11;
	v11 =	vnsel vm3, $0x0, v12;
	v12 =	vadd.f32 v17, v14  }
0x404: {  	v14 =	vld [tilespmem:s7+$0x40];
	[tilespmem:s15+$0x60] =	vst v11  }
0x405: {  	v13 =	vadd.f32 v19, v13;
	v11 =	vld [tilespmem:s13+$0xFFFFFFF0];
	v12 =	vnsel vm2, $0x0, v12  }
0x406: {  	v17 =	vld [tilespmem:s14+$0xFFFFFFF0];
	[tilespmem:s9+$0x30] =	vst v12  }
0x407: {  	v13 =	vnsel vm7, $0x0, v13;
	v12 =	vld [tilespmem:s18+$0xFFFFFFC0]  }
0x408: {  	[tilespmem:s24+$0x40] =	vst v13;
	v18 =	vld [tilespmem:s2+$0xFFFFFFC0]  }
0x409: {  	v19 =	vld [tilespmem:s2+$0x50];
	v13 =	vnsel vm8, $0x0, v14  }
0x40a: {  	v14 =	vld [tilespmem:s18+$0x50];
	[tilespmem:s26+$0x40] =	vst v13  }
0x40b: {  	v13 =	vld [tilespmem:s7+$0x50]  }
0x40c: {  	s30 =	simm.s32 $0xBD80;
	vm4 =	vmmov vm6;
	v11 =	vadd.f32 v17, v11  }
0x40d: {  	v33 =	vld [tilespmem:s30+$0xFFFFFF80];
	s28 =	sadd.s32 s1, s23;
	s23 =	simm.s32 $0xDD80;
	v15 =	vnsel vm4, $0x0, v15;
	v12 =	vadd.f32 v18, v12  }
0x40e: {  	v32 =	vld [tilespmem:s23+$0x0];
	[tilespmem:s11+$0x30] =	vst v15;
	v11 =	vnsel vm3, $0x0, v11  }
0x40f: {  	v16 =	vld [tilespmem:s4+$0x410];
	[tilespmem:s15+$0x70] =	vst v11;
	v12 =	vnsel vm2, $0x0, v12  }
0x410: {  	v15 =	vld [tilespmem:s25+$0x40];
	v14 =	vadd.f32 v19, v14;
	[tilespmem:s9+$0x40] =	vst v12;
	v11 =	vnsel vm8, $0x0, v13  }
0x411: {  	v12 =	vld [tilespmem:s18+$0xFFFFFFD0];
	[tilespmem:s26+$0x50] =	vst v11  }
0x412: {  	v14 =	vnsel vm7, $0x0, v14;
	v11 =	vld [tilespmem:s7+$0x60]  }
0x413: {  	v17 =	vld [tilespmem:s2+$0xFFFFFFD0];
	[tilespmem:s24+$0x50] =	vst v14  }
0x414: {  	v16 =	vnsel vm5, $0x0, v16;
	v14 =	vld [tilespmem:s18+$0x60]  }
0x415: {  	[tilespmem:s19+$0x10] =	vst v16;
	v18 =	vld [tilespmem:s2+$0x60]  }
0x416: {  	v16 =	vld [tilespmem:s4+$0x420];
	vm8 =	vmmov vm8  }
0x417: {  	s14 =	simm.s32 $0x6400;
	v19 =	vld [tilespmem:s30+$0x0];
	v11 =	vnsel vm8, $0x0, v11  }
0x418: {  	v12 =	vadd.f32 v17, v12;
	v17 =	vld [tilespmem:s14+$0x0];
	[tilespmem:s26+$0x60] =	vst v11  }
0x419: {  	v11 =	vld [tilespmem:s7+$0x70]  }
0x41a: {  	s15 =	simm.s32 $0x0;
	v13 =	vld [tilespmem:s28+$0x0];
	v14 =	vadd.f32 v18, v14  }
0x41b: {  	vm6 =	vmmov vm7;
	s8 =	smul.u32 $0x3000, s15;
	v12 =	vnsel vm2, $0x0, v12;
	v18 =	vld [tilespmem:s23+$0xFFFFFF80]  }
0x41c: {  	[tilespmem:s9+$0x50] =	vst v12;
	v12 =	vld [tilespmem:s14+$0xFFFFFF80];
	v14 =	vnsel vm6, $0x0, v14  }
0x41d: {  	s17 =	simm.s32 $0x380;
	s15 =	sshra.s32 s8, $0x2;
	v22 =	vld [tilespmem:s18+$0xFFFFFFE0];
	[tilespmem:s24+$0x60] =	vst v14;
	v14 =	vadd.f32 v32, v19  }
0x41e: {  	s17 =	sand.u32 $0x380, s17;
	s8 =	sadd.s32 $0x15A00, s15;
	vm7 =	vlt.s32 v10, v17;
	v19 =	vld [tilespmem:s18+$0x70];
	v11 =	vnsel vm8, $0x0, v11  }
0x41f: {  	v17 =	vld [tilespmem:s2+$0x70];
	v14 =	vnsel vm7, $0x0, v14;
	[tilespmem:s26+$0x70] =	vst v11;
	s26 =	sadd.s32 s17, s8  }
0x420: {  	s21 =	simm.s32 $0x300;
	v18 =	vadd.f32 v18, v33;
	v11 =	vld [tilespmem:s7+$0x400];
	[tilespmem:s26+$0x0] =	vst v14  }
0x421: {  	s16 =	sand.u32 $0x300, s21;
	v15 =	vnsel vm4, $0x0, v15;
	vm11 =	vlt.s32 v10, v12;
	v34 =	vld [tilespmem:s30+$0x10]  }
0x422: {  	[tilespmem:s11+$0x40] =	vst v15;
	s3 =	sadd.s32 s16, s8;
	v15 =	vnsel vm11, $0x0, v18;
	v12 =	vld [tilespmem:s23+$0x10]  }
0x423: {  	[tilespmem:s3+$0x0] =	vst v15;
	v14 =	vld [tilespmem:s2+$0xFFFFFFE0]  }
0x424: {  	v15 =	vld [tilespmem:s30+$0xFFFFFF90]  }
0x425: {  	v16 =	vnsel vm5, $0x0, v16;
	s14 =	sadd.s32 $0x16200, s5;
	v35 =	vld [tilespmem:s23+$0xFFFFFF90]  }
0x426: {  	s12 =	simm.s32 $0x400;
	[tilespmem:s19+$0x20] =	vst v16;
	s21 =	sadd.s32 s6, s14;
	v17 =	vadd.f32 v17, v19;
	v11 =	vnsel vm8, $0x0, v11  }
0x427: {  	s29 =	sadd.s32 s1, s29;
	v16 =	vld [tilespmem:s4+$0x430];
	v13 =	vnsel vm3, $0x0, v13;
	s5 =	sand.u32 $0x3FFFF800, s12;
	[tilespmem:s21+$0x0] =	vst v11;
	v12 =	vadd.f32 v12, v34  }
0x428: {  	[tilespmem:s29+$0x0] =	vst v13;
	s13 =	sadd.s32 $0x10A00, s5;
	v17 =	vnsel vm6, $0x0, v17;
	v11 =	vld [tilespmem:s7+$0x410]  }
0x429: {  	v18 =	vld [tilespmem:s25+$0x50];
	s8 =	sadd.s32 s20, s13;
	[tilespmem:s24+$0x70] =	vst v17;
	v14 =	vadd.f32 v14, v22;
	v12 =	vnsel vm7, $0x0, v12  }
0x42a: {  	vm2 =	vmmov vm2;
	v17 =	vld [tilespmem:s8+$0x0];
	[tilespmem:s26+$0x10] =	vst v12;
	v12 =	vadd.f32 v35, v15  }
0x42b: {  	v13 =	vnsel vm2, $0x0, v14;
	v14 =	vld [tilespmem:s28+$0x10]  }
0x42c: {  	[tilespmem:s9+$0x60] =	vst v13;
	v15 =	vld [tilespmem:s30+$0x20];
	v12 =	vnsel vm11, $0x0, v12  }
0x42d: {  	v19 =	vld [tilespmem:s23+$0x20];
	v11 =	vnsel vm8, $0x0, v11;
	[tilespmem:s3+$0x10] =	vst v12  }
0x42e: {  	[tilespmem:s21+$0x10] =	vst v11;
	v11 =	vld [tilespmem:s2+$0xFFFFFFF0]  }
0x42f: {  	v36 =	vld [tilespmem:s30+$0xFFFFFFA0]  }
0x430: {  	v14 =	vnsel vm3, $0x0, v14;
	s2 =	sadd.s32 $0x15E00, s10;
	v37 =	vld [tilespmem:s23+$0xFFFFFFA0]  }
0x431: {  	v17 =	vnsel vm6, $0x0, v17;
	[tilespmem:s29+$0x10] =	vst v14;
	v12 =	vld [tilespmem:s7+$0x420];
	s12 =	sadd.s32 s20, s2  }
0x432: {  	v16 =	vnsel vm5, $0x0, v16;
	[tilespmem:s12+$0x0] =	vst v17;
	v17 =	vld [tilespmem:s28+$0x20];
	v15 =	vadd.f32 v19, v15  }
0x433: {  	[tilespmem:s19+$0x30] =	vst v16;
	v16 =	vnsel vm4, $0x0, v18;
	v14 =	vld [tilespmem:s8+$0x10]  }
0x434: {  	v18 =	vld [tilespmem:s4+$0x440];
	[tilespmem:s11+$0x50] =	vst v16;
	v15 =	vnsel vm7, $0x0, v15  }
0x435: {  	v16 =	vld [tilespmem:s25+$0x60];
	[tilespmem:s26+$0x20] =	vst v15  }
0x436: {  	v12 =	vnsel vm8, $0x0, v12;
	v19 =	vld [tilespmem:s30+$0x30]  }
0x437: {  	v15 =	vadd.f32 v37, v36;
	v38 =	vld [tilespmem:s23+$0x30];
	[tilespmem:s21+$0x20] =	vst v12;
	v17 =	vnsel vm3, $0x0, v17  }
0x438: {  	v12 =	vld [tilespmem:s7+$0x430];
	v14 =	vnsel vm6, $0x0, v14;
	[tilespmem:s29+$0x20] =	vst v17  }
0x439: {  	[tilespmem:s12+$0x10] =	vst v14;
	v14 =	vnsel vm11, $0x0, v15;
	v17 =	vld [tilespmem:s28+$0x30]  }
0x43a: {  	v15 =	vld [tilespmem:s8+$0x20];
	[tilespmem:s3+$0x20] =	vst v14  }
0x43b: {  	v14 =	vld [tilespmem:s30+$0xFFFFFFB0]  }
0x43c: {  	v18 =	vnsel vm5, $0x0, v18;
	v39 =	vld [tilespmem:s23+$0xFFFFFFB0]  }
0x43d: {  	v13 =	vld [tilespmem:s18+$0xFFFFFFF0];
	[tilespmem:s19+$0x40] =	vst v18;
	v12 =	vnsel vm8, $0x0, v12  }
0x43e: {  	v18 =	vld [tilespmem:s4+$0x450];
	[tilespmem:s21+$0x30] =	vst v12;
	v12 =	vnsel vm4, $0x0, v16  }
0x43f: {  	vm3 =	vmmov vm3;
	v16 =	vld [tilespmem:s7+$0x440];
	[tilespmem:s11+$0x60] =	vst v12;
	v12 =	vadd.f32 v38, v19;
	v15 =	vnsel vm6, $0x0, v15  }
0x440: {  	v17 =	vnsel vm3, $0x0, v17;
	v19 =	vld [tilespmem:s25+$0x70];
	[tilespmem:s12+$0x20] =	vst v15  }
0x441: {  	[tilespmem:s29+$0x30] =	vst v17;
	v14 =	vadd.f32 v39, v14;
	v12 =	vnsel vm7, $0x0, v12;
	v15 =	vld [tilespmem:s8+$0x30]  }
0x442: {  	v17 =	vld [tilespmem:s28+$0x40];
	[tilespmem:s26+$0x30] =	vst v12  }
0x443: {  	v14 =	vnsel vm11, $0x0, v14;
	v12 =	vld [tilespmem:s30+$0x40]  }
0x444: {  	v40 =	vld [tilespmem:s23+$0x40];
	[tilespmem:s3+$0x30] =	vst v14;
	v16 =	vnsel vm8, $0x0, v16  }
0x445: {  	v18 =	vnsel vm5, $0x0, v18;
	v41 =	vld [tilespmem:s23+$0xFFFFFFC0];
	[tilespmem:s21+$0x40] =	vst v16  }
0x446: {  	[tilespmem:s19+$0x50] =	vst v18;
	v14 =	vld [tilespmem:s7+$0x450];
	v15 =	vnsel vm6, $0x0, v15  }
0x447: {  	v16 =	vld [tilespmem:s30+$0xFFFFFFC0];
	v17 =	vnsel vm3, $0x0, v17;
	[tilespmem:s12+$0x30] =	vst v15  }
0x448: {  	v11 =	vadd.f32 v11, v13;
	[tilespmem:s29+$0x40] =	vst v17;
	v15 =	vnsel vm4, $0x0, v19;
	v13 =	vld [tilespmem:s8+$0x40]  }
0x449: {  	[tilespmem:s11+$0x70] =	vst v15;
	v15 =	vld [tilespmem:s4+$0x460]  }
0x44a: {  	v11 =	vnsel vm2, $0x0, v11;
	v12 =	vadd.f32 v40, v12;
	v18 =	vld [tilespmem:s25+$0x400];
	[smem:$0x7FB] =	sst s31  }
0x44b: {  	s18 =	sadd.s32 s31, s13;
	v17 =	vld [tilespmem:s28+$0x50];
	[tilespmem:s9+$0x70] =	vst v11;
	v11 =	vnsel vm8, $0x0, v14  }
0x44c: {  	v14 =	vld [tilespmem:s18+$0x0];
	[tilespmem:s21+$0x50] =	vst v11;
	v11 =	vnsel vm7, $0x0, v12  }
0x44d: {  	v12 =	vadd.f32 v41, v16;
	v16 =	vld [tilespmem:s7+$0x460];
	[tilespmem:s26+$0x40] =	vst v11  }
0x44e: {  	v11 =	vnsel vm6, $0x0, v13;
	v13 =	vld [tilespmem:s30+$0x50]  }
0x44f: {  	[tilespmem:s12+$0x40] =	vst v11;
	v11 =	vnsel vm11, $0x0, v12;
	v19 =	vld [tilespmem:s23+$0x50]  }
0x450: {  	v12 =	vld [tilespmem:s8+$0x50];
	[tilespmem:s3+$0x40] =	vst v11  }
0x451: {  	v11 =	vnsel vm5, $0x0, v15;
	v15 =	vld [tilespmem:s30+$0xFFFFFFD0]  }
0x452: {  	s13 =	simm.s32 $0xBE80;
	v42 =	vld [tilespmem:s23+$0xFFFFFFD0]  }
0x453: {  	s6 =	simm.s32 $0xDE80;
	v44 =	vld [tilespmem:s13+$0x0]  }
0x454: {  	s9 =	sadd.s32 s31, s2;
	v45 =	vld [tilespmem:s6+$0x0];
	v14 =	vnsel vm2, $0x0, v14  }
0x455: {  	s31 =	simm.s32 $0x6500;
	v46 =	vld [tilespmem:s6+$0xFFFFFF80];
	[tilespmem:s9+$0x0] =	vst v14;
	v16 =	vnsel vm8, $0x0, v16;
	v13 =	vadd.f32 v19, v13  }
0x456: {  	v23 =	vld [tilespmem:s31+$0x0];
	[tilespmem:s21+$0x60] =	vst v16;
	v16 =	vnsel vm6, $0x0, v12  }
0x457: {  	v14 =	vld [tilespmem:s18+$0x10];
	[tilespmem:s12+$0x50] =	vst v16;
	v15 =	vadd.f32 v42, v15;
	v13 =	vnsel vm7, $0x0, v13  }
0x458: {  	v16 =	vld [tilespmem:s8+$0x60];
	[tilespmem:s26+$0x50] =	vst v13  }
0x459: {  	v13 =	vnsel vm11, $0x0, v15;
	v15 =	vld [tilespmem:s30+$0x60]  }
0x45a: {  	[tilespmem:s3+$0x50] =	vst v13;
	v13 =	vld [tilespmem:s23+$0x60]  }
0x45b: {  	vm12 =	vmmov vm4;
	v19 =	vld [tilespmem:s30+$0xFFFFFFE0]  }
0x45c: {  	s24 =	sadd.s32 s0, s22;
	v18 =	vnsel vm12, $0x0, v18;
	v43 =	vld [tilespmem:s23+$0xFFFFFFE0]  }
0x45d: {  	vm9 =	vmmov vm6;
	v24 =	vld [tilespmem:s31+$0xFFFFFF80];
	[tilespmem:s24+$0x0] =	vst v18;
	v17 =	vnsel vm3, $0x0, v17  }
0x45e: {  	v18 =	vld [tilespmem:s25+$0x410];
	[tilespmem:s29+$0x50] =	vst v17;
	v16 =	vnsel vm9, $0x0, v16  }
0x45f: {  	v17 =	vld [tilespmem:s28+$0x60];
	[tilespmem:s12+$0x60] =	vst v16  }
0x460: {  	v14 =	vnsel vm2, $0x0, v14;
	v16 =	vld [tilespmem:s8+$0x70];
	v13 =	vadd.f32 v13, v15  }
0x461: {  	vm10 =	vmmov vm7;
	v12 =	vld [tilespmem:s7+$0x470];
	[tilespmem:s9+$0x10] =	vst v14;
	v19 =	vadd.f32 v43, v19  }
0x462: {  	vm4 =	vmmov vm11;
	s7 =	simm.s32 $0x1;
	v50 =	vld [tilespmem:s18+$0x20];
	v13 =	vnsel vm10, $0x0, v13  }
0x463: {  	s0 =	smul.u32 $0x3000, s7;
	v15 =	vld [tilespmem:s13+$0xFFFFFF80];
	[tilespmem:s26+$0x60] =	vst v13;
	v13 =	vnsel vm4, $0x0, v19  }
0x464: {  	v19 =	vld [tilespmem:s30+$0x70];
	[tilespmem:s3+$0x60] =	vst v13  }
0x465: {  	s11 =	simm.s32 $0x480;
	v21 =	vadd.f32 v45, v44;
	v13 =	vld [tilespmem:s30+$0xFFFFFFF0];
	s30 =	sshra.s32 s0, $0x2;
	v16 =	vnsel vm9, $0x0, v16  }
0x466: {  	s22 =	sand.u32 $0x380, s11;
	vm11 =	vlt.s32 v10, v23;
	v47 =	vld [tilespmem:s23+$0x70];
	[tilespmem:s12+$0x70] =	vst v16;
	v16 =	vnsel vm12, $0x0, v18;
	s12 =	sadd.s32 $0x15A00, s30  }
0x467: {  	[tilespmem:s24+$0x10] =	vst v16;
	v16 =	vnsel vm11, $0x0, v21;
	s5 =	sadd.s32 s22, s12;
	v48 =	vld [tilespmem:s8+$0x400]  }
0x468: {  	v15 =	vadd.f32 v46, v15;
	v49 =	vld [tilespmem:s25+$0x420];
	[tilespmem:s5+$0x0] =	vst v16  }
0x469: {  	vm7 =	vlt.s32 v10, v24;
	v16 =	vld [tilespmem:s13+$0x10]  }
0x46a: {  	s11 =	simm.s32 $0x400;
	v14 =	vnsel vm7, $0x0, v15;
	v15 =	vld [tilespmem:s6+$0x10]  }
0x46b: {  	[tilespmem:s19+$0x60] =	vst v11;
	v17 =	vnsel vm3, $0x0, v17;
	v18 =	vld [tilespmem:s23+$0xFFFFFFF0];
	s23 =	sand.u32 $0x300, s11  }
0x46c: {  	v11 =	vld [tilespmem:s4+$0x470];
	[tilespmem:s29+$0x60] =	vst v17;
	s4 =	sadd.s32 s23, s12;
	s12 =	sadd.s32 $0x16200, s10  }
0x46d: {  	v52 =	vld [tilespmem:s28+$0x70];
	[tilespmem:s4+$0x0] =	vst v14;
	s2 =	sadd.s32 s20, s12;
	v19 =	vadd.f32 v47, v19;
	v21 =	vnsel vm9, $0x0, v48  }
0x46e: {  	s20 =	simm.s32 $0x600;
	v14 =	vld [tilespmem:s13+$0xFFFFFF90];
	[tilespmem:s2+$0x0] =	vst v21;
	v20 =	vnsel vm12, $0x0, v49  }
0x46f: {  	v51 =	vld [tilespmem:s6+$0xFFFFFF90];
	s0 =	sand.u32 $0x3FFFF800, s20;
	[tilespmem:s24+$0x20] =	vst v20;
	v15 =	vadd.f32 v15, v16;
	v16 =	vnsel vm10, $0x0, v19  }
0x470: {  	s7 =	sadd.s32 $0x10A00, s0;
	v17 =	vld [tilespmem:s8+$0x410];
	v19 =	vnsel vm2, $0x0, v50;
	[tilespmem:s26+$0x70] =	vst v16  }
0x471: {  	s0 =	sadd.s32 s17, s7;
	v16 =	vld [tilespmem:s25+$0x430];
	[tilespmem:s9+$0x20] =	vst v19;
	v15 =	vnsel vm11, $0x0, v15  }
0x472: {  	v19 =	vld [tilespmem:s0+$0x0];
	[tilespmem:s5+$0x10] =	vst v15  }
0x473: {  	v15 =	vld [tilespmem:s13+$0x20]  }
0x474: {  	v14 =	vadd.f32 v51, v14;
	v54 =	vld [tilespmem:s6+$0x20]  }
0x475: {  	v53 =	vld [tilespmem:s18+$0x30];
	v17 =	vnsel vm9, $0x0, v17  }
0x476: {  	v14 =	vnsel vm7, $0x0, v14;
	[tilespmem:s2+$0x10] =	vst v17  }
0x477: {  	v20 =	vnsel vm3, $0x0, v52;
	s26 =	sadd.s32 $0x15E00, s15;
	[tilespmem:s4+$0x10] =	vst v14;
	v14 =	vld [tilespmem:s8+$0x420]  }
0x478: {  	[tilespmem:s29+$0x70] =	vst v20;
	s20 =	sadd.s32 s17, s26;
	v17 =	vld [tilespmem:s13+$0xFFFFFFA0];
	v19 =	vnsel vm10, $0x0, v19  }
0x479: {  	vm6 =	vmmov vm2;
	v16 =	vnsel vm12, $0x0, v16;
	[tilespmem:s20+$0x0] =	vst v19;
	v19 =	vld [tilespmem:s6+$0xFFFFFFA0];
	v15 =	vadd.f32 v54, v15  }
0x47a: {  	[tilespmem:s24+$0x30] =	vst v16;
	v56 =	vnsel vm6, $0x0, v53  }
0x47b: {  	v16 =	vld [tilespmem:s28+$0x400];
	[tilespmem:s9+$0x30] =	vst v56;
	v15 =	vnsel vm11, $0x0, v15  }
0x47c: {  	v55 =	vld [tilespmem:s0+$0x10];
	v14 =	vnsel vm9, $0x0, v14;
	[tilespmem:s5+$0x20] =	vst v15  }
0x47d: {  	[tilespmem:s2+$0x20] =	vst v14;
	v14 =	vld [tilespmem:s18+$0x40]  }
0x47e: {  	v13 =	vadd.f32 v18, v13;
	v17 =	vadd.f32 v19, v17;
	v19 =	vld [tilespmem:s13+$0x30]  }
0x47f: {  	v58 =	vld [tilespmem:s6+$0x30]  }
0x480: {  	v13 =	vnsel vm4, $0x0, v13;
	v15 =	vld [tilespmem:s8+$0x430]  }
0x481: {  	[tilespmem:s3+$0x70] =	vst v13;
	v57 =	vld [tilespmem:s25+$0x440];
	v20 =	vnsel vm10, $0x0, v55  }
0x482: {  	vm3 =	vmmov vm3;
	v17 =	vnsel vm7, $0x0, v17;
	[tilespmem:s20+$0x10] =	vst v20  }
0x483: {  	s1 =	sadd.s32 s1, s14;
	v13 =	vnsel vm3, $0x0, v16;
	[tilespmem:s4+$0x20] =	vst v17;
	v17 =	vld [tilespmem:s0+$0x20]  }
0x484: {  	s10 =	sadd.s32 s16, s7;
	[tilespmem:s1+$0x0] =	vst v13;
	v18 =	vld [tilespmem:s13+$0xFFFFFFB0];
	v14 =	vnsel vm6, $0x0, v14  }
0x485: {  	vm2 =	vmmov vm12;
	v13 =	vadd.f32 v58, v19;
	v19 =	vld [tilespmem:s10+$0x0];
	[tilespmem:s9+$0x40] =	vst v14;
	v15 =	vnsel vm9, $0x0, v15  }
0x486: {  	v59 =	vnsel vm2, $0x0, v57;
	v14 =	vld [tilespmem:s6+$0xFFFFFFB0];
	[tilespmem:s2+$0x30] =	vst v15  }
0x487: {  	[tilespmem:s24+$0x40] =	vst v59;
	v13 =	vnsel vm11, $0x0, v13;
	v16 =	vld [tilespmem:s8+$0x440]  }
0x488: {  	v15 =	vld [tilespmem:s18+$0x50];
	v17 =	vnsel vm10, $0x0, v17;
	[tilespmem:s5+$0x30] =	vst v13  }
0x489: {  	v13 =	vld [tilespmem:s25+$0x450];
	[tilespmem:s20+$0x20] =	vst v17  }
0x48a: {  	v60 =	vld [tilespmem:s0+$0x30]  }
0x48b: {  	v17 =	vld [tilespmem:s28+$0x410];
	v14 =	vadd.f32 v14, v18  }
0x48c: {  	v61 =	vld [tilespmem:s6+$0x40];
	v16 =	vnsel vm9, $0x0, v16  }
0x48d: {  	v18 =	vld [tilespmem:s13+$0x40];
	v14 =	vnsel vm7, $0x0, v14;
	[tilespmem:s2+$0x40] =	vst v16  }
0x48e: {  	v11 =	vnsel vm5, $0x0, v11;
	[tilespmem:s4+$0x30] =	vst v14;
	v14 =	vld [tilespmem:s8+$0x450]  }
0x48f: {  	[tilespmem:s19+$0x70] =	vst v11;
	v16 =	vld [tilespmem:s13+$0xFFFFFFC0];
	v20 =	vnsel vm10, $0x0, v60  }
0x490: {  	s7 =	sadd.s32 s16, s26;
	v19 =	vnsel vm4, $0x0, v19;
	v62 =	vld [tilespmem:s6+$0xFFFFFFC0];
	[tilespmem:s20+$0x30] =	vst v20  }
0x491: {  	[tilespmem:s7+$0x0] =	vst v19;
	v15 =	vnsel vm6, $0x0, v15;
	v19 =	vld [tilespmem:s0+$0x40]  }
0x492: {  	[tilespmem:s9+$0x50] =	vst v15;
	v15 =	vnsel vm3, $0x0, v17  }
0x493: {  	v13 =	vnsel vm2, $0x0, v13;
	v17 =	vld [tilespmem:s10+$0x10];
	[tilespmem:s1+$0x10] =	vst v15;
	v15 =	vadd.f32 v61, v18  }
0x494: {  	[tilespmem:s24+$0x50] =	vst v13;
	v18 =	vld [tilespmem:s18+$0x60];
	v14 =	vnsel vm9, $0x0, v14  }
0x495: {  	v13 =	vnsel vm11, $0x0, v15;
	v16 =	vadd.f32 v62, v16;
	[tilespmem:s2+$0x50] =	vst v14;
	v14 =	vld [tilespmem:s28+$0x420]  }
0x496: {  	[tilespmem:s5+$0x40] =	vst v13;
	v15 =	vld [tilespmem:s8+$0x460];
	v13 =	vnsel vm10, $0x0, v19  }
0x497: {  	v11 =	vnsel vm7, $0x0, v16;
	[tilespmem:s20+$0x40] =	vst v13;
	v13 =	vld [tilespmem:s13+$0x50]  }
0x498: {  	[tilespmem:s4+$0x40] =	vst v11;
	v11 =	vld [tilespmem:s6+$0x50]  }
0x499: {  	v12 =	vnsel vm8, $0x0, v12;
	v16 =	vld [tilespmem:s0+$0x50]  }
0x49a: {  	[tilespmem:s21+$0x70] =	vst v12;
	v17 =	vnsel vm4, $0x0, v17;
	v19 =	vld [tilespmem:s25+$0x460]  }
0x49b: {  	[tilespmem:s7+$0x10] =	vst v17;
	v18 =	vnsel vm6, $0x0, v18  }
0x49c: {  	[tilespmem:s9+$0x60] =	vst v18;
	v12 =	vld [tilespmem:s13+$0xFFFFFFD0];
	v15 =	vnsel vm9, $0x0, v15  }
0x49d: {  	v14 =	vnsel vm3, $0x0, v14;
	[tilespmem:s2+$0x60] =	vst v15;
	v15 =	vld [tilespmem:s6+$0xFFFFFFD0]  }
0x49e: {  	[tilespmem:s1+$0x20] =	vst v14;
	v11 =	vadd.f32 v11, v13;
	v17 =	vld [tilespmem:s8+$0x470];
	v16 =	vnsel vm10, $0x0, v16  }
0x49f: {  	v18 =	vld [tilespmem:s10+$0x20];
	[tilespmem:s20+$0x50] =	vst v16;
	v16 =	vnsel vm2, $0x0, v19  }
0x4a0: {  	v63 =	vld [tilespmem:s18+$0x70];
	v11 =	vnsel vm11, $0x0, v11;
	[tilespmem:s24+$0x60] =	vst v16  }
0x4a1: {  	v13 =	vld [tilespmem:s0+$0x60];
	[tilespmem:s5+$0x50] =	vst v11  }
0x4a2: {  	s3 =	sld [smem:$0x7FB];
	v14 =	vadd.f32 v15, v12;
	v12 =	vld [tilespmem:s28+$0x430]  }
0x4a3: {  	v11 =	vld [tilespmem:s25+$0x470];
	v15 =	vnsel vm9, $0x0, v17  }
0x4a4: {  	s14 =	simm.s32 $0xDE80;
	vm5 =	vmmov vm10;
	s19 =	simm.s32 $0x8;
	v16 =	vld [tilespmem:s13+$0x60];
	v14 =	vnsel vm7, $0x0, v14;
	[tilespmem:s2+$0x70] =	vst v15  }
0x4a5: {  	vm8 =	vmmov vm11;
	s8 =	simm.s32 $0x8;
	v17 =	vld [tilespmem:s6+$0x60];
	s12 =	sadd.s32 s3, s12;
	v15 =	vnsel vm4, $0x0, v18;
	s3 =	simm.s32 $0xBF80;
	[tilespmem:s4+$0x50] =	vst v14;
	v14 =	vnsel vm6, $0x0, v63  }
.LBB2_7:
0x4a6: {  	v18 =	vld [tilespmem:s3+$0x0];
	s6 =	sadd.s32 $0x100, s6;
	[tilespmem:s7+$0x20] =	vst v15;
	v13 =	vnsel vm5, $0x0, v13  }
0x4a7: {  	v15 =	vld [tilespmem:s6+$0x0];
	[tilespmem:s20+$0x60] =	vst v13;
	v12 =	vnsel vm3, $0x0, v12  }
0x4a8: {  	s31 =	sadd.s32 $0x100, s31;
	v13 =	vld [tilespmem:s0+$0x70];
	[tilespmem:s9+$0x70] =	vst v14;
	v11 =	vnsel vm2, $0x0, v11;
	vm2 =	vmmov vm3;
	vm3 =	vmmov vm6;
	s9 =	smov.u32 s7  }
0x4a9: {  	s8 =	sadd.s32 $0x2, s8;
	vm6 =	vmmov vm4;
	vm4 =	vmmov vm7;
	v14 =	vld [tilespmem:s31+$0x0];
	[tilespmem:s1+$0x30] =	vst v12  }
0x4aa: {  	s2 =	sshrl.u32 s8, $0x3;
	p0 =	slt.u32 s8, $0x1E;
	v12 =	vld [tilespmem:s3+$0xFFFFFF80];
	v16 =	vadd.f32 v17, v16;
	[tilespmem:s24+$0x70] =	vst v11;
	s24 =	smov.u32 s1  }
0x4ab: {  	s2 =	smul.u32 $0x3000, s2;
	s1 =	smov.u32 s12;
	v11 =	vld [tilespmem:s6+$0xFFFFFF80]  }
0x4ac: {  	s11 =	sadd.s32 $0x100, s11;
	v17 =	vld [tilespmem:s31+$0xFFFFFF80];
	v16 =	vnsel vm8, $0x0, v16  }
0x4ad: {  	s7 =	sand.u32 $0x300, s11;
	s2 =	sshra.s32 s2, $0x2;
	s12 =	sadd.s32 $0x80, s11;
	v15 =	vadd.f32 v15, v18;
	v18 =	vld [tilespmem:s13+$0xFFFFFFE0];
	[tilespmem:s5+$0x60] =	vst v16;
	v13 =	vnsel vm5, $0x0, v13  }
0x4ae: {  	s21 =	sadd.s32 $0x15A00, s2;
	s25 =	sand.u32 $0x380, s12;
	vm9 =	vlt.s32 v10, v14;
	v14 =	vld [tilespmem:s13+$0x70];
	[tilespmem:s20+$0x70] =	vst v13  }
0x4af: {  	s26 =	sadd.s32 s7, s21;
	s20 =	sadd.s32 s25, s21;
	v13 =	vnsel vm9, $0x0, v15;
	v15 =	vld [tilespmem:s0+$0x400]  }
0x4b0: {  	v11 =	vadd.f32 v11, v12;
	[tilespmem:s20+$0x0] =	vst v13;
	v12 =	vld [tilespmem:s14+$0x70]  }
0x4b1: {  	vm7 =	vlt.s32 v10, v17;
	v13 =	vld [tilespmem:s3+$0x10]  }
0x4b2: {  	v11 =	vnsel vm7, $0x0, v11;
	v16 =	vld [tilespmem:s6+$0x10]  }
0x4b3: {  	s21 =	sadd.s32 $0x16200, s15;
	s15 =	smov.u32 s30;
	s30 =	smov.u32 s2;
	[tilespmem:s26+$0x0] =	vst v11;
	v11 =	vld [tilespmem:s14+$0xFFFFFFE0]  }
0x4b4: {  	s12 =	sadd.s32 s16, s21;
	s2 =	sadd.s32 s17, s21;
	s16 =	smov.u32 s23;
	v17 =	vld [tilespmem:s3+$0xFFFFFF90];
	v15 =	vnsel vm5, $0x0, v15  }
0x4b5: {  	s17 =	sshll.u32 s19, $0x8;
	s19 =	smov.u32 s8;
	s23 =	smov.u32 s7;
	v19 =	vld [tilespmem:s6+$0xFFFFFF90];
	v12 =	vadd.f32 v12, v14;
	[tilespmem:s2+$0x0] =	vst v15  }
0x4b6: {  	s7 =	sand.u32 $0x3FFFF800, s17;
	s17 =	smov.u32 s22;
	s22 =	smov.u32 s25;
	v14 =	vld [tilespmem:s0+$0x410]  }
0x4b7: {  	s7 =	sadd.s32 $0x10A00, s7;
	v13 =	vadd.f32 v16, v13;
	v12 =	vnsel vm8, $0x0, v12;
	v15 =	vld [tilespmem:s10+$0x30]  }
0x4b8: {  	s21 =	sadd.s32 s16, s7;
	s25 =	sadd.s32 s17, s7;
	v11 =	vadd.f32 v11, v18;
	[tilespmem:s5+$0x70] =	vst v12;
	v12 =	vld [tilespmem:s18+$0x400];
	s5 =	smov.u32 s20  }
0x4b9: {  	v13 =	vnsel vm9, $0x0, v13;
	v16 =	vld [tilespmem:s25+$0x0]  }
0x4ba: {  	v17 =	vadd.f32 v19, v17;
	[tilespmem:s5+$0x10] =	vst v13;
	v11 =	vnsel vm4, $0x0, v11;
	v13 =	vld [tilespmem:s28+$0x440]  }
0x4bb: {  	v18 =	vld [tilespmem:s3+$0x20];
	[tilespmem:s4+$0x60] =	vst v11;
	v11 =	vnsel vm5, $0x0, v14  }
0x4bc: {  	v14 =	vnsel vm7, $0x0, v17;
	v17 =	vld [tilespmem:s6+$0x20];
	v15 =	vnsel vm6, $0x0, v15;
	[tilespmem:s2+$0x10] =	vst v11  }
0x4bd: {  	s20 =	sadd.s32 $0x15E00, s15;
	[tilespmem:s26+$0x10] =	vst v14;
	v11 =	vld [tilespmem:s0+$0x420];
	v12 =	vnsel vm3, $0x0, v12  }
0x4be: {  	s7 =	sadd.s32 s16, s20;
	s20 =	sadd.s32 s17, s20;
	v14 =	vld [tilespmem:s3+$0xFFFFFFA0];
	v16 =	vnsel vm8, $0x0, v16;
	[tilespmem:s9+$0x30] =	vst v15  }
0x4bf: {  	v15 =	vld [tilespmem:s6+$0xFFFFFFA0];
	[tilespmem:s20+$0x0] =	vst v16;
	v13 =	vnsel vm2, $0x0, v13  }
0x4c0: {  	v16 =	vld [tilespmem:s25+$0x10];
	[tilespmem:s1+$0x0] =	vst v12  }
0x4c1: {  	v12 =	vadd.f32 v17, v18;
	v17 =	vld [tilespmem:s13+$0xFFFFFFF0];
	[tilespmem:s24+$0x40] =	vst v13;
	s13 =	smov.u32 s3  }
0x4c2: {  	v13 =	vld [tilespmem:s14+$0xFFFFFFF0];
	v11 =	vnsel vm5, $0x0, v11;
	s14 =	smov.u32 s6  }
0x4c3: {  	v12 =	vnsel vm9, $0x0, v12;
	v18 =	vld [tilespmem:s10+$0x40];
	[tilespmem:s2+$0x20] =	vst v11  }
0x4c4: {  	v11 =	vadd.f32 v15, v14;
	[tilespmem:s5+$0x20] =	vst v12;
	v12 =	vld [tilespmem:s0+$0x430]  }
0x4c5: {  	v14 =	vld [tilespmem:s3+$0x30];
	v15 =	vnsel vm8, $0x0, v16  }
0x4c6: {  	v11 =	vnsel vm7, $0x0, v11;
	v16 =	vld [tilespmem:s6+$0x30];
	[tilespmem:s20+$0x10] =	vst v15  }
0x4c7: {  	[tilespmem:s26+$0x20] =	vst v11;
	v11 =	vadd.f32 v13, v17;
	v13 =	vld [tilespmem:s25+$0x20]  }
0x4c8: {  	v15 =	vld [tilespmem:s3+$0xFFFFFFB0];
	v17 =	vnsel vm6, $0x0, v18  }
0x4c9: {  	v18 =	vld [tilespmem:s6+$0xFFFFFFB0];
	v11 =	vnsel vm4, $0x0, v11;
	[tilespmem:s9+$0x40] =	vst v17;
	v12 =	vnsel vm5, $0x0, v12  }
0x4ca: {  	v17 =	vld [tilespmem:s10+$0x50];
	[tilespmem:s2+$0x30] =	vst v12  }
0x4cb: {  	[tilespmem:s4+$0x70] =	vst v11;
	v11 =	vld [tilespmem:s0+$0x440];
	s4 =	smov.u32 s26  }
0x4cc: {  	v12 =	vadd.f32 v16, v14;
	v14 =	vld [tilespmem:s21+$0x0];
	v13 =	vnsel vm8, $0x0, v13  }
0x4cd: {  	[tilespmem:s20+$0x20] =	vst v13;
	v13 =	vld [tilespmem:s18+$0x410]  }
0x4ce: {  	v12 =	vnsel vm9, $0x0, v12;
	v15 =	vadd.f32 v18, v15;
	v16 =	vld [tilespmem:s25+$0x30]  }
0x4cf: {  	[tilespmem:s5+$0x30] =	vst v12;
	v12 =	vnsel vm6, $0x0, v17;
	v17 =	vld [tilespmem:s28+$0x450]  }
0x4d0: {  	v15 =	vnsel vm7, $0x0, v15;
	v18 =	vld [tilespmem:s3+$0x40];
	[tilespmem:s9+$0x50] =	vst v12;
	v11 =	vnsel vm5, $0x0, v11  }
0x4d1: {  	v12 =	vld [tilespmem:s6+$0x40];
	v14 =	vnsel vm4, $0x0, v14;
	[tilespmem:s2+$0x40] =	vst v11  }
0x4d2: {  	[tilespmem:s4+$0x30] =	vst v15;
	v11 =	vld [tilespmem:s0+$0x450];
	v13 =	vnsel vm3, $0x0, v13  }
0x4d3: {  	v15 =	vld [tilespmem:s3+$0xFFFFFFC0];
	[tilespmem:s7+$0x0] =	vst v14;
	v14 =	vnsel vm8, $0x0, v16  }
0x4d4: {  	v16 =	vld [tilespmem:s6+$0xFFFFFFC0];
	[tilespmem:s20+$0x30] =	vst v14;
	v14 =	vnsel vm2, $0x0, v17  }
0x4d5: {  	v17 =	vld [tilespmem:s25+$0x40];
	[tilespmem:s1+$0x10] =	vst v13  }
0x4d6: {  	v13 =	vld [tilespmem:s21+$0x10];
	[tilespmem:s24+$0x50] =	vst v14  }
0x4d7: {  	v12 =	vadd.f32 v12, v18;
	v14 =	vld [tilespmem:s10+$0x60];
	v11 =	vnsel vm5, $0x0, v11  }
0x4d8: {  	[tilespmem:s2+$0x50] =	vst v11;
	v11 =	vld [tilespmem:s18+$0x420]  }
0x4d9: {  	v12 =	vnsel vm9, $0x0, v12;
	v15 =	vadd.f32 v16, v15;
	v16 =	vld [tilespmem:s0+$0x460]  }
0x4da: {  	[tilespmem:s5+$0x40] =	vst v12;
	v12 =	vnsel vm8, $0x0, v17;
	v17 =	vld [tilespmem:s28+$0x460]  }
0x4db: {  	v15 =	vnsel vm7, $0x0, v15;
	v18 =	vld [tilespmem:s3+$0x50];
	v13 =	vnsel vm4, $0x0, v13;
	[tilespmem:s20+$0x40] =	vst v12  }
0x4dc: {  	[tilespmem:s4+$0x40] =	vst v15;
	v12 =	vld [tilespmem:s25+$0x50];
	v14 =	vnsel vm6, $0x0, v14  }
0x4dd: {  	v15 =	vld [tilespmem:s6+$0x50];
	[tilespmem:s7+$0x10] =	vst v13;
	v11 =	vnsel vm3, $0x0, v11  }
0x4de: {  	v19 =	vld [tilespmem:s3+$0xFFFFFFD0];
	[tilespmem:s9+$0x60] =	vst v14;
	v13 =	vnsel vm5, $0x0, v16  }
0x4df: {  	v14 =	vld [tilespmem:s6+$0xFFFFFFD0];
	[tilespmem:s2+$0x60] =	vst v13;
	v13 =	vnsel vm2, $0x0, v17  }
0x4e0: {  	v16 =	vld [tilespmem:s0+$0x470];
	[tilespmem:s1+$0x20] =	vst v11;
	s0 =	smov.u32 s25  }
0x4e1: {  	v17 =	vld [tilespmem:s21+$0x20];
	v11 =	vnsel vm8, $0x0, v12;
	[tilespmem:s24+$0x60] =	vst v13  }
0x4e2: {  	v12 =	vadd.f32 v15, v18;
	[tilespmem:s20+$0x50] =	vst v11;
	v18 =	vld [tilespmem:s10+$0x70]  }
.Ltmp2:
0x4e3: {  	v13 =	vld [tilespmem:s0+$0x60];
	(pc) =	sbr.rel @p0 .LBB2_7-.Ltmp2, $4  }
0x4e4: {  	v14 =	vadd.f32 v14, v19;
	v11 =	vnsel vm9, $0x0, v12;
	v12 =	vld [tilespmem:s18+$0x430]  }
0x4e5: {  	[tilespmem:s5+$0x50] =	vst v11;
	v19 =	vnsel vm5, $0x0, v16;
	v11 =	vld [tilespmem:s28+$0x470];
	vm5 =	vmmov vm8;
	vm8 =	vmmov vm9;
	s28 =	smov.u32 s18;
	s18 =	smov.u32 s10;
	s10 =	smov.u32 s21  }
0x4e6: {  	v14 =	vnsel vm7, $0x0, v14;
	v16 =	vld [tilespmem:s3+$0x60];
	v15 =	vnsel vm4, $0x0, v17;
	[tilespmem:s2+$0x70] =	vst v19  }
0x4e7: {  	s3 =	sadd.s32 $0x100, s3;
	[tilespmem:s4+$0x50] =	vst v14;
	v17 =	vld [tilespmem:s6+$0x60];
	v14 =	vnsel vm6, $0x0, v18  }
0x4e8: {  	_ = 	snop  }
0x4e9: {  	v10 =	vld [tilespmem:s13+$0xFFFFFFE0]  }
0x4ea: {  	v18 =	vld [tilespmem:s14+$0xFFFFFFE0];
	_ =	sdelay $0x1  }
0x4eb: {  	v16 =	vadd.f32 v17, v16;
	_ =	sdelay $0x1  }
0x4ec: {  	v16 =	vnsel vm8, $0x0, v16  }
0x4ed: {  	v10 =	vadd.f32 v18, v10;
	[tilespmem:s5+$0x60] =	vst v16  }
0x4ee: {  	vm7 =	vmmov vm7;
	v16 =	vld [tilespmem:s13+$0x70]  }
0x4ef: {  	v10 =	vnsel vm7, $0x0, v10;
	v43 =	vld [tilespmem:s14+$0x70]  }
0x4f0: {  	[tilespmem:s4+$0x60] =	vst v10  }
0x4f1: {  	v10 =	vld [tilespmem:s13+$0xFFFFFFF0]  }
0x4f2: {  	v44 =	vld [tilespmem:s14+$0xFFFFFFF0];
	_ =	sdelay $0x1  }
0x4f3: {  	s2 =	sshll.u32 s19, $0x8;
	v16 =	vadd.f32 v43, v16  }
0x4f4: {  	s2 =	sand.u32 $0x3FFFF800, s2  }
0x4f5: {  	s2 =	sadd.s32 $0x10A00, s2;
	v16 =	vnsel vm8, $0x0, v16  }
0x4f6: {  	s3 =	sadd.s32 s22, s2;
	v10 =	vadd.f32 v44, v10;
	[tilespmem:s5+$0x70] =	vst v16  }
0x4f7: {  	v16 =	vld [tilespmem:s3+$0x0]  }
0x4f8: {  	v10 =	vnsel vm7, $0x0, v10  }
0x4f9: {  	s2 =	sadd.s32 s23, s2;
	[tilespmem:s4+$0x70] =	vst v10  }
0x4fa: {  	v10 =	vld [tilespmem:s2+$0x0]  }
0x4fb: {  	s14 =	sadd.s32 $0x15E00, s30  }
0x4fc: {  	s19 =	sadd.s32 s22, s14;
	v16 =	vnsel vm8, $0x0, v16  }
0x4fd: {  	[tilespmem:s19+$0x0] =	vst v16  }
0x4fe: {  	v16 =	vld [tilespmem:s3+$0x10]  }
0x4ff: {  	s4 =	sadd.s32 s23, s14;
	v10 =	vnsel vm7, $0x0, v10  }
0x500: {  	[tilespmem:s4+$0x0] =	vst v10  }
0x501: {  	v10 =	vld [tilespmem:s2+$0x10];
	_ =	sdelay $0x1  }
0x502: {  	v16 =	vnsel vm8, $0x0, v16  }
0x503: {  	[tilespmem:s19+$0x10] =	vst v16  }
0x504: {  	v16 =	vld [tilespmem:s3+$0x20]  }
0x505: {  	v10 =	vnsel vm7, $0x0, v10  }
0x506: {  	[tilespmem:s4+$0x10] =	vst v10  }
0x507: {  	v10 =	vld [tilespmem:s2+$0x20];
	_ =	sdelay $0x1  }
0x508: {  	v16 =	vnsel vm8, $0x0, v16  }
0x509: {  	[tilespmem:s19+$0x20] =	vst v16  }
0x50a: {  	v16 =	vld [tilespmem:s3+$0x30]  }
0x50b: {  	[tilespmem:s7+$0x20] =	vst v15;
	v10 =	vnsel vm7, $0x0, v10  }
0x50c: {  	v15 =	vld [tilespmem:s10+$0x30];
	[tilespmem:s4+$0x20] =	vst v10  }
0x50d: {  	v10 =	vld [tilespmem:s2+$0x30];
	_ =	sdelay $0x1  }
0x50e: {  	v16 =	vnsel vm8, $0x0, v16  }
0x50f: {  	vm10 =	vmmov vm4;
	[tilespmem:s19+$0x30] =	vst v16  }
0x510: {  	vm9 =	vmmov vm7;
	v15 =	vnsel vm10, $0x0, v15;
	v16 =	vld [tilespmem:s3+$0x40]  }
0x511: {  	[tilespmem:s7+$0x30] =	vst v15;
	v10 =	vnsel vm9, $0x0, v10  }
0x512: {  	v15 =	vld [tilespmem:s10+$0x40];
	[tilespmem:s4+$0x30] =	vst v10  }
0x513: {  	v10 =	vld [tilespmem:s2+$0x40];
	_ =	sdelay $0x1  }
0x514: {  	v16 =	vnsel vm8, $0x0, v16  }
0x515: {  	[tilespmem:s19+$0x40] =	vst v16  }
0x516: {  	v15 =	vnsel vm10, $0x0, v15;
	v16 =	vld [tilespmem:s3+$0x50]  }
0x517: {  	[tilespmem:s7+$0x40] =	vst v15;
	v10 =	vnsel vm9, $0x0, v10  }
0x518: {  	v15 =	vld [tilespmem:s10+$0x50];
	[tilespmem:s4+$0x40] =	vst v10  }
0x519: {  	v10 =	vld [tilespmem:s2+$0x50];
	_ =	sdelay $0x1  }
0x51a: {  	v16 =	vnsel vm8, $0x0, v16  }
0x51b: {  	[tilespmem:s19+$0x50] =	vst v16  }
0x51c: {  	v15 =	vnsel vm10, $0x0, v15;
	v16 =	vld [tilespmem:s3+$0x60]  }
0x51d: {  	[tilespmem:s7+$0x50] =	vst v15;
	v10 =	vnsel vm9, $0x0, v10  }
0x51e: {  	v15 =	vld [tilespmem:s10+$0x60];
	[tilespmem:s4+$0x50] =	vst v10  }
0x51f: {  	v10 =	vnsel vm5, $0x0, v13;
	v45 =	vld [tilespmem:s2+$0x60]  }
0x520: {  	vm12 =	vmmov vm8;
	[tilespmem:s20+$0x60] =	vst v10  }
0x521: {  	v10 =	vld [tilespmem:s0+$0x70];
	v16 =	vnsel vm12, $0x0, v16  }
0x522: {  	[tilespmem:s19+$0x60] =	vst v16  }
0x523: {  	v15 =	vnsel vm10, $0x0, v15;
	v16 =	vld [tilespmem:s3+$0x70]  }
0x524: {  	[tilespmem:s7+$0x60] =	vst v15;
	v13 =	vnsel vm9, $0x0, v45  }
0x525: {  	v15 =	vld [tilespmem:s10+$0x70];
	[tilespmem:s4+$0x60] =	vst v13  }
0x526: {  	v10 =	vnsel vm5, $0x0, v10;
	v13 =	vld [tilespmem:s2+$0x70]  }
0x527: {  	[tilespmem:s20+$0x70] =	vst v10  }
0x528: {  	v10 =	vld [tilespmem:s0+$0x400];
	v16 =	vnsel vm12, $0x0, v16  }
0x529: {  	[tilespmem:s19+$0x70] =	vst v16  }
0x52a: {  	[tilespmem:s9+$0x70] =	vst v14;
	v46 =	vnsel vm10, $0x0, v15;
	v47 =	vld [tilespmem:s3+$0x400]  }
0x52b: {  	v48 =	vld [tilespmem:s18+$0x400];
	[tilespmem:s7+$0x70] =	vst v46;
	v13 =	vnsel vm9, $0x0, v13  }
0x52c: {  	s21 =	sadd.s32 $0x16200, s15;
	v49 =	vld [tilespmem:s10+$0x400];
	[tilespmem:s4+$0x70] =	vst v13  }
0x52d: {  	s25 =	sadd.s32 s17, s21;
	v10 =	vnsel vm5, $0x0, v10;
	v50 =	vld [tilespmem:s2+$0x400]  }
0x52e: {  	s26 =	sadd.s32 $0x16200, s30;
	[tilespmem:s25+$0x0] =	vst v10  }
0x52f: {  	vm13 =	vmmov vm6;
	s6 =	sadd.s32 s22, s26;
	v10 =	vld [tilespmem:s0+$0x410];
	v15 =	vnsel vm12, $0x0, v47  }
0x530: {  	vm14 =	vmmov vm10;
	v14 =	vnsel vm13, $0x0, v48;
	[tilespmem:s6+$0x0] =	vst v15  }
0x531: {  	vm15 =	vmmov vm9;
	[tilespmem:s12+$0x0] =	vst v14;
	s4 =	sadd.s32 s16, s21;
	v13 =	vnsel vm14, $0x0, v49;
	v51 =	vld [tilespmem:s3+$0x410]  }
0x532: {  	v52 =	vld [tilespmem:s18+$0x410];
	s7 =	sadd.s32 s23, s26;
	[tilespmem:s4+$0x0] =	vst v13;
	v53 =	vnsel vm15, $0x0, v50  }
0x533: {  	v54 =	vld [tilespmem:s10+$0x410];
	[tilespmem:s7+$0x0] =	vst v53  }
0x534: {  	v10 =	vnsel vm5, $0x0, v10;
	v13 =	vld [tilespmem:s2+$0x410]  }
0x535: {  	[tilespmem:s25+$0x10] =	vst v10  }
0x536: {  	v10 =	vld [tilespmem:s0+$0x420];
	v14 =	vnsel vm12, $0x0, v51  }
0x537: {  	v15 =	vnsel vm13, $0x0, v52;
	[tilespmem:s6+$0x10] =	vst v14  }
0x538: {  	[tilespmem:s12+$0x10] =	vst v15;
	v55 =	vnsel vm14, $0x0, v54;
	v14 =	vld [tilespmem:s3+$0x420]  }
0x539: {  	v56 =	vld [tilespmem:s18+$0x420];
	[tilespmem:s4+$0x10] =	vst v55;
	v13 =	vnsel vm15, $0x0, v13  }
0x53a: {  	v15 =	vld [tilespmem:s10+$0x420];
	[tilespmem:s7+$0x10] =	vst v13  }
0x53b: {  	v10 =	vnsel vm5, $0x0, v10;
	v13 =	vld [tilespmem:s2+$0x420]  }
0x53c: {  	[tilespmem:s25+$0x20] =	vst v10  }
0x53d: {  	v10 =	vld [tilespmem:s0+$0x430];
	v14 =	vnsel vm12, $0x0, v14  }
0x53e: {  	v16 =	vnsel vm13, $0x0, v56;
	[tilespmem:s6+$0x20] =	vst v14  }
0x53f: {  	[tilespmem:s12+$0x20] =	vst v16;
	v15 =	vnsel vm14, $0x0, v15;
	v14 =	vld [tilespmem:s3+$0x430]  }
0x540: {  	v16 =	vld [tilespmem:s18+$0x430];
	[tilespmem:s4+$0x20] =	vst v15;
	v13 =	vnsel vm15, $0x0, v13  }
0x541: {  	v15 =	vld [tilespmem:s10+$0x430];
	[tilespmem:s7+$0x20] =	vst v13  }
0x542: {  	v10 =	vnsel vm5, $0x0, v10;
	v13 =	vld [tilespmem:s2+$0x430]  }
0x543: {  	v12 =	vnsel vm3, $0x0, v12;
	[tilespmem:s25+$0x30] =	vst v10  }
0x544: {  	[tilespmem:s1+$0x30] =	vst v12;
	v10 =	vld [tilespmem:s0+$0x440];
	v57 =	vnsel vm12, $0x0, v14  }
0x545: {  	v58 =	vld [tilespmem:s28+$0x440];
	v16 =	vnsel vm13, $0x0, v16;
	[tilespmem:s6+$0x30] =	vst v57  }
0x546: {  	[tilespmem:s12+$0x30] =	vst v16;
	v15 =	vnsel vm14, $0x0, v15;
	v12 =	vld [tilespmem:s3+$0x440]  }
0x547: {  	v16 =	vld [tilespmem:s18+$0x440];
	[tilespmem:s4+$0x30] =	vst v15;
	v13 =	vnsel vm15, $0x0, v13  }
0x548: {  	v15 =	vld [tilespmem:s10+$0x440];
	[tilespmem:s7+$0x30] =	vst v13  }
0x549: {  	vm3 =	vmmov vm3;
	v10 =	vnsel vm5, $0x0, v10;
	v13 =	vld [tilespmem:s2+$0x440]  }
0x54a: {  	v14 =	vnsel vm3, $0x0, v58;
	[tilespmem:s25+$0x40] =	vst v10  }
0x54b: {  	vm7 =	vmmov vm13;
	[tilespmem:s1+$0x40] =	vst v14;
	v10 =	vld [tilespmem:s0+$0x450];
	v12 =	vnsel vm12, $0x0, v12  }
0x54c: {  	vm6 =	vmmov vm14;
	v16 =	vnsel vm7, $0x0, v16;
	v14 =	vld [tilespmem:s28+$0x450];
	[tilespmem:s6+$0x40] =	vst v12  }
0x54d: {  	vm8 =	vmmov vm15;
	[tilespmem:s12+$0x40] =	vst v16;
	v15 =	vnsel vm6, $0x0, v15;
	v12 =	vld [tilespmem:s3+$0x450]  }
0x54e: {  	v16 =	vld [tilespmem:s18+$0x450];
	[tilespmem:s4+$0x40] =	vst v15;
	v13 =	vnsel vm8, $0x0, v13  }
0x54f: {  	v15 =	vld [tilespmem:s10+$0x450];
	[tilespmem:s7+$0x40] =	vst v13  }
0x550: {  	v10 =	vnsel vm5, $0x0, v10;
	v13 =	vld [tilespmem:s2+$0x450]  }
0x551: {  	v14 =	vnsel vm3, $0x0, v14;
	[tilespmem:s25+$0x50] =	vst v10  }
0x552: {  	[tilespmem:s1+$0x50] =	vst v14;
	v10 =	vld [tilespmem:s0+$0x460];
	v12 =	vnsel vm12, $0x0, v12  }
0x553: {  	v16 =	vnsel vm7, $0x0, v16;
	v14 =	vld [tilespmem:s28+$0x460];
	[tilespmem:s6+$0x50] =	vst v12  }
0x554: {  	[tilespmem:s12+$0x50] =	vst v16;
	v15 =	vnsel vm6, $0x0, v15;
	v12 =	vld [tilespmem:s3+$0x460]  }
0x555: {  	v16 =	vld [tilespmem:s18+$0x460];
	[tilespmem:s4+$0x50] =	vst v15;
	v13 =	vnsel vm8, $0x0, v13  }
0x556: {  	v15 =	vld [tilespmem:s10+$0x460];
	[tilespmem:s7+$0x50] =	vst v13  }
0x557: {  	v10 =	vnsel vm5, $0x0, v10;
	v13 =	vld [tilespmem:s2+$0x460]  }
0x558: {  	[tilespmem:s25+$0x60] =	vst v10;
	v10 =	vnsel vm3, $0x0, v14  }
0x559: {  	v59 =	vld [tilespmem:s0+$0x470];
	[tilespmem:s1+$0x60] =	vst v10;
	v10 =	vnsel vm12, $0x0, v12  }
0x55a: {  	v60 =	vld [tilespmem:s28+$0x470];
	[tilespmem:s6+$0x60] =	vst v10;
	v10 =	vnsel vm7, $0x0, v16  }
0x55b: {  	v61 =	vld [tilespmem:s3+$0x470];
	[tilespmem:s12+$0x60] =	vst v10;
	v10 =	vnsel vm6, $0x0, v15  }
0x55c: {  	v62 =	vld [tilespmem:s18+$0x470];
	[tilespmem:s4+$0x60] =	vst v10;
	v10 =	vnsel vm8, $0x0, v13  }
0x55d: {  	v11 =	vnsel vm2, $0x0, v11;
	v63 =	vld [tilespmem:s10+$0x470];
	[tilespmem:s7+$0x60] =	vst v10  }
0x55e: {  	[tilespmem:s24+$0x70] =	vst v11;
	v11 =	vnsel vm5, $0x0, v59;
	v10 =	vld [tilespmem:s2+$0x470]  }
0x55f: {  	[tilespmem:s25+$0x70] =	vst v11;
	v11 =	vnsel vm3, $0x0, v60  }
0x560: {  	s29 =	sld [smem:$0x7FD];
	[tilespmem:s1+$0x70] =	vst v11;
	v11 =	vnsel vm12, $0x0, v61  }
0x561: {  	s1 =	rddreg [dreg:$0xb];
	[tilespmem:s6+$0x70] =	vst v11;
	v11 =	vnsel vm7, $0x0, v62  }
0x562: {  	[tilespmem:s12+$0x70] =	vst v11;
	v11 =	vnsel vm6, $0x0, v63  }
0x563: {  	[tilespmem:s4+$0x70] =	vst v11;
	v10 =	vnsel vm8, $0x0, v10  }
0x564: {  	[tilespmem:s7+$0x70] =	vst v10  }
0x565: {  	s5 =	rddreg [dreg:$0x1f]  }
0x566: {  	s0 =	sshll.u32 s29, $0xA;
	s5 =	sadd.s32 $0x1, s5  }
0x567: {  	s0 =	sor.u32 s1, s0;
	p0 =	sne.s32 s5, $0x19  }
.Ltmp3:
0x568: {  	s0 =	sshrl.u32 s0, $0x3;
	(pc) =	sbr.rel @p0 .LBB2_4-.Ltmp3, $4  }
0x569: {  	s0 =	smul.u32 $0x180, s0  }
0x56a: {  	s30 =	rddreg [dreg:$0x8]  }
0x56b: {  	s15 =	simm.s32 $0x0;
	s31 =	simm.s32 $0x15A00;
	s0 =	sadd.s32 s30, s0  }
0x56c: {  	[hbm4b:s0+s15] =	stream.linear.scatter [tilespmem:s31], [sflag:$0xB], $0x3000, $0x38;
	[tilespmem:$0x1BA00] =	vst v63  }
0x56d: {  	s0 =	simm.s32 $0xA  }
0x56e: {  	_ =	swait.ge [sflag:s0], $0x3000  }
0x56f: {  	[sflag:s0] =	ssyncset.done $0x0  }
0x570: {  	s17 =	simm.s32 $0xB;
	[sflag:s0] =	ssyncadd.s32 $0xFFFFD000  }
0x571: {  	_ =	swait.ge [sflag:s17], $0x3000  }
0x572: {  	[sflag:s17] =	ssyncset.done $0x0  }
0x573: {  	s18 =	simm.s32 $0xC;
	[sflag:s17] =	ssyncadd.s32 $0xFFFFD000  }
0x574: {  	_ =	swait.ge [sflag:s18], $0x3000  }
0x575: {  	[sflag:s18] =	ssyncset.done $0x0  }
0x576: {  	[sflag:s18] =	ssyncadd.s32 $0xFFFFD000  }
0x577: {  	v10 =	vld [tilespmem:$0xA100];
	_ =	sdelay $0x4  }
0x578: {  	v11 =	vshrl.u32 v10, $0x3  }
0x579: {  	v11 =	vmul.u32 $0x18, v11  }
0x57a: {  	v10 =	vand.u32 $0x7, v10  }
0x57b: {  	v10 =	vor.u32 v10, v11  }
0x57c: {  	v11 =	vperm.xlane v10, v7;
	_ =	sdelay $0x1  }
0x57d: {  	v11 =	vadd.s32 v8, v11;
	_ =	sdelay $0x1  }
0x57e: {  	v10 =	vperm.xlane v10, v9;
	_ =	sdelay $0x1  }
0x57f: {  	s1 =	simm.s32 $0x7100;
	s0 =	rddreg [dreg:$0x8];
	v10 =	vadd.s32 v8, v10  }
0x580: {  	[hbm4b:s0+s15] =	stream.indirect_vreg.scatter [tilespmem:s1], [sflag:$0xD], $0x80, v11, vm0, $0xb8;
	[tilespmem:$0x1BA00] =	vst v63  }
0x581: {  	s2 =	simm.s32 $0x7900;
	s19 =	rddreg [dreg:$0x1d]  }
0x582: {  	[hbm4b:s19+s15] =	stream.indirect_vreg.scatter [tilespmem:s2], [sflag:$0xD], $0x80, v11, vm1, $0xb8;
	[tilespmem:$0x1BA00] =	vst v63  }
0x583: {  	s20 =	simm.s32 $0x7D00  }
0x584: {  	[hbm4b:s0+s15] =	stream.indirect_vreg.scatter [tilespmem:s20], [sflag:$0xD], $0x80, v10, vm0, $0xb8;
	[tilespmem:$0x1BA00] =	vst v63  }
0x585: {  	s21 =	simm.s32 $0x8500  }
0x586: {  	[hbm4b:s19+s15] =	stream.indirect_vreg.scatter [tilespmem:s21], [sflag:$0xD], $0x80, v10, vm1, $0xb8;
	[tilespmem:$0x1BA00] =	vst v63  }
0x587: {  	v10 =	vld [tilespmem:$0xA110];
	_ =	sdelay $0x4  }
0x588: {  	v11 =	vshrl.u32 v10, $0x3  }
0x589: {  	v11 =	vmul.u32 $0x18, v11  }
0x58a: {  	v10 =	vand.u32 $0x7, v10  }
0x58b: {  	v10 =	vor.u32 v10, v11  }
0x58c: {  	v11 =	vperm.xlane v10, v7;
	_ =	sdelay $0x1  }
0x58d: {  	v11 =	vadd.s32 v8, v11;
	_ =	sdelay $0x1  }
0x58e: {  	v10 =	vperm.xlane v10, v9;
	_ =	sdelay $0x1  }
0x58f: {  	s22 =	simm.s32 $0x8900;
	v10 =	vadd.s32 v8, v10  }
0x590: {  	[hbm4b:s0+s15] =	stream.indirect_vreg.scatter [tilespmem:s22], [sflag:$0xD], $0x80, v11, vm0, $0xb8;
	[tilespmem:$0x1BA00] =	vst v63  }
0x591: {  	s23 =	simm.s32 $0x9100  }
0x592: {  	[hbm4b:s19+s15] =	stream.indirect_vreg.scatter [tilespmem:s23], [sflag:$0xD], $0x80, v11, vm1, $0xb8;
	[tilespmem:$0x1BA00] =	vst v63  }
0x593: {  	s24 =	simm.s32 $0x9500  }
0x594: {  	[hbm4b:s0+s15] =	stream.indirect_vreg.scatter [tilespmem:s24], [sflag:$0xD], $0x80, v10, vm0, $0xb8;
	[tilespmem:$0x1BA00] =	vst v63  }
0x595: {  	s25 =	simm.s32 $0x9D00;
	s26 =	simm.s32 $0xD  }
0x596: {  	[hbm4b:s19+s15] =	stream.indirect_vreg.scatter [tilespmem:s25], [sflag:$0xD], $0x80, v10, vm1, $0xb8;
	[tilespmem:$0x1BA00] =	vst v63  }
0x597: {  	_ =	swait.ge [sflag:s26], $0x3000  }
0x598: {  	s29 =	simm.s32 $0xA180;
	[sflag:s26] =	ssyncset.done $0x0  }
0x599: {  	s4 =	simm.s32 $0xE;
	s28 =	rddreg [dreg:$0x18];
	[sflag:s26] =	ssyncadd.s32 $0xFFFFD000  }
0x59a: {  	[hbm4b:s28+s15] =	stream.linear.scatter [tilespmem:s29], [sflag:$0xE], $0x660, $0x38;
	[tilespmem:$0x1BA00] =	vst v63  }
0x59b: {  	_ =	swait.ge [sflag:s4], $0x660  }
0x59c: {  	s30 =	rddreg [dreg:$0x1e]  }
0x59d: {  	s31 =	rddreg [dreg:$0x1b];
	s1 =	sadd.s32 $0x1, s30  }
0x59e: {  	p0 =	sne.s32 s1, s31  }
.Ltmp4:
0x59f: {  	_ = 	snop;
	(pc) =	sbr.rel @p0 .LBB2_1-.Ltmp4, $3  }
0x5a0: {  	_ =	sdelay $0x1  }
0x5a1: {  	[sflag:s4] =	ssyncset.done $0x0  }
0x5a2: {  	[sflag:s4] =	ssyncadd.s32 $0xFFFFF9A0  }
0x5a3: {  	_ =	sfence.sel $0x180000  }
0x5a4: {  	[bflag:$0x0] =	sbarrier.arrive $0xFFFF  }
0x5a5: {  	_ =	strace $0x90000047  }
0x5a6: {  	s0 =	stileid.u32;
	[bflag:$0x2] =	sbarrier.arrive $0xFFFF  }
0x5a7: {  	p0 =	sne.s32 s0, $0x0;
	s0 =	rddreg [dreg:$0xa]  }
0x5a8: {  	s0 =	sadd.s32 @!p0 $0x100000, s0  }
0x5a9: {  	[sflag:s0] =	ssyncadd.tile.s32 @!p0 $0x1;
	_ =	shalt  }
.Lfunc_end2:
_tile_overlayer_lowered:
.L_overlay_start_2:
0x5aa: {  	(tag) =	ssettag $0x2  }
0x5ab: {  	s0 =	rddreg [dreg:$0x0];
	s2 =	stileid.u32  }
0x5ac: {  	s1 =	rddreg [dreg:$0x1];
	p0 =	sne.s32 s2, $0x0  }
0x5ad: {  	s3 =	rddreg [dreg:$0x2];
	[bflag:$0x3] =	sbarrier.arrive $0xFFFF;
	s2 =	simm.s32 @!p0 $0x1C0E  }
0x5ae: {  	[timem:s3], [sflag:s2] =	dma.local @!p0 [hbm:s0], s1  }
0x5af: {  	s0 =	simm.s32 @!p0 $0xE  }
0x5b0: {  	_ =	swait.ge @!p0 [sflag:s0], s1  }
0x5b1: {  	s1 =	ssub.s32 @!p0 $0x0, s1;
	[sflag:s0] =	ssyncset.done @!p0 $0x0  }
0x5b2: {  	[sflag:s0] =	ssyncadd.s32 @!p0 s1  }
0x5b3: {  	[bflag:$0x3] =	sbarrier.arrive $0xFFFF  }
0x5b4: {  	_ =	shalt  }

</sc_bundles>
